<compile_context>
chip_gen: v7x
topology: tpu7x:2x2x1
jax: 0.10.2.dev20260603
libtpu: 0.0.44.dev20260713+nightly
codegen_flags: <defaults>
</compile_context>

<pallas_src>
import functools

import jax
import jax.numpy as jnp
from jax import lax
from jax.experimental import pallas as pl
from jax.experimental.pallas import tpu as pltpu
from jax.experimental.pallas import tpu_sc as plsc

N = 10000
E = 320000
D = 128

NC = 2
NS = 16
NW = NC * NS
EPW = E // NW
C = 80
ITERS = EPW // C
RPS = N // NS
ZFULL = RPS // C
ZREM = RPS - ZFULL * C

_mesh = plsc.VectorSubcoreMesh(
    core_axis_name="c", subcore_axis_name="s", num_cores=NC, num_subcores=NS
)


def _zero_fill(buf, rows, cols):
    zv = jnp.zeros((16,), jnp.float32)

    @pl.loop(0, rows)
    def _(r):
        @pl.loop(0, cols, step=16)
        def _(j):
            buf.at[r, pl.ds(j, 16)][...] = zv


ICH = EPW // C
NB = 3
IB = ICH
PHASES = ((0, ICH),)
IB_D = 32
PHASES_D = ((0, 32), (32, 32), (64, 32), (96, 29))


def _sc_aggr(x, row3, col3, do_deg):
    ib = IB_D if do_deg else IB
    phases = PHASES_D if do_deg else PHASES

    out_type = jax.ShapeDtypeStruct((NC, N, D), jnp.float32)
    scratch = [
        pltpu.VMEM((ib, C), jnp.int32),
        pltpu.VMEM((ib, C), jnp.int32),
    ] + [pltpu.VMEM((C, D), jnp.float32)] * NB + [
        pltpu.VMEM_SHARED((N, D), jnp.float32),
    ] + [pltpu.SemaphoreType.DMA] * (2 * NB)
    if do_deg:
        out_type = (out_type, jax.ShapeDtypeStruct((NC, N, 16), jnp.float32))
        scratch += [
            pltpu.VMEM((C, 16), jnp.float32),
            pltpu.VMEM_SHARED((N, 16), jnp.float32),
            pltpu.SemaphoreType.DMA,
        ]

    @functools.partial(
        pl.kernel,
        out_type=out_type,
        mesh=_mesh,
        scratch_types=scratch,
        compiler_params=pltpu.CompilerParams(use_tc_tiling_on_sc=False),
    )
    def k(x_hbm, row_hbm, col_hbm, *rest):
        if do_deg:
            (paggr_hbm, pdeg_hbm, idx_r, idx_c, *rest2) = rest
            ones_v, deg_sh, semd = rest2[3 * NB + 1:]
        else:
            (paggr_hbm, idx_r, idx_c, *rest2) = rest
        rows = rest2[:NB]
        aggr_sh = rest2[NB]
        semg = rest2[NB + 1:NB + 1 + NB]
        sems = rest2[NB + 1 + NB:NB + 1 + 2 * NB]

        c = lax.axis_index("c")
        s = lax.axis_index("s")
        wid = s * NC + c
        rs = s * RPS

        _zero_fill(rows[0], C, D)

        @pl.loop(0, ZFULL)
        def _(t):
            pltpu.sync_copy(rows[0], aggr_sh.at[pl.ds(rs + t * C, C)])

        pltpu.sync_copy(rows[0].at[pl.ds(0, ZREM)],
                        aggr_sh.at[pl.ds(rs + ZFULL * C, ZREM)])

        if do_deg:
            _zero_fill(ones_v, C, 16)

            @pl.loop(0, ZFULL)
            def _(t):
                pltpu.sync_copy(ones_v, deg_sh.at[pl.ds(rs + t * C, C)])

            pltpu.sync_copy(ones_v.at[pl.ds(0, ZREM)],
                            deg_sh.at[pl.ds(rs + ZFULL * C, ZREM)])

            ov = jnp.ones((16,), jnp.float32)

            @pl.loop(0, C)
            def _(r):
                ones_v.at[r][...] = ov

        plsc.subcore_barrier()

        def g_start(b, j):
            pltpu.async_copy(x_hbm.at[idx_r.at[j]], rows[b], semg[b])

        def g_wait(b, j):
            pltpu.make_async_copy(x_hbm.at[idx_r.at[j]], rows[b], semg[b]).wait()

        def s_start(b, j):
            pltpu.async_copy(rows[b], aggr_sh.at[idx_c.at[j]], sems[b], add=True)

        def s_wait(b, j):
            pltpu.make_async_copy(rows[b], aggr_sh.at[idx_c.at[j]], sems[b]).wait()

        def d_start(j):
            if do_deg:
                pltpu.async_copy(ones_v, deg_sh.at[idx_r.at[j]], semd, add=True)

        def d_wait(j):
            if do_deg:
                pltpu.make_async_copy(ones_v, deg_sh.at[idx_r.at[j]], semd).wait()

        for off, nchunks in phases:
            lo = min(off, ICH - ib)
            lb = off - lo
            pltpu.sync_copy(row_hbm.at[wid, pl.ds(lo, ib)], idx_r)
            pltpu.sync_copy(col_hbm.at[wid, pl.ds(lo, ib)], idx_c)

            FULL = nchunks // NB
            for b in range(NB):
                g_start(b, lb + b)

            @pl.loop(0, FULL - 1)
            def _(g):
                j = lb + NB * g
                for b in range(NB):
                    g_wait(b, j + b)
                    s_start(b, j + b)
                    d_start(j + b)
                for b in range(NB):
                    s_wait(b, j + b)
                    d_wait(j + b)
                    g_start(b, j + NB + b)

            jl = lb + NB * (FULL - 1)
            for b in range(NB):
                g_wait(b, jl + b)
                s_start(b, jl + b)
                d_start(jl + b)
            for b in range(NB):
                s_wait(b, jl + b)
                d_wait(jl + b)

            for j in range(lb + NB * FULL, lb + nchunks):
                pltpu.async_copy(x_hbm.at[idx_r.at[j]], rows[0], semg[0]).wait()
                pltpu.sync_copy(rows[0], aggr_sh.at[idx_c.at[j]], add=True)
                d_start(j)
                d_wait(j)

        plsc.subcore_barrier()
        pltpu.sync_copy(aggr_sh.at[pl.ds(rs, RPS)],
                        paggr_hbm.at[c, pl.ds(rs, RPS)])
        if do_deg:
            pltpu.sync_copy(deg_sh.at[pl.ds(rs, RPS)],
                            pdeg_hbm.at[c, pl.ds(rs, RPS)])

    return k(x, row3, col3)


BR = 2000

_tc_params = pltpu.CompilerParams(dimension_semantics=("parallel",))


def _combine_body(relu, p_ref, d_ref, x_ref, w_ref, b_ref, o_ref):
    d = d_ref[0, :, 0:1] + d_ref[1, :, 0:1]
    inv = 1.0 / jnp.maximum(d, 1.0)
    a = (p_ref[0] + p_ref[1]) * inv + x_ref[...]
    y = jnp.dot(a, w_ref[...], preferred_element_type=jnp.float32) + b_ref[...]
    o_ref[...] = jnp.maximum(y, 0.0) if relu else y


def _combine(p, degp, x, w, b, relu):
    return pl.pallas_call(
        functools.partial(_combine_body, relu),
        grid=(N // BR,),
        compiler_params=_tc_params,
        in_specs=[
            pl.BlockSpec((NC, BR, D), lambda i: (0, i, 0)),
            pl.BlockSpec((NC, BR, 16), lambda i: (0, i, 0)),
            pl.BlockSpec((BR, D), lambda i: (i, 0)),
            pl.BlockSpec((D, D), lambda i: (0, 0)),
            pl.BlockSpec((1, D), lambda i: (0, 0)),
        ],
        out_specs=pl.BlockSpec((BR, D), lambda i: (i, 0)),
        out_shape=jax.ShapeDtypeStruct((N, D), jnp.float32),
    )(p, degp, x, w, b.reshape(1, D))


def kernel(x, edge_index, W0, b0, W1, b1, W2, b2):
    ei = edge_index.astype(jnp.int32)
    row = ei[0]
    col = ei[1]
    row3 = row.reshape(NW, ICH, C)
    col3 = col.reshape(NW, ICH, C)

    p1, degp = _sc_aggr(x, row3, col3, do_deg=True)
    h1 = _combine(p1, degp, x, W0, b0, relu=True)
    p2 = _sc_aggr(h1, row3, col3, do_deg=False)
    h2 = _combine(p2, degp, h1, W1, b1, relu=True)
    p3 = _sc_aggr(h2, row3, col3, do_deg=False)
    return _combine(p3, degp, h2, W2, b2, relu=False)

# --- scband reference (transcript-rebuilt; emitter-appended) ---
"""Pipeline reference for scband-custom-gnn-5592047419419 (READ-ONLY COPY).

The authoritative reference and input builder live on the scoring server;
editing this copy changes nothing except your own understanding.
"""

import jax, jax.numpy as jnp
import numpy as np

N_NODES = 10000
N_EDGES = 320000
D_IN = 128
D_HID = 128
D_OUT = 128


def gcn_layer(x, edge_index, W, b):
    # Faithful JAX port of GraphConvLayer.forward (eval mode):
    #   deg[i]  = sum over edges of 1 at row (source) index, clamped to >= 1
    #   aggr[i] = sum_{edges e with col[e]==i} x[row[e]]
    #   out     = (aggr / deg) + x, then linear
    num_nodes = x.shape[0]
    row = edge_index[0]
    col = edge_index[1]
    deg = jax.ops.segment_sum(jnp.ones(row.shape[0], dtype=x.dtype), row, num_segments=num_nodes)
    deg = jnp.clip(deg, 1.0, None)
    aggr = jax.ops.segment_sum(jnp.take(x, row, axis=0), col, num_segments=num_nodes)
    out = aggr / deg[:, None]
    out = out + x
    return out @ W + b


def setup_inputs(seed: int = 0) -> dict:
    key = jax.random.key(seed)
    k_x, k_e, k0, k1, k2 = jax.random.split(key, 5)
    x = jax.random.normal(k_x, (N_NODES, D_IN), dtype=jnp.float32)
    edge_index = jax.random.randint(k_e, (2, N_EDGES), 0, N_NODES, dtype=jnp.int64 if jax.config.jax_enable_x64 else jnp.int32)
    s_in = 1.0 / np.sqrt(D_IN)
    s_hid = 1.0 / np.sqrt(D_HID)
    W0 = jax.random.normal(k0, (D_IN, D_HID), dtype=jnp.float32) * s_in
    b0 = jnp.zeros((D_HID,), dtype=jnp.float32)
    W1 = jax.random.normal(k1, (D_HID, D_HID), dtype=jnp.float32) * s_hid
    b1 = jnp.zeros((D_HID,), dtype=jnp.float32)
    W2 = jax.random.normal(k2, (D_HID, D_OUT), dtype=jnp.float32) * s_hid
    b2 = jnp.zeros((D_OUT,), dtype=jnp.float32)
    return {"x": x, "edge_index": edge_index, "W0": W0, "b0": b0, "W1": W1, "b1": b1, "W2": W2, "b2": b2}


def reference(x, edge_index, W0, b0, W1, b1, W2, b2):
    # CustomGNN (architecture='gcn', num_layers=3, eval mode so dropout is a no-op):
    # relu after every layer except the last.
    h = jax.nn.relu(gcn_layer(x, edge_index, W0, b0))
    h = jax.nn.relu(gcn_layer(h, edge_index, W1, b1))
    h = gcn_layer(h, edge_index, W2, b2)
    return h

if __name__ == "__main__":
    import jax
    _d = setup_inputs()
    print(jax.jit(kernel)(*tuple(_d.values())))

</pallas_src>

<mosaic_0001>
#map = affine_map<(d0, d1) -> (0, 0)>
#map1 = affine_map<(d0, d1) -> (0, 0, 0)>
module attributes {stable_mosaic.version = 14 : i64} {
  func.func @k(%arg0: i32, %arg1: i32, %arg2: memref<10000x128xf32, #tpu.memory_space<hbm>>, %arg3: memref<32x125x80xi32, #tpu.memory_space<hbm>>, %arg4: memref<32x125x80xi32, #tpu.memory_space<hbm>>, %arg5: memref<2x10000x128xf32, #tpu.memory_space<hbm>>, %arg6: memref<2x10000x16xf32, #tpu.memory_space<hbm>>, %arg7: memref<32x80xi32, #tpu.memory_space<vmem>>, %arg8: memref<32x80xi32, #tpu.memory_space<vmem>>, %arg9: memref<80x128xf32, #tpu.memory_space<vmem>>, %arg10: memref<80x128xf32, #tpu.memory_space<vmem>>, %arg11: memref<80x128xf32, #tpu.memory_space<vmem>>, %arg12: memref<10000x128xf32, #tpu.memory_space<vmem_shared>>, %arg13: memref<!tpu.dma_semaphore, #tpu.memory_space<semaphore_mem>>, %arg14: memref<!tpu.dma_semaphore, #tpu.memory_space<semaphore_mem>>, %arg15: memref<!tpu.dma_semaphore, #tpu.memory_space<semaphore_mem>>, %arg16: memref<!tpu.dma_semaphore, #tpu.memory_space<semaphore_mem>>, %arg17: memref<!tpu.dma_semaphore, #tpu.memory_space<semaphore_mem>>, %arg18: memref<!tpu.dma_semaphore, #tpu.memory_space<semaphore_mem>>, %arg19: memref<80x16xf32, #tpu.memory_space<vmem>>, %arg20: memref<10000x16xf32, #tpu.memory_space<vmem_shared>>, %arg21: memref<!tpu.dma_semaphore, #tpu.memory_space<semaphore_mem>>) attributes {dimension_semantics = [#tpu.dimension_semantics<core_parallel>, #tpu.dimension_semantics<subcore_parallel>], iteration_bounds = array<i64: 2, 16>, scalar_prefetch = 0 : i64, scratch_operands = 15 : i64, tpu.core_type = #tpu.core_type<sc_vector_subcore>, window_params = [{transform_indices = #map}, {transform_indices = #map1}, {transform_indices = #map1}, {transform_indices = #map1}, {transform_indices = #map1}]} {
    %mul3A = arith.constant 2 : i32
    %mul3A_0 = arith.muli %arg1, %mul3A : i32
    %add3A = arith.addi %mul3A_0, %arg0 : i32
    %mul3A_1 = arith.constant 625 : i32
    %mul3A_2 = arith.muli %arg1, %mul3A_1 : i32
    %broadcast_in_dim3A = arith.constant 0.000000e+00 : f32
    %broadcast_in_dim3A_3 = vector.broadcast %broadcast_in_dim3A : f32 to vector<16xf32>
    %scan3A = arith.constant 0 : i32
    %scan3A_4 = arith.constant 80 : i32
    %scan3A_5 = arith.addi %scan3A, %scan3A_4 : i32
    %scan3A_6 = arith.constant 1 : i32
    scf.for %scan3A_790 = %scan3A to %scan3A_5 step %scan3A_6  : i32 {
      %mul3A_791 = arith.constant 1 : i32
      %mul3A_792 = arith.muli %scan3A_790, %mul3A_791 : i32
      %add3A_793 = arith.constant 0 : i32
      %add3A_794 = arith.addi %add3A_793, %mul3A_792 : i32
      %scan3A_795 = arith.constant 0 : i32
      %scan3A_796 = arith.constant 8 : i32
      %scan3A_797 = arith.addi %scan3A_795, %scan3A_796 : i32
      %scan3A_798 = arith.constant 1 : i32
      scf.for %scan3A_800 = %scan3A_795 to %scan3A_797 step %scan3A_798  : i32 {
        %mul3A_801 = arith.constant 16 : i32
        %mul3A_802 = arith.muli %scan3A_800, %mul3A_801 : i32
        %add3A_803 = arith.constant 0 : i32
        %add3A_804 = arith.addi %add3A_803, %mul3A_802 : i32
        %swap3A = arith.index_cast %add3A_794 : i32 to index
        %swap3A_805 = arith.index_cast %add3A_804 : i32 to index
        %swap3A_806 = tpu.vector_load %arg9[%swap3A, %swap3A_805] {strides = array<i32>} : memref<80x128xf32, #tpu.memory_space<vmem>>, vector<1x16xf32>,
        %swap3A_807 = vector.shape_cast %swap3A_806 : vector<1x16xf32> to vector<16xf32>
        %swap3A_808 = vector.shape_cast %broadcast_in_dim3A_3 : vector<16xf32> to vector<1x16xf32>
        tpu.vector_store %arg9[%swap3A, %swap3A_805], %swap3A_808 {strides = array<i32>} : memref<80x128xf32, #tpu.memory_space<vmem>>, vector<1x16xf32>,
      }
      %scan3A_799 = arith.constant 8 : i32
    }
    %scan3A_7 = arith.constant 80 : i32
    %scan3A_8 = arith.constant 0 : i32
    %scan3A_9 = arith.constant 7 : i32
    %scan3A_10 = arith.addi %scan3A_8, %scan3A_9 : i32
    %scan3A_11 = arith.constant 1 : i32
    scf.for %scan3A_790 = %scan3A_8 to %scan3A_10 step %scan3A_11  : i32 {
      %mul3A_791 = arith.constant 1 : i32
      %mul3A_792 = arith.muli %scan3A_790, %mul3A_791 : i32
      %add3A_793 = arith.constant 0 : i32
      %add3A_794 = arith.addi %add3A_793, %mul3A_792 : i32
      %mul3A_795 = arith.constant 80 : i32
      %mul3A_796 = arith.muli %add3A_794, %mul3A_795 : i32
      %add3A_797 = arith.addi %mul3A_2, %mul3A_796 : i32
      "tpu.region"() ({
        %run_scoped3A_798 = tpu.sem_alloc : memref<!tpu.dma_semaphore, #tpu.memory_space<semaphore_mem>>
        %dma_start3A_799 = arith.constant 0 : i32
        %dma_start3A_800 = tpu.memref_slice %arg12[%add3A_797, %dma_start3A_799] : memref<10000x128xf32, #tpu.memory_space<vmem_shared>> -> memref<80x128xf32, #tpu.memory_space<vmem_shared>>
        %dma_start3A_801 = arith.constant 0 : i32
        %dma_start3A_802 = tpu.memref_slice %arg12[%add3A_797, %dma_start3A_801] : memref<10000x128xf32, #tpu.memory_space<vmem_shared>> -> memref<80x128xf32, #tpu.memory_space<vmem_shared>>
        tpu.enqueue_dma source(%arg9 : memref<80x128xf32, #tpu.memory_space<vmem>>) target(%dma_start3A_802 : memref<80x128xf32, #tpu.memory_space<vmem_shared>>) target_semaphore(%run_scoped3A_798 : memref<!tpu.dma_semaphore, #tpu.memory_space<semaphore_mem>>)
        %dma_wait3A_803 = arith.constant 0 : i32
        %dma_wait3A_804 = tpu.memref_slice %arg12[%add3A_797, %dma_wait3A_803] : memref<10000x128xf32, #tpu.memory_space<vmem_shared>> -> memref<80x128xf32, #tpu.memory_space<vmem_shared>>
        %dma_wait3A_805 = arith.constant 0 : i32
        %dma_wait3A_806 = tpu.memref_slice %arg12[%add3A_797, %dma_wait3A_805] : memref<10000x128xf32, #tpu.memory_space<vmem_shared>> -> memref<80x128xf32, #tpu.memory_space<vmem_shared>>
        tpu.wait_dma2 semaphore(%run_scoped3A_798 : memref<!tpu.dma_semaphore, #tpu.memory_space<semaphore_mem>>) src(%arg9 : memref<80x128xf32, #tpu.memory_space<vmem>>) dst(%dma_wait3A_806 : memref<80x128xf32, #tpu.memory_space<vmem_shared>>)
        tpu.yield
      }) : () -> ()
    }
    %scan3A_12 = arith.constant 7 : i32
    %add3A_13 = arith.constant 560 : i32
    %add3A_14 = arith.addi %mul3A_2, %add3A_13 : i32
    "tpu.region"() ({
      %run_scoped3A_790 = tpu.sem_alloc : memref<!tpu.dma_semaphore, #tpu.memory_space<semaphore_mem>>
      %dma_start3A_791 = arith.constant 0 : i32
      %dma_start3A_792 = arith.constant 0 : i32
      %dma_start3A_793 = tpu.memref_slice %arg9[%dma_start3A_791, %dma_start3A_792] : memref<80x128xf32, #tpu.memory_space<vmem>> -> memref<65x128xf32, #tpu.memory_space<vmem>>
      %dma_start3A_794 = arith.constant 0 : i32
      %dma_start3A_795 = tpu.memref_slice %arg12[%add3A_14, %dma_start3A_794] : memref<10000x128xf32, #tpu.memory_space<vmem_shared>> -> memref<65x128xf32, #tpu.memory_space<vmem_shared>>
      %dma_start3A_796 = arith.constant 0 : i32
      %dma_start3A_797 = tpu.memref_slice %arg12[%add3A_14, %dma_start3A_796] : memref<10000x128xf32, #tpu.memory_space<vmem_shared>> -> memref<65x128xf32, #tpu.memory_space<vmem_shared>>
      %dma_start3A_798 = arith.constant 0 : i32
      %dma_start3A_799 = arith.constant 0 : i32
      %dma_start3A_800 = tpu.memref_slice %arg9[%dma_start3A_798, %dma_start3A_799] : memref<80x128xf32, #tpu.memory_space<vmem>> -> memref<65x128xf32, #tpu.memory_space<vmem>>
      tpu.enqueue_dma source(%dma_start3A_800 : memref<65x128xf32, #tpu.memory_space<vmem>>) target(%dma_start3A_797 : memref<65x128xf32, #tpu.memory_space<vmem_shared>>) target_semaphore(%run_scoped3A_790 : memref<!tpu.dma_semaphore, #tpu.memory_space<semaphore_mem>>)
      %dma_wait3A_801 = arith.constant 0 : i32
      %dma_wait3A_802 = arith.constant 0 : i32
      %dma_wait3A_803 = tpu.memref_slice %arg9[%dma_wait3A_801, %dma_wait3A_802] : memref<80x128xf32, #tpu.memory_space<vmem>> -> memref<65x128xf32, #tpu.memory_space<vmem>>
      %dma_wait3A_804 = arith.constant 0 : i32
      %dma_wait3A_805 = tpu.memref_slice %arg12[%add3A_14, %dma_wait3A_804] : memref<10000x128xf32, #tpu.memory_space<vmem_shared>> -> memref<65x128xf32, #tpu.memory_space<vmem_shared>>
      %dma_wait3A_806 = arith.constant 0 : i32
      %dma_wait3A_807 = tpu.memref_slice %arg12[%add3A_14, %dma_wait3A_806] : memref<10000x128xf32, #tpu.memory_space<vmem_shared>> -> memref<65x128xf32, #tpu.memory_space<vmem_shared>>
      %dma_wait3A_808 = arith.constant 0 : i32
      %dma_wait3A_809 = arith.constant 0 : i32
      %dma_wait3A_810 = tpu.memref_slice %arg9[%dma_wait3A_808, %dma_wait3A_809] : memref<80x128xf32, #tpu.memory_space<vmem>> -> memref<65x128xf32, #tpu.memory_space<vmem>>
      tpu.wait_dma2 semaphore(%run_scoped3A_790 : memref<!tpu.dma_semaphore, #tpu.memory_space<semaphore_mem>>) src(%dma_wait3A_810 : memref<65x128xf32, #tpu.memory_space<vmem>>) dst(%dma_wait3A_807 : memref<65x128xf32, #tpu.memory_space<vmem_shared>>)
      tpu.yield
    }) : () -> ()
    %broadcast_in_dim3A_15 = arith.constant 0.000000e+00 : f32
    %broadcast_in_dim3A_16 = vector.broadcast %broadcast_in_dim3A_15 : f32 to vector<16xf32>
    %scan3A_17 = arith.constant 0 : i32
    %scan3A_18 = arith.constant 80 : i32
    %scan3A_19 = arith.addi %scan3A_17, %scan3A_18 : i32
    %scan3A_20 = arith.constant 1 : i32
    scf.for %scan3A_790 = %scan3A_17 to %scan3A_19 step %scan3A_20  : i32 {
      %mul3A_791 = arith.constant 1 : i32
      %mul3A_792 = arith.muli %scan3A_790, %mul3A_791 : i32
      %add3A_793 = arith.constant 0 : i32
      %add3A_794 = arith.addi %add3A_793, %mul3A_792 : i32
      %scan3A_795 = arith.constant 0 : i32
      %mul3A_796 = arith.constant 16 : i32
      %mul3A_797 = arith.muli %scan3A_795, %mul3A_796 : i32
      %add3A_798 = arith.constant 0 : i32
      %add3A_799 = arith.addi %add3A_798, %mul3A_797 : i32
      %swap3A = arith.index_cast %add3A_794 : i32 to index
      %swap3A_800 = arith.index_cast %add3A_799 : i32 to index
      %swap3A_801 = tpu.vector_load %arg19[%swap3A, %swap3A_800] {strides = array<i32>} : memref<80x16xf32, #tpu.memory_space<vmem>>, vector<1x16xf32>,
      %swap3A_802 = vector.shape_cast %swap3A_801 : vector<1x16xf32> to vector<16xf32>
      %swap3A_803 = vector.shape_cast %broadcast_in_dim3A_16 : vector<16xf32> to vector<1x16xf32>
      tpu.vector_store %arg19[%swap3A, %swap3A_800], %swap3A_803 {strides = array<i32>} : memref<80x16xf32, #tpu.memory_space<vmem>>, vector<1x16xf32>,
      %scan3A_804 = arith.constant 1 : i32
    }
    %scan3A_21 = arith.constant 80 : i32
    %scan3A_22 = arith.constant 0 : i32
    %scan3A_23 = arith.constant 7 : i32
    %scan3A_24 = arith.addi %scan3A_22, %scan3A_23 : i32
    %scan3A_25 = arith.constant 1 : i32
    scf.for %scan3A_790 = %scan3A_22 to %scan3A_24 step %scan3A_25  : i32 {
      %mul3A_791 = arith.constant 1 : i32
      %mul3A_792 = arith.muli %scan3A_790, %mul3A_791 : i32
      %add3A_793 = arith.constant 0 : i32
      %add3A_794 = arith.addi %add3A_793, %mul3A_792 : i32
      %mul3A_795 = arith.constant 80 : i32
      %mul3A_796 = arith.muli %add3A_794, %mul3A_795 : i32
      %add3A_797 = arith.addi %mul3A_2, %mul3A_796 : i32
      "tpu.region"() ({
        %run_scoped3A_798 = tpu.sem_alloc : memref<!tpu.dma_semaphore, #tpu.memory_space<semaphore_mem>>
        %dma_start3A_799 = arith.constant 0 : i32
        %dma_start3A_800 = tpu.memref_slice %arg20[%add3A_797, %dma_start3A_799] : memref<10000x16xf32, #tpu.memory_space<vmem_shared>> -> memref<80x16xf32, #tpu.memory_space<vmem_shared>>
        %dma_start3A_801 = arith.constant 0 : i32
        %dma_start3A_802 = tpu.memref_slice %arg20[%add3A_797, %dma_start3A_801] : memref<10000x16xf32, #tpu.memory_space<vmem_shared>> -> memref<80x16xf32, #tpu.memory_space<vmem_shared>>
        tpu.enqueue_dma source(%arg19 : memref<80x16xf32, #tpu.memory_space<vmem>>) target(%dma_start3A_802 : memref<80x16xf32, #tpu.memory_space<vmem_shared>>) target_semaphore(%run_scoped3A_798 : memref<!tpu.dma_semaphore, #tpu.memory_space<semaphore_mem>>)
        %dma_wait3A_803 = arith.constant 0 : i32
        %dma_wait3A_804 = tpu.memref_slice %arg20[%add3A_797, %dma_wait3A_803] : memref<10000x16xf32, #tpu.memory_space<vmem_shared>> -> memref<80x16xf32, #tpu.memory_space<vmem_shared>>
        %dma_wait3A_805 = arith.constant 0 : i32
        %dma_wait3A_806 = tpu.memref_slice %arg20[%add3A_797, %dma_wait3A_805] : memref<10000x16xf32, #tpu.memory_space<vmem_shared>> -> memref<80x16xf32, #tpu.memory_space<vmem_shared>>
        tpu.wait_dma2 semaphore(%run_scoped3A_798 : memref<!tpu.dma_semaphore, #tpu.memory_space<semaphore_mem>>) src(%arg19 : memref<80x16xf32, #tpu.memory_space<vmem>>) dst(%dma_wait3A_806 : memref<80x16xf32, #tpu.memory_space<vmem_shared>>)
        tpu.yield
      }) : () -> ()
    }
    %scan3A_26 = arith.constant 7 : i32
    %add3A_27 = arith.constant 560 : i32
    %add3A_28 = arith.addi %mul3A_2, %add3A_27 : i32
    "tpu.region"() ({
      %run_scoped3A_790 = tpu.sem_alloc : memref<!tpu.dma_semaphore, #tpu.memory_space<semaphore_mem>>
      %dma_start3A_791 = arith.constant 0 : i32
      %dma_start3A_792 = arith.constant 0 : i32
      %dma_start3A_793 = tpu.memref_slice %arg19[%dma_start3A_791, %dma_start3A_792] : memref<80x16xf32, #tpu.memory_space<vmem>> -> memref<65x16xf32, #tpu.memory_space<vmem>>
      %dma_start3A_794 = arith.constant 0 : i32
      %dma_start3A_795 = tpu.memref_slice %arg20[%add3A_28, %dma_start3A_794] : memref<10000x16xf32, #tpu.memory_space<vmem_shared>> -> memref<65x16xf32, #tpu.memory_space<vmem_shared>>
      %dma_start3A_796 = arith.constant 0 : i32
      %dma_start3A_797 = tpu.memref_slice %arg20[%add3A_28, %dma_start3A_796] : memref<10000x16xf32, #tpu.memory_space<vmem_shared>> -> memref<65x16xf32, #tpu.memory_space<vmem_shared>>
      %dma_start3A_798 = arith.constant 0 : i32
      %dma_start3A_799 = arith.constant 0 : i32
      %dma_start3A_800 = tpu.memref_slice %arg19[%dma_start3A_798, %dma_start3A_799] : memref<80x16xf32, #tpu.memory_space<vmem>> -> memref<65x16xf32, #tpu.memory_space<vmem>>
      tpu.enqueue_dma source(%dma_start3A_800 : memref<65x16xf32, #tpu.memory_space<vmem>>) target(%dma_start3A_797 : memref<65x16xf32, #tpu.memory_space<vmem_shared>>) target_semaphore(%run_scoped3A_790 : memref<!tpu.dma_semaphore, #tpu.memory_space<semaphore_mem>>)
      %dma_wait3A_801 = arith.constant 0 : i32
      %dma_wait3A_802 = arith.constant 0 : i32
      %dma_wait3A_803 = tpu.memref_slice %arg19[%dma_wait3A_801, %dma_wait3A_802] : memref<80x16xf32, #tpu.memory_space<vmem>> -> memref<65x16xf32, #tpu.memory_space<vmem>>
      %dma_wait3A_804 = arith.constant 0 : i32
      %dma_wait3A_805 = tpu.memref_slice %arg20[%add3A_28, %dma_wait3A_804] : memref<10000x16xf32, #tpu.memory_space<vmem_shared>> -> memref<65x16xf32, #tpu.memory_space<vmem_shared>>
      %dma_wait3A_806 = arith.constant 0 : i32
      %dma_wait3A_807 = tpu.memref_slice %arg20[%add3A_28, %dma_wait3A_806] : memref<10000x16xf32, #tpu.memory_space<vmem_shared>> -> memref<65x16xf32, #tpu.memory_space<vmem_shared>>
      %dma_wait3A_808 = arith.constant 0 : i32
      %dma_wait3A_809 = arith.constant 0 : i32
      %dma_wait3A_810 = tpu.memref_slice %arg19[%dma_wait3A_808, %dma_wait3A_809] : memref<80x16xf32, #tpu.memory_space<vmem>> -> memref<65x16xf32, #tpu.memory_space<vmem>>
      tpu.wait_dma2 semaphore(%run_scoped3A_790 : memref<!tpu.dma_semaphore, #tpu.memory_space<semaphore_mem>>) src(%dma_wait3A_810 : memref<65x16xf32, #tpu.memory_space<vmem>>) dst(%dma_wait3A_807 : memref<65x16xf32, #tpu.memory_space<vmem_shared>>)
      tpu.yield
    }) : () -> ()
    %broadcast_in_dim3A_29 = arith.constant 1.000000e+00 : f32
    %broadcast_in_dim3A_30 = vector.broadcast %broadcast_in_dim3A_29 : f32 to vector<16xf32>
    %scan3A_31 = arith.constant 0 : i32
    %scan3A_32 = arith.constant 80 : i32
    %scan3A_33 = arith.addi %scan3A_31, %scan3A_32 : i32
    %scan3A_34 = arith.constant 1 : i32
    scf.for %scan3A_790 = %scan3A_31 to %scan3A_33 step %scan3A_34  : i32 {
      %mul3A_791 = arith.constant 1 : i32
      %mul3A_792 = arith.muli %scan3A_790, %mul3A_791 : i32
      %add3A_793 = arith.constant 0 : i32
      %add3A_794 = arith.addi %add3A_793, %mul3A_792 : i32
      %swap3A = arith.index_cast %add3A_794 : i32 to index
      %swap3A_795 = arith.constant 0 : index
      %swap3A_796 = tpu.vector_load %arg19[%swap3A, %swap3A_795] {strides = array<i32>} : memref<80x16xf32, #tpu.memory_space<vmem>>, vector<1x16xf32>,
      %swap3A_797 = vector.shape_cast %swap3A_796 : vector<1x16xf32> to vector<16xf32>
      %swap3A_798 = vector.shape_cast %broadcast_in_dim3A_30 : vector<16xf32> to vector<1x16xf32>
      tpu.vector_store %arg19[%swap3A, %swap3A_795], %swap3A_798 {strides = array<i32>} : memref<80x16xf32, #tpu.memory_space<vmem>>, vector<1x16xf32>,
    }
    %scan3A_35 = arith.constant 80 : i32
    %barrier3A = arith.constant 0 : index
    tpu.barrier barrier_id(%barrier3A)
    "tpu.region"() ({
      %run_scoped3A_790 = tpu.sem_alloc : memref<!tpu.dma_semaphore, #tpu.memory_space<semaphore_mem>>
      %dma_start3A_791 = arith.constant 0 : i32
      %dma_start3A_792 = arith.constant 0 : i32
      %dma_start3A_793 = tpu.memref_slice %arg3[%add3A, %dma_start3A_791, %dma_start3A_792] : memref<32x125x80xi32, #tpu.memory_space<hbm>> -> memref<1x32x80xi32, #tpu.memory_space<hbm>>
      %dma_start3A_794 = tpu.memref_squeeze %dma_start3A_793 : memref<1x32x80xi32, #tpu.memory_space<hbm>> -> memref<32x80xi32, #tpu.memory_space<hbm>>
      %dma_start3A_795 = arith.constant 0 : i32
      %dma_start3A_796 = arith.constant 0 : i32
      %dma_start3A_797 = tpu.memref_slice %arg3[%add3A, %dma_start3A_795, %dma_start3A_796] : memref<32x125x80xi32, #tpu.memory_space<hbm>> -> memref<1x32x80xi32, #tpu.memory_space<hbm>>
      %dma_start3A_798 = tpu.memref_squeeze %dma_start3A_797 : memref<1x32x80xi32, #tpu.memory_space<hbm>> -> memref<32x80xi32, #tpu.memory_space<hbm>>
      tpu.enqueue_dma source(%dma_start3A_798 : memref<32x80xi32, #tpu.memory_space<hbm>>) target(%arg7 : memref<32x80xi32, #tpu.memory_space<vmem>>) target_semaphore(%run_scoped3A_790 : memref<!tpu.dma_semaphore, #tpu.memory_space<semaphore_mem>>)
      %dma_wait3A_799 = arith.constant 0 : i32
      %dma_wait3A_800 = arith.constant 0 : i32
      %dma_wait3A_801 = tpu.memref_slice %arg3[%add3A, %dma_wait3A_799, %dma_wait3A_800] : memref<32x125x80xi32, #tpu.memory_space<hbm>> -> memref<1x32x80xi32, #tpu.memory_space<hbm>>
      %dma_wait3A_802 = tpu.memref_squeeze %dma_wait3A_801 : memref<1x32x80xi32, #tpu.memory_space<hbm>> -> memref<32x80xi32, #tpu.memory_space<hbm>>
      %dma_wait3A_803 = arith.constant 0 : i32
      %dma_wait3A_804 = arith.constant 0 : i32
      %dma_wait3A_805 = tpu.memref_slice %arg3[%add3A, %dma_wait3A_803, %dma_wait3A_804] : memref<32x125x80xi32, #tpu.memory_space<hbm>> -> memref<1x32x80xi32, #tpu.memory_space<hbm>>
      %dma_wait3A_806 = tpu.memref_squeeze %dma_wait3A_805 : memref<1x32x80xi32, #tpu.memory_space<hbm>> -> memref<32x80xi32, #tpu.memory_space<hbm>>
      tpu.wait_dma2 semaphore(%run_scoped3A_790 : memref<!tpu.dma_semaphore, #tpu.memory_space<semaphore_mem>>) src(%dma_wait3A_806 : memref<32x80xi32, #tpu.memory_space<hbm>>) dst(%arg7 : memref<32x80xi32, #tpu.memory_space<vmem>>)
      tpu.yield
    }) : () -> ()
    "tpu.region"() ({
      %run_scoped3A_790 = tpu.sem_alloc : memref<!tpu.dma_semaphore, #tpu.memory_space<semaphore_mem>>
      %dma_start3A_791 = arith.constant 0 : i32
      %dma_start3A_792 = arith.constant 0 : i32
      %dma_start3A_793 = tpu.memref_slice %arg4[%add3A, %dma_start3A_791, %dma_start3A_792] : memref<32x125x80xi32, #tpu.memory_space<hbm>> -> memref<1x32x80xi32, #tpu.memory_space<hbm>>
      %dma_start3A_794 = tpu.memref_squeeze %dma_start3A_793 : memref<1x32x80xi32, #tpu.memory_space<hbm>> -> memref<32x80xi32, #tpu.memory_space<hbm>>
      %dma_start3A_795 = arith.constant 0 : i32
      %dma_start3A_796 = arith.constant 0 : i32
      %dma_start3A_797 = tpu.memref_slice %arg4[%add3A, %dma_start3A_795, %dma_start3A_796] : memref<32x125x80xi32, #tpu.memory_space<hbm>> -> memref<1x32x80xi32, #tpu.memory_space<hbm>>
      %dma_start3A_798 = tpu.memref_squeeze %dma_start3A_797 : memref<1x32x80xi32, #tpu.memory_space<hbm>> -> memref<32x80xi32, #tpu.memory_space<hbm>>
      tpu.enqueue_dma source(%dma_start3A_798 : memref<32x80xi32, #tpu.memory_space<hbm>>) target(%arg8 : memref<32x80xi32, #tpu.memory_space<vmem>>) target_semaphore(%run_scoped3A_790 : memref<!tpu.dma_semaphore, #tpu.memory_space<semaphore_mem>>)
      %dma_wait3A_799 = arith.constant 0 : i32
      %dma_wait3A_800 = arith.constant 0 : i32
      %dma_wait3A_801 = tpu.memref_slice %arg4[%add3A, %dma_wait3A_799, %dma_wait3A_800] : memref<32x125x80xi32, #tpu.memory_space<hbm>> -> memref<1x32x80xi32, #tpu.memory_space<hbm>>
      %dma_wait3A_802 = tpu.memref_squeeze %dma_wait3A_801 : memref<1x32x80xi32, #tpu.memory_space<hbm>> -> memref<32x80xi32, #tpu.memory_space<hbm>>
      %dma_wait3A_803 = arith.constant 0 : i32
      %dma_wait3A_804 = arith.constant 0 : i32
      %dma_wait3A_805 = tpu.memref_slice %arg4[%add3A, %dma_wait3A_803, %dma_wait3A_804] : memref<32x125x80xi32, #tpu.memory_space<hbm>> -> memref<1x32x80xi32, #tpu.memory_space<hbm>>
      %dma_wait3A_806 = tpu.memref_squeeze %dma_wait3A_805 : memref<1x32x80xi32, #tpu.memory_space<hbm>> -> memref<32x80xi32, #tpu.memory_space<hbm>>
      tpu.wait_dma2 semaphore(%run_scoped3A_790 : memref<!tpu.dma_semaphore, #tpu.memory_space<semaphore_mem>>) src(%dma_wait3A_806 : memref<32x80xi32, #tpu.memory_space<hbm>>) dst(%arg8 : memref<32x80xi32, #tpu.memory_space<vmem>>)
      tpu.yield
    }) : () -> ()
    %dma_start3A = arith.constant 0 : i32
    %dma_start3A_36 = arith.constant 0 : i32
    %dma_start3A_37 = tpu.memref_slice %arg7[%dma_start3A, %dma_start3A_36] : memref<32x80xi32, #tpu.memory_space<vmem>> -> memref<1x80xi32, #tpu.memory_space<vmem>>
    %dma_start3A_38 = tpu.memref_squeeze %dma_start3A_37 : memref<1x80xi32, #tpu.memory_space<vmem>> -> memref<80xi32, #tpu.memory_space<vmem>>
    %dma_start3A_39 = arith.constant 0 : i32
    %dma_start3A_40 = arith.constant 0 : i32
    %dma_start3A_41 = tpu.memref_slice %arg2[%dma_start3A_39, %dma_start3A_40] : memref<10000x128xf32, #tpu.memory_space<hbm>> -> memref<10000x128xf32, #tpu.memory_space<hbm>>
    tpu.enqueue_indirect_dma source(%dma_start3A_41 : memref<10000x128xf32, #tpu.memory_space<hbm>>) target(%arg9 : memref<80x128xf32, #tpu.memory_space<vmem>>) offsets(%dma_start3A_38 : memref<80xi32, #tpu.memory_space<vmem>>) semaphore(%arg13 : memref<!tpu.dma_semaphore, #tpu.memory_space<semaphore_mem>>)
    %dma_start3A_42 = arith.constant 1 : i32
    %dma_start3A_43 = arith.constant 0 : i32
    %dma_start3A_44 = tpu.memref_slice %arg7[%dma_start3A_42, %dma_start3A_43] : memref<32x80xi32, #tpu.memory_space<vmem>> -> memref<1x80xi32, #tpu.memory_space<vmem>>
    %dma_start3A_45 = tpu.memref_squeeze %dma_start3A_44 : memref<1x80xi32, #tpu.memory_space<vmem>> -> memref<80xi32, #tpu.memory_space<vmem>>
    %dma_start3A_46 = arith.constant 0 : i32
    %dma_start3A_47 = arith.constant 0 : i32
    %dma_start3A_48 = tpu.memref_slice %arg2[%dma_start3A_46, %dma_start3A_47] : memref<10000x128xf32, #tpu.memory_space<hbm>> -> memref<10000x128xf32, #tpu.memory_space<hbm>>
    tpu.enqueue_indirect_dma source(%dma_start3A_48 : memref<10000x128xf32, #tpu.memory_space<hbm>>) target(%arg10 : memref<80x128xf32, #tpu.memory_space<vmem>>) offsets(%dma_start3A_45 : memref<80xi32, #tpu.memory_space<vmem>>) semaphore(%arg14 : memref<!tpu.dma_semaphore, #tpu.memory_space<semaphore_mem>>)
    %dma_start3A_49 = arith.constant 2 : i32
    %dma_start3A_50 = arith.constant 0 : i32
    %dma_start3A_51 = tpu.memref_slice %arg7[%dma_start3A_49, %dma_start3A_50] : memref<32x80xi32, #tpu.memory_space<vmem>> -> memref<1x80xi32, #tpu.memory_space<vmem>>
    %dma_start3A_52 = tpu.memref_squeeze %dma_start3A_51 : memref<1x80xi32, #tpu.memory_space<vmem>> -> memref<80xi32, #tpu.memory_space<vmem>>
    %dma_start3A_53 = arith.constant 0 : i32
    %dma_start3A_54 = arith.constant 0 : i32
    %dma_start3A_55 = tpu.memref_slice %arg2[%dma_start3A_53, %dma_start3A_54] : memref<10000x128xf32, #tpu.memory_space<hbm>> -> memref<10000x128xf32, #tpu.memory_space<hbm>>
    tpu.enqueue_indirect_dma source(%dma_start3A_55 : memref<10000x128xf32, #tpu.memory_space<hbm>>) target(%arg11 : memref<80x128xf32, #tpu.memory_space<vmem>>) offsets(%dma_start3A_52 : memref<80xi32, #tpu.memory_space<vmem>>) semaphore(%arg15 : memref<!tpu.dma_semaphore, #tpu.memory_space<semaphore_mem>>)
    %scan3A_56 = arith.constant 0 : i32
    %scan3A_57 = arith.constant 9 : i32
    %scan3A_58 = arith.addi %scan3A_56, %scan3A_57 : i32
    %scan3A_59 = arith.constant 1 : i32
    scf.for %scan3A_790 = %scan3A_56 to %scan3A_58 step %scan3A_59  : i32 {
      %mul3A_791 = arith.constant 1 : i32
      %mul3A_792 = arith.muli %scan3A_790, %mul3A_791 : i32
      %add3A_793 = arith.constant 0 : i32
      %add3A_794 = arith.addi %add3A_793, %mul3A_792 : i32
      %mul3A_795 = arith.constant 3 : i32
      %mul3A_796 = arith.muli %mul3A_795, %add3A_794 : i32
      %add3A_797 = arith.constant 0 : i32
      %add3A_798 = arith.addi %add3A_797, %mul3A_796 : i32
      %add3A_799 = arith.constant 0 : i32
      %add3A_800 = arith.addi %add3A_798, %add3A_799 : i32
      %dma_wait3A_801 = arith.constant 0 : i32
      %dma_wait3A_802 = tpu.memref_slice %arg7[%add3A_800, %dma_wait3A_801] : memref<32x80xi32, #tpu.memory_space<vmem>> -> memref<1x80xi32, #tpu.memory_space<vmem>>
      %dma_wait3A_803 = tpu.memref_squeeze %dma_wait3A_802 : memref<1x80xi32, #tpu.memory_space<vmem>> -> memref<80xi32, #tpu.memory_space<vmem>>
      %dma_wait3A_804 = arith.constant 0 : i32
      %dma_wait3A_805 = arith.constant 0 : i32
      %dma_wait3A_806 = tpu.memref_slice %arg2[%dma_wait3A_804, %dma_wait3A_805] : memref<10000x128xf32, #tpu.memory_space<hbm>> -> memref<10000x128xf32, #tpu.memory_space<hbm>>
      tpu.wait_indirect_dma semaphore(%arg13 : memref<!tpu.dma_semaphore, #tpu.memory_space<semaphore_mem>>) src(%dma_wait3A_806 : memref<10000x128xf32, #tpu.memory_space<hbm>>) dst(%arg9 : memref<80x128xf32, #tpu.memory_space<vmem>>)
      %add3A_807 = arith.constant 0 : i32
      %add3A_808 = arith.addi %add3A_798, %add3A_807 : i32
      %dma_start3A_809 = arith.constant 0 : i32
      %dma_start3A_810 = tpu.memref_slice %arg8[%add3A_808, %dma_start3A_809] : memref<32x80xi32, #tpu.memory_space<vmem>> -> memref<1x80xi32, #tpu.memory_space<vmem>>
      %dma_start3A_811 = tpu.memref_squeeze %dma_start3A_810 : memref<1x80xi32, #tpu.memory_space<vmem>> -> memref<80xi32, #tpu.memory_space<vmem>>
      %dma_start3A_812 = arith.constant 0 : i32
      %dma_start3A_813 = arith.constant 0 : i32
      %dma_start3A_814 = tpu.memref_slice %arg12[%dma_start3A_812, %dma_start3A_813] : memref<10000x128xf32, #tpu.memory_space<vmem_shared>> -> memref<10000x128xf32, #tpu.memory_space<vmem_shared>>
      tpu.enqueue_indirect_dma source(%arg9 : memref<80x128xf32, #tpu.memory_space<vmem>>) target(%dma_start3A_814 : memref<10000x128xf32, #tpu.memory_space<vmem_shared>>) offsets(%dma_start3A_811 : memref<80xi32, #tpu.memory_space<vmem>>) semaphore(%arg16 : memref<!tpu.dma_semaphore, #tpu.memory_space<semaphore_mem>>) {add = true}
      %add3A_815 = arith.constant 0 : i32
      %add3A_816 = arith.addi %add3A_798, %add3A_815 : i32
      %dma_start3A_817 = arith.constant 0 : i32
      %dma_start3A_818 = tpu.memref_slice %arg7[%add3A_816, %dma_start3A_817] : memref<32x80xi32, #tpu.memory_space<vmem>> -> memref<1x80xi32, #tpu.memory_space<vmem>>
      %dma_start3A_819 = tpu.memref_squeeze %dma_start3A_818 : memref<1x80xi32, #tpu.memory_space<vmem>> -> memref<80xi32, #tpu.memory_space<vmem>>
      %dma_start3A_820 = arith.constant 0 : i32
      %dma_start3A_821 = arith.constant 0 : i32
      %dma_start3A_822 = tpu.memref_slice %arg20[%dma_start3A_820, %dma_start3A_821] : memref<10000x16xf32, #tpu.memory_space<vmem_shared>> -> memref<10000x16xf32, #tpu.memory_space<vmem_shared>>
      tpu.enqueue_indirect_dma source(%arg19 : memref<80x16xf32, #tpu.memory_space<vmem>>) target(%dma_start3A_822 : memref<10000x16xf32, #tpu.memory_space<vmem_shared>>) offsets(%dma_start3A_819 : memref<80xi32, #tpu.memory_space<vmem>>) semaphore(%arg21 : memref<!tpu.dma_semaphore, #tpu.memory_space<semaphore_mem>>) {add = true}
      %add3A_823 = arith.constant 1 : i32
      %add3A_824 = arith.addi %add3A_798, %add3A_823 : i32
      %dma_wait3A_825 = arith.constant 0 : i32
      %dma_wait3A_826 = tpu.memref_slice %arg7[%add3A_824, %dma_wait3A_825] : memref<32x80xi32, #tpu.memory_space<vmem>> -> memref<1x80xi32, #tpu.memory_space<vmem>>
      %dma_wait3A_827 = tpu.memref_squeeze %dma_wait3A_826 : memref<1x80xi32, #tpu.memory_space<vmem>> -> memref<80xi32, #tpu.memory_space<vmem>>
      %dma_wait3A_828 = arith.constant 0 : i32
      %dma_wait3A_829 = arith.constant 0 : i32
      %dma_wait3A_830 = tpu.memref_slice %arg2[%dma_wait3A_828, %dma_wait3A_829] : memref<10000x128xf32, #tpu.memory_space<hbm>> -> memref<10000x128xf32, #tpu.memory_space<hbm>>
      tpu.wait_indirect_dma semaphore(%arg14 : memref<!tpu.dma_semaphore, #tpu.memory_space<semaphore_mem>>) src(%dma_wait3A_830 : memref<10000x128xf32, #tpu.memory_space<hbm>>) dst(%arg10 : memref<80x128xf32, #tpu.memory_space<vmem>>)
      %add3A_831 = arith.constant 1 : i32
      %add3A_832 = arith.addi %add3A_798, %add3A_831 : i32
      %dma_start3A_833 = arith.constant 0 : i32
      %dma_start3A_834 = tpu.memref_slice %arg8[%add3A_832, %dma_start3A_833] : memref<32x80xi32, #tpu.memory_space<vmem>> -> memref<1x80xi32, #tpu.memory_space<vmem>>
      %dma_start3A_835 = tpu.memref_squeeze %dma_start3A_834 : memref<1x80xi32, #tpu.memory_space<vmem>> -> memref<80xi32, #tpu.memory_space<vmem>>
      %dma_start3A_836 = arith.constant 0 : i32
      %dma_start3A_837 = arith.constant 0 : i32
      %dma_start3A_838 = tpu.memref_slice %arg12[%dma_start3A_836, %dma_start3A_837] : memref<10000x128xf32, #tpu.memory_space<vmem_shared>> -> memref<10000x128xf32, #tpu.memory_space<vmem_shared>>
      tpu.enqueue_indirect_dma source(%arg10 : memref<80x128xf32, #tpu.memory_space<vmem>>) target(%dma_start3A_838 : memref<10000x128xf32, #tpu.memory_space<vmem_shared>>) offsets(%dma_start3A_835 : memref<80xi32, #tpu.memory_space<vmem>>) semaphore(%arg17 : memref<!tpu.dma_semaphore, #tpu.memory_space<semaphore_mem>>) {add = true}
      %add3A_839 = arith.constant 1 : i32
      %add3A_840 = arith.addi %add3A_798, %add3A_839 : i32
      %dma_start3A_841 = arith.constant 0 : i32
      %dma_start3A_842 = tpu.memref_slice %arg7[%add3A_840, %dma_start3A_841] : memref<32x80xi32, #tpu.memory_space<vmem>> -> memref<1x80xi32, #tpu.memory_space<vmem>>
      %dma_start3A_843 = tpu.memref_squeeze %dma_start3A_842 : memref<1x80xi32, #tpu.memory_space<vmem>> -> memref<80xi32, #tpu.memory_space<vmem>>
      %dma_start3A_844 = arith.constant 0 : i32
      %dma_start3A_845 = arith.constant 0 : i32
      %dma_start3A_846 = tpu.memref_slice %arg20[%dma_start3A_844, %dma_start3A_845] : memref<10000x16xf32, #tpu.memory_space<vmem_shared>> -> memref<10000x16xf32, #tpu.memory_space<vmem_shared>>
      tpu.enqueue_indirect_dma source(%arg19 : memref<80x16xf32, #tpu.memory_space<vmem>>) target(%dma_start3A_846 : memref<10000x16xf32, #tpu.memory_space<vmem_shared>>) offsets(%dma_start3A_843 : memref<80xi32, #tpu.memory_space<vmem>>) semaphore(%arg21 : memref<!tpu.dma_semaphore, #tpu.memory_space<semaphore_mem>>) {add = true}
      %add3A_847 = arith.constant 2 : i32
      %add3A_848 = arith.addi %add3A_798, %add3A_847 : i32
      %dma_wait3A_849 = arith.constant 0 : i32
      %dma_wait3A_850 = tpu.memref_slice %arg7[%add3A_848, %dma_wait3A_849] : memref<32x80xi32, #tpu.memory_space<vmem>> -> memref<1x80xi32, #tpu.memory_space<vmem>>
      %dma_wait3A_851 = tpu.memref_squeeze %dma_wait3A_850 : memref<1x80xi32, #tpu.memory_space<vmem>> -> memref<80xi32, #tpu.memory_space<vmem>>
      %dma_wait3A_852 = arith.constant 0 : i32
      %dma_wait3A_853 = arith.constant 0 : i32
      %dma_wait3A_854 = tpu.memref_slice %arg2[%dma_wait3A_852, %dma_wait3A_853] : memref<10000x128xf32, #tpu.memory_space<hbm>> -> memref<10000x128xf32, #tpu.memory_space<hbm>>
      tpu.wait_indirect_dma semaphore(%arg15 : memref<!tpu.dma_semaphore, #tpu.memory_space<semaphore_mem>>) src(%dma_wait3A_854 : memref<10000x128xf32, #tpu.memory_space<hbm>>) dst(%arg11 : memref<80x128xf32, #tpu.memory_space<vmem>>)
      %add3A_855 = arith.constant 2 : i32
      %add3A_856 = arith.addi %add3A_798, %add3A_855 : i32
      %dma_start3A_857 = arith.constant 0 : i32
      %dma_start3A_858 = tpu.memref_slice %arg8[%add3A_856, %dma_start3A_857] : memref<32x80xi32, #tpu.memory_space<vmem>> -> memref<1x80xi32, #tpu.memory_space<vmem>>
      %dma_start3A_859 = tpu.memref_squeeze %dma_start3A_858 : memref<1x80xi32, #tpu.memory_space<vmem>> -> memref<80xi32, #tpu.memory_space<vmem>>
      %dma_start3A_860 = arith.constant 0 : i32
      %dma_start3A_861 = arith.constant 0 : i32
      %dma_start3A_862 = tpu.memref_slice %arg12[%dma_start3A_860, %dma_start3A_861] : memref<10000x128xf32, #tpu.memory_space<vmem_shared>> -> memref<10000x128xf32, #tpu.memory_space<vmem_shared>>
      tpu.enqueue_indirect_dma source(%arg11 : memref<80x128xf32, #tpu.memory_space<vmem>>) target(%dma_start3A_862 : memref<10000x128xf32, #tpu.memory_space<vmem_shared>>) offsets(%dma_start3A_859 : memref<80xi32, #tpu.memory_space<vmem>>) semaphore(%arg18 : memref<!tpu.dma_semaphore, #tpu.memory_space<semaphore_mem>>) {add = true}
      %add3A_863 = arith.constant 2 : i32
      %add3A_864 = arith.addi %add3A_798, %add3A_863 : i32
      %dma_start3A_865 = arith.constant 0 : i32
      %dma_start3A_866 = tpu.memref_slice %arg7[%add3A_864, %dma_start3A_865] : memref<32x80xi32, #tpu.memory_space<vmem>> -> memref<1x80xi32, #tpu.memory_space<vmem>>
      %dma_start3A_867 = tpu.memref_squeeze %dma_start3A_866 : memref<1x80xi32, #tpu.memory_space<vmem>> -> memref<80xi32, #tpu.memory_space<vmem>>
      %dma_start3A_868 = arith.constant 0 : i32
      %dma_start3A_869 = arith.constant 0 : i32
      %dma_start3A_870 = tpu.memref_slice %arg20[%dma_start3A_868, %dma_start3A_869] : memref<10000x16xf32, #tpu.memory_space<vmem_shared>> -> memref<10000x16xf32, #tpu.memory_space<vmem_shared>>
      tpu.enqueue_indirect_dma source(%arg19 : memref<80x16xf32, #tpu.memory_space<vmem>>) target(%dma_start3A_870 : memref<10000x16xf32, #tpu.memory_space<vmem_shared>>) offsets(%dma_start3A_867 : memref<80xi32, #tpu.memory_space<vmem>>) semaphore(%arg21 : memref<!tpu.dma_semaphore, #tpu.memory_space<semaphore_mem>>) {add = true}
      %add3A_871 = arith.constant 0 : i32
      %add3A_872 = arith.addi %add3A_798, %add3A_871 : i32
      %dma_wait3A_873 = arith.constant 0 : i32
      %dma_wait3A_874 = tpu.memref_slice %arg8[%add3A_872, %dma_wait3A_873] : memref<32x80xi32, #tpu.memory_space<vmem>> -> memref<1x80xi32, #tpu.memory_space<vmem>>
      %dma_wait3A_875 = tpu.memref_squeeze %dma_wait3A_874 : memref<1x80xi32, #tpu.memory_space<vmem>> -> memref<80xi32, #tpu.memory_space<vmem>>
      %dma_wait3A_876 = arith.constant 0 : i32
      %dma_wait3A_877 = arith.constant 0 : i32
      %dma_wait3A_878 = tpu.memref_slice %arg12[%dma_wait3A_876, %dma_wait3A_877] : memref<10000x128xf32, #tpu.memory_space<vmem_shared>> -> memref<10000x128xf32, #tpu.memory_space<vmem_shared>>
      tpu.wait_indirect_dma semaphore(%arg16 : memref<!tpu.dma_semaphore, #tpu.memory_space<semaphore_mem>>) src(%arg9 : memref<80x128xf32, #tpu.memory_space<vmem>>) dst(%dma_wait3A_878 : memref<10000x128xf32, #tpu.memory_space<vmem_shared>>)
      %add3A_879 = arith.constant 0 : i32
      %add3A_880 = arith.addi %add3A_798, %add3A_879 : i32
      %dma_wait3A_881 = arith.constant 0 : i32
      %dma_wait3A_882 = tpu.memref_slice %arg7[%add3A_880, %dma_wait3A_881] : memref<32x80xi32, #tpu.memory_space<vmem>> -> memref<1x80xi32, #tpu.memory_space<vmem>>
      %dma_wait3A_883 = tpu.memref_squeeze %dma_wait3A_882 : memref<1x80xi32, #tpu.memory_space<vmem>> -> memref<80xi32, #tpu.memory_space<vmem>>
      %dma_wait3A_884 = arith.constant 0 : i32
      %dma_wait3A_885 = arith.constant 0 : i32
      %dma_wait3A_886 = tpu.memref_slice %arg20[%dma_wait3A_884, %dma_wait3A_885] : memref<10000x16xf32, #tpu.memory_space<vmem_shared>> -> memref<10000x16xf32, #tpu.memory_space<vmem_shared>>
      tpu.wait_indirect_dma semaphore(%arg21 : memref<!tpu.dma_semaphore, #tpu.memory_space<semaphore_mem>>) src(%arg19 : memref<80x16xf32, #tpu.memory_space<vmem>>) dst(%dma_wait3A_886 : memref<10000x16xf32, #tpu.memory_space<vmem_shared>>)
      %add3A_887 = arith.constant 3 : i32
      %add3A_888 = arith.addi %add3A_798, %add3A_887 : i32
      %add3A_889 = arith.constant 0 : i32
      %add3A_890 = arith.addi %add3A_888, %add3A_889 : i32
      %dma_start3A_891 = arith.constant 0 : i32
      %dma_start3A_892 = tpu.memref_slice %arg7[%add3A_890, %dma_start3A_891] : memref<32x80xi32, #tpu.memory_space<vmem>> -> memref<1x80xi32, #tpu.memory_space<vmem>>
      %dma_start3A_893 = tpu.memref_squeeze %dma_start3A_892 : memref<1x80xi32, #tpu.memory_space<vmem>> -> memref<80xi32, #tpu.memory_space<vmem>>
      %dma_start3A_894 = arith.constant 0 : i32
      %dma_start3A_895 = arith.constant 0 : i32
      %dma_start3A_896 = tpu.memref_slice %arg2[%dma_start3A_894, %dma_start3A_895] : memref<10000x128xf32, #tpu.memory_space<hbm>> -> memref<10000x128xf32, #tpu.memory_space<hbm>>
      tpu.enqueue_indirect_dma source(%dma_start3A_896 : memref<10000x128xf32, #tpu.memory_space<hbm>>) target(%arg9 : memref<80x128xf32, #tpu.memory_space<vmem>>) offsets(%dma_start3A_893 : memref<80xi32, #tpu.memory_space<vmem>>) semaphore(%arg13 : memref<!tpu.dma_semaphore, #tpu.memory_space<semaphore_mem>>)
      %add3A_897 = arith.constant 1 : i32
      %add3A_898 = arith.addi %add3A_798, %add3A_897 : i32
      %dma_wait3A_899 = arith.constant 0 : i32
      %dma_wait3A_900 = tpu.memref_slice %arg8[%add3A_898, %dma_wait3A_899] : memref<32x80xi32, #tpu.memory_space<vmem>> -> memref<1x80xi32, #tpu.memory_space<vmem>>
      %dma_wait3A_901 = tpu.memref_squeeze %dma_wait3A_900 : memref<1x80xi32, #tpu.memory_space<vmem>> -> memref<80xi32, #tpu.memory_space<vmem>>
      %dma_wait3A_902 = arith.constant 0 : i32
      %dma_wait3A_903 = arith.constant 0 : i32
      %dma_wait3A_904 = tpu.memref_slice %arg12[%dma_wait3A_902, %dma_wait3A_903] : memref<10000x128xf32, #tpu.memory_space<vmem_shared>> -> memref<10000x128xf32, #tpu.memory_space<vmem_shared>>
      tpu.wait_indirect_dma semaphore(%arg17 : memref<!tpu.dma_semaphore, #tpu.memory_space<semaphore_mem>>) src(%arg10 : memref<80x128xf32, #tpu.memory_space<vmem>>) dst(%dma_wait3A_904 : memref<10000x128xf32, #tpu.memory_space<vmem_shared>>)
      %add3A_905 = arith.constant 1 : i32
      %add3A_906 = arith.addi %add3A_798, %add3A_905 : i32
      %dma_wait3A_907 = arith.constant 0 : i32
      %dma_wait3A_908 = tpu.memref_slice %arg7[%add3A_906, %dma_wait3A_907] : memref<32x80xi32, #tpu.memory_space<vmem>> -> memref<1x80xi32, #tpu.memory_space<vmem>>
      %dma_wait3A_909 = tpu.memref_squeeze %dma_wait3A_908 : memref<1x80xi32, #tpu.memory_space<vmem>> -> memref<80xi32, #tpu.memory_space<vmem>>
      %dma_wait3A_910 = arith.constant 0 : i32
      %dma_wait3A_911 = arith.constant 0 : i32
      %dma_wait3A_912 = tpu.memref_slice %arg20[%dma_wait3A_910, %dma_wait3A_911] : memref<10000x16xf32, #tpu.memory_space<vmem_shared>> -> memref<10000x16xf32, #tpu.memory_space<vmem_shared>>
      tpu.wait_indirect_dma semaphore(%arg21 : memref<!tpu.dma_semaphore, #tpu.memory_space<semaphore_mem>>) src(%arg19 : memref<80x16xf32, #tpu.memory_space<vmem>>) dst(%dma_wait3A_912 : memref<10000x16xf32, #tpu.memory_space<vmem_shared>>)
      %add3A_913 = arith.constant 3 : i32
      %add3A_914 = arith.addi %add3A_798, %add3A_913 : i32
      %add3A_915 = arith.constant 1 : i32
      %add3A_916 = arith.addi %add3A_914, %add3A_915 : i32
      %dma_start3A_917 = arith.constant 0 : i32
      %dma_start3A_918 = tpu.memref_slice %arg7[%add3A_916, %dma_start3A_917] : memref<32x80xi32, #tpu.memory_space<vmem>> -> memref<1x80xi32, #tpu.memory_space<vmem>>
      %dma_start3A_919 = tpu.memref_squeeze %dma_start3A_918 : memref<1x80xi32, #tpu.memory_space<vmem>> -> memref<80xi32, #tpu.memory_space<vmem>>
      %dma_start3A_920 = arith.constant 0 : i32
      %dma_start3A_921 = arith.constant 0 : i32
      %dma_start3A_922 = tpu.memref_slice %arg2[%dma_start3A_920, %dma_start3A_921] : memref<10000x128xf32, #tpu.memory_space<hbm>> -> memref<10000x128xf32, #tpu.memory_space<hbm>>
      tpu.enqueue_indirect_dma source(%dma_start3A_922 : memref<10000x128xf32, #tpu.memory_space<hbm>>) target(%arg10 : memref<80x128xf32, #tpu.memory_space<vmem>>) offsets(%dma_start3A_919 : memref<80xi32, #tpu.memory_space<vmem>>) semaphore(%arg14 : memref<!tpu.dma_semaphore, #tpu.memory_space<semaphore_mem>>)
      %add3A_923 = arith.constant 2 : i32
      %add3A_924 = arith.addi %add3A_798, %add3A_923 : i32
      %dma_wait3A_925 = arith.constant 0 : i32
      %dma_wait3A_926 = tpu.memref_slice %arg8[%add3A_924, %dma_wait3A_925] : memref<32x80xi32, #tpu.memory_space<vmem>> -> memref<1x80xi32, #tpu.memory_space<vmem>>
      %dma_wait3A_927 = tpu.memref_squeeze %dma_wait3A_926 : memref<1x80xi32, #tpu.memory_space<vmem>> -> memref<80xi32, #tpu.memory_space<vmem>>
      %dma_wait3A_928 = arith.constant 0 : i32
      %dma_wait3A_929 = arith.constant 0 : i32
      %dma_wait3A_930 = tpu.memref_slice %arg12[%dma_wait3A_928, %dma_wait3A_929] : memref<10000x128xf32, #tpu.memory_space<vmem_shared>> -> memref<10000x128xf32, #tpu.memory_space<vmem_shared>>
      tpu.wait_indirect_dma semaphore(%arg18 : memref<!tpu.dma_semaphore, #tpu.memory_space<semaphore_mem>>) src(%arg11 : memref<80x128xf32, #tpu.memory_space<vmem>>) dst(%dma_wait3A_930 : memref<10000x128xf32, #tpu.memory_space<vmem_shared>>)
      %add3A_931 = arith.constant 2 : i32
      %add3A_932 = arith.addi %add3A_798, %add3A_931 : i32
      %dma_wait3A_933 = arith.constant 0 : i32
      %dma_wait3A_934 = tpu.memref_slice %arg7[%add3A_932, %dma_wait3A_933] : memref<32x80xi32, #tpu.memory_space<vmem>> -> memref<1x80xi32, #tpu.memory_space<vmem>>
      %dma_wait3A_935 = tpu.memref_squeeze %dma_wait3A_934 : memref<1x80xi32, #tpu.memory_space<vmem>> -> memref<80xi32, #tpu.memory_space<vmem>>
      %dma_wait3A_936 = arith.constant 0 : i32
      %dma_wait3A_937 = arith.constant 0 : i32
      %dma_wait3A_938 = tpu.memref_slice %arg20[%dma_wait3A_936, %dma_wait3A_937] : memref<10000x16xf32, #tpu.memory_space<vmem_shared>> -> memref<10000x16xf32, #tpu.memory_space<vmem_shared>>
      tpu.wait_indirect_dma semaphore(%arg21 : memref<!tpu.dma_semaphore, #tpu.memory_space<semaphore_mem>>) src(%arg19 : memref<80x16xf32, #tpu.memory_space<vmem>>) dst(%dma_wait3A_938 : memref<10000x16xf32, #tpu.memory_space<vmem_shared>>)
      %add3A_939 = arith.constant 3 : i32
      %add3A_940 = arith.addi %add3A_798, %add3A_939 : i32
      %add3A_941 = arith.constant 2 : i32
      %add3A_942 = arith.addi %add3A_940, %add3A_941 : i32
      %dma_start3A_943 = arith.constant 0 : i32
      %dma_start3A_944 = tpu.memref_slice %arg7[%add3A_942, %dma_start3A_943] : memref<32x80xi32, #tpu.memory_space<vmem>> -> memref<1x80xi32, #tpu.memory_space<vmem>>
      %dma_start3A_945 = tpu.memref_squeeze %dma_start3A_944 : memref<1x80xi32, #tpu.memory_space<vmem>> -> memref<80xi32, #tpu.memory_space<vmem>>
      %dma_start3A_946 = arith.constant 0 : i32
      %dma_start3A_947 = arith.constant 0 : i32
      %dma_start3A_948 = tpu.memref_slice %arg2[%dma_start3A_946, %dma_start3A_947] : memref<10000x128xf32, #tpu.memory_space<hbm>> -> memref<10000x128xf32, #tpu.memory_space<hbm>>
      tpu.enqueue_indirect_dma source(%dma_start3A_948 : memref<10000x128xf32, #tpu.memory_space<hbm>>) target(%arg11 : memref<80x128xf32, #tpu.memory_space<vmem>>) offsets(%dma_start3A_945 : memref<80xi32, #tpu.memory_space<vmem>>) semaphore(%arg15 : memref<!tpu.dma_semaphore, #tpu.memory_space<semaphore_mem>>)
    }
    %scan3A_60 = arith.constant 9 : i32
    %dma_wait3A = arith.constant 27 : i32
    %dma_wait3A_61 = arith.constant 0 : i32
    %dma_wait3A_62 = tpu.memref_slice %arg7[%dma_wait3A, %dma_wait3A_61] : memref<32x80xi32, #tpu.memory_space<vmem>> -> memref<1x80xi32, #tpu.memory_space<vmem>>
    %dma_wait3A_63 = tpu.memref_squeeze %dma_wait3A_62 : memref<1x80xi32, #tpu.memory_space<vmem>> -> memref<80xi32, #tpu.memory_space<vmem>>
    %dma_wait3A_64 = arith.constant 0 : i32
    %dma_wait3A_65 = arith.constant 0 : i32
    %dma_wait3A_66 = tpu.memref_slice %arg2[%dma_wait3A_64, %dma_wait3A_65] : memref<10000x128xf32, #tpu.memory_space<hbm>> -> memref<10000x128xf32, #tpu.memory_space<hbm>>
    tpu.wait_indirect_dma semaphore(%arg13 : memref<!tpu.dma_semaphore, #tpu.memory_space<semaphore_mem>>) src(%dma_wait3A_66 : memref<10000x128xf32, #tpu.memory_space<hbm>>) dst(%arg9 : memref<80x128xf32, #tpu.memory_space<vmem>>)
    %dma_start3A_67 = arith.constant 27 : i32
    %dma_start3A_68 = arith.constant 0 : i32
    %dma_start3A_69 = tpu.memref_slice %arg8[%dma_start3A_67, %dma_start3A_68] : memref<32x80xi32, #tpu.memory_space<vmem>> -> memref<1x80xi32, #tpu.memory_space<vmem>>
    %dma_start3A_70 = tpu.memref_squeeze %dma_start3A_69 : memref<1x80xi32, #tpu.memory_space<vmem>> -> memref<80xi32, #tpu.memory_space<vmem>>
    %dma_start3A_71 = arith.constant 0 : i32
    %dma_start3A_72 = arith.constant 0 : i32
    %dma_start3A_73 = tpu.memref_slice %arg12[%dma_start3A_71, %dma_start3A_72] : memref<10000x128xf32, #tpu.memory_space<vmem_shared>> -> memref<10000x128xf32, #tpu.memory_space<vmem_shared>>
    tpu.enqueue_indirect_dma source(%arg9 : memref<80x128xf32, #tpu.memory_space<vmem>>) target(%dma_start3A_73 : memref<10000x128xf32, #tpu.memory_space<vmem_shared>>) offsets(%dma_start3A_70 : memref<80xi32, #tpu.memory_space<vmem>>) semaphore(%arg16 : memref<!tpu.dma_semaphore, #tpu.memory_space<semaphore_mem>>) {add = true}
    %dma_start3A_74 = arith.constant 27 : i32
    %dma_start3A_75 = arith.constant 0 : i32
    %dma_start3A_76 = tpu.memref_slice %arg7[%dma_start3A_74, %dma_start3A_75] : memref<32x80xi32, #tpu.memory_space<vmem>> -> memref<1x80xi32, #tpu.memory_space<vmem>>
    %dma_start3A_77 = tpu.memref_squeeze %dma_start3A_76 : memref<1x80xi32, #tpu.memory_space<vmem>> -> memref<80xi32, #tpu.memory_space<vmem>>
    %dma_start3A_78 = arith.constant 0 : i32
    %dma_start3A_79 = arith.constant 0 : i32
    %dma_start3A_80 = tpu.memref_slice %arg20[%dma_start3A_78, %dma_start3A_79] : memref<10000x16xf32, #tpu.memory_space<vmem_shared>> -> memref<10000x16xf32, #tpu.memory_space<vmem_shared>>
    tpu.enqueue_indirect_dma source(%arg19 : memref<80x16xf32, #tpu.memory_space<vmem>>) target(%dma_start3A_80 : memref<10000x16xf32, #tpu.memory_space<vmem_shared>>) offsets(%dma_start3A_77 : memref<80xi32, #tpu.memory_space<vmem>>) semaphore(%arg21 : memref<!tpu.dma_semaphore, #tpu.memory_space<semaphore_mem>>) {add = true}
    %dma_wait3A_81 = arith.constant 28 : i32
    %dma_wait3A_82 = arith.constant 0 : i32
    %dma_wait3A_83 = tpu.memref_slice %arg7[%dma_wait3A_81, %dma_wait3A_82] : memref<32x80xi32, #tpu.memory_space<vmem>> -> memref<1x80xi32, #tpu.memory_space<vmem>>
    %dma_wait3A_84 = tpu.memref_squeeze %dma_wait3A_83 : memref<1x80xi32, #tpu.memory_space<vmem>> -> memref<80xi32, #tpu.memory_space<vmem>>
    %dma_wait3A_85 = arith.constant 0 : i32
    %dma_wait3A_86 = arith.constant 0 : i32
    %dma_wait3A_87 = tpu.memref_slice %arg2[%dma_wait3A_85, %dma_wait3A_86] : memref<10000x128xf32, #tpu.memory_space<hbm>> -> memref<10000x128xf32, #tpu.memory_space<hbm>>
    tpu.wait_indirect_dma semaphore(%arg14 : memref<!tpu.dma_semaphore, #tpu.memory_space<semaphore_mem>>) src(%dma_wait3A_87 : memref<10000x128xf32, #tpu.memory_space<hbm>>) dst(%arg10 : memref<80x128xf32, #tpu.memory_space<vmem>>)
    %dma_start3A_88 = arith.constant 28 : i32
    %dma_start3A_89 = arith.constant 0 : i32
    %dma_start3A_90 = tpu.memref_slice %arg8[%dma_start3A_88, %dma_start3A_89] : memref<32x80xi32, #tpu.memory_space<vmem>> -> memref<1x80xi32, #tpu.memory_space<vmem>>
    %dma_start3A_91 = tpu.memref_squeeze %dma_start3A_90 : memref<1x80xi32, #tpu.memory_space<vmem>> -> memref<80xi32, #tpu.memory_space<vmem>>
    %dma_start3A_92 = arith.constant 0 : i32
    %dma_start3A_93 = arith.constant 0 : i32
    %dma_start3A_94 = tpu.memref_slice %arg12[%dma_start3A_92, %dma_start3A_93] : memref<10000x128xf32, #tpu.memory_space<vmem_shared>> -> memref<10000x128xf32, #tpu.memory_space<vmem_shared>>
    tpu.enqueue_indirect_dma source(%arg10 : memref<80x128xf32, #tpu.memory_space<vmem>>) target(%dma_start3A_94 : memref<10000x128xf32, #tpu.memory_space<vmem_shared>>) offsets(%dma_start3A_91 : memref<80xi32, #tpu.memory_space<vmem>>) semaphore(%arg17 : memref<!tpu.dma_semaphore, #tpu.memory_space<semaphore_mem>>) {add = true}
    %dma_start3A_95 = arith.constant 28 : i32
    %dma_start3A_96 = arith.constant 0 : i32
    %dma_start3A_97 = tpu.memref_slice %arg7[%dma_start3A_95, %dma_start3A_96] : memref<32x80xi32, #tpu.memory_space<vmem>> -> memref<1x80xi32, #tpu.memory_space<vmem>>
    %dma_start3A_98 = tpu.memref_squeeze %dma_start3A_97 : memref<1x80xi32, #tpu.memory_space<vmem>> -> memref<80xi32, #tpu.memory_space<vmem>>
    %dma_start3A_99 = arith.constant 0 : i32
    %dma_start3A_100 = arith.constant 0 : i32
    %dma_start3A_101 = tpu.memref_slice %arg20[%dma_start3A_99, %dma_start3A_100] : memref<10000x16xf32, #tpu.memory_space<vmem_shared>> -> memref<10000x16xf32, #tpu.memory_space<vmem_shared>>
    tpu.enqueue_indirect_dma source(%arg19 : memref<80x16xf32, #tpu.memory_space<vmem>>) target(%dma_start3A_101 : memref<10000x16xf32, #tpu.memory_space<vmem_shared>>) offsets(%dma_start3A_98 : memref<80xi32, #tpu.memory_space<vmem>>) semaphore(%arg21 : memref<!tpu.dma_semaphore, #tpu.memory_space<semaphore_mem>>) {add = true}
    %dma_wait3A_102 = arith.constant 29 : i32
    %dma_wait3A_103 = arith.constant 0 : i32
    %dma_wait3A_104 = tpu.memref_slice %arg7[%dma_wait3A_102, %dma_wait3A_103] : memref<32x80xi32, #tpu.memory_space<vmem>> -> memref<1x80xi32, #tpu.memory_space<vmem>>
    %dma_wait3A_105 = tpu.memref_squeeze %dma_wait3A_104 : memref<1x80xi32, #tpu.memory_space<vmem>> -> memref<80xi32, #tpu.memory_space<vmem>>
    %dma_wait3A_106 = arith.constant 0 : i32
    %dma_wait3A_107 = arith.constant 0 : i32
    %dma_wait3A_108 = tpu.memref_slice %arg2[%dma_wait3A_106, %dma_wait3A_107] : memref<10000x128xf32, #tpu.memory_space<hbm>> -> memref<10000x128xf32, #tpu.memory_space<hbm>>
    tpu.wait_indirect_dma semaphore(%arg15 : memref<!tpu.dma_semaphore, #tpu.memory_space<semaphore_mem>>) src(%dma_wait3A_108 : memref<10000x128xf32, #tpu.memory_space<hbm>>) dst(%arg11 : memref<80x128xf32, #tpu.memory_space<vmem>>)
    %dma_start3A_109 = arith.constant 29 : i32
    %dma_start3A_110 = arith.constant 0 : i32
    %dma_start3A_111 = tpu.memref_slice %arg8[%dma_start3A_109, %dma_start3A_110] : memref<32x80xi32, #tpu.memory_space<vmem>> -> memref<1x80xi32, #tpu.memory_space<vmem>>
    %dma_start3A_112 = tpu.memref_squeeze %dma_start3A_111 : memref<1x80xi32, #tpu.memory_space<vmem>> -> memref<80xi32, #tpu.memory_space<vmem>>
    %dma_start3A_113 = arith.constant 0 : i32
    %dma_start3A_114 = arith.constant 0 : i32
    %dma_start3A_115 = tpu.memref_slice %arg12[%dma_start3A_113, %dma_start3A_114] : memref<10000x128xf32, #tpu.memory_space<vmem_shared>> -> memref<10000x128xf32, #tpu.memory_space<vmem_shared>>
    tpu.enqueue_indirect_dma source(%arg11 : memref<80x128xf32, #tpu.memory_space<vmem>>) target(%dma_start3A_115 : memref<10000x128xf32, #tpu.memory_space<vmem_shared>>) offsets(%dma_start3A_112 : memref<80xi32, #tpu.memory_space<vmem>>) semaphore(%arg18 : memref<!tpu.dma_semaphore, #tpu.memory_space<semaphore_mem>>) {add = true}
    %dma_start3A_116 = arith.constant 29 : i32
    %dma_start3A_117 = arith.constant 0 : i32
    %dma_start3A_118 = tpu.memref_slice %arg7[%dma_start3A_116, %dma_start3A_117] : memref<32x80xi32, #tpu.memory_space<vmem>> -> memref<1x80xi32, #tpu.memory_space<vmem>>
    %dma_start3A_119 = tpu.memref_squeeze %dma_start3A_118 : memref<1x80xi32, #tpu.memory_space<vmem>> -> memref<80xi32, #tpu.memory_space<vmem>>
    %dma_start3A_120 = arith.constant 0 : i32
    %dma_start3A_121 = arith.constant 0 : i32
    %dma_start3A_122 = tpu.memref_slice %arg20[%dma_start3A_120, %dma_start3A_121] : memref<10000x16xf32, #tpu.memory_space<vmem_shared>> -> memref<10000x16xf32, #tpu.memory_space<vmem_shared>>
    tpu.enqueue_indirect_dma source(%arg19 : memref<80x16xf32, #tpu.memory_space<vmem>>) target(%dma_start3A_122 : memref<10000x16xf32, #tpu.memory_space<vmem_shared>>) offsets(%dma_start3A_119 : memref<80xi32, #tpu.memory_space<vmem>>) semaphore(%arg21 : memref<!tpu.dma_semaphore, #tpu.memory_space<semaphore_mem>>) {add = true}
    %dma_wait3A_123 = arith.constant 27 : i32
    %dma_wait3A_124 = arith.constant 0 : i32
    %dma_wait3A_125 = tpu.memref_slice %arg8[%dma_wait3A_123, %dma_wait3A_124] : memref<32x80xi32, #tpu.memory_space<vmem>> -> memref<1x80xi32, #tpu.memory_space<vmem>>
    %dma_wait3A_126 = tpu.memref_squeeze %dma_wait3A_125 : memref<1x80xi32, #tpu.memory_space<vmem>> -> memref<80xi32, #tpu.memory_space<vmem>>
    %dma_wait3A_127 = arith.constant 0 : i32
    %dma_wait3A_128 = arith.constant 0 : i32
    %dma_wait3A_129 = tpu.memref_slice %arg12[%dma_wait3A_127, %dma_wait3A_128] : memref<10000x128xf32, #tpu.memory_space<vmem_shared>> -> memref<10000x128xf32, #tpu.memory_space<vmem_shared>>
    tpu.wait_indirect_dma semaphore(%arg16 : memref<!tpu.dma_semaphore, #tpu.memory_space<semaphore_mem>>) src(%arg9 : memref<80x128xf32, #tpu.memory_space<vmem>>) dst(%dma_wait3A_129 : memref<10000x128xf32, #tpu.memory_space<vmem_shared>>)
    %dma_wait3A_130 = arith.constant 27 : i32
    %dma_wait3A_131 = arith.constant 0 : i32
    %dma_wait3A_132 = tpu.memref_slice %arg7[%dma_wait3A_130, %dma_wait3A_131] : memref<32x80xi32, #tpu.memory_space<vmem>> -> memref<1x80xi32, #tpu.memory_space<vmem>>
    %dma_wait3A_133 = tpu.memref_squeeze %dma_wait3A_132 : memref<1x80xi32, #tpu.memory_space<vmem>> -> memref<80xi32, #tpu.memory_space<vmem>>
    %dma_wait3A_134 = arith.constant 0 : i32
    %dma_wait3A_135 = arith.constant 0 : i32
    %dma_wait3A_136 = tpu.memref_slice %arg20[%dma_wait3A_134, %dma_wait3A_135] : memref<10000x16xf32, #tpu.memory_space<vmem_shared>> -> memref<10000x16xf32, #tpu.memory_space<vmem_shared>>
    tpu.wait_indirect_dma semaphore(%arg21 : memref<!tpu.dma_semaphore, #tpu.memory_space<semaphore_mem>>) src(%arg19 : memref<80x16xf32, #tpu.memory_space<vmem>>) dst(%dma_wait3A_136 : memref<10000x16xf32, #tpu.memory_space<vmem_shared>>)
    %dma_wait3A_137 = arith.constant 28 : i32
    %dma_wait3A_138 = arith.constant 0 : i32
    %dma_wait3A_139 = tpu.memref_slice %arg8[%dma_wait3A_137, %dma_wait3A_138] : memref<32x80xi32, #tpu.memory_space<vmem>> -> memref<1x80xi32, #tpu.memory_space<vmem>>
    %dma_wait3A_140 = tpu.memref_squeeze %dma_wait3A_139 : memref<1x80xi32, #tpu.memory_space<vmem>> -> memref<80xi32, #tpu.memory_space<vmem>>
    %dma_wait3A_141 = arith.constant 0 : i32
    %dma_wait3A_142 = arith.constant 0 : i32
    %dma_wait3A_143 = tpu.memref_slice %arg12[%dma_wait3A_141, %dma_wait3A_142] : memref<10000x128xf32, #tpu.memory_space<vmem_shared>> -> memref<10000x128xf32, #tpu.memory_space<vmem_shared>>
    tpu.wait_indirect_dma semaphore(%arg17 : memref<!tpu.dma_semaphore, #tpu.memory_space<semaphore_mem>>) src(%arg10 : memref<80x128xf32, #tpu.memory_space<vmem>>) dst(%dma_wait3A_143 : memref<10000x128xf32, #tpu.memory_space<vmem_shared>>)
    %dma_wait3A_144 = arith.constant 28 : i32
    %dma_wait3A_145 = arith.constant 0 : i32
    %dma_wait3A_146 = tpu.memref_slice %arg7[%dma_wait3A_144, %dma_wait3A_145] : memref<32x80xi32, #tpu.memory_space<vmem>> -> memref<1x80xi32, #tpu.memory_space<vmem>>
    %dma_wait3A_147 = tpu.memref_squeeze %dma_wait3A_146 : memref<1x80xi32, #tpu.memory_space<vmem>> -> memref<80xi32, #tpu.memory_space<vmem>>
    %dma_wait3A_148 = arith.constant 0 : i32
    %dma_wait3A_149 = arith.constant 0 : i32
    %dma_wait3A_150 = tpu.memref_slice %arg20[%dma_wait3A_148, %dma_wait3A_149] : memref<10000x16xf32, #tpu.memory_space<vmem_shared>> -> memref<10000x16xf32, #tpu.memory_space<vmem_shared>>
    tpu.wait_indirect_dma semaphore(%arg21 : memref<!tpu.dma_semaphore, #tpu.memory_space<semaphore_mem>>) src(%arg19 : memref<80x16xf32, #tpu.memory_space<vmem>>) dst(%dma_wait3A_150 : memref<10000x16xf32, #tpu.memory_space<vmem_shared>>)
    %dma_wait3A_151 = arith.constant 29 : i32
    %dma_wait3A_152 = arith.constant 0 : i32
    %dma_wait3A_153 = tpu.memref_slice %arg8[%dma_wait3A_151, %dma_wait3A_152] : memref<32x80xi32, #tpu.memory_space<vmem>> -> memref<1x80xi32, #tpu.memory_space<vmem>>
    %dma_wait3A_154 = tpu.memref_squeeze %dma_wait3A_153 : memref<1x80xi32, #tpu.memory_space<vmem>> -> memref<80xi32, #tpu.memory_space<vmem>>
    %dma_wait3A_155 = arith.constant 0 : i32
    %dma_wait3A_156 = arith.constant 0 : i32
    %dma_wait3A_157 = tpu.memref_slice %arg12[%dma_wait3A_155, %dma_wait3A_156] : memref<10000x128xf32, #tpu.memory_space<vmem_shared>> -> memref<10000x128xf32, #tpu.memory_space<vmem_shared>>
    tpu.wait_indirect_dma semaphore(%arg18 : memref<!tpu.dma_semaphore, #tpu.memory_space<semaphore_mem>>) src(%arg11 : memref<80x128xf32, #tpu.memory_space<vmem>>) dst(%dma_wait3A_157 : memref<10000x128xf32, #tpu.memory_space<vmem_shared>>)
    %dma_wait3A_158 = arith.constant 29 : i32
    %dma_wait3A_159 = arith.constant 0 : i32
    %dma_wait3A_160 = tpu.memref_slice %arg7[%dma_wait3A_158, %dma_wait3A_159] : memref<32x80xi32, #tpu.memory_space<vmem>> -> memref<1x80xi32, #tpu.memory_space<vmem>>
    %dma_wait3A_161 = tpu.memref_squeeze %dma_wait3A_160 : memref<1x80xi32, #tpu.memory_space<vmem>> -> memref<80xi32, #tpu.memory_space<vmem>>
    %dma_wait3A_162 = arith.constant 0 : i32
    %dma_wait3A_163 = arith.constant 0 : i32
    %dma_wait3A_164 = tpu.memref_slice %arg20[%dma_wait3A_162, %dma_wait3A_163] : memref<10000x16xf32, #tpu.memory_space<vmem_shared>> -> memref<10000x16xf32, #tpu.memory_space<vmem_shared>>
    tpu.wait_indirect_dma semaphore(%arg21 : memref<!tpu.dma_semaphore, #tpu.memory_space<semaphore_mem>>) src(%arg19 : memref<80x16xf32, #tpu.memory_space<vmem>>) dst(%dma_wait3A_164 : memref<10000x16xf32, #tpu.memory_space<vmem_shared>>)
    %dma_start3A_165 = arith.constant 30 : i32
    %dma_start3A_166 = arith.constant 0 : i32
    %dma_start3A_167 = tpu.memref_slice %arg7[%dma_start3A_165, %dma_start3A_166] : memref<32x80xi32, #tpu.memory_space<vmem>> -> memref<1x80xi32, #tpu.memory_space<vmem>>
    %dma_start3A_168 = tpu.memref_squeeze %dma_start3A_167 : memref<1x80xi32, #tpu.memory_space<vmem>> -> memref<80xi32, #tpu.memory_space<vmem>>
    %dma_start3A_169 = arith.constant 0 : i32
    %dma_start3A_170 = arith.constant 0 : i32
    %dma_start3A_171 = tpu.memref_slice %arg2[%dma_start3A_169, %dma_start3A_170] : memref<10000x128xf32, #tpu.memory_space<hbm>> -> memref<10000x128xf32, #tpu.memory_space<hbm>>
    tpu.enqueue_indirect_dma source(%dma_start3A_171 : memref<10000x128xf32, #tpu.memory_space<hbm>>) target(%arg9 : memref<80x128xf32, #tpu.memory_space<vmem>>) offsets(%dma_start3A_168 : memref<80xi32, #tpu.memory_space<vmem>>) semaphore(%arg13 : memref<!tpu.dma_semaphore, #tpu.memory_space<semaphore_mem>>)
    %dma_wait3A_172 = arith.constant 30 : i32
    %dma_wait3A_173 = arith.constant 0 : i32
    %dma_wait3A_174 = tpu.memref_slice %arg7[%dma_wait3A_172, %dma_wait3A_173] : memref<32x80xi32, #tpu.memory_space<vmem>> -> memref<1x80xi32, #tpu.memory_space<vmem>>
    %dma_wait3A_175 = tpu.memref_squeeze %dma_wait3A_174 : memref<1x80xi32, #tpu.memory_space<vmem>> -> memref<80xi32, #tpu.memory_space<vmem>>
    %dma_wait3A_176 = arith.constant 0 : i32
    %dma_wait3A_177 = arith.constant 0 : i32
    %dma_wait3A_178 = tpu.memref_slice %arg2[%dma_wait3A_176, %dma_wait3A_177] : memref<10000x128xf32, #tpu.memory_space<hbm>> -> memref<10000x128xf32, #tpu.memory_space<hbm>>
    tpu.wait_indirect_dma semaphore(%arg13 : memref<!tpu.dma_semaphore, #tpu.memory_space<semaphore_mem>>) src(%dma_wait3A_178 : memref<10000x128xf32, #tpu.memory_space<hbm>>) dst(%arg9 : memref<80x128xf32, #tpu.memory_space<vmem>>)
    %run_scoped3A = arith.constant 30 : i32
    "tpu.region"() ({
      %run_scoped3A_790 = tpu.sem_alloc : memref<!tpu.dma_semaphore, #tpu.memory_space<semaphore_mem>>
      %dma_start3A_791 = arith.constant 0 : i32
      %dma_start3A_792 = tpu.memref_slice %arg8[%run_scoped3A, %dma_start3A_791] : memref<32x80xi32, #tpu.memory_space<vmem>> -> memref<1x80xi32, #tpu.memory_space<vmem>>
      %dma_start3A_793 = tpu.memref_squeeze %dma_start3A_792 : memref<1x80xi32, #tpu.memory_space<vmem>> -> memref<80xi32, #tpu.memory_space<vmem>>
      %dma_start3A_794 = arith.constant 0 : i32
      %dma_start3A_795 = arith.constant 0 : i32
      %dma_start3A_796 = tpu.memref_slice %arg12[%dma_start3A_794, %dma_start3A_795] : memref<10000x128xf32, #tpu.memory_space<vmem_shared>> -> memref<10000x128xf32, #tpu.memory_space<vmem_shared>>
      tpu.enqueue_indirect_dma source(%arg9 : memref<80x128xf32, #tpu.memory_space<vmem>>) target(%dma_start3A_796 : memref<10000x128xf32, #tpu.memory_space<vmem_shared>>) offsets(%dma_start3A_793 : memref<80xi32, #tpu.memory_space<vmem>>) semaphore(%run_scoped3A_790 : memref<!tpu.dma_semaphore, #tpu.memory_space<semaphore_mem>>) {add = true}
      %dma_wait3A_797 = arith.constant 0 : i32
      %dma_wait3A_798 = tpu.memref_slice %arg8[%run_scoped3A, %dma_wait3A_797] : memref<32x80xi32, #tpu.memory_space<vmem>> -> memref<1x80xi32, #tpu.memory_space<vmem>>
      %dma_wait3A_799 = tpu.memref_squeeze %dma_wait3A_798 : memref<1x80xi32, #tpu.memory_space<vmem>> -> memref<80xi32, #tpu.memory_space<vmem>>
      %dma_wait3A_800 = arith.constant 0 : i32
      %dma_wait3A_801 = arith.constant 0 : i32
      %dma_wait3A_802 = tpu.memref_slice %arg12[%dma_wait3A_800, %dma_wait3A_801] : memref<10000x128xf32, #tpu.memory_space<vmem_shared>> -> memref<10000x128xf32, #tpu.memory_space<vmem_shared>>
      tpu.wait_indirect_dma semaphore(%run_scoped3A_790 : memref<!tpu.dma_semaphore, #tpu.memory_space<semaphore_mem>>) src(%arg9 : memref<80x128xf32, #tpu.memory_space<vmem>>) dst(%dma_wait3A_802 : memref<10000x128xf32, #tpu.memory_space<vmem_shared>>)
      tpu.yield
    }) : () -> ()
    %dma_start3A_179 = arith.constant 30 : i32
    %dma_start3A_180 = arith.constant 0 : i32
    %dma_start3A_181 = tpu.memref_slice %arg7[%dma_start3A_179, %dma_start3A_180] : memref<32x80xi32, #tpu.memory_space<vmem>> -> memref<1x80xi32, #tpu.memory_space<vmem>>
    %dma_start3A_182 = tpu.memref_squeeze %dma_start3A_181 : memref<1x80xi32, #tpu.memory_space<vmem>> -> memref<80xi32, #tpu.memory_space<vmem>>
    %dma_start3A_183 = arith.constant 0 : i32
    %dma_start3A_184 = arith.constant 0 : i32
    %dma_start3A_185 = tpu.memref_slice %arg20[%dma_start3A_183, %dma_start3A_184] : memref<10000x16xf32, #tpu.memory_space<vmem_shared>> -> memref<10000x16xf32, #tpu.memory_space<vmem_shared>>
    tpu.enqueue_indirect_dma source(%arg19 : memref<80x16xf32, #tpu.memory_space<vmem>>) target(%dma_start3A_185 : memref<10000x16xf32, #tpu.memory_space<vmem_shared>>) offsets(%dma_start3A_182 : memref<80xi32, #tpu.memory_space<vmem>>) semaphore(%arg21 : memref<!tpu.dma_semaphore, #tpu.memory_space<semaphore_mem>>) {add = true}
    %dma_wait3A_186 = arith.constant 30 : i32
    %dma_wait3A_187 = arith.constant 0 : i32
    %dma_wait3A_188 = tpu.memref_slice %arg7[%dma_wait3A_186, %dma_wait3A_187] : memref<32x80xi32, #tpu.memory_space<vmem>> -> memref<1x80xi32, #tpu.memory_space<vmem>>
    %dma_wait3A_189 = tpu.memref_squeeze %dma_wait3A_188 : memref<1x80xi32, #tpu.memory_space<vmem>> -> memref<80xi32, #tpu.memory_space<vmem>>
    %dma_wait3A_190 = arith.constant 0 : i32
    %dma_wait3A_191 = arith.constant 0 : i32
    %dma_wait3A_192 = tpu.memref_slice %arg20[%dma_wait3A_190, %dma_wait3A_191] : memref<10000x16xf32, #tpu.memory_space<vmem_shared>> -> memref<10000x16xf32, #tpu.memory_space<vmem_shared>>
    tpu.wait_indirect_dma semaphore(%arg21 : memref<!tpu.dma_semaphore, #tpu.memory_space<semaphore_mem>>) src(%arg19 : memref<80x16xf32, #tpu.memory_space<vmem>>) dst(%dma_wait3A_192 : memref<10000x16xf32, #tpu.memory_space<vmem_shared>>)
    %dma_start3A_193 = arith.constant 31 : i32
    %dma_start3A_194 = arith.constant 0 : i32
    %dma_start3A_195 = tpu.memref_slice %arg7[%dma_start3A_193, %dma_start3A_194] : memref<32x80xi32, #tpu.memory_space<vmem>> -> memref<1x80xi32, #tpu.memory_space<vmem>>
    %dma_start3A_196 = tpu.memref_squeeze %dma_start3A_195 : memref<1x80xi32, #tpu.memory_space<vmem>> -> memref<80xi32, #tpu.memory_space<vmem>>
    %dma_start3A_197 = arith.constant 0 : i32
    %dma_start3A_198 = arith.constant 0 : i32
    %dma_start3A_199 = tpu.memref_slice %arg2[%dma_start3A_197, %dma_start3A_198] : memref<10000x128xf32, #tpu.memory_space<hbm>> -> memref<10000x128xf32, #tpu.memory_space<hbm>>
    tpu.enqueue_indirect_dma source(%dma_start3A_199 : memref<10000x128xf32, #tpu.memory_space<hbm>>) target(%arg9 : memref<80x128xf32, #tpu.memory_space<vmem>>) offsets(%dma_start3A_196 : memref<80xi32, #tpu.memory_space<vmem>>) semaphore(%arg13 : memref<!tpu.dma_semaphore, #tpu.memory_space<semaphore_mem>>)
    %dma_wait3A_200 = arith.constant 31 : i32
    %dma_wait3A_201 = arith.constant 0 : i32
    %dma_wait3A_202 = tpu.memref_slice %arg7[%dma_wait3A_200, %dma_wait3A_201] : memref<32x80xi32, #tpu.memory_space<vmem>> -> memref<1x80xi32, #tpu.memory_space<vmem>>
    %dma_wait3A_203 = tpu.memref_squeeze %dma_wait3A_202 : memref<1x80xi32, #tpu.memory_space<vmem>> -> memref<80xi32, #tpu.memory_space<vmem>>
    %dma_wait3A_204 = arith.constant 0 : i32
    %dma_wait3A_205 = arith.constant 0 : i32
    %dma_wait3A_206 = tpu.memref_slice %arg2[%dma_wait3A_204, %dma_wait3A_205] : memref<10000x128xf32, #tpu.memory_space<hbm>> -> memref<10000x128xf32, #tpu.memory_space<hbm>>
    tpu.wait_indirect_dma semaphore(%arg13 : memref<!tpu.dma_semaphore, #tpu.memory_space<semaphore_mem>>) src(%dma_wait3A_206 : memref<10000x128xf32, #tpu.memory_space<hbm>>) dst(%arg9 : memref<80x128xf32, #tpu.memory_space<vmem>>)
    %run_scoped3A_207 = arith.constant 31 : i32
    "tpu.region"() ({
      %run_scoped3A_790 = tpu.sem_alloc : memref<!tpu.dma_semaphore, #tpu.memory_space<semaphore_mem>>
      %dma_start3A_791 = arith.constant 0 : i32
      %dma_start3A_792 = tpu.memref_slice %arg8[%run_scoped3A_207, %dma_start3A_791] : memref<32x80xi32, #tpu.memory_space<vmem>> -> memref<1x80xi32, #tpu.memory_space<vmem>>
      %dma_start3A_793 = tpu.memref_squeeze %dma_start3A_792 : memref<1x80xi32, #tpu.memory_space<vmem>> -> memref<80xi32, #tpu.memory_space<vmem>>
      %dma_start3A_794 = arith.constant 0 : i32
      %dma_start3A_795 = arith.constant 0 : i32
      %dma_start3A_796 = tpu.memref_slice %arg12[%dma_start3A_794, %dma_start3A_795] : memref<10000x128xf32, #tpu.memory_space<vmem_shared>> -> memref<10000x128xf32, #tpu.memory_space<vmem_shared>>
      tpu.enqueue_indirect_dma source(%arg9 : memref<80x128xf32, #tpu.memory_space<vmem>>) target(%dma_start3A_796 : memref<10000x128xf32, #tpu.memory_space<vmem_shared>>) offsets(%dma_start3A_793 : memref<80xi32, #tpu.memory_space<vmem>>) semaphore(%run_scoped3A_790 : memref<!tpu.dma_semaphore, #tpu.memory_space<semaphore_mem>>) {add = true}
      %dma_wait3A_797 = arith.constant 0 : i32
      %dma_wait3A_798 = tpu.memref_slice %arg8[%run_scoped3A_207, %dma_wait3A_797] : memref<32x80xi32, #tpu.memory_space<vmem>> -> memref<1x80xi32, #tpu.memory_space<vmem>>
      %dma_wait3A_799 = tpu.memref_squeeze %dma_wait3A_798 : memref<1x80xi32, #tpu.memory_space<vmem>> -> memref<80xi32, #tpu.memory_space<vmem>>
      %dma_wait3A_800 = arith.constant 0 : i32
      %dma_wait3A_801 = arith.constant 0 : i32
      %dma_wait3A_802 = tpu.memref_slice %arg12[%dma_wait3A_800, %dma_wait3A_801] : memref<10000x128xf32, #tpu.memory_space<vmem_shared>> -> memref<10000x128xf32, #tpu.memory_space<vmem_shared>>
      tpu.wait_indirect_dma semaphore(%run_scoped3A_790 : memref<!tpu.dma_semaphore, #tpu.memory_space<semaphore_mem>>) src(%arg9 : memref<80x128xf32, #tpu.memory_space<vmem>>) dst(%dma_wait3A_802 : memref<10000x128xf32, #tpu.memory_space<vmem_shared>>)
      tpu.yield
    }) : () -> ()
    %dma_start3A_208 = arith.constant 31 : i32
    %dma_start3A_209 = arith.constant 0 : i32
    %dma_start3A_210 = tpu.memref_slice %arg7[%dma_start3A_208, %dma_start3A_209] : memref<32x80xi32, #tpu.memory_space<vmem>> -> memref<1x80xi32, #tpu.memory_space<vmem>>
    %dma_start3A_211 = tpu.memref_squeeze %dma_start3A_210 : memref<1x80xi32, #tpu.memory_space<vmem>> -> memref<80xi32, #tpu.memory_space<vmem>>
    %dma_start3A_212 = arith.constant 0 : i32
    %dma_start3A_213 = arith.constant 0 : i32
    %dma_start3A_214 = tpu.memref_slice %arg20[%dma_start3A_212, %dma_start3A_213] : memref<10000x16xf32, #tpu.memory_space<vmem_shared>> -> memref<10000x16xf32, #tpu.memory_space<vmem_shared>>
    tpu.enqueue_indirect_dma source(%arg19 : memref<80x16xf32, #tpu.memory_space<vmem>>) target(%dma_start3A_214 : memref<10000x16xf32, #tpu.memory_space<vmem_shared>>) offsets(%dma_start3A_211 : memref<80xi32, #tpu.memory_space<vmem>>) semaphore(%arg21 : memref<!tpu.dma_semaphore, #tpu.memory_space<semaphore_mem>>) {add = true}
    %dma_wait3A_215 = arith.constant 31 : i32
    %dma_wait3A_216 = arith.constant 0 : i32
    %dma_wait3A_217 = tpu.memref_slice %arg7[%dma_wait3A_215, %dma_wait3A_216] : memref<32x80xi32, #tpu.memory_space<vmem>> -> memref<1x80xi32, #tpu.memory_space<vmem>>
    %dma_wait3A_218 = tpu.memref_squeeze %dma_wait3A_217 : memref<1x80xi32, #tpu.memory_space<vmem>> -> memref<80xi32, #tpu.memory_space<vmem>>
    %dma_wait3A_219 = arith.constant 0 : i32
    %dma_wait3A_220 = arith.constant 0 : i32
    %dma_wait3A_221 = tpu.memref_slice %arg20[%dma_wait3A_219, %dma_wait3A_220] : memref<10000x16xf32, #tpu.memory_space<vmem_shared>> -> memref<10000x16xf32, #tpu.memory_space<vmem_shared>>
    tpu.wait_indirect_dma semaphore(%arg21 : memref<!tpu.dma_semaphore, #tpu.memory_space<semaphore_mem>>) src(%arg19 : memref<80x16xf32, #tpu.memory_space<vmem>>) dst(%dma_wait3A_221 : memref<10000x16xf32, #tpu.memory_space<vmem_shared>>)
    "tpu.region"() ({
      %run_scoped3A_790 = tpu.sem_alloc : memref<!tpu.dma_semaphore, #tpu.memory_space<semaphore_mem>>
      %dma_start3A_791 = arith.constant 32 : i32
      %dma_start3A_792 = arith.constant 0 : i32
      %dma_start3A_793 = tpu.memref_slice %arg3[%add3A, %dma_start3A_791, %dma_start3A_792] : memref<32x125x80xi32, #tpu.memory_space<hbm>> -> memref<1x32x80xi32, #tpu.memory_space<hbm>>
      %dma_start3A_794 = tpu.memref_squeeze %dma_start3A_793 : memref<1x32x80xi32, #tpu.memory_space<hbm>> -> memref<32x80xi32, #tpu.memory_space<hbm>>
      %dma_start3A_795 = arith.constant 32 : i32
      %dma_start3A_796 = arith.constant 0 : i32
      %dma_start3A_797 = tpu.memref_slice %arg3[%add3A, %dma_start3A_795, %dma_start3A_796] : memref<32x125x80xi32, #tpu.memory_space<hbm>> -> memref<1x32x80xi32, #tpu.memory_space<hbm>>
      %dma_start3A_798 = tpu.memref_squeeze %dma_start3A_797 : memref<1x32x80xi32, #tpu.memory_space<hbm>> -> memref<32x80xi32, #tpu.memory_space<hbm>>
      tpu.enqueue_dma source(%dma_start3A_798 : memref<32x80xi32, #tpu.memory_space<hbm>>) target(%arg7 : memref<32x80xi32, #tpu.memory_space<vmem>>) target_semaphore(%run_scoped3A_790 : memref<!tpu.dma_semaphore, #tpu.memory_space<semaphore_mem>>)
      %dma_wait3A_799 = arith.constant 32 : i32
      %dma_wait3A_800 = arith.constant 0 : i32
      %dma_wait3A_801 = tpu.memref_slice %arg3[%add3A, %dma_wait3A_799, %dma_wait3A_800] : memref<32x125x80xi32, #tpu.memory_space<hbm>> -> memref<1x32x80xi32, #tpu.memory_space<hbm>>
      %dma_wait3A_802 = tpu.memref_squeeze %dma_wait3A_801 : memref<1x32x80xi32, #tpu.memory_space<hbm>> -> memref<32x80xi32, #tpu.memory_space<hbm>>
      %dma_wait3A_803 = arith.constant 32 : i32
      %dma_wait3A_804 = arith.constant 0 : i32
      %dma_wait3A_805 = tpu.memref_slice %arg3[%add3A, %dma_wait3A_803, %dma_wait3A_804] : memref<32x125x80xi32, #tpu.memory_space<hbm>> -> memref<1x32x80xi32, #tpu.memory_space<hbm>>
      %dma_wait3A_806 = tpu.memref_squeeze %dma_wait3A_805 : memref<1x32x80xi32, #tpu.memory_space<hbm>> -> memref<32x80xi32, #tpu.memory_space<hbm>>
      tpu.wait_dma2 semaphore(%run_scoped3A_790 : memref<!tpu.dma_semaphore, #tpu.memory_space<semaphore_mem>>) src(%dma_wait3A_806 : memref<32x80xi32, #tpu.memory_space<hbm>>) dst(%arg7 : memref<32x80xi32, #tpu.memory_space<vmem>>)
      tpu.yield
    }) : () -> ()
    "tpu.region"() ({
      %run_scoped3A_790 = tpu.sem_alloc : memref<!tpu.dma_semaphore, #tpu.memory_space<semaphore_mem>>
      %dma_start3A_791 = arith.constant 32 : i32
      %dma_start3A_792 = arith.constant 0 : i32
      %dma_start3A_793 = tpu.memref_slice %arg4[%add3A, %dma_start3A_791, %dma_start3A_792] : memref<32x125x80xi32, #tpu.memory_space<hbm>> -> memref<1x32x80xi32, #tpu.memory_space<hbm>>
      %dma_start3A_794 = tpu.memref_squeeze %dma_start3A_793 : memref<1x32x80xi32, #tpu.memory_space<hbm>> -> memref<32x80xi32, #tpu.memory_space<hbm>>
      %dma_start3A_795 = arith.constant 32 : i32
      %dma_start3A_796 = arith.constant 0 : i32
      %dma_start3A_797 = tpu.memref_slice %arg4[%add3A, %dma_start3A_795, %dma_start3A_796] : memref<32x125x80xi32, #tpu.memory_space<hbm>> -> memref<1x32x80xi32, #tpu.memory_space<hbm>>
      %dma_start3A_798 = tpu.memref_squeeze %dma_start3A_797 : memref<1x32x80xi32, #tpu.memory_space<hbm>> -> memref<32x80xi32, #tpu.memory_space<hbm>>
      tpu.enqueue_dma source(%dma_start3A_798 : memref<32x80xi32, #tpu.memory_space<hbm>>) target(%arg8 : memref<32x80xi32, #tpu.memory_space<vmem>>) target_semaphore(%run_scoped3A_790 : memref<!tpu.dma_semaphore, #tpu.memory_space<semaphore_mem>>)
      %dma_wait3A_799 = arith.constant 32 : i32
      %dma_wait3A_800 = arith.constant 0 : i32
      %dma_wait3A_801 = tpu.memref_slice %arg4[%add3A, %dma_wait3A_799, %dma_wait3A_800] : memref<32x125x80xi32, #tpu.memory_space<hbm>> -> memref<1x32x80xi32, #tpu.memory_space<hbm>>
      %dma_wait3A_802 = tpu.memref_squeeze %dma_wait3A_801 : memref<1x32x80xi32, #tpu.memory_space<hbm>> -> memref<32x80xi32, #tpu.memory_space<hbm>>
      %dma_wait3A_803 = arith.constant 32 : i32
      %dma_wait3A_804 = arith.constant 0 : i32
      %dma_wait3A_805 = tpu.memref_slice %arg4[%add3A, %dma_wait3A_803, %dma_wait3A_804] : memref<32x125x80xi32, #tpu.memory_space<hbm>> -> memref<1x32x80xi32, #tpu.memory_space<hbm>>
      %dma_wait3A_806 = tpu.memref_squeeze %dma_wait3A_805 : memref<1x32x80xi32, #tpu.memory_space<hbm>> -> memref<32x80xi32, #tpu.memory_space<hbm>>
      tpu.wait_dma2 semaphore(%run_scoped3A_790 : memref<!tpu.dma_semaphore, #tpu.memory_space<semaphore_mem>>) src(%dma_wait3A_806 : memref<32x80xi32, #tpu.memory_space<hbm>>) dst(%arg8 : memref<32x80xi32, #tpu.memory_space<vmem>>)
      tpu.yield
    }) : () -> ()
    %dma_start3A_222 = arith.constant 0 : i32
    %dma_start3A_223 = arith.constant 0 : i32
    %dma_start3A_224 = tpu.memref_slice %arg7[%dma_start3A_222, %dma_start3A_223] : memref<32x80xi32, #tpu.memory_space<vmem>> -> memref<1x80xi32, #tpu.memory_space<vmem>>
    %dma_start3A_225 = tpu.memref_squeeze %dma_start3A_224 : memref<1x80xi32, #tpu.memory_space<vmem>> -> memref<80xi32, #tpu.memory_space<vmem>>
    %dma_start3A_226 = arith.constant 0 : i32
    %dma_start3A_227 = arith.constant 0 : i32
    %dma_start3A_228 = tpu.memref_slice %arg2[%dma_start3A_226, %dma_start3A_227] : memref<10000x128xf32, #tpu.memory_space<hbm>> -> memref<10000x128xf32, #tpu.memory_space<hbm>>
    tpu.enqueue_indirect_dma source(%dma_start3A_228 : memref<10000x128xf32, #tpu.memory_space<hbm>>) target(%arg9 : memref<80x128xf32, #tpu.memory_space<vmem>>) offsets(%dma_start3A_225 : memref<80xi32, #tpu.memory_space<vmem>>) semaphore(%arg13 : memref<!tpu.dma_semaphore, #tpu.memory_space<semaphore_mem>>)
    %dma_start3A_229 = arith.constant 1 : i32
    %dma_start3A_230 = arith.constant 0 : i32
    %dma_start3A_231 = tpu.memref_slice %arg7[%dma_start3A_229, %dma_start3A_230] : memref<32x80xi32, #tpu.memory_space<vmem>> -> memref<1x80xi32, #tpu.memory_space<vmem>>
    %dma_start3A_232 = tpu.memref_squeeze %dma_start3A_231 : memref<1x80xi32, #tpu.memory_space<vmem>> -> memref<80xi32, #tpu.memory_space<vmem>>
    %dma_start3A_233 = arith.constant 0 : i32
    %dma_start3A_234 = arith.constant 0 : i32
    %dma_start3A_235 = tpu.memref_slice %arg2[%dma_start3A_233, %dma_start3A_234] : memref<10000x128xf32, #tpu.memory_space<hbm>> -> memref<10000x128xf32, #tpu.memory_space<hbm>>
    tpu.enqueue_indirect_dma source(%dma_start3A_235 : memref<10000x128xf32, #tpu.memory_space<hbm>>) target(%arg10 : memref<80x128xf32, #tpu.memory_space<vmem>>) offsets(%dma_start3A_232 : memref<80xi32, #tpu.memory_space<vmem>>) semaphore(%arg14 : memref<!tpu.dma_semaphore, #tpu.memory_space<semaphore_mem>>)
    %dma_start3A_236 = arith.constant 2 : i32
    %dma_start3A_237 = arith.constant 0 : i32
    %dma_start3A_238 = tpu.memref_slice %arg7[%dma_start3A_236, %dma_start3A_237] : memref<32x80xi32, #tpu.memory_space<vmem>> -> memref<1x80xi32, #tpu.memory_space<vmem>>
    %dma_start3A_239 = tpu.memref_squeeze %dma_start3A_238 : memref<1x80xi32, #tpu.memory_space<vmem>> -> memref<80xi32, #tpu.memory_space<vmem>>
    %dma_start3A_240 = arith.constant 0 : i32
    %dma_start3A_241 = arith.constant 0 : i32
    %dma_start3A_242 = tpu.memref_slice %arg2[%dma_start3A_240, %dma_start3A_241] : memref<10000x128xf32, #tpu.memory_space<hbm>> -> memref<10000x128xf32, #tpu.memory_space<hbm>>
    tpu.enqueue_indirect_dma source(%dma_start3A_242 : memref<10000x128xf32, #tpu.memory_space<hbm>>) target(%arg11 : memref<80x128xf32, #tpu.memory_space<vmem>>) offsets(%dma_start3A_239 : memref<80xi32, #tpu.memory_space<vmem>>) semaphore(%arg15 : memref<!tpu.dma_semaphore, #tpu.memory_space<semaphore_mem>>)
    %scan3A_243 = arith.constant 0 : i32
    %scan3A_244 = arith.constant 9 : i32
    %scan3A_245 = arith.addi %scan3A_243, %scan3A_244 : i32
    %scan3A_246 = arith.constant 1 : i32
    scf.for %scan3A_790 = %scan3A_243 to %scan3A_245 step %scan3A_246  : i32 {
      %mul3A_791 = arith.constant 1 : i32
      %mul3A_792 = arith.muli %scan3A_790, %mul3A_791 : i32
      %add3A_793 = arith.constant 0 : i32
      %add3A_794 = arith.addi %add3A_793, %mul3A_792 : i32
      %mul3A_795 = arith.constant 3 : i32
      %mul3A_796 = arith.muli %mul3A_795, %add3A_794 : i32
      %add3A_797 = arith.constant 0 : i32
      %add3A_798 = arith.addi %add3A_797, %mul3A_796 : i32
      %add3A_799 = arith.constant 0 : i32
      %add3A_800 = arith.addi %add3A_798, %add3A_799 : i32
      %dma_wait3A_801 = arith.constant 0 : i32
      %dma_wait3A_802 = tpu.memref_slice %arg7[%add3A_800, %dma_wait3A_801] : memref<32x80xi32, #tpu.memory_space<vmem>> -> memref<1x80xi32, #tpu.memory_space<vmem>>
      %dma_wait3A_803 = tpu.memref_squeeze %dma_wait3A_802 : memref<1x80xi32, #tpu.memory_space<vmem>> -> memref<80xi32, #tpu.memory_space<vmem>>
      %dma_wait3A_804 = arith.constant 0 : i32
      %dma_wait3A_805 = arith.constant 0 : i32
      %dma_wait3A_806 = tpu.memref_slice %arg2[%dma_wait3A_804, %dma_wait3A_805] : memref<10000x128xf32, #tpu.memory_space<hbm>> -> memref<10000x128xf32, #tpu.memory_space<hbm>>
      tpu.wait_indirect_dma semaphore(%arg13 : memref<!tpu.dma_semaphore, #tpu.memory_space<semaphore_mem>>) src(%dma_wait3A_806 : memref<10000x128xf32, #tpu.memory_space<hbm>>) dst(%arg9 : memref<80x128xf32, #tpu.memory_space<vmem>>)
      %add3A_807 = arith.constant 0 : i32
      %add3A_808 = arith.addi %add3A_798, %add3A_807 : i32
      %dma_start3A_809 = arith.constant 0 : i32
      %dma_start3A_810 = tpu.memref_slice %arg8[%add3A_808, %dma_start3A_809] : memref<32x80xi32, #tpu.memory_space<vmem>> -> memref<1x80xi32, #tpu.memory_space<vmem>>
      %dma_start3A_811 = tpu.memref_squeeze %dma_start3A_810 : memref<1x80xi32, #tpu.memory_space<vmem>> -> memref<80xi32, #tpu.memory_space<vmem>>
      %dma_start3A_812 = arith.constant 0 : i32
      %dma_start3A_813 = arith.constant 0 : i32
      %dma_start3A_814 = tpu.memref_slice %arg12[%dma_start3A_812, %dma_start3A_813] : memref<10000x128xf32, #tpu.memory_space<vmem_shared>> -> memref<10000x128xf32, #tpu.memory_space<vmem_shared>>
      tpu.enqueue_indirect_dma source(%arg9 : memref<80x128xf32, #tpu.memory_space<vmem>>) target(%dma_start3A_814 : memref<10000x128xf32, #tpu.memory_space<vmem_shared>>) offsets(%dma_start3A_811 : memref<80xi32, #tpu.memory_space<vmem>>) semaphore(%arg16 : memref<!tpu.dma_semaphore, #tpu.memory_space<semaphore_mem>>) {add = true}
      %add3A_815 = arith.constant 0 : i32
      %add3A_816 = arith.addi %add3A_798, %add3A_815 : i32
      %dma_start3A_817 = arith.constant 0 : i32
      %dma_start3A_818 = tpu.memref_slice %arg7[%add3A_816, %dma_start3A_817] : memref<32x80xi32, #tpu.memory_space<vmem>> -> memref<1x80xi32, #tpu.memory_space<vmem>>
      %dma_start3A_819 = tpu.memref_squeeze %dma_start3A_818 : memref<1x80xi32, #tpu.memory_space<vmem>> -> memref<80xi32, #tpu.memory_space<vmem>>
      %dma_start3A_820 = arith.constant 0 : i32
      %dma_start3A_821 = arith.constant 0 : i32
      %dma_start3A_822 = tpu.memref_slice %arg20[%dma_start3A_820, %dma_start3A_821] : memref<10000x16xf32, #tpu.memory_space<vmem_shared>> -> memref<10000x16xf32, #tpu.memory_space<vmem_shared>>
      tpu.enqueue_indirect_dma source(%arg19 : memref<80x16xf32, #tpu.memory_space<vmem>>) target(%dma_start3A_822 : memref<10000x16xf32, #tpu.memory_space<vmem_shared>>) offsets(%dma_start3A_819 : memref<80xi32, #tpu.memory_space<vmem>>) semaphore(%arg21 : memref<!tpu.dma_semaphore, #tpu.memory_space<semaphore_mem>>) {add = true}
      %add3A_823 = arith.constant 1 : i32
      %add3A_824 = arith.addi %add3A_798, %add3A_823 : i32
      %dma_wait3A_825 = arith.constant 0 : i32
      %dma_wait3A_826 = tpu.memref_slice %arg7[%add3A_824, %dma_wait3A_825] : memref<32x80xi32, #tpu.memory_space<vmem>> -> memref<1x80xi32, #tpu.memory_space<vmem>>
      %dma_wait3A_827 = tpu.memref_squeeze %dma_wait3A_826 : memref<1x80xi32, #tpu.memory_space<vmem>> -> memref<80xi32, #tpu.memory_space<vmem>>
      %dma_wait3A_828 = arith.constant 0 : i32
      %dma_wait3A_829 = arith.constant 0 : i32
      %dma_wait3A_830 = tpu.memref_slice %arg2[%dma_wait3A_828, %dma_wait3A_829] : memref<10000x128xf32, #tpu.memory_space<hbm>> -> memref<10000x128xf32, #tpu.memory_space<hbm>>
      tpu.wait_indirect_dma semaphore(%arg14 : memref<!tpu.dma_semaphore, #tpu.memory_space<semaphore_mem>>) src(%dma_wait3A_830 : memref<10000x128xf32, #tpu.memory_space<hbm>>) dst(%arg10 : memref<80x128xf32, #tpu.memory_space<vmem>>)
      %add3A_831 = arith.constant 1 : i32
      %add3A_832 = arith.addi %add3A_798, %add3A_831 : i32
      %dma_start3A_833 = arith.constant 0 : i32
      %dma_start3A_834 = tpu.memref_slice %arg8[%add3A_832, %dma_start3A_833] : memref<32x80xi32, #tpu.memory_space<vmem>> -> memref<1x80xi32, #tpu.memory_space<vmem>>
      %dma_start3A_835 = tpu.memref_squeeze %dma_start3A_834 : memref<1x80xi32, #tpu.memory_space<vmem>> -> memref<80xi32, #tpu.memory_space<vmem>>
      %dma_start3A_836 = arith.constant 0 : i32
      %dma_start3A_837 = arith.constant 0 : i32
      %dma_start3A_838 = tpu.memref_slice %arg12[%dma_start3A_836, %dma_start3A_837] : memref<10000x128xf32, #tpu.memory_space<vmem_shared>> -> memref<10000x128xf32, #tpu.memory_space<vmem_shared>>
      tpu.enqueue_indirect_dma source(%arg10 : memref<80x128xf32, #tpu.memory_space<vmem>>) target(%dma_start3A_838 : memref<10000x128xf32, #tpu.memory_space<vmem_shared>>) offsets(%dma_start3A_835 : memref<80xi32, #tpu.memory_space<vmem>>) semaphore(%arg17 : memref<!tpu.dma_semaphore, #tpu.memory_space<semaphore_mem>>) {add = true}
      %add3A_839 = arith.constant 1 : i32
      %add3A_840 = arith.addi %add3A_798, %add3A_839 : i32
      %dma_start3A_841 = arith.constant 0 : i32
      %dma_start3A_842 = tpu.memref_slice %arg7[%add3A_840, %dma_start3A_841] : memref<32x80xi32, #tpu.memory_space<vmem>> -> memref<1x80xi32, #tpu.memory_space<vmem>>
      %dma_start3A_843 = tpu.memref_squeeze %dma_start3A_842 : memref<1x80xi32, #tpu.memory_space<vmem>> -> memref<80xi32, #tpu.memory_space<vmem>>
      %dma_start3A_844 = arith.constant 0 : i32
      %dma_start3A_845 = arith.constant 0 : i32
      %dma_start3A_846 = tpu.memref_slice %arg20[%dma_start3A_844, %dma_start3A_845] : memref<10000x16xf32, #tpu.memory_space<vmem_shared>> -> memref<10000x16xf32, #tpu.memory_space<vmem_shared>>
      tpu.enqueue_indirect_dma source(%arg19 : memref<80x16xf32, #tpu.memory_space<vmem>>) target(%dma_start3A_846 : memref<10000x16xf32, #tpu.memory_space<vmem_shared>>) offsets(%dma_start3A_843 : memref<80xi32, #tpu.memory_space<vmem>>) semaphore(%arg21 : memref<!tpu.dma_semaphore, #tpu.memory_space<semaphore_mem>>) {add = true}
      %add3A_847 = arith.constant 2 : i32
      %add3A_848 = arith.addi %add3A_798, %add3A_847 : i32
      %dma_wait3A_849 = arith.constant 0 : i32
      %dma_wait3A_850 = tpu.memref_slice %arg7[%add3A_848, %dma_wait3A_849] : memref<32x80xi32, #tpu.memory_space<vmem>> -> memref<1x80xi32, #tpu.memory_space<vmem>>
      %dma_wait3A_851 = tpu.memref_squeeze %dma_wait3A_850 : memref<1x80xi32, #tpu.memory_space<vmem>> -> memref<80xi32, #tpu.memory_space<vmem>>
      %dma_wait3A_852 = arith.constant 0 : i32
      %dma_wait3A_853 = arith.constant 0 : i32
      %dma_wait3A_854 = tpu.memref_slice %arg2[%dma_wait3A_852, %dma_wait3A_853] : memref<10000x128xf32, #tpu.memory_space<hbm>> -> memref<10000x128xf32, #tpu.memory_space<hbm>>
      tpu.wait_indirect_dma semaphore(%arg15 : memref<!tpu.dma_semaphore, #tpu.memory_space<semaphore_mem>>) src(%dma_wait3A_854 : memref<10000x128xf32, #tpu.memory_space<hbm>>) dst(%arg11 : memref<80x128xf32, #tpu.memory_space<vmem>>)
      %add3A_855 = arith.constant 2 : i32
      %add3A_856 = arith.addi %add3A_798, %add3A_855 : i32
      %dma_start3A_857 = arith.constant 0 : i32
      %dma_start3A_858 = tpu.memref_slice %arg8[%add3A_856, %dma_start3A_857] : memref<32x80xi32, #tpu.memory_space<vmem>> -> memref<1x80xi32, #tpu.memory_space<vmem>>
      %dma_start3A_859 = tpu.memref_squeeze %dma_start3A_858 : memref<1x80xi32, #tpu.memory_space<vmem>> -> memref<80xi32, #tpu.memory_space<vmem>>
      %dma_start3A_860 = arith.constant 0 : i32
      %dma_start3A_861 = arith.constant 0 : i32
      %dma_start3A_862 = tpu.memref_slice %arg12[%dma_start3A_860, %dma_start3A_861] : memref<10000x128xf32, #tpu.memory_space<vmem_shared>> -> memref<10000x128xf32, #tpu.memory_space<vmem_shared>>
      tpu.enqueue_indirect_dma source(%arg11 : memref<80x128xf32, #tpu.memory_space<vmem>>) target(%dma_start3A_862 : memref<10000x128xf32, #tpu.memory_space<vmem_shared>>) offsets(%dma_start3A_859 : memref<80xi32, #tpu.memory_space<vmem>>) semaphore(%arg18 : memref<!tpu.dma_semaphore, #tpu.memory_space<semaphore_mem>>) {add = true}
      %add3A_863 = arith.constant 2 : i32
      %add3A_864 = arith.addi %add3A_798, %add3A_863 : i32
      %dma_start3A_865 = arith.constant 0 : i32
      %dma_start3A_866 = tpu.memref_slice %arg7[%add3A_864, %dma_start3A_865] : memref<32x80xi32, #tpu.memory_space<vmem>> -> memref<1x80xi32, #tpu.memory_space<vmem>>
      %dma_start3A_867 = tpu.memref_squeeze %dma_start3A_866 : memref<1x80xi32, #tpu.memory_space<vmem>> -> memref<80xi32, #tpu.memory_space<vmem>>
      %dma_start3A_868 = arith.constant 0 : i32
      %dma_start3A_869 = arith.constant 0 : i32
      %dma_start3A_870 = tpu.memref_slice %arg20[%dma_start3A_868, %dma_start3A_869] : memref<10000x16xf32, #tpu.memory_space<vmem_shared>> -> memref<10000x16xf32, #tpu.memory_space<vmem_shared>>
      tpu.enqueue_indirect_dma source(%arg19 : memref<80x16xf32, #tpu.memory_space<vmem>>) target(%dma_start3A_870 : memref<10000x16xf32, #tpu.memory_space<vmem_shared>>) offsets(%dma_start3A_867 : memref<80xi32, #tpu.memory_space<vmem>>) semaphore(%arg21 : memref<!tpu.dma_semaphore, #tpu.memory_space<semaphore_mem>>) {add = true}
      %add3A_871 = arith.constant 0 : i32
      %add3A_872 = arith.addi %add3A_798, %add3A_871 : i32
      %dma_wait3A_873 = arith.constant 0 : i32
      %dma_wait3A_874 = tpu.memref_slice %arg8[%add3A_872, %dma_wait3A_873] : memref<32x80xi32, #tpu.memory_space<vmem>> -> memref<1x80xi32, #tpu.memory_space<vmem>>
      %dma_wait3A_875 = tpu.memref_squeeze %dma_wait3A_874 : memref<1x80xi32, #tpu.memory_space<vmem>> -> memref<80xi32, #tpu.memory_space<vmem>>
      %dma_wait3A_876 = arith.constant 0 : i32
      %dma_wait3A_877 = arith.constant 0 : i32
      %dma_wait3A_878 = tpu.memref_slice %arg12[%dma_wait3A_876, %dma_wait3A_877] : memref<10000x128xf32, #tpu.memory_space<vmem_shared>> -> memref<10000x128xf32, #tpu.memory_space<vmem_shared>>
      tpu.wait_indirect_dma semaphore(%arg16 : memref<!tpu.dma_semaphore, #tpu.memory_space<semaphore_mem>>) src(%arg9 : memref<80x128xf32, #tpu.memory_space<vmem>>) dst(%dma_wait3A_878 : memref<10000x128xf32, #tpu.memory_space<vmem_shared>>)
      %add3A_879 = arith.constant 0 : i32
      %add3A_880 = arith.addi %add3A_798, %add3A_879 : i32
      %dma_wait3A_881 = arith.constant 0 : i32
      %dma_wait3A_882 = tpu.memref_slice %arg7[%add3A_880, %dma_wait3A_881] : memref<32x80xi32, #tpu.memory_space<vmem>> -> memref<1x80xi32, #tpu.memory_space<vmem>>
      %dma_wait3A_883 = tpu.memref_squeeze %dma_wait3A_882 : memref<1x80xi32, #tpu.memory_space<vmem>> -> memref<80xi32, #tpu.memory_space<vmem>>
      %dma_wait3A_884 = arith.constant 0 : i32
      %dma_wait3A_885 = arith.constant 0 : i32
      %dma_wait3A_886 = tpu.memref_slice %arg20[%dma_wait3A_884, %dma_wait3A_885] : memref<10000x16xf32, #tpu.memory_space<vmem_shared>> -> memref<10000x16xf32, #tpu.memory_space<vmem_shared>>
      tpu.wait_indirect_dma semaphore(%arg21 : memref<!tpu.dma_semaphore, #tpu.memory_space<semaphore_mem>>) src(%arg19 : memref<80x16xf32, #tpu.memory_space<vmem>>) dst(%dma_wait3A_886 : memref<10000x16xf32, #tpu.memory_space<vmem_shared>>)
      %add3A_887 = arith.constant 3 : i32
      %add3A_888 = arith.addi %add3A_798, %add3A_887 : i32
      %add3A_889 = arith.constant 0 : i32
      %add3A_890 = arith.addi %add3A_888, %add3A_889 : i32
      %dma_start3A_891 = arith.constant 0 : i32
      %dma_start3A_892 = tpu.memref_slice %arg7[%add3A_890, %dma_start3A_891] : memref<32x80xi32, #tpu.memory_space<vmem>> -> memref<1x80xi32, #tpu.memory_space<vmem>>
      %dma_start3A_893 = tpu.memref_squeeze %dma_start3A_892 : memref<1x80xi32, #tpu.memory_space<vmem>> -> memref<80xi32, #tpu.memory_space<vmem>>
      %dma_start3A_894 = arith.constant 0 : i32
      %dma_start3A_895 = arith.constant 0 : i32
      %dma_start3A_896 = tpu.memref_slice %arg2[%dma_start3A_894, %dma_start3A_895] : memref<10000x128xf32, #tpu.memory_space<hbm>> -> memref<10000x128xf32, #tpu.memory_space<hbm>>
      tpu.enqueue_indirect_dma source(%dma_start3A_896 : memref<10000x128xf32, #tpu.memory_space<hbm>>) target(%arg9 : memref<80x128xf32, #tpu.memory_space<vmem>>) offsets(%dma_start3A_893 : memref<80xi32, #tpu.memory_space<vmem>>) semaphore(%arg13 : memref<!tpu.dma_semaphore, #tpu.memory_space<semaphore_mem>>)
      %add3A_897 = arith.constant 1 : i32
      %add3A_898 = arith.addi %add3A_798, %add3A_897 : i32
      %dma_wait3A_899 = arith.constant 0 : i32
      %dma_wait3A_900 = tpu.memref_slice %arg8[%add3A_898, %dma_wait3A_899] : memref<32x80xi32, #tpu.memory_space<vmem>> -> memref<1x80xi32, #tpu.memory_space<vmem>>
      %dma_wait3A_901 = tpu.memref_squeeze %dma_wait3A_900 : memref<1x80xi32, #tpu.memory_space<vmem>> -> memref<80xi32, #tpu.memory_space<vmem>>
      %dma_wait3A_902 = arith.constant 0 : i32
      %dma_wait3A_903 = arith.constant 0 : i32
      %dma_wait3A_904 = tpu.memref_slice %arg12[%dma_wait3A_902, %dma_wait3A_903] : memref<10000x128xf32, #tpu.memory_space<vmem_shared>> -> memref<10000x128xf32, #tpu.memory_space<vmem_shared>>
      tpu.wait_indirect_dma semaphore(%arg17 : memref<!tpu.dma_semaphore, #tpu.memory_space<semaphore_mem>>) src(%arg10 : memref<80x128xf32, #tpu.memory_space<vmem>>) dst(%dma_wait3A_904 : memref<10000x128xf32, #tpu.memory_space<vmem_shared>>)
      %add3A_905 = arith.constant 1 : i32
      %add3A_906 = arith.addi %add3A_798, %add3A_905 : i32
      %dma_wait3A_907 = arith.constant 0 : i32
      %dma_wait3A_908 = tpu.memref_slice %arg7[%add3A_906, %dma_wait3A_907] : memref<32x80xi32, #tpu.memory_space<vmem>> -> memref<1x80xi32, #tpu.memory_space<vmem>>
      %dma_wait3A_909 = tpu.memref_squeeze %dma_wait3A_908 : memref<1x80xi32, #tpu.memory_space<vmem>> -> memref<80xi32, #tpu.memory_space<vmem>>
      %dma_wait3A_910 = arith.constant 0 : i32
      %dma_wait3A_911 = arith.constant 0 : i32
      %dma_wait3A_912 = tpu.memref_slice %arg20[%dma_wait3A_910, %dma_wait3A_911] : memref<10000x16xf32, #tpu.memory_space<vmem_shared>> -> memref<10000x16xf32, #tpu.memory_space<vmem_shared>>
      tpu.wait_indirect_dma semaphore(%arg21 : memref<!tpu.dma_semaphore, #tpu.memory_space<semaphore_mem>>) src(%arg19 : memref<80x16xf32, #tpu.memory_space<vmem>>) dst(%dma_wait3A_912 : memref<10000x16xf32, #tpu.memory_space<vmem_shared>>)
      %add3A_913 = arith.constant 3 : i32
      %add3A_914 = arith.addi %add3A_798, %add3A_913 : i32
      %add3A_915 = arith.constant 1 : i32
      %add3A_916 = arith.addi %add3A_914, %add3A_915 : i32
      %dma_start3A_917 = arith.constant 0 : i32
      %dma_start3A_918 = tpu.memref_slice %arg7[%add3A_916, %dma_start3A_917] : memref<32x80xi32, #tpu.memory_space<vmem>> -> memref<1x80xi32, #tpu.memory_space<vmem>>
      %dma_start3A_919 = tpu.memref_squeeze %dma_start3A_918 : memref<1x80xi32, #tpu.memory_space<vmem>> -> memref<80xi32, #tpu.memory_space<vmem>>
      %dma_start3A_920 = arith.constant 0 : i32
      %dma_start3A_921 = arith.constant 0 : i32
      %dma_start3A_922 = tpu.memref_slice %arg2[%dma_start3A_920, %dma_start3A_921] : memref<10000x128xf32, #tpu.memory_space<hbm>> -> memref<10000x128xf32, #tpu.memory_space<hbm>>
      tpu.enqueue_indirect_dma source(%dma_start3A_922 : memref<10000x128xf32, #tpu.memory_space<hbm>>) target(%arg10 : memref<80x128xf32, #tpu.memory_space<vmem>>) offsets(%dma_start3A_919 : memref<80xi32, #tpu.memory_space<vmem>>) semaphore(%arg14 : memref<!tpu.dma_semaphore, #tpu.memory_space<semaphore_mem>>)
      %add3A_923 = arith.constant 2 : i32
      %add3A_924 = arith.addi %add3A_798, %add3A_923 : i32
      %dma_wait3A_925 = arith.constant 0 : i32
      %dma_wait3A_926 = tpu.memref_slice %arg8[%add3A_924, %dma_wait3A_925] : memref<32x80xi32, #tpu.memory_space<vmem>> -> memref<1x80xi32, #tpu.memory_space<vmem>>
      %dma_wait3A_927 = tpu.memref_squeeze %dma_wait3A_926 : memref<1x80xi32, #tpu.memory_space<vmem>> -> memref<80xi32, #tpu.memory_space<vmem>>
      %dma_wait3A_928 = arith.constant 0 : i32
      %dma_wait3A_929 = arith.constant 0 : i32
      %dma_wait3A_930 = tpu.memref_slice %arg12[%dma_wait3A_928, %dma_wait3A_929] : memref<10000x128xf32, #tpu.memory_space<vmem_shared>> -> memref<10000x128xf32, #tpu.memory_space<vmem_shared>>
      tpu.wait_indirect_dma semaphore(%arg18 : memref<!tpu.dma_semaphore, #tpu.memory_space<semaphore_mem>>) src(%arg11 : memref<80x128xf32, #tpu.memory_space<vmem>>) dst(%dma_wait3A_930 : memref<10000x128xf32, #tpu.memory_space<vmem_shared>>)
      %add3A_931 = arith.constant 2 : i32
      %add3A_932 = arith.addi %add3A_798, %add3A_931 : i32
      %dma_wait3A_933 = arith.constant 0 : i32
      %dma_wait3A_934 = tpu.memref_slice %arg7[%add3A_932, %dma_wait3A_933] : memref<32x80xi32, #tpu.memory_space<vmem>> -> memref<1x80xi32, #tpu.memory_space<vmem>>
      %dma_wait3A_935 = tpu.memref_squeeze %dma_wait3A_934 : memref<1x80xi32, #tpu.memory_space<vmem>> -> memref<80xi32, #tpu.memory_space<vmem>>
      %dma_wait3A_936 = arith.constant 0 : i32
      %dma_wait3A_937 = arith.constant 0 : i32
      %dma_wait3A_938 = tpu.memref_slice %arg20[%dma_wait3A_936, %dma_wait3A_937] : memref<10000x16xf32, #tpu.memory_space<vmem_shared>> -> memref<10000x16xf32, #tpu.memory_space<vmem_shared>>
      tpu.wait_indirect_dma semaphore(%arg21 : memref<!tpu.dma_semaphore, #tpu.memory_space<semaphore_mem>>) src(%arg19 : memref<80x16xf32, #tpu.memory_space<vmem>>) dst(%dma_wait3A_938 : memref<10000x16xf32, #tpu.memory_space<vmem_shared>>)
      %add3A_939 = arith.constant 3 : i32
      %add3A_940 = arith.addi %add3A_798, %add3A_939 : i32
      %add3A_941 = arith.constant 2 : i32
      %add3A_942 = arith.addi %add3A_940, %add3A_941 : i32
      %dma_start3A_943 = arith.constant 0 : i32
      %dma_start3A_944 = tpu.memref_slice %arg7[%add3A_942, %dma_start3A_943] : memref<32x80xi32, #tpu.memory_space<vmem>> -> memref<1x80xi32, #tpu.memory_space<vmem>>
      %dma_start3A_945 = tpu.memref_squeeze %dma_start3A_944 : memref<1x80xi32, #tpu.memory_space<vmem>> -> memref<80xi32, #tpu.memory_space<vmem>>
      %dma_start3A_946 = arith.constant 0 : i32
      %dma_start3A_947 = arith.constant 0 : i32
      %dma_start3A_948 = tpu.memref_slice %arg2[%dma_start3A_946, %dma_start3A_947] : memref<10000x128xf32, #tpu.memory_space<hbm>> -> memref<10000x128xf32, #tpu.memory_space<hbm>>
      tpu.enqueue_indirect_dma source(%dma_start3A_948 : memref<10000x128xf32, #tpu.memory_space<hbm>>) target(%arg11 : memref<80x128xf32, #tpu.memory_space<vmem>>) offsets(%dma_start3A_945 : memref<80xi32, #tpu.memory_space<vmem>>) semaphore(%arg15 : memref<!tpu.dma_semaphore, #tpu.memory_space<semaphore_mem>>)
    }
    %scan3A_247 = arith.constant 9 : i32
    %dma_wait3A_248 = arith.constant 27 : i32
    %dma_wait3A_249 = arith.constant 0 : i32
    %dma_wait3A_250 = tpu.memref_slice %arg7[%dma_wait3A_248, %dma_wait3A_249] : memref<32x80xi32, #tpu.memory_space<vmem>> -> memref<1x80xi32, #tpu.memory_space<vmem>>
    %dma_wait3A_251 = tpu.memref_squeeze %dma_wait3A_250 : memref<1x80xi32, #tpu.memory_space<vmem>> -> memref<80xi32, #tpu.memory_space<vmem>>
    %dma_wait3A_252 = arith.constant 0 : i32
    %dma_wait3A_253 = arith.constant 0 : i32
    %dma_wait3A_254 = tpu.memref_slice %arg2[%dma_wait3A_252, %dma_wait3A_253] : memref<10000x128xf32, #tpu.memory_space<hbm>> -> memref<10000x128xf32, #tpu.memory_space<hbm>>
    tpu.wait_indirect_dma semaphore(%arg13 : memref<!tpu.dma_semaphore, #tpu.memory_space<semaphore_mem>>) src(%dma_wait3A_254 : memref<10000x128xf32, #tpu.memory_space<hbm>>) dst(%arg9 : memref<80x128xf32, #tpu.memory_space<vmem>>)
    %dma_start3A_255 = arith.constant 27 : i32
    %dma_start3A_256 = arith.constant 0 : i32
    %dma_start3A_257 = tpu.memref_slice %arg8[%dma_start3A_255, %dma_start3A_256] : memref<32x80xi32, #tpu.memory_space<vmem>> -> memref<1x80xi32, #tpu.memory_space<vmem>>
    %dma_start3A_258 = tpu.memref_squeeze %dma_start3A_257 : memref<1x80xi32, #tpu.memory_space<vmem>> -> memref<80xi32, #tpu.memory_space<vmem>>
    %dma_start3A_259 = arith.constant 0 : i32
    %dma_start3A_260 = arith.constant 0 : i32
    %dma_start3A_261 = tpu.memref_slice %arg12[%dma_start3A_259, %dma_start3A_260] : memref<10000x128xf32, #tpu.memory_space<vmem_shared>> -> memref<10000x128xf32, #tpu.memory_space<vmem_shared>>
    tpu.enqueue_indirect_dma source(%arg9 : memref<80x128xf32, #tpu.memory_space<vmem>>) target(%dma_start3A_261 : memref<10000x128xf32, #tpu.memory_space<vmem_shared>>) offsets(%dma_start3A_258 : memref<80xi32, #tpu.memory_space<vmem>>) semaphore(%arg16 : memref<!tpu.dma_semaphore, #tpu.memory_space<semaphore_mem>>) {add = true}
    %dma_start3A_262 = arith.constant 27 : i32
    %dma_start3A_263 = arith.constant 0 : i32
    %dma_start3A_264 = tpu.memref_slice %arg7[%dma_start3A_262, %dma_start3A_263] : memref<32x80xi32, #tpu.memory_space<vmem>> -> memref<1x80xi32, #tpu.memory_space<vmem>>
    %dma_start3A_265 = tpu.memref_squeeze %dma_start3A_264 : memref<1x80xi32, #tpu.memory_space<vmem>> -> memref<80xi32, #tpu.memory_space<vmem>>
    %dma_start3A_266 = arith.constant 0 : i32
    %dma_start3A_267 = arith.constant 0 : i32
    %dma_start3A_268 = tpu.memref_slice %arg20[%dma_start3A_266, %dma_start3A_267] : memref<10000x16xf32, #tpu.memory_space<vmem_shared>> -> memref<10000x16xf32, #tpu.memory_space<vmem_shared>>
    tpu.enqueue_indirect_dma source(%arg19 : memref<80x16xf32, #tpu.memory_space<vmem>>) target(%dma_start3A_268 : memref<10000x16xf32, #tpu.memory_space<vmem_shared>>) offsets(%dma_start3A_265 : memref<80xi32, #tpu.memory_space<vmem>>) semaphore(%arg21 : memref<!tpu.dma_semaphore, #tpu.memory_space<semaphore_mem>>) {add = true}
    %dma_wait3A_269 = arith.constant 28 : i32
    %dma_wait3A_270 = arith.constant 0 : i32
    %dma_wait3A_271 = tpu.memref_slice %arg7[%dma_wait3A_269, %dma_wait3A_270] : memref<32x80xi32, #tpu.memory_space<vmem>> -> memref<1x80xi32, #tpu.memory_space<vmem>>
    %dma_wait3A_272 = tpu.memref_squeeze %dma_wait3A_271 : memref<1x80xi32, #tpu.memory_space<vmem>> -> memref<80xi32, #tpu.memory_space<vmem>>
    %dma_wait3A_273 = arith.constant 0 : i32
    %dma_wait3A_274 = arith.constant 0 : i32
    %dma_wait3A_275 = tpu.memref_slice %arg2[%dma_wait3A_273, %dma_wait3A_274] : memref<10000x128xf32, #tpu.memory_space<hbm>> -> memref<10000x128xf32, #tpu.memory_space<hbm>>
    tpu.wait_indirect_dma semaphore(%arg14 : memref<!tpu.dma_semaphore, #tpu.memory_space<semaphore_mem>>) src(%dma_wait3A_275 : memref<10000x128xf32, #tpu.memory_space<hbm>>) dst(%arg10 : memref<80x128xf32, #tpu.memory_space<vmem>>)
    %dma_start3A_276 = arith.constant 28 : i32
    %dma_start3A_277 = arith.constant 0 : i32
    %dma_start3A_278 = tpu.memref_slice %arg8[%dma_start3A_276, %dma_start3A_277] : memref<32x80xi32, #tpu.memory_space<vmem>> -> memref<1x80xi32, #tpu.memory_space<vmem>>
    %dma_start3A_279 = tpu.memref_squeeze %dma_start3A_278 : memref<1x80xi32, #tpu.memory_space<vmem>> -> memref<80xi32, #tpu.memory_space<vmem>>
    %dma_start3A_280 = arith.constant 0 : i32
    %dma_start3A_281 = arith.constant 0 : i32
    %dma_start3A_282 = tpu.memref_slice %arg12[%dma_start3A_280, %dma_start3A_281] : memref<10000x128xf32, #tpu.memory_space<vmem_shared>> -> memref<10000x128xf32, #tpu.memory_space<vmem_shared>>
    tpu.enqueue_indirect_dma source(%arg10 : memref<80x128xf32, #tpu.memory_space<vmem>>) target(%dma_start3A_282 : memref<10000x128xf32, #tpu.memory_space<vmem_shared>>) offsets(%dma_start3A_279 : memref<80xi32, #tpu.memory_space<vmem>>) semaphore(%arg17 : memref<!tpu.dma_semaphore, #tpu.memory_space<semaphore_mem>>) {add = true}
    %dma_start3A_283 = arith.constant 28 : i32
    %dma_start3A_284 = arith.constant 0 : i32
    %dma_start3A_285 = tpu.memref_slice %arg7[%dma_start3A_283, %dma_start3A_284] : memref<32x80xi32, #tpu.memory_space<vmem>> -> memref<1x80xi32, #tpu.memory_space<vmem>>
    %dma_start3A_286 = tpu.memref_squeeze %dma_start3A_285 : memref<1x80xi32, #tpu.memory_space<vmem>> -> memref<80xi32, #tpu.memory_space<vmem>>
    %dma_start3A_287 = arith.constant 0 : i32
    %dma_start3A_288 = arith.constant 0 : i32
    %dma_start3A_289 = tpu.memref_slice %arg20[%dma_start3A_287, %dma_start3A_288] : memref<10000x16xf32, #tpu.memory_space<vmem_shared>> -> memref<10000x16xf32, #tpu.memory_space<vmem_shared>>
    tpu.enqueue_indirect_dma source(%arg19 : memref<80x16xf32, #tpu.memory_space<vmem>>) target(%dma_start3A_289 : memref<10000x16xf32, #tpu.memory_space<vmem_shared>>) offsets(%dma_start3A_286 : memref<80xi32, #tpu.memory_space<vmem>>) semaphore(%arg21 : memref<!tpu.dma_semaphore, #tpu.memory_space<semaphore_mem>>) {add = true}
    %dma_wait3A_290 = arith.constant 29 : i32
    %dma_wait3A_291 = arith.constant 0 : i32
    %dma_wait3A_292 = tpu.memref_slice %arg7[%dma_wait3A_290, %dma_wait3A_291] : memref<32x80xi32, #tpu.memory_space<vmem>> -> memref<1x80xi32, #tpu.memory_space<vmem>>
    %dma_wait3A_293 = tpu.memref_squeeze %dma_wait3A_292 : memref<1x80xi32, #tpu.memory_space<vmem>> -> memref<80xi32, #tpu.memory_space<vmem>>
    %dma_wait3A_294 = arith.constant 0 : i32
    %dma_wait3A_295 = arith.constant 0 : i32
    %dma_wait3A_296 = tpu.memref_slice %arg2[%dma_wait3A_294, %dma_wait3A_295] : memref<10000x128xf32, #tpu.memory_space<hbm>> -> memref<10000x128xf32, #tpu.memory_space<hbm>>
    tpu.wait_indirect_dma semaphore(%arg15 : memref<!tpu.dma_semaphore, #tpu.memory_space<semaphore_mem>>) src(%dma_wait3A_296 : memref<10000x128xf32, #tpu.memory_space<hbm>>) dst(%arg11 : memref<80x128xf32, #tpu.memory_space<vmem>>)
    %dma_start3A_297 = arith.constant 29 : i32
    %dma_start3A_298 = arith.constant 0 : i32
    %dma_start3A_299 = tpu.memref_slice %arg8[%dma_start3A_297, %dma_start3A_298] : memref<32x80xi32, #tpu.memory_space<vmem>> -> memref<1x80xi32, #tpu.memory_space<vmem>>
    %dma_start3A_300 = tpu.memref_squeeze %dma_start3A_299 : memref<1x80xi32, #tpu.memory_space<vmem>> -> memref<80xi32, #tpu.memory_space<vmem>>
    %dma_start3A_301 = arith.constant 0 : i32
    %dma_start3A_302 = arith.constant 0 : i32
    %dma_start3A_303 = tpu.memref_slice %arg12[%dma_start3A_301, %dma_start3A_302] : memref<10000x128xf32, #tpu.memory_space<vmem_shared>> -> memref<10000x128xf32, #tpu.memory_space<vmem_shared>>
    tpu.enqueue_indirect_dma source(%arg11 : memref<80x128xf32, #tpu.memory_space<vmem>>) target(%dma_start3A_303 : memref<10000x128xf32, #tpu.memory_space<vmem_shared>>) offsets(%dma_start3A_300 : memref<80xi32, #tpu.memory_space<vmem>>) semaphore(%arg18 : memref<!tpu.dma_semaphore, #tpu.memory_space<semaphore_mem>>) {add = true}
    %dma_start3A_304 = arith.constant 29 : i32
    %dma_start3A_305 = arith.constant 0 : i32
    %dma_start3A_306 = tpu.memref_slice %arg7[%dma_start3A_304, %dma_start3A_305] : memref<32x80xi32, #tpu.memory_space<vmem>> -> memref<1x80xi32, #tpu.memory_space<vmem>>
    %dma_start3A_307 = tpu.memref_squeeze %dma_start3A_306 : memref<1x80xi32, #tpu.memory_space<vmem>> -> memref<80xi32, #tpu.memory_space<vmem>>
    %dma_start3A_308 = arith.constant 0 : i32
    %dma_start3A_309 = arith.constant 0 : i32
    %dma_start3A_310 = tpu.memref_slice %arg20[%dma_start3A_308, %dma_start3A_309] : memref<10000x16xf32, #tpu.memory_space<vmem_shared>> -> memref<10000x16xf32, #tpu.memory_space<vmem_shared>>
    tpu.enqueue_indirect_dma source(%arg19 : memref<80x16xf32, #tpu.memory_space<vmem>>) target(%dma_start3A_310 : memref<10000x16xf32, #tpu.memory_space<vmem_shared>>) offsets(%dma_start3A_307 : memref<80xi32, #tpu.memory_space<vmem>>) semaphore(%arg21 : memref<!tpu.dma_semaphore, #tpu.memory_space<semaphore_mem>>) {add = true}
    %dma_wait3A_311 = arith.constant 27 : i32
    %dma_wait3A_312 = arith.constant 0 : i32
    %dma_wait3A_313 = tpu.memref_slice %arg8[%dma_wait3A_311, %dma_wait3A_312] : memref<32x80xi32, #tpu.memory_space<vmem>> -> memref<1x80xi32, #tpu.memory_space<vmem>>
    %dma_wait3A_314 = tpu.memref_squeeze %dma_wait3A_313 : memref<1x80xi32, #tpu.memory_space<vmem>> -> memref<80xi32, #tpu.memory_space<vmem>>
    %dma_wait3A_315 = arith.constant 0 : i32
    %dma_wait3A_316 = arith.constant 0 : i32
    %dma_wait3A_317 = tpu.memref_slice %arg12[%dma_wait3A_315, %dma_wait3A_316] : memref<10000x128xf32, #tpu.memory_space<vmem_shared>> -> memref<10000x128xf32, #tpu.memory_space<vmem_shared>>
    tpu.wait_indirect_dma semaphore(%arg16 : memref<!tpu.dma_semaphore, #tpu.memory_space<semaphore_mem>>) src(%arg9 : memref<80x128xf32, #tpu.memory_space<vmem>>) dst(%dma_wait3A_317 : memref<10000x128xf32, #tpu.memory_space<vmem_shared>>)
    %dma_wait3A_318 = arith.constant 27 : i32
    %dma_wait3A_319 = arith.constant 0 : i32
    %dma_wait3A_320 = tpu.memref_slice %arg7[%dma_wait3A_318, %dma_wait3A_319] : memref<32x80xi32, #tpu.memory_space<vmem>> -> memref<1x80xi32, #tpu.memory_space<vmem>>
    %dma_wait3A_321 = tpu.memref_squeeze %dma_wait3A_320 : memref<1x80xi32, #tpu.memory_space<vmem>> -> memref<80xi32, #tpu.memory_space<vmem>>
    %dma_wait3A_322 = arith.constant 0 : i32
    %dma_wait3A_323 = arith.constant 0 : i32
    %dma_wait3A_324 = tpu.memref_slice %arg20[%dma_wait3A_322, %dma_wait3A_323] : memref<10000x16xf32, #tpu.memory_space<vmem_shared>> -> memref<10000x16xf32, #tpu.memory_space<vmem_shared>>
    tpu.wait_indirect_dma semaphore(%arg21 : memref<!tpu.dma_semaphore, #tpu.memory_space<semaphore_mem>>) src(%arg19 : memref<80x16xf32, #tpu.memory_space<vmem>>) dst(%dma_wait3A_324 : memref<10000x16xf32, #tpu.memory_space<vmem_shared>>)
    %dma_wait3A_325 = arith.constant 28 : i32
    %dma_wait3A_326 = arith.constant 0 : i32
    %dma_wait3A_327 = tpu.memref_slice %arg8[%dma_wait3A_325, %dma_wait3A_326] : memref<32x80xi32, #tpu.memory_space<vmem>> -> memref<1x80xi32, #tpu.memory_space<vmem>>
    %dma_wait3A_328 = tpu.memref_squeeze %dma_wait3A_327 : memref<1x80xi32, #tpu.memory_space<vmem>> -> memref<80xi32, #tpu.memory_space<vmem>>
    %dma_wait3A_329 = arith.constant 0 : i32
    %dma_wait3A_330 = arith.constant 0 : i32
    %dma_wait3A_331 = tpu.memref_slice %arg12[%dma_wait3A_329, %dma_wait3A_330] : memref<10000x128xf32, #tpu.memory_space<vmem_shared>> -> memref<10000x128xf32, #tpu.memory_space<vmem_shared>>
    tpu.wait_indirect_dma semaphore(%arg17 : memref<!tpu.dma_semaphore, #tpu.memory_space<semaphore_mem>>) src(%arg10 : memref<80x128xf32, #tpu.memory_space<vmem>>) dst(%dma_wait3A_331 : memref<10000x128xf32, #tpu.memory_space<vmem_shared>>)
    %dma_wait3A_332 = arith.constant 28 : i32
    %dma_wait3A_333 = arith.constant 0 : i32
    %dma_wait3A_334 = tpu.memref_slice %arg7[%dma_wait3A_332, %dma_wait3A_333] : memref<32x80xi32, #tpu.memory_space<vmem>> -> memref<1x80xi32, #tpu.memory_space<vmem>>
    %dma_wait3A_335 = tpu.memref_squeeze %dma_wait3A_334 : memref<1x80xi32, #tpu.memory_space<vmem>> -> memref<80xi32, #tpu.memory_space<vmem>>
    %dma_wait3A_336 = arith.constant 0 : i32
    %dma_wait3A_337 = arith.constant 0 : i32
    %dma_wait3A_338 = tpu.memref_slice %arg20[%dma_wait3A_336, %dma_wait3A_337] : memref<10000x16xf32, #tpu.memory_space<vmem_shared>> -> memref<10000x16xf32, #tpu.memory_space<vmem_shared>>
    tpu.wait_indirect_dma semaphore(%arg21 : memref<!tpu.dma_semaphore, #tpu.memory_space<semaphore_mem>>) src(%arg19 : memref<80x16xf32, #tpu.memory_space<vmem>>) dst(%dma_wait3A_338 : memref<10000x16xf32, #tpu.memory_space<vmem_shared>>)
    %dma_wait3A_339 = arith.constant 29 : i32
    %dma_wait3A_340 = arith.constant 0 : i32
    %dma_wait3A_341 = tpu.memref_slice %arg8[%dma_wait3A_339, %dma_wait3A_340] : memref<32x80xi32, #tpu.memory_space<vmem>> -> memref<1x80xi32, #tpu.memory_space<vmem>>
    %dma_wait3A_342 = tpu.memref_squeeze %dma_wait3A_341 : memref<1x80xi32, #tpu.memory_space<vmem>> -> memref<80xi32, #tpu.memory_space<vmem>>
    %dma_wait3A_343 = arith.constant 0 : i32
    %dma_wait3A_344 = arith.constant 0 : i32
    %dma_wait3A_345 = tpu.memref_slice %arg12[%dma_wait3A_343, %dma_wait3A_344] : memref<10000x128xf32, #tpu.memory_space<vmem_shared>> -> memref<10000x128xf32, #tpu.memory_space<vmem_shared>>
    tpu.wait_indirect_dma semaphore(%arg18 : memref<!tpu.dma_semaphore, #tpu.memory_space<semaphore_mem>>) src(%arg11 : memref<80x128xf32, #tpu.memory_space<vmem>>) dst(%dma_wait3A_345 : memref<10000x128xf32, #tpu.memory_space<vmem_shared>>)
    %dma_wait3A_346 = arith.constant 29 : i32
    %dma_wait3A_347 = arith.constant 0 : i32
    %dma_wait3A_348 = tpu.memref_slice %arg7[%dma_wait3A_346, %dma_wait3A_347] : memref<32x80xi32, #tpu.memory_space<vmem>> -> memref<1x80xi32, #tpu.memory_space<vmem>>
    %dma_wait3A_349 = tpu.memref_squeeze %dma_wait3A_348 : memref<1x80xi32, #tpu.memory_space<vmem>> -> memref<80xi32, #tpu.memory_space<vmem>>
    %dma_wait3A_350 = arith.constant 0 : i32
    %dma_wait3A_351 = arith.constant 0 : i32
    %dma_wait3A_352 = tpu.memref_slice %arg20[%dma_wait3A_350, %dma_wait3A_351] : memref<10000x16xf32, #tpu.memory_space<vmem_shared>> -> memref<10000x16xf32, #tpu.memory_space<vmem_shared>>
    tpu.wait_indirect_dma semaphore(%arg21 : memref<!tpu.dma_semaphore, #tpu.memory_space<semaphore_mem>>) src(%arg19 : memref<80x16xf32, #tpu.memory_space<vmem>>) dst(%dma_wait3A_352 : memref<10000x16xf32, #tpu.memory_space<vmem_shared>>)
    %dma_start3A_353 = arith.constant 30 : i32
    %dma_start3A_354 = arith.constant 0 : i32
    %dma_start3A_355 = tpu.memref_slice %arg7[%dma_start3A_353, %dma_start3A_354] : memref<32x80xi32, #tpu.memory_space<vmem>> -> memref<1x80xi32, #tpu.memory_space<vmem>>
    %dma_start3A_356 = tpu.memref_squeeze %dma_start3A_355 : memref<1x80xi32, #tpu.memory_space<vmem>> -> memref<80xi32, #tpu.memory_space<vmem>>
    %dma_start3A_357 = arith.constant 0 : i32
    %dma_start3A_358 = arith.constant 0 : i32
    %dma_start3A_359 = tpu.memref_slice %arg2[%dma_start3A_357, %dma_start3A_358] : memref<10000x128xf32, #tpu.memory_space<hbm>> -> memref<10000x128xf32, #tpu.memory_space<hbm>>
    tpu.enqueue_indirect_dma source(%dma_start3A_359 : memref<10000x128xf32, #tpu.memory_space<hbm>>) target(%arg9 : memref<80x128xf32, #tpu.memory_space<vmem>>) offsets(%dma_start3A_356 : memref<80xi32, #tpu.memory_space<vmem>>) semaphore(%arg13 : memref<!tpu.dma_semaphore, #tpu.memory_space<semaphore_mem>>)
    %dma_wait3A_360 = arith.constant 30 : i32
    %dma_wait3A_361 = arith.constant 0 : i32
    %dma_wait3A_362 = tpu.memref_slice %arg7[%dma_wait3A_360, %dma_wait3A_361] : memref<32x80xi32, #tpu.memory_space<vmem>> -> memref<1x80xi32, #tpu.memory_space<vmem>>
    %dma_wait3A_363 = tpu.memref_squeeze %dma_wait3A_362 : memref<1x80xi32, #tpu.memory_space<vmem>> -> memref<80xi32, #tpu.memory_space<vmem>>
    %dma_wait3A_364 = arith.constant 0 : i32
    %dma_wait3A_365 = arith.constant 0 : i32
    %dma_wait3A_366 = tpu.memref_slice %arg2[%dma_wait3A_364, %dma_wait3A_365] : memref<10000x128xf32, #tpu.memory_space<hbm>> -> memref<10000x128xf32, #tpu.memory_space<hbm>>
    tpu.wait_indirect_dma semaphore(%arg13 : memref<!tpu.dma_semaphore, #tpu.memory_space<semaphore_mem>>) src(%dma_wait3A_366 : memref<10000x128xf32, #tpu.memory_space<hbm>>) dst(%arg9 : memref<80x128xf32, #tpu.memory_space<vmem>>)
    %run_scoped3A_367 = arith.constant 30 : i32
    "tpu.region"() ({
      %run_scoped3A_790 = tpu.sem_alloc : memref<!tpu.dma_semaphore, #tpu.memory_space<semaphore_mem>>
      %dma_start3A_791 = arith.constant 0 : i32
      %dma_start3A_792 = tpu.memref_slice %arg8[%run_scoped3A_367, %dma_start3A_791] : memref<32x80xi32, #tpu.memory_space<vmem>> -> memref<1x80xi32, #tpu.memory_space<vmem>>
      %dma_start3A_793 = tpu.memref_squeeze %dma_start3A_792 : memref<1x80xi32, #tpu.memory_space<vmem>> -> memref<80xi32, #tpu.memory_space<vmem>>
      %dma_start3A_794 = arith.constant 0 : i32
      %dma_start3A_795 = arith.constant 0 : i32
      %dma_start3A_796 = tpu.memref_slice %arg12[%dma_start3A_794, %dma_start3A_795] : memref<10000x128xf32, #tpu.memory_space<vmem_shared>> -> memref<10000x128xf32, #tpu.memory_space<vmem_shared>>
      tpu.enqueue_indirect_dma source(%arg9 : memref<80x128xf32, #tpu.memory_space<vmem>>) target(%dma_start3A_796 : memref<10000x128xf32, #tpu.memory_space<vmem_shared>>) offsets(%dma_start3A_793 : memref<80xi32, #tpu.memory_space<vmem>>) semaphore(%run_scoped3A_790 : memref<!tpu.dma_semaphore, #tpu.memory_space<semaphore_mem>>) {add = true}
      %dma_wait3A_797 = arith.constant 0 : i32
      %dma_wait3A_798 = tpu.memref_slice %arg8[%run_scoped3A_367, %dma_wait3A_797] : memref<32x80xi32, #tpu.memory_space<vmem>> -> memref<1x80xi32, #tpu.memory_space<vmem>>
      %dma_wait3A_799 = tpu.memref_squeeze %dma_wait3A_798 : memref<1x80xi32, #tpu.memory_space<vmem>> -> memref<80xi32, #tpu.memory_space<vmem>>
      %dma_wait3A_800 = arith.constant 0 : i32
      %dma_wait3A_801 = arith.constant 0 : i32
      %dma_wait3A_802 = tpu.memref_slice %arg12[%dma_wait3A_800, %dma_wait3A_801] : memref<10000x128xf32, #tpu.memory_space<vmem_shared>> -> memref<10000x128xf32, #tpu.memory_space<vmem_shared>>
      tpu.wait_indirect_dma semaphore(%run_scoped3A_790 : memref<!tpu.dma_semaphore, #tpu.memory_space<semaphore_mem>>) src(%arg9 : memref<80x128xf32, #tpu.memory_space<vmem>>) dst(%dma_wait3A_802 : memref<10000x128xf32, #tpu.memory_space<vmem_shared>>)
      tpu.yield
    }) : () -> ()
    %dma_start3A_368 = arith.constant 30 : i32
    %dma_start3A_369 = arith.constant 0 : i32
    %dma_start3A_370 = tpu.memref_slice %arg7[%dma_start3A_368, %dma_start3A_369] : memref<32x80xi32, #tpu.memory_space<vmem>> -> memref<1x80xi32, #tpu.memory_space<vmem>>
    %dma_start3A_371 = tpu.memref_squeeze %dma_start3A_370 : memref<1x80xi32, #tpu.memory_space<vmem>> -> memref<80xi32, #tpu.memory_space<vmem>>
    %dma_start3A_372 = arith.constant 0 : i32
    %dma_start3A_373 = arith.constant 0 : i32
    %dma_start3A_374 = tpu.memref_slice %arg20[%dma_start3A_372, %dma_start3A_373] : memref<10000x16xf32, #tpu.memory_space<vmem_shared>> -> memref<10000x16xf32, #tpu.memory_space<vmem_shared>>
    tpu.enqueue_indirect_dma source(%arg19 : memref<80x16xf32, #tpu.memory_space<vmem>>) target(%dma_start3A_374 : memref<10000x16xf32, #tpu.memory_space<vmem_shared>>) offsets(%dma_start3A_371 : memref<80xi32, #tpu.memory_space<vmem>>) semaphore(%arg21 : memref<!tpu.dma_semaphore, #tpu.memory_space<semaphore_mem>>) {add = true}
    %dma_wait3A_375 = arith.constant 30 : i32
    %dma_wait3A_376 = arith.constant 0 : i32
    %dma_wait3A_377 = tpu.memref_slice %arg7[%dma_wait3A_375, %dma_wait3A_376] : memref<32x80xi32, #tpu.memory_space<vmem>> -> memref<1x80xi32, #tpu.memory_space<vmem>>
    %dma_wait3A_378 = tpu.memref_squeeze %dma_wait3A_377 : memref<1x80xi32, #tpu.memory_space<vmem>> -> memref<80xi32, #tpu.memory_space<vmem>>
    %dma_wait3A_379 = arith.constant 0 : i32
    %dma_wait3A_380 = arith.constant 0 : i32
    %dma_wait3A_381 = tpu.memref_slice %arg20[%dma_wait3A_379, %dma_wait3A_380] : memref<10000x16xf32, #tpu.memory_space<vmem_shared>> -> memref<10000x16xf32, #tpu.memory_space<vmem_shared>>
    tpu.wait_indirect_dma semaphore(%arg21 : memref<!tpu.dma_semaphore, #tpu.memory_space<semaphore_mem>>) src(%arg19 : memref<80x16xf32, #tpu.memory_space<vmem>>) dst(%dma_wait3A_381 : memref<10000x16xf32, #tpu.memory_space<vmem_shared>>)
    %dma_start3A_382 = arith.constant 31 : i32
    %dma_start3A_383 = arith.constant 0 : i32
    %dma_start3A_384 = tpu.memref_slice %arg7[%dma_start3A_382, %dma_start3A_383] : memref<32x80xi32, #tpu.memory_space<vmem>> -> memref<1x80xi32, #tpu.memory_space<vmem>>
    %dma_start3A_385 = tpu.memref_squeeze %dma_start3A_384 : memref<1x80xi32, #tpu.memory_space<vmem>> -> memref<80xi32, #tpu.memory_space<vmem>>
    %dma_start3A_386 = arith.constant 0 : i32
    %dma_start3A_387 = arith.constant 0 : i32
    %dma_start3A_388 = tpu.memref_slice %arg2[%dma_start3A_386, %dma_start3A_387] : memref<10000x128xf32, #tpu.memory_space<hbm>> -> memref<10000x128xf32, #tpu.memory_space<hbm>>
    tpu.enqueue_indirect_dma source(%dma_start3A_388 : memref<10000x128xf32, #tpu.memory_space<hbm>>) target(%arg9 : memref<80x128xf32, #tpu.memory_space<vmem>>) offsets(%dma_start3A_385 : memref<80xi32, #tpu.memory_space<vmem>>) semaphore(%arg13 : memref<!tpu.dma_semaphore, #tpu.memory_space<semaphore_mem>>)
    %dma_wait3A_389 = arith.constant 31 : i32
    %dma_wait3A_390 = arith.constant 0 : i32
    %dma_wait3A_391 = tpu.memref_slice %arg7[%dma_wait3A_389, %dma_wait3A_390] : memref<32x80xi32, #tpu.memory_space<vmem>> -> memref<1x80xi32, #tpu.memory_space<vmem>>
    %dma_wait3A_392 = tpu.memref_squeeze %dma_wait3A_391 : memref<1x80xi32, #tpu.memory_space<vmem>> -> memref<80xi32, #tpu.memory_space<vmem>>
    %dma_wait3A_393 = arith.constant 0 : i32
    %dma_wait3A_394 = arith.constant 0 : i32
    %dma_wait3A_395 = tpu.memref_slice %arg2[%dma_wait3A_393, %dma_wait3A_394] : memref<10000x128xf32, #tpu.memory_space<hbm>> -> memref<10000x128xf32, #tpu.memory_space<hbm>>
    tpu.wait_indirect_dma semaphore(%arg13 : memref<!tpu.dma_semaphore, #tpu.memory_space<semaphore_mem>>) src(%dma_wait3A_395 : memref<10000x128xf32, #tpu.memory_space<hbm>>) dst(%arg9 : memref<80x128xf32, #tpu.memory_space<vmem>>)
    %run_scoped3A_396 = arith.constant 31 : i32
    "tpu.region"() ({
      %run_scoped3A_790 = tpu.sem_alloc : memref<!tpu.dma_semaphore, #tpu.memory_space<semaphore_mem>>
      %dma_start3A_791 = arith.constant 0 : i32
      %dma_start3A_792 = tpu.memref_slice %arg8[%run_scoped3A_396, %dma_start3A_791] : memref<32x80xi32, #tpu.memory_space<vmem>> -> memref<1x80xi32, #tpu.memory_space<vmem>>
      %dma_start3A_793 = tpu.memref_squeeze %dma_start3A_792 : memref<1x80xi32, #tpu.memory_space<vmem>> -> memref<80xi32, #tpu.memory_space<vmem>>
      %dma_start3A_794 = arith.constant 0 : i32
      %dma_start3A_795 = arith.constant 0 : i32
      %dma_start3A_796 = tpu.memref_slice %arg12[%dma_start3A_794, %dma_start3A_795] : memref<10000x128xf32, #tpu.memory_space<vmem_shared>> -> memref<10000x128xf32, #tpu.memory_space<vmem_shared>>
      tpu.enqueue_indirect_dma source(%arg9 : memref<80x128xf32, #tpu.memory_space<vmem>>) target(%dma_start3A_796 : memref<10000x128xf32, #tpu.memory_space<vmem_shared>>) offsets(%dma_start3A_793 : memref<80xi32, #tpu.memory_space<vmem>>) semaphore(%run_scoped3A_790 : memref<!tpu.dma_semaphore, #tpu.memory_space<semaphore_mem>>) {add = true}
      %dma_wait3A_797 = arith.constant 0 : i32
      %dma_wait3A_798 = tpu.memref_slice %arg8[%run_scoped3A_396, %dma_wait3A_797] : memref<32x80xi32, #tpu.memory_space<vmem>> -> memref<1x80xi32, #tpu.memory_space<vmem>>
      %dma_wait3A_799 = tpu.memref_squeeze %dma_wait3A_798 : memref<1x80xi32, #tpu.memory_space<vmem>> -> memref<80xi32, #tpu.memory_space<vmem>>
      %dma_wait3A_800 = arith.constant 0 : i32
      %dma_wait3A_801 = arith.constant 0 : i32
      %dma_wait3A_802 = tpu.memref_slice %arg12[%dma_wait3A_800, %dma_wait3A_801] : memref<10000x128xf32, #tpu.memory_space<vmem_shared>> -> memref<10000x128xf32, #tpu.memory_space<vmem_shared>>
      tpu.wait_indirect_dma semaphore(%run_scoped3A_790 : memref<!tpu.dma_semaphore, #tpu.memory_space<semaphore_mem>>) src(%arg9 : memref<80x128xf32, #tpu.memory_space<vmem>>) dst(%dma_wait3A_802 : memref<10000x128xf32, #tpu.memory_space<vmem_shared>>)
      tpu.yield
    }) : () -> ()
    %dma_start3A_397 = arith.constant 31 : i32
    %dma_start3A_398 = arith.constant 0 : i32
    %dma_start3A_399 = tpu.memref_slice %arg7[%dma_start3A_397, %dma_start3A_398] : memref<32x80xi32, #tpu.memory_space<vmem>> -> memref<1x80xi32, #tpu.memory_space<vmem>>
    %dma_start3A_400 = tpu.memref_squeeze %dma_start3A_399 : memref<1x80xi32, #tpu.memory_space<vmem>> -> memref<80xi32, #tpu.memory_space<vmem>>
    %dma_start3A_401 = arith.constant 0 : i32
    %dma_start3A_402 = arith.constant 0 : i32
    %dma_start3A_403 = tpu.memref_slice %arg20[%dma_start3A_401, %dma_start3A_402] : memref<10000x16xf32, #tpu.memory_space<vmem_shared>> -> memref<10000x16xf32, #tpu.memory_space<vmem_shared>>
    tpu.enqueue_indirect_dma source(%arg19 : memref<80x16xf32, #tpu.memory_space<vmem>>) target(%dma_start3A_403 : memref<10000x16xf32, #tpu.memory_space<vmem_shared>>) offsets(%dma_start3A_400 : memref<80xi32, #tpu.memory_space<vmem>>) semaphore(%arg21 : memref<!tpu.dma_semaphore, #tpu.memory_space<semaphore_mem>>) {add = true}
    %dma_wait3A_404 = arith.constant 31 : i32
    %dma_wait3A_405 = arith.constant 0 : i32
    %dma_wait3A_406 = tpu.memref_slice %arg7[%dma_wait3A_404, %dma_wait3A_405] : memref<32x80xi32, #tpu.memory_space<vmem>> -> memref<1x80xi32, #tpu.memory_space<vmem>>
    %dma_wait3A_407 = tpu.memref_squeeze %dma_wait3A_406 : memref<1x80xi32, #tpu.memory_space<vmem>> -> memref<80xi32, #tpu.memory_space<vmem>>
    %dma_wait3A_408 = arith.constant 0 : i32
    %dma_wait3A_409 = arith.constant 0 : i32
    %dma_wait3A_410 = tpu.memref_slice %arg20[%dma_wait3A_408, %dma_wait3A_409] : memref<10000x16xf32, #tpu.memory_space<vmem_shared>> -> memref<10000x16xf32, #tpu.memory_space<vmem_shared>>
    tpu.wait_indirect_dma semaphore(%arg21 : memref<!tpu.dma_semaphore, #tpu.memory_space<semaphore_mem>>) src(%arg19 : memref<80x16xf32, #tpu.memory_space<vmem>>) dst(%dma_wait3A_410 : memref<10000x16xf32, #tpu.memory_space<vmem_shared>>)
    "tpu.region"() ({
      %run_scoped3A_790 = tpu.sem_alloc : memref<!tpu.dma_semaphore, #tpu.memory_space<semaphore_mem>>
      %dma_start3A_791 = arith.constant 64 : i32
      %dma_start3A_792 = arith.constant 0 : i32
      %dma_start3A_793 = tpu.memref_slice %arg3[%add3A, %dma_start3A_791, %dma_start3A_792] : memref<32x125x80xi32, #tpu.memory_space<hbm>> -> memref<1x32x80xi32, #tpu.memory_space<hbm>>
      %dma_start3A_794 = tpu.memref_squeeze %dma_start3A_793 : memref<1x32x80xi32, #tpu.memory_space<hbm>> -> memref<32x80xi32, #tpu.memory_space<hbm>>
      %dma_start3A_795 = arith.constant 64 : i32
      %dma_start3A_796 = arith.constant 0 : i32
      %dma_start3A_797 = tpu.memref_slice %arg3[%add3A, %dma_start3A_795, %dma_start3A_796] : memref<32x125x80xi32, #tpu.memory_space<hbm>> -> memref<1x32x80xi32, #tpu.memory_space<hbm>>
      %dma_start3A_798 = tpu.memref_squeeze %dma_start3A_797 : memref<1x32x80xi32, #tpu.memory_space<hbm>> -> memref<32x80xi32, #tpu.memory_space<hbm>>
      tpu.enqueue_dma source(%dma_start3A_798 : memref<32x80xi32, #tpu.memory_space<hbm>>) target(%arg7 : memref<32x80xi32, #tpu.memory_space<vmem>>) target_semaphore(%run_scoped3A_790 : memref<!tpu.dma_semaphore, #tpu.memory_space<semaphore_mem>>)
      %dma_wait3A_799 = arith.constant 64 : i32
      %dma_wait3A_800 = arith.constant 0 : i32
      %dma_wait3A_801 = tpu.memref_slice %arg3[%add3A, %dma_wait3A_799, %dma_wait3A_800] : memref<32x125x80xi32, #tpu.memory_space<hbm>> -> memref<1x32x80xi32, #tpu.memory_space<hbm>>
      %dma_wait3A_802 = tpu.memref_squeeze %dma_wait3A_801 : memref<1x32x80xi32, #tpu.memory_space<hbm>> -> memref<32x80xi32, #tpu.memory_space<hbm>>
      %dma_wait3A_803 = arith.constant 64 : i32
      %dma_wait3A_804 = arith.constant 0 : i32
      %dma_wait3A_805 = tpu.memref_slice %arg3[%add3A, %dma_wait3A_803, %dma_wait3A_804] : memref<32x125x80xi32, #tpu.memory_space<hbm>> -> memref<1x32x80xi32, #tpu.memory_space<hbm>>
      %dma_wait3A_806 = tpu.memref_squeeze %dma_wait3A_805 : memref<1x32x80xi32, #tpu.memory_space<hbm>> -> memref<32x80xi32, #tpu.memory_space<hbm>>
      tpu.wait_dma2 semaphore(%run_scoped3A_790 : memref<!tpu.dma_semaphore, #tpu.memory_space<semaphore_mem>>) src(%dma_wait3A_806 : memref<32x80xi32, #tpu.memory_space<hbm>>) dst(%arg7 : memref<32x80xi32, #tpu.memory_space<vmem>>)
      tpu.yield
    }) : () -> ()
    "tpu.region"() ({
      %run_scoped3A_790 = tpu.sem_alloc : memref<!tpu.dma_semaphore, #tpu.memory_space<semaphore_mem>>
      %dma_start3A_791 = arith.constant 64 : i32
      %dma_start3A_792 = arith.constant 0 : i32
      %dma_start3A_793 = tpu.memref_slice %arg4[%add3A, %dma_start3A_791, %dma_start3A_792] : memref<32x125x80xi32, #tpu.memory_space<hbm>> -> memref<1x32x80xi32, #tpu.memory_space<hbm>>
      %dma_start3A_794 = tpu.memref_squeeze %dma_start3A_793 : memref<1x32x80xi32, #tpu.memory_space<hbm>> -> memref<32x80xi32, #tpu.memory_space<hbm>>
      %dma_start3A_795 = arith.constant 64 : i32
      %dma_start3A_796 = arith.constant 0 : i32
      %dma_start3A_797 = tpu.memref_slice %arg4[%add3A, %dma_start3A_795, %dma_start3A_796] : memref<32x125x80xi32, #tpu.memory_space<hbm>> -> memref<1x32x80xi32, #tpu.memory_space<hbm>>
      %dma_start3A_798 = tpu.memref_squeeze %dma_start3A_797 : memref<1x32x80xi32, #tpu.memory_space<hbm>> -> memref<32x80xi32, #tpu.memory_space<hbm>>
      tpu.enqueue_dma source(%dma_start3A_798 : memref<32x80xi32, #tpu.memory_space<hbm>>) target(%arg8 : memref<32x80xi32, #tpu.memory_space<vmem>>) target_semaphore(%run_scoped3A_790 : memref<!tpu.dma_semaphore, #tpu.memory_space<semaphore_mem>>)
      %dma_wait3A_799 = arith.constant 64 : i32
      %dma_wait3A_800 = arith.constant 0 : i32
      %dma_wait3A_801 = tpu.memref_slice %arg4[%add3A, %dma_wait3A_799, %dma_wait3A_800] : memref<32x125x80xi32, #tpu.memory_space<hbm>> -> memref<1x32x80xi32, #tpu.memory_space<hbm>>
      %dma_wait3A_802 = tpu.memref_squeeze %dma_wait3A_801 : memref<1x32x80xi32, #tpu.memory_space<hbm>> -> memref<32x80xi32, #tpu.memory_space<hbm>>
      %dma_wait3A_803 = arith.constant 64 : i32
      %dma_wait3A_804 = arith.constant 0 : i32
      %dma_wait3A_805 = tpu.memref_slice %arg4[%add3A, %dma_wait3A_803, %dma_wait3A_804] : memref<32x125x80xi32, #tpu.memory_space<hbm>> -> memref<1x32x80xi32, #tpu.memory_space<hbm>>
      %dma_wait3A_806 = tpu.memref_squeeze %dma_wait3A_805 : memref<1x32x80xi32, #tpu.memory_space<hbm>> -> memref<32x80xi32, #tpu.memory_space<hbm>>
      tpu.wait_dma2 semaphore(%run_scoped3A_790 : memref<!tpu.dma_semaphore, #tpu.memory_space<semaphore_mem>>) src(%dma_wait3A_806 : memref<32x80xi32, #tpu.memory_space<hbm>>) dst(%arg8 : memref<32x80xi32, #tpu.memory_space<vmem>>)
      tpu.yield
    }) : () -> ()
    %dma_start3A_411 = arith.constant 0 : i32
    %dma_start3A_412 = arith.constant 0 : i32
    %dma_start3A_413 = tpu.memref_slice %arg7[%dma_start3A_411, %dma_start3A_412] : memref<32x80xi32, #tpu.memory_space<vmem>> -> memref<1x80xi32, #tpu.memory_space<vmem>>
    %dma_start3A_414 = tpu.memref_squeeze %dma_start3A_413 : memref<1x80xi32, #tpu.memory_space<vmem>> -> memref<80xi32, #tpu.memory_space<vmem>>
    %dma_start3A_415 = arith.constant 0 : i32
    %dma_start3A_416 = arith.constant 0 : i32
    %dma_start3A_417 = tpu.memref_slice %arg2[%dma_start3A_415, %dma_start3A_416] : memref<10000x128xf32, #tpu.memory_space<hbm>> -> memref<10000x128xf32, #tpu.memory_space<hbm>>
    tpu.enqueue_indirect_dma source(%dma_start3A_417 : memref<10000x128xf32, #tpu.memory_space<hbm>>) target(%arg9 : memref<80x128xf32, #tpu.memory_space<vmem>>) offsets(%dma_start3A_414 : memref<80xi32, #tpu.memory_space<vmem>>) semaphore(%arg13 : memref<!tpu.dma_semaphore, #tpu.memory_space<semaphore_mem>>)
    %dma_start3A_418 = arith.constant 1 : i32
    %dma_start3A_419 = arith.constant 0 : i32
    %dma_start3A_420 = tpu.memref_slice %arg7[%dma_start3A_418, %dma_start3A_419] : memref<32x80xi32, #tpu.memory_space<vmem>> -> memref<1x80xi32, #tpu.memory_space<vmem>>
    %dma_start3A_421 = tpu.memref_squeeze %dma_start3A_420 : memref<1x80xi32, #tpu.memory_space<vmem>> -> memref<80xi32, #tpu.memory_space<vmem>>
    %dma_start3A_422 = arith.constant 0 : i32
    %dma_start3A_423 = arith.constant 0 : i32
    %dma_start3A_424 = tpu.memref_slice %arg2[%dma_start3A_422, %dma_start3A_423] : memref<10000x128xf32, #tpu.memory_space<hbm>> -> memref<10000x128xf32, #tpu.memory_space<hbm>>
    tpu.enqueue_indirect_dma source(%dma_start3A_424 : memref<10000x128xf32, #tpu.memory_space<hbm>>) target(%arg10 : memref<80x128xf32, #tpu.memory_space<vmem>>) offsets(%dma_start3A_421 : memref<80xi32, #tpu.memory_space<vmem>>) semaphore(%arg14 : memref<!tpu.dma_semaphore, #tpu.memory_space<semaphore_mem>>)
    %dma_start3A_425 = arith.constant 2 : i32
    %dma_start3A_426 = arith.constant 0 : i32
    %dma_start3A_427 = tpu.memref_slice %arg7[%dma_start3A_425, %dma_start3A_426] : memref<32x80xi32, #tpu.memory_space<vmem>> -> memref<1x80xi32, #tpu.memory_space<vmem>>
    %dma_start3A_428 = tpu.memref_squeeze %dma_start3A_427 : memref<1x80xi32, #tpu.memory_space<vmem>> -> memref<80xi32, #tpu.memory_space<vmem>>
    %dma_start3A_429 = arith.constant 0 : i32
    %dma_start3A_430 = arith.constant 0 : i32
    %dma_start3A_431 = tpu.memref_slice %arg2[%dma_start3A_429, %dma_start3A_430] : memref<10000x128xf32, #tpu.memory_space<hbm>> -> memref<10000x128xf32, #tpu.memory_space<hbm>>
    tpu.enqueue_indirect_dma source(%dma_start3A_431 : memref<10000x128xf32, #tpu.memory_space<hbm>>) target(%arg11 : memref<80x128xf32, #tpu.memory_space<vmem>>) offsets(%dma_start3A_428 : memref<80xi32, #tpu.memory_space<vmem>>) semaphore(%arg15 : memref<!tpu.dma_semaphore, #tpu.memory_space<semaphore_mem>>)
    %scan3A_432 = arith.constant 0 : i32
    %scan3A_433 = arith.constant 9 : i32
    %scan3A_434 = arith.addi %scan3A_432, %scan3A_433 : i32
    %scan3A_435 = arith.constant 1 : i32
    scf.for %scan3A_790 = %scan3A_432 to %scan3A_434 step %scan3A_435  : i32 {
      %mul3A_791 = arith.constant 1 : i32
      %mul3A_792 = arith.muli %scan3A_790, %mul3A_791 : i32
      %add3A_793 = arith.constant 0 : i32
      %add3A_794 = arith.addi %add3A_793, %mul3A_792 : i32
      %mul3A_795 = arith.constant 3 : i32
      %mul3A_796 = arith.muli %mul3A_795, %add3A_794 : i32
      %add3A_797 = arith.constant 0 : i32
      %add3A_798 = arith.addi %add3A_797, %mul3A_796 : i32
      %add3A_799 = arith.constant 0 : i32
      %add3A_800 = arith.addi %add3A_798, %add3A_799 : i32
      %dma_wait3A_801 = arith.constant 0 : i32
      %dma_wait3A_802 = tpu.memref_slice %arg7[%add3A_800, %dma_wait3A_801] : memref<32x80xi32, #tpu.memory_space<vmem>> -> memref<1x80xi32, #tpu.memory_space<vmem>>
      %dma_wait3A_803 = tpu.memref_squeeze %dma_wait3A_802 : memref<1x80xi32, #tpu.memory_space<vmem>> -> memref<80xi32, #tpu.memory_space<vmem>>
      %dma_wait3A_804 = arith.constant 0 : i32
      %dma_wait3A_805 = arith.constant 0 : i32
      %dma_wait3A_806 = tpu.memref_slice %arg2[%dma_wait3A_804, %dma_wait3A_805] : memref<10000x128xf32, #tpu.memory_space<hbm>> -> memref<10000x128xf32, #tpu.memory_space<hbm>>
      tpu.wait_indirect_dma semaphore(%arg13 : memref<!tpu.dma_semaphore, #tpu.memory_space<semaphore_mem>>) src(%dma_wait3A_806 : memref<10000x128xf32, #tpu.memory_space<hbm>>) dst(%arg9 : memref<80x128xf32, #tpu.memory_space<vmem>>)
      %add3A_807 = arith.constant 0 : i32
      %add3A_808 = arith.addi %add3A_798, %add3A_807 : i32
      %dma_start3A_809 = arith.constant 0 : i32
      %dma_start3A_810 = tpu.memref_slice %arg8[%add3A_808, %dma_start3A_809] : memref<32x80xi32, #tpu.memory_space<vmem>> -> memref<1x80xi32, #tpu.memory_space<vmem>>
      %dma_start3A_811 = tpu.memref_squeeze %dma_start3A_810 : memref<1x80xi32, #tpu.memory_space<vmem>> -> memref<80xi32, #tpu.memory_space<vmem>>
      %dma_start3A_812 = arith.constant 0 : i32
      %dma_start3A_813 = arith.constant 0 : i32
      %dma_start3A_814 = tpu.memref_slice %arg12[%dma_start3A_812, %dma_start3A_813] : memref<10000x128xf32, #tpu.memory_space<vmem_shared>> -> memref<10000x128xf32, #tpu.memory_space<vmem_shared>>
      tpu.enqueue_indirect_dma source(%arg9 : memref<80x128xf32, #tpu.memory_space<vmem>>) target(%dma_start3A_814 : memref<10000x128xf32, #tpu.memory_space<vmem_shared>>) offsets(%dma_start3A_811 : memref<80xi32, #tpu.memory_space<vmem>>) semaphore(%arg16 : memref<!tpu.dma_semaphore, #tpu.memory_space<semaphore_mem>>) {add = true}
      %add3A_815 = arith.constant 0 : i32
      %add3A_816 = arith.addi %add3A_798, %add3A_815 : i32
      %dma_start3A_817 = arith.constant 0 : i32
      %dma_start3A_818 = tpu.memref_slice %arg7[%add3A_816, %dma_start3A_817] : memref<32x80xi32, #tpu.memory_space<vmem>> -> memref<1x80xi32, #tpu.memory_space<vmem>>
      %dma_start3A_819 = tpu.memref_squeeze %dma_start3A_818 : memref<1x80xi32, #tpu.memory_space<vmem>> -> memref<80xi32, #tpu.memory_space<vmem>>
      %dma_start3A_820 = arith.constant 0 : i32
      %dma_start3A_821 = arith.constant 0 : i32
      %dma_start3A_822 = tpu.memref_slice %arg20[%dma_start3A_820, %dma_start3A_821] : memref<10000x16xf32, #tpu.memory_space<vmem_shared>> -> memref<10000x16xf32, #tpu.memory_space<vmem_shared>>
      tpu.enqueue_indirect_dma source(%arg19 : memref<80x16xf32, #tpu.memory_space<vmem>>) target(%dma_start3A_822 : memref<10000x16xf32, #tpu.memory_space<vmem_shared>>) offsets(%dma_start3A_819 : memref<80xi32, #tpu.memory_space<vmem>>) semaphore(%arg21 : memref<!tpu.dma_semaphore, #tpu.memory_space<semaphore_mem>>) {add = true}
      %add3A_823 = arith.constant 1 : i32
      %add3A_824 = arith.addi %add3A_798, %add3A_823 : i32
      %dma_wait3A_825 = arith.constant 0 : i32
      %dma_wait3A_826 = tpu.memref_slice %arg7[%add3A_824, %dma_wait3A_825] : memref<32x80xi32, #tpu.memory_space<vmem>> -> memref<1x80xi32, #tpu.memory_space<vmem>>
      %dma_wait3A_827 = tpu.memref_squeeze %dma_wait3A_826 : memref<1x80xi32, #tpu.memory_space<vmem>> -> memref<80xi32, #tpu.memory_space<vmem>>
      %dma_wait3A_828 = arith.constant 0 : i32
      %dma_wait3A_829 = arith.constant 0 : i32
      %dma_wait3A_830 = tpu.memref_slice %arg2[%dma_wait3A_828, %dma_wait3A_829] : memref<10000x128xf32, #tpu.memory_space<hbm>> -> memref<10000x128xf32, #tpu.memory_space<hbm>>
      tpu.wait_indirect_dma semaphore(%arg14 : memref<!tpu.dma_semaphore, #tpu.memory_space<semaphore_mem>>) src(%dma_wait3A_830 : memref<10000x128xf32, #tpu.memory_space<hbm>>) dst(%arg10 : memref<80x128xf32, #tpu.memory_space<vmem>>)
      %add3A_831 = arith.constant 1 : i32
      %add3A_832 = arith.addi %add3A_798, %add3A_831 : i32
      %dma_start3A_833 = arith.constant 0 : i32
      %dma_start3A_834 = tpu.memref_slice %arg8[%add3A_832, %dma_start3A_833] : memref<32x80xi32, #tpu.memory_space<vmem>> -> memref<1x80xi32, #tpu.memory_space<vmem>>
      %dma_start3A_835 = tpu.memref_squeeze %dma_start3A_834 : memref<1x80xi32, #tpu.memory_space<vmem>> -> memref<80xi32, #tpu.memory_space<vmem>>
      %dma_start3A_836 = arith.constant 0 : i32
      %dma_start3A_837 = arith.constant 0 : i32
      %dma_start3A_838 = tpu.memref_slice %arg12[%dma_start3A_836, %dma_start3A_837] : memref<10000x128xf32, #tpu.memory_space<vmem_shared>> -> memref<10000x128xf32, #tpu.memory_space<vmem_shared>>
      tpu.enqueue_indirect_dma source(%arg10 : memref<80x128xf32, #tpu.memory_space<vmem>>) target(%dma_start3A_838 : memref<10000x128xf32, #tpu.memory_space<vmem_shared>>) offsets(%dma_start3A_835 : memref<80xi32, #tpu.memory_space<vmem>>) semaphore(%arg17 : memref<!tpu.dma_semaphore, #tpu.memory_space<semaphore_mem>>) {add = true}
      %add3A_839 = arith.constant 1 : i32
      %add3A_840 = arith.addi %add3A_798, %add3A_839 : i32
      %dma_start3A_841 = arith.constant 0 : i32
      %dma_start3A_842 = tpu.memref_slice %arg7[%add3A_840, %dma_start3A_841] : memref<32x80xi32, #tpu.memory_space<vmem>> -> memref<1x80xi32, #tpu.memory_space<vmem>>
      %dma_start3A_843 = tpu.memref_squeeze %dma_start3A_842 : memref<1x80xi32, #tpu.memory_space<vmem>> -> memref<80xi32, #tpu.memory_space<vmem>>
      %dma_start3A_844 = arith.constant 0 : i32
      %dma_start3A_845 = arith.constant 0 : i32
      %dma_start3A_846 = tpu.memref_slice %arg20[%dma_start3A_844, %dma_start3A_845] : memref<10000x16xf32, #tpu.memory_space<vmem_shared>> -> memref<10000x16xf32, #tpu.memory_space<vmem_shared>>
      tpu.enqueue_indirect_dma source(%arg19 : memref<80x16xf32, #tpu.memory_space<vmem>>) target(%dma_start3A_846 : memref<10000x16xf32, #tpu.memory_space<vmem_shared>>) offsets(%dma_start3A_843 : memref<80xi32, #tpu.memory_space<vmem>>) semaphore(%arg21 : memref<!tpu.dma_semaphore, #tpu.memory_space<semaphore_mem>>) {add = true}
      %add3A_847 = arith.constant 2 : i32
      %add3A_848 = arith.addi %add3A_798, %add3A_847 : i32
      %dma_wait3A_849 = arith.constant 0 : i32
      %dma_wait3A_850 = tpu.memref_slice %arg7[%add3A_848, %dma_wait3A_849] : memref<32x80xi32, #tpu.memory_space<vmem>> -> memref<1x80xi32, #tpu.memory_space<vmem>>
      %dma_wait3A_851 = tpu.memref_squeeze %dma_wait3A_850 : memref<1x80xi32, #tpu.memory_space<vmem>> -> memref<80xi32, #tpu.memory_space<vmem>>
      %dma_wait3A_852 = arith.constant 0 : i32
      %dma_wait3A_853 = arith.constant 0 : i32
      %dma_wait3A_854 = tpu.memref_slice %arg2[%dma_wait3A_852, %dma_wait3A_853] : memref<10000x128xf32, #tpu.memory_space<hbm>> -> memref<10000x128xf32, #tpu.memory_space<hbm>>
      tpu.wait_indirect_dma semaphore(%arg15 : memref<!tpu.dma_semaphore, #tpu.memory_space<semaphore_mem>>) src(%dma_wait3A_854 : memref<10000x128xf32, #tpu.memory_space<hbm>>) dst(%arg11 : memref<80x128xf32, #tpu.memory_space<vmem>>)
      %add3A_855 = arith.constant 2 : i32
      %add3A_856 = arith.addi %add3A_798, %add3A_855 : i32
      %dma_start3A_857 = arith.constant 0 : i32
      %dma_start3A_858 = tpu.memref_slice %arg8[%add3A_856, %dma_start3A_857] : memref<32x80xi32, #tpu.memory_space<vmem>> -> memref<1x80xi32, #tpu.memory_space<vmem>>
      %dma_start3A_859 = tpu.memref_squeeze %dma_start3A_858 : memref<1x80xi32, #tpu.memory_space<vmem>> -> memref<80xi32, #tpu.memory_space<vmem>>
      %dma_start3A_860 = arith.constant 0 : i32
      %dma_start3A_861 = arith.constant 0 : i32
      %dma_start3A_862 = tpu.memref_slice %arg12[%dma_start3A_860, %dma_start3A_861] : memref<10000x128xf32, #tpu.memory_space<vmem_shared>> -> memref<10000x128xf32, #tpu.memory_space<vmem_shared>>
      tpu.enqueue_indirect_dma source(%arg11 : memref<80x128xf32, #tpu.memory_space<vmem>>) target(%dma_start3A_862 : memref<10000x128xf32, #tpu.memory_space<vmem_shared>>) offsets(%dma_start3A_859 : memref<80xi32, #tpu.memory_space<vmem>>) semaphore(%arg18 : memref<!tpu.dma_semaphore, #tpu.memory_space<semaphore_mem>>) {add = true}
      %add3A_863 = arith.constant 2 : i32
      %add3A_864 = arith.addi %add3A_798, %add3A_863 : i32
      %dma_start3A_865 = arith.constant 0 : i32
      %dma_start3A_866 = tpu.memref_slice %arg7[%add3A_864, %dma_start3A_865] : memref<32x80xi32, #tpu.memory_space<vmem>> -> memref<1x80xi32, #tpu.memory_space<vmem>>
      %dma_start3A_867 = tpu.memref_squeeze %dma_start3A_866 : memref<1x80xi32, #tpu.memory_space<vmem>> -> memref<80xi32, #tpu.memory_space<vmem>>
      %dma_start3A_868 = arith.constant 0 : i32
      %dma_start3A_869 = arith.constant 0 : i32
      %dma_start3A_870 = tpu.memref_slice %arg20[%dma_start3A_868, %dma_start3A_869] : memref<10000x16xf32, #tpu.memory_space<vmem_shared>> -> memref<10000x16xf32, #tpu.memory_space<vmem_shared>>
      tpu.enqueue_indirect_dma source(%arg19 : memref<80x16xf32, #tpu.memory_space<vmem>>) target(%dma_start3A_870 : memref<10000x16xf32, #tpu.memory_space<vmem_shared>>) offsets(%dma_start3A_867 : memref<80xi32, #tpu.memory_space<vmem>>) semaphore(%arg21 : memref<!tpu.dma_semaphore, #tpu.memory_space<semaphore_mem>>) {add = true}
      %add3A_871 = arith.constant 0 : i32
      %add3A_872 = arith.addi %add3A_798, %add3A_871 : i32
      %dma_wait3A_873 = arith.constant 0 : i32
      %dma_wait3A_874 = tpu.memref_slice %arg8[%add3A_872, %dma_wait3A_873] : memref<32x80xi32, #tpu.memory_space<vmem>> -> memref<1x80xi32, #tpu.memory_space<vmem>>
      %dma_wait3A_875 = tpu.memref_squeeze %dma_wait3A_874 : memref<1x80xi32, #tpu.memory_space<vmem>> -> memref<80xi32, #tpu.memory_space<vmem>>
      %dma_wait3A_876 = arith.constant 0 : i32
      %dma_wait3A_877 = arith.constant 0 : i32
      %dma_wait3A_878 = tpu.memref_slice %arg12[%dma_wait3A_876, %dma_wait3A_877] : memref<10000x128xf32, #tpu.memory_space<vmem_shared>> -> memref<10000x128xf32, #tpu.memory_space<vmem_shared>>
      tpu.wait_indirect_dma semaphore(%arg16 : memref<!tpu.dma_semaphore, #tpu.memory_space<semaphore_mem>>) src(%arg9 : memref<80x128xf32, #tpu.memory_space<vmem>>) dst(%dma_wait3A_878 : memref<10000x128xf32, #tpu.memory_space<vmem_shared>>)
      %add3A_879 = arith.constant 0 : i32
      %add3A_880 = arith.addi %add3A_798, %add3A_879 : i32
      %dma_wait3A_881 = arith.constant 0 : i32
      %dma_wait3A_882 = tpu.memref_slice %arg7[%add3A_880, %dma_wait3A_881] : memref<32x80xi32, #tpu.memory_space<vmem>> -> memref<1x80xi32, #tpu.memory_space<vmem>>
      %dma_wait3A_883 = tpu.memref_squeeze %dma_wait3A_882 : memref<1x80xi32, #tpu.memory_space<vmem>> -> memref<80xi32, #tpu.memory_space<vmem>>
      %dma_wait3A_884 = arith.constant 0 : i32
      %dma_wait3A_885 = arith.constant 0 : i32
      %dma_wait3A_886 = tpu.memref_slice %arg20[%dma_wait3A_884, %dma_wait3A_885] : memref<10000x16xf32, #tpu.memory_space<vmem_shared>> -> memref<10000x16xf32, #tpu.memory_space<vmem_shared>>
      tpu.wait_indirect_dma semaphore(%arg21 : memref<!tpu.dma_semaphore, #tpu.memory_space<semaphore_mem>>) src(%arg19 : memref<80x16xf32, #tpu.memory_space<vmem>>) dst(%dma_wait3A_886 : memref<10000x16xf32, #tpu.memory_space<vmem_shared>>)
      %add3A_887 = arith.constant 3 : i32
      %add3A_888 = arith.addi %add3A_798, %add3A_887 : i32
      %add3A_889 = arith.constant 0 : i32
      %add3A_890 = arith.addi %add3A_888, %add3A_889 : i32
      %dma_start3A_891 = arith.constant 0 : i32
      %dma_start3A_892 = tpu.memref_slice %arg7[%add3A_890, %dma_start3A_891] : memref<32x80xi32, #tpu.memory_space<vmem>> -> memref<1x80xi32, #tpu.memory_space<vmem>>
      %dma_start3A_893 = tpu.memref_squeeze %dma_start3A_892 : memref<1x80xi32, #tpu.memory_space<vmem>> -> memref<80xi32, #tpu.memory_space<vmem>>
      %dma_start3A_894 = arith.constant 0 : i32
      %dma_start3A_895 = arith.constant 0 : i32
      %dma_start3A_896 = tpu.memref_slice %arg2[%dma_start3A_894, %dma_start3A_895] : memref<10000x128xf32, #tpu.memory_space<hbm>> -> memref<10000x128xf32, #tpu.memory_space<hbm>>
      tpu.enqueue_indirect_dma source(%dma_start3A_896 : memref<10000x128xf32, #tpu.memory_space<hbm>>) target(%arg9 : memref<80x128xf32, #tpu.memory_space<vmem>>) offsets(%dma_start3A_893 : memref<80xi32, #tpu.memory_space<vmem>>) semaphore(%arg13 : memref<!tpu.dma_semaphore, #tpu.memory_space<semaphore_mem>>)
      %add3A_897 = arith.constant 1 : i32
      %add3A_898 = arith.addi %add3A_798, %add3A_897 : i32
      %dma_wait3A_899 = arith.constant 0 : i32
      %dma_wait3A_900 = tpu.memref_slice %arg8[%add3A_898, %dma_wait3A_899] : memref<32x80xi32, #tpu.memory_space<vmem>> -> memref<1x80xi32, #tpu.memory_space<vmem>>
      %dma_wait3A_901 = tpu.memref_squeeze %dma_wait3A_900 : memref<1x80xi32, #tpu.memory_space<vmem>> -> memref<80xi32, #tpu.memory_space<vmem>>
      %dma_wait3A_902 = arith.constant 0 : i32
      %dma_wait3A_903 = arith.constant 0 : i32
      %dma_wait3A_904 = tpu.memref_slice %arg12[%dma_wait3A_902, %dma_wait3A_903] : memref<10000x128xf32, #tpu.memory_space<vmem_shared>> -> memref<10000x128xf32, #tpu.memory_space<vmem_shared>>
      tpu.wait_indirect_dma semaphore(%arg17 : memref<!tpu.dma_semaphore, #tpu.memory_space<semaphore_mem>>) src(%arg10 : memref<80x128xf32, #tpu.memory_space<vmem>>) dst(%dma_wait3A_904 : memref<10000x128xf32, #tpu.memory_space<vmem_shared>>)
      %add3A_905 = arith.constant 1 : i32
      %add3A_906 = arith.addi %add3A_798, %add3A_905 : i32
      %dma_wait3A_907 = arith.constant 0 : i32
      %dma_wait3A_908 = tpu.memref_slice %arg7[%add3A_906, %dma_wait3A_907] : memref<32x80xi32, #tpu.memory_space<vmem>> -> memref<1x80xi32, #tpu.memory_space<vmem>>
      %dma_wait3A_909 = tpu.memref_squeeze %dma_wait3A_908 : memref<1x80xi32, #tpu.memory_space<vmem>> -> memref<80xi32, #tpu.memory_space<vmem>>
      %dma_wait3A_910 = arith.constant 0 : i32
      %dma_wait3A_911 = arith.constant 0 : i32
      %dma_wait3A_912 = tpu.memref_slice %arg20[%dma_wait3A_910, %dma_wait3A_911] : memref<10000x16xf32, #tpu.memory_space<vmem_shared>> -> memref<10000x16xf32, #tpu.memory_space<vmem_shared>>
      tpu.wait_indirect_dma semaphore(%arg21 : memref<!tpu.dma_semaphore, #tpu.memory_space<semaphore_mem>>) src(%arg19 : memref<80x16xf32, #tpu.memory_space<vmem>>) dst(%dma_wait3A_912 : memref<10000x16xf32, #tpu.memory_space<vmem_shared>>)
      %add3A_913 = arith.constant 3 : i32
      %add3A_914 = arith.addi %add3A_798, %add3A_913 : i32
      %add3A_915 = arith.constant 1 : i32
      %add3A_916 = arith.addi %add3A_914, %add3A_915 : i32
      %dma_start3A_917 = arith.constant 0 : i32
      %dma_start3A_918 = tpu.memref_slice %arg7[%add3A_916, %dma_start3A_917] : memref<32x80xi32, #tpu.memory_space<vmem>> -> memref<1x80xi32, #tpu.memory_space<vmem>>
      %dma_start3A_919 = tpu.memref_squeeze %dma_start3A_918 : memref<1x80xi32, #tpu.memory_space<vmem>> -> memref<80xi32, #tpu.memory_space<vmem>>
      %dma_start3A_920 = arith.constant 0 : i32
      %dma_start3A_921 = arith.constant 0 : i32
      %dma_start3A_922 = tpu.memref_slice %arg2[%dma_start3A_920, %dma_start3A_921] : memref<10000x128xf32, #tpu.memory_space<hbm>> -> memref<10000x128xf32, #tpu.memory_space<hbm>>
      tpu.enqueue_indirect_dma source(%dma_start3A_922 : memref<10000x128xf32, #tpu.memory_space<hbm>>) target(%arg10 : memref<80x128xf32, #tpu.memory_space<vmem>>) offsets(%dma_start3A_919 : memref<80xi32, #tpu.memory_space<vmem>>) semaphore(%arg14 : memref<!tpu.dma_semaphore, #tpu.memory_space<semaphore_mem>>)
      %add3A_923 = arith.constant 2 : i32
      %add3A_924 = arith.addi %add3A_798, %add3A_923 : i32
      %dma_wait3A_925 = arith.constant 0 : i32
      %dma_wait3A_926 = tpu.memref_slice %arg8[%add3A_924, %dma_wait3A_925] : memref<32x80xi32, #tpu.memory_space<vmem>> -> memref<1x80xi32, #tpu.memory_space<vmem>>
      %dma_wait3A_927 = tpu.memref_squeeze %dma_wait3A_926 : memref<1x80xi32, #tpu.memory_space<vmem>> -> memref<80xi32, #tpu.memory_space<vmem>>
      %dma_wait3A_928 = arith.constant 0 : i32
      %dma_wait3A_929 = arith.constant 0 : i32
      %dma_wait3A_930 = tpu.memref_slice %arg12[%dma_wait3A_928, %dma_wait3A_929] : memref<10000x128xf32, #tpu.memory_space<vmem_shared>> -> memref<10000x128xf32, #tpu.memory_space<vmem_shared>>
      tpu.wait_indirect_dma semaphore(%arg18 : memref<!tpu.dma_semaphore, #tpu.memory_space<semaphore_mem>>) src(%arg11 : memref<80x128xf32, #tpu.memory_space<vmem>>) dst(%dma_wait3A_930 : memref<10000x128xf32, #tpu.memory_space<vmem_shared>>)
      %add3A_931 = arith.constant 2 : i32
      %add3A_932 = arith.addi %add3A_798, %add3A_931 : i32
      %dma_wait3A_933 = arith.constant 0 : i32
      %dma_wait3A_934 = tpu.memref_slice %arg7[%add3A_932, %dma_wait3A_933] : memref<32x80xi32, #tpu.memory_space<vmem>> -> memref<1x80xi32, #tpu.memory_space<vmem>>
      %dma_wait3A_935 = tpu.memref_squeeze %dma_wait3A_934 : memref<1x80xi32, #tpu.memory_space<vmem>> -> memref<80xi32, #tpu.memory_space<vmem>>
      %dma_wait3A_936 = arith.constant 0 : i32
      %dma_wait3A_937 = arith.constant 0 : i32
      %dma_wait3A_938 = tpu.memref_slice %arg20[%dma_wait3A_936, %dma_wait3A_937] : memref<10000x16xf32, #tpu.memory_space<vmem_shared>> -> memref<10000x16xf32, #tpu.memory_space<vmem_shared>>
      tpu.wait_indirect_dma semaphore(%arg21 : memref<!tpu.dma_semaphore, #tpu.memory_space<semaphore_mem>>) src(%arg19 : memref<80x16xf32, #tpu.memory_space<vmem>>) dst(%dma_wait3A_938 : memref<10000x16xf32, #tpu.memory_space<vmem_shared>>)
      %add3A_939 = arith.constant 3 : i32
      %add3A_940 = arith.addi %add3A_798, %add3A_939 : i32
      %add3A_941 = arith.constant 2 : i32
      %add3A_942 = arith.addi %add3A_940, %add3A_941 : i32
      %dma_start3A_943 = arith.constant 0 : i32
      %dma_start3A_944 = tpu.memref_slice %arg7[%add3A_942, %dma_start3A_943] : memref<32x80xi32, #tpu.memory_space<vmem>> -> memref<1x80xi32, #tpu.memory_space<vmem>>
      %dma_start3A_945 = tpu.memref_squeeze %dma_start3A_944 : memref<1x80xi32, #tpu.memory_space<vmem>> -> memref<80xi32, #tpu.memory_space<vmem>>
      %dma_start3A_946 = arith.constant 0 : i32
      %dma_start3A_947 = arith.constant 0 : i32
      %dma_start3A_948 = tpu.memref_slice %arg2[%dma_start3A_946, %dma_start3A_947] : memref<10000x128xf32, #tpu.memory_space<hbm>> -> memref<10000x128xf32, #tpu.memory_space<hbm>>
      tpu.enqueue_indirect_dma source(%dma_start3A_948 : memref<10000x128xf32, #tpu.memory_space<hbm>>) target(%arg11 : memref<80x128xf32, #tpu.memory_space<vmem>>) offsets(%dma_start3A_945 : memref<80xi32, #tpu.memory_space<vmem>>) semaphore(%arg15 : memref<!tpu.dma_semaphore, #tpu.memory_space<semaphore_mem>>)
    }
    %scan3A_436 = arith.constant 9 : i32
    %dma_wait3A_437 = arith.constant 27 : i32
    %dma_wait3A_438 = arith.constant 0 : i32
    %dma_wait3A_439 = tpu.memref_slice %arg7[%dma_wait3A_437, %dma_wait3A_438] : memref<32x80xi32, #tpu.memory_space<vmem>> -> memref<1x80xi32, #tpu.memory_space<vmem>>
    %dma_wait3A_440 = tpu.memref_squeeze %dma_wait3A_439 : memref<1x80xi32, #tpu.memory_space<vmem>> -> memref<80xi32, #tpu.memory_space<vmem>>
    %dma_wait3A_441 = arith.constant 0 : i32
    %dma_wait3A_442 = arith.constant 0 : i32
    %dma_wait3A_443 = tpu.memref_slice %arg2[%dma_wait3A_441, %dma_wait3A_442] : memref<10000x128xf32, #tpu.memory_space<hbm>> -> memref<10000x128xf32, #tpu.memory_space<hbm>>
    tpu.wait_indirect_dma semaphore(%arg13 : memref<!tpu.dma_semaphore, #tpu.memory_space<semaphore_mem>>) src(%dma_wait3A_443 : memref<10000x128xf32, #tpu.memory_space<hbm>>) dst(%arg9 : memref<80x128xf32, #tpu.memory_space<vmem>>)
    %dma_start3A_444 = arith.constant 27 : i32
    %dma_start3A_445 = arith.constant 0 : i32
    %dma_start3A_446 = tpu.memref_slice %arg8[%dma_start3A_444, %dma_start3A_445] : memref<32x80xi32, #tpu.memory_space<vmem>> -> memref<1x80xi32, #tpu.memory_space<vmem>>
    %dma_start3A_447 = tpu.memref_squeeze %dma_start3A_446 : memref<1x80xi32, #tpu.memory_space<vmem>> -> memref<80xi32, #tpu.memory_space<vmem>>
    %dma_start3A_448 = arith.constant 0 : i32
    %dma_start3A_449 = arith.constant 0 : i32
    %dma_start3A_450 = tpu.memref_slice %arg12[%dma_start3A_448, %dma_start3A_449] : memref<10000x128xf32, #tpu.memory_space<vmem_shared>> -> memref<10000x128xf32, #tpu.memory_space<vmem_shared>>
    tpu.enqueue_indirect_dma source(%arg9 : memref<80x128xf32, #tpu.memory_space<vmem>>) target(%dma_start3A_450 : memref<10000x128xf32, #tpu.memory_space<vmem_shared>>) offsets(%dma_start3A_447 : memref<80xi32, #tpu.memory_space<vmem>>) semaphore(%arg16 : memref<!tpu.dma_semaphore, #tpu.memory_space<semaphore_mem>>) {add = true}
    %dma_start3A_451 = arith.constant 27 : i32
    %dma_start3A_452 = arith.constant 0 : i32
    %dma_start3A_453 = tpu.memref_slice %arg7[%dma_start3A_451, %dma_start3A_452] : memref<32x80xi32, #tpu.memory_space<vmem>> -> memref<1x80xi32, #tpu.memory_space<vmem>>
    %dma_start3A_454 = tpu.memref_squeeze %dma_start3A_453 : memref<1x80xi32, #tpu.memory_space<vmem>> -> memref<80xi32, #tpu.memory_space<vmem>>
    %dma_start3A_455 = arith.constant 0 : i32
    %dma_start3A_456 = arith.constant 0 : i32
    %dma_start3A_457 = tpu.memref_slice %arg20[%dma_start3A_455, %dma_start3A_456] : memref<10000x16xf32, #tpu.memory_space<vmem_shared>> -> memref<10000x16xf32, #tpu.memory_space<vmem_shared>>
    tpu.enqueue_indirect_dma source(%arg19 : memref<80x16xf32, #tpu.memory_space<vmem>>) target(%dma_start3A_457 : memref<10000x16xf32, #tpu.memory_space<vmem_shared>>) offsets(%dma_start3A_454 : memref<80xi32, #tpu.memory_space<vmem>>) semaphore(%arg21 : memref<!tpu.dma_semaphore, #tpu.memory_space<semaphore_mem>>) {add = true}
    %dma_wait3A_458 = arith.constant 28 : i32
    %dma_wait3A_459 = arith.constant 0 : i32
    %dma_wait3A_460 = tpu.memref_slice %arg7[%dma_wait3A_458, %dma_wait3A_459] : memref<32x80xi32, #tpu.memory_space<vmem>> -> memref<1x80xi32, #tpu.memory_space<vmem>>
    %dma_wait3A_461 = tpu.memref_squeeze %dma_wait3A_460 : memref<1x80xi32, #tpu.memory_space<vmem>> -> memref<80xi32, #tpu.memory_space<vmem>>
    %dma_wait3A_462 = arith.constant 0 : i32
    %dma_wait3A_463 = arith.constant 0 : i32
    %dma_wait3A_464 = tpu.memref_slice %arg2[%dma_wait3A_462, %dma_wait3A_463] : memref<10000x128xf32, #tpu.memory_space<hbm>> -> memref<10000x128xf32, #tpu.memory_space<hbm>>
    tpu.wait_indirect_dma semaphore(%arg14 : memref<!tpu.dma_semaphore, #tpu.memory_space<semaphore_mem>>) src(%dma_wait3A_464 : memref<10000x128xf32, #tpu.memory_space<hbm>>) dst(%arg10 : memref<80x128xf32, #tpu.memory_space<vmem>>)
    %dma_start3A_465 = arith.constant 28 : i32
    %dma_start3A_466 = arith.constant 0 : i32
    %dma_start3A_467 = tpu.memref_slice %arg8[%dma_start3A_465, %dma_start3A_466] : memref<32x80xi32, #tpu.memory_space<vmem>> -> memref<1x80xi32, #tpu.memory_space<vmem>>
    %dma_start3A_468 = tpu.memref_squeeze %dma_start3A_467 : memref<1x80xi32, #tpu.memory_space<vmem>> -> memref<80xi32, #tpu.memory_space<vmem>>
    %dma_start3A_469 = arith.constant 0 : i32
    %dma_start3A_470 = arith.constant 0 : i32
    %dma_start3A_471 = tpu.memref_slice %arg12[%dma_start3A_469, %dma_start3A_470] : memref<10000x128xf32, #tpu.memory_space<vmem_shared>> -> memref<10000x128xf32, #tpu.memory_space<vmem_shared>>
    tpu.enqueue_indirect_dma source(%arg10 : memref<80x128xf32, #tpu.memory_space<vmem>>) target(%dma_start3A_471 : memref<10000x128xf32, #tpu.memory_space<vmem_shared>>) offsets(%dma_start3A_468 : memref<80xi32, #tpu.memory_space<vmem>>) semaphore(%arg17 : memref<!tpu.dma_semaphore, #tpu.memory_space<semaphore_mem>>) {add = true}
    %dma_start3A_472 = arith.constant 28 : i32
    %dma_start3A_473 = arith.constant 0 : i32
    %dma_start3A_474 = tpu.memref_slice %arg7[%dma_start3A_472, %dma_start3A_473] : memref<32x80xi32, #tpu.memory_space<vmem>> -> memref<1x80xi32, #tpu.memory_space<vmem>>
    %dma_start3A_475 = tpu.memref_squeeze %dma_start3A_474 : memref<1x80xi32, #tpu.memory_space<vmem>> -> memref<80xi32, #tpu.memory_space<vmem>>
    %dma_start3A_476 = arith.constant 0 : i32
    %dma_start3A_477 = arith.constant 0 : i32
    %dma_start3A_478 = tpu.memref_slice %arg20[%dma_start3A_476, %dma_start3A_477] : memref<10000x16xf32, #tpu.memory_space<vmem_shared>> -> memref<10000x16xf32, #tpu.memory_space<vmem_shared>>
    tpu.enqueue_indirect_dma source(%arg19 : memref<80x16xf32, #tpu.memory_space<vmem>>) target(%dma_start3A_478 : memref<10000x16xf32, #tpu.memory_space<vmem_shared>>) offsets(%dma_start3A_475 : memref<80xi32, #tpu.memory_space<vmem>>) semaphore(%arg21 : memref<!tpu.dma_semaphore, #tpu.memory_space<semaphore_mem>>) {add = true}
    %dma_wait3A_479 = arith.constant 29 : i32
    %dma_wait3A_480 = arith.constant 0 : i32
    %dma_wait3A_481 = tpu.memref_slice %arg7[%dma_wait3A_479, %dma_wait3A_480] : memref<32x80xi32, #tpu.memory_space<vmem>> -> memref<1x80xi32, #tpu.memory_space<vmem>>
    %dma_wait3A_482 = tpu.memref_squeeze %dma_wait3A_481 : memref<1x80xi32, #tpu.memory_space<vmem>> -> memref<80xi32, #tpu.memory_space<vmem>>
    %dma_wait3A_483 = arith.constant 0 : i32
    %dma_wait3A_484 = arith.constant 0 : i32
    %dma_wait3A_485 = tpu.memref_slice %arg2[%dma_wait3A_483, %dma_wait3A_484] : memref<10000x128xf32, #tpu.memory_space<hbm>> -> memref<10000x128xf32, #tpu.memory_space<hbm>>
    tpu.wait_indirect_dma semaphore(%arg15 : memref<!tpu.dma_semaphore, #tpu.memory_space<semaphore_mem>>) src(%dma_wait3A_485 : memref<10000x128xf32, #tpu.memory_space<hbm>>) dst(%arg11 : memref<80x128xf32, #tpu.memory_space<vmem>>)
    %dma_start3A_486 = arith.constant 29 : i32
    %dma_start3A_487 = arith.constant 0 : i32
    %dma_start3A_488 = tpu.memref_slice %arg8[%dma_start3A_486, %dma_start3A_487] : memref<32x80xi32, #tpu.memory_space<vmem>> -> memref<1x80xi32, #tpu.memory_space<vmem>>
    %dma_start3A_489 = tpu.memref_squeeze %dma_start3A_488 : memref<1x80xi32, #tpu.memory_space<vmem>> -> memref<80xi32, #tpu.memory_space<vmem>>
    %dma_start3A_490 = arith.constant 0 : i32
    %dma_start3A_491 = arith.constant 0 : i32
    %dma_start3A_492 = tpu.memref_slice %arg12[%dma_start3A_490, %dma_start3A_491] : memref<10000x128xf32, #tpu.memory_space<vmem_shared>> -> memref<10000x128xf32, #tpu.memory_space<vmem_shared>>
    tpu.enqueue_indirect_dma source(%arg11 : memref<80x128xf32, #tpu.memory_space<vmem>>) target(%dma_start3A_492 : memref<10000x128xf32, #tpu.memory_space<vmem_shared>>) offsets(%dma_start3A_489 : memref<80xi32, #tpu.memory_space<vmem>>) semaphore(%arg18 : memref<!tpu.dma_semaphore, #tpu.memory_space<semaphore_mem>>) {add = true}
    %dma_start3A_493 = arith.constant 29 : i32
    %dma_start3A_494 = arith.constant 0 : i32
    %dma_start3A_495 = tpu.memref_slice %arg7[%dma_start3A_493, %dma_start3A_494] : memref<32x80xi32, #tpu.memory_space<vmem>> -> memref<1x80xi32, #tpu.memory_space<vmem>>
    %dma_start3A_496 = tpu.memref_squeeze %dma_start3A_495 : memref<1x80xi32, #tpu.memory_space<vmem>> -> memref<80xi32, #tpu.memory_space<vmem>>
    %dma_start3A_497 = arith.constant 0 : i32
    %dma_start3A_498 = arith.constant 0 : i32
    %dma_start3A_499 = tpu.memref_slice %arg20[%dma_start3A_497, %dma_start3A_498] : memref<10000x16xf32, #tpu.memory_space<vmem_shared>> -> memref<10000x16xf32, #tpu.memory_space<vmem_shared>>
    tpu.enqueue_indirect_dma source(%arg19 : memref<80x16xf32, #tpu.memory_space<vmem>>) target(%dma_start3A_499 : memref<10000x16xf32, #tpu.memory_space<vmem_shared>>) offsets(%dma_start3A_496 : memref<80xi32, #tpu.memory_space<vmem>>) semaphore(%arg21 : memref<!tpu.dma_semaphore, #tpu.memory_space<semaphore_mem>>) {add = true}
    %dma_wait3A_500 = arith.constant 27 : i32
    %dma_wait3A_501 = arith.constant 0 : i32
    %dma_wait3A_502 = tpu.memref_slice %arg8[%dma_wait3A_500, %dma_wait3A_501] : memref<32x80xi32, #tpu.memory_space<vmem>> -> memref<1x80xi32, #tpu.memory_space<vmem>>
    %dma_wait3A_503 = tpu.memref_squeeze %dma_wait3A_502 : memref<1x80xi32, #tpu.memory_space<vmem>> -> memref<80xi32, #tpu.memory_space<vmem>>
    %dma_wait3A_504 = arith.constant 0 : i32
    %dma_wait3A_505 = arith.constant 0 : i32
    %dma_wait3A_506 = tpu.memref_slice %arg12[%dma_wait3A_504, %dma_wait3A_505] : memref<10000x128xf32, #tpu.memory_space<vmem_shared>> -> memref<10000x128xf32, #tpu.memory_space<vmem_shared>>
    tpu.wait_indirect_dma semaphore(%arg16 : memref<!tpu.dma_semaphore, #tpu.memory_space<semaphore_mem>>) src(%arg9 : memref<80x128xf32, #tpu.memory_space<vmem>>) dst(%dma_wait3A_506 : memref<10000x128xf32, #tpu.memory_space<vmem_shared>>)
    %dma_wait3A_507 = arith.constant 27 : i32
    %dma_wait3A_508 = arith.constant 0 : i32
    %dma_wait3A_509 = tpu.memref_slice %arg7[%dma_wait3A_507, %dma_wait3A_508] : memref<32x80xi32, #tpu.memory_space<vmem>> -> memref<1x80xi32, #tpu.memory_space<vmem>>
    %dma_wait3A_510 = tpu.memref_squeeze %dma_wait3A_509 : memref<1x80xi32, #tpu.memory_space<vmem>> -> memref<80xi32, #tpu.memory_space<vmem>>
    %dma_wait3A_511 = arith.constant 0 : i32
    %dma_wait3A_512 = arith.constant 0 : i32
    %dma_wait3A_513 = tpu.memref_slice %arg20[%dma_wait3A_511, %dma_wait3A_512] : memref<10000x16xf32, #tpu.memory_space<vmem_shared>> -> memref<10000x16xf32, #tpu.memory_space<vmem_shared>>
    tpu.wait_indirect_dma semaphore(%arg21 : memref<!tpu.dma_semaphore, #tpu.memory_space<semaphore_mem>>) src(%arg19 : memref<80x16xf32, #tpu.memory_space<vmem>>) dst(%dma_wait3A_513 : memref<10000x16xf32, #tpu.memory_space<vmem_shared>>)
    %dma_wait3A_514 = arith.constant 28 : i32
    %dma_wait3A_515 = arith.constant 0 : i32
    %dma_wait3A_516 = tpu.memref_slice %arg8[%dma_wait3A_514, %dma_wait3A_515] : memref<32x80xi32, #tpu.memory_space<vmem>> -> memref<1x80xi32, #tpu.memory_space<vmem>>
    %dma_wait3A_517 = tpu.memref_squeeze %dma_wait3A_516 : memref<1x80xi32, #tpu.memory_space<vmem>> -> memref<80xi32, #tpu.memory_space<vmem>>
    %dma_wait3A_518 = arith.constant 0 : i32
    %dma_wait3A_519 = arith.constant 0 : i32
    %dma_wait3A_520 = tpu.memref_slice %arg12[%dma_wait3A_518, %dma_wait3A_519] : memref<10000x128xf32, #tpu.memory_space<vmem_shared>> -> memref<10000x128xf32, #tpu.memory_space<vmem_shared>>
    tpu.wait_indirect_dma semaphore(%arg17 : memref<!tpu.dma_semaphore, #tpu.memory_space<semaphore_mem>>) src(%arg10 : memref<80x128xf32, #tpu.memory_space<vmem>>) dst(%dma_wait3A_520 : memref<10000x128xf32, #tpu.memory_space<vmem_shared>>)
    %dma_wait3A_521 = arith.constant 28 : i32
    %dma_wait3A_522 = arith.constant 0 : i32
    %dma_wait3A_523 = tpu.memref_slice %arg7[%dma_wait3A_521, %dma_wait3A_522] : memref<32x80xi32, #tpu.memory_space<vmem>> -> memref<1x80xi32, #tpu.memory_space<vmem>>
    %dma_wait3A_524 = tpu.memref_squeeze %dma_wait3A_523 : memref<1x80xi32, #tpu.memory_space<vmem>> -> memref<80xi32, #tpu.memory_space<vmem>>
    %dma_wait3A_525 = arith.constant 0 : i32
    %dma_wait3A_526 = arith.constant 0 : i32
    %dma_wait3A_527 = tpu.memref_slice %arg20[%dma_wait3A_525, %dma_wait3A_526] : memref<10000x16xf32, #tpu.memory_space<vmem_shared>> -> memref<10000x16xf32, #tpu.memory_space<vmem_shared>>
    tpu.wait_indirect_dma semaphore(%arg21 : memref<!tpu.dma_semaphore, #tpu.memory_space<semaphore_mem>>) src(%arg19 : memref<80x16xf32, #tpu.memory_space<vmem>>) dst(%dma_wait3A_527 : memref<10000x16xf32, #tpu.memory_space<vmem_shared>>)
    %dma_wait3A_528 = arith.constant 29 : i32
    %dma_wait3A_529 = arith.constant 0 : i32
    %dma_wait3A_530 = tpu.memref_slice %arg8[%dma_wait3A_528, %dma_wait3A_529] : memref<32x80xi32, #tpu.memory_space<vmem>> -> memref<1x80xi32, #tpu.memory_space<vmem>>
    %dma_wait3A_531 = tpu.memref_squeeze %dma_wait3A_530 : memref<1x80xi32, #tpu.memory_space<vmem>> -> memref<80xi32, #tpu.memory_space<vmem>>
    %dma_wait3A_532 = arith.constant 0 : i32
    %dma_wait3A_533 = arith.constant 0 : i32
    %dma_wait3A_534 = tpu.memref_slice %arg12[%dma_wait3A_532, %dma_wait3A_533] : memref<10000x128xf32, #tpu.memory_space<vmem_shared>> -> memref<10000x128xf32, #tpu.memory_space<vmem_shared>>
    tpu.wait_indirect_dma semaphore(%arg18 : memref<!tpu.dma_semaphore, #tpu.memory_space<semaphore_mem>>) src(%arg11 : memref<80x128xf32, #tpu.memory_space<vmem>>) dst(%dma_wait3A_534 : memref<10000x128xf32, #tpu.memory_space<vmem_shared>>)
    %dma_wait3A_535 = arith.constant 29 : i32
    %dma_wait3A_536 = arith.constant 0 : i32
    %dma_wait3A_537 = tpu.memref_slice %arg7[%dma_wait3A_535, %dma_wait3A_536] : memref<32x80xi32, #tpu.memory_space<vmem>> -> memref<1x80xi32, #tpu.memory_space<vmem>>
    %dma_wait3A_538 = tpu.memref_squeeze %dma_wait3A_537 : memref<1x80xi32, #tpu.memory_space<vmem>> -> memref<80xi32, #tpu.memory_space<vmem>>
    %dma_wait3A_539 = arith.constant 0 : i32
    %dma_wait3A_540 = arith.constant 0 : i32
    %dma_wait3A_541 = tpu.memref_slice %arg20[%dma_wait3A_539, %dma_wait3A_540] : memref<10000x16xf32, #tpu.memory_space<vmem_shared>> -> memref<10000x16xf32, #tpu.memory_space<vmem_shared>>
    tpu.wait_indirect_dma semaphore(%arg21 : memref<!tpu.dma_semaphore, #tpu.memory_space<semaphore_mem>>) src(%arg19 : memref<80x16xf32, #tpu.memory_space<vmem>>) dst(%dma_wait3A_541 : memref<10000x16xf32, #tpu.memory_space<vmem_shared>>)
    %dma_start3A_542 = arith.constant 30 : i32
    %dma_start3A_543 = arith.constant 0 : i32
    %dma_start3A_544 = tpu.memref_slice %arg7[%dma_start3A_542, %dma_start3A_543] : memref<32x80xi32, #tpu.memory_space<vmem>> -> memref<1x80xi32, #tpu.memory_space<vmem>>
    %dma_start3A_545 = tpu.memref_squeeze %dma_start3A_544 : memref<1x80xi32, #tpu.memory_space<vmem>> -> memref<80xi32, #tpu.memory_space<vmem>>
    %dma_start3A_546 = arith.constant 0 : i32
    %dma_start3A_547 = arith.constant 0 : i32
    %dma_start3A_548 = tpu.memref_slice %arg2[%dma_start3A_546, %dma_start3A_547] : memref<10000x128xf32, #tpu.memory_space<hbm>> -> memref<10000x128xf32, #tpu.memory_space<hbm>>
    tpu.enqueue_indirect_dma source(%dma_start3A_548 : memref<10000x128xf32, #tpu.memory_space<hbm>>) target(%arg9 : memref<80x128xf32, #tpu.memory_space<vmem>>) offsets(%dma_start3A_545 : memref<80xi32, #tpu.memory_space<vmem>>) semaphore(%arg13 : memref<!tpu.dma_semaphore, #tpu.memory_space<semaphore_mem>>)
    %dma_wait3A_549 = arith.constant 30 : i32
    %dma_wait3A_550 = arith.constant 0 : i32
    %dma_wait3A_551 = tpu.memref_slice %arg7[%dma_wait3A_549, %dma_wait3A_550] : memref<32x80xi32, #tpu.memory_space<vmem>> -> memref<1x80xi32, #tpu.memory_space<vmem>>
    %dma_wait3A_552 = tpu.memref_squeeze %dma_wait3A_551 : memref<1x80xi32, #tpu.memory_space<vmem>> -> memref<80xi32, #tpu.memory_space<vmem>>
    %dma_wait3A_553 = arith.constant 0 : i32
    %dma_wait3A_554 = arith.constant 0 : i32
    %dma_wait3A_555 = tpu.memref_slice %arg2[%dma_wait3A_553, %dma_wait3A_554] : memref<10000x128xf32, #tpu.memory_space<hbm>> -> memref<10000x128xf32, #tpu.memory_space<hbm>>
    tpu.wait_indirect_dma semaphore(%arg13 : memref<!tpu.dma_semaphore, #tpu.memory_space<semaphore_mem>>) src(%dma_wait3A_555 : memref<10000x128xf32, #tpu.memory_space<hbm>>) dst(%arg9 : memref<80x128xf32, #tpu.memory_space<vmem>>)
    %run_scoped3A_556 = arith.constant 30 : i32
    "tpu.region"() ({
      %run_scoped3A_790 = tpu.sem_alloc : memref<!tpu.dma_semaphore, #tpu.memory_space<semaphore_mem>>
      %dma_start3A_791 = arith.constant 0 : i32
      %dma_start3A_792 = tpu.memref_slice %arg8[%run_scoped3A_556, %dma_start3A_791] : memref<32x80xi32, #tpu.memory_space<vmem>> -> memref<1x80xi32, #tpu.memory_space<vmem>>
      %dma_start3A_793 = tpu.memref_squeeze %dma_start3A_792 : memref<1x80xi32, #tpu.memory_space<vmem>> -> memref<80xi32, #tpu.memory_space<vmem>>
      %dma_start3A_794 = arith.constant 0 : i32
      %dma_start3A_795 = arith.constant 0 : i32
      %dma_start3A_796 = tpu.memref_slice %arg12[%dma_start3A_794, %dma_start3A_795] : memref<10000x128xf32, #tpu.memory_space<vmem_shared>> -> memref<10000x128xf32, #tpu.memory_space<vmem_shared>>
      tpu.enqueue_indirect_dma source(%arg9 : memref<80x128xf32, #tpu.memory_space<vmem>>) target(%dma_start3A_796 : memref<10000x128xf32, #tpu.memory_space<vmem_shared>>) offsets(%dma_start3A_793 : memref<80xi32, #tpu.memory_space<vmem>>) semaphore(%run_scoped3A_790 : memref<!tpu.dma_semaphore, #tpu.memory_space<semaphore_mem>>) {add = true}
      %dma_wait3A_797 = arith.constant 0 : i32
      %dma_wait3A_798 = tpu.memref_slice %arg8[%run_scoped3A_556, %dma_wait3A_797] : memref<32x80xi32, #tpu.memory_space<vmem>> -> memref<1x80xi32, #tpu.memory_space<vmem>>
      %dma_wait3A_799 = tpu.memref_squeeze %dma_wait3A_798 : memref<1x80xi32, #tpu.memory_space<vmem>> -> memref<80xi32, #tpu.memory_space<vmem>>
      %dma_wait3A_800 = arith.constant 0 : i32
      %dma_wait3A_801 = arith.constant 0 : i32
      %dma_wait3A_802 = tpu.memref_slice %arg12[%dma_wait3A_800, %dma_wait3A_801] : memref<10000x128xf32, #tpu.memory_space<vmem_shared>> -> memref<10000x128xf32, #tpu.memory_space<vmem_shared>>
      tpu.wait_indirect_dma semaphore(%run_scoped3A_790 : memref<!tpu.dma_semaphore, #tpu.memory_space<semaphore_mem>>) src(%arg9 : memref<80x128xf32, #tpu.memory_space<vmem>>) dst(%dma_wait3A_802 : memref<10000x128xf32, #tpu.memory_space<vmem_shared>>)
      tpu.yield
    }) : () -> ()
    %dma_start3A_557 = arith.constant 30 : i32
    %dma_start3A_558 = arith.constant 0 : i32
    %dma_start3A_559 = tpu.memref_slice %arg7[%dma_start3A_557, %dma_start3A_558] : memref<32x80xi32, #tpu.memory_space<vmem>> -> memref<1x80xi32, #tpu.memory_space<vmem>>
    %dma_start3A_560 = tpu.memref_squeeze %dma_start3A_559 : memref<1x80xi32, #tpu.memory_space<vmem>> -> memref<80xi32, #tpu.memory_space<vmem>>
    %dma_start3A_561 = arith.constant 0 : i32
    %dma_start3A_562 = arith.constant 0 : i32
    %dma_start3A_563 = tpu.memref_slice %arg20[%dma_start3A_561, %dma_start3A_562] : memref<10000x16xf32, #tpu.memory_space<vmem_shared>> -> memref<10000x16xf32, #tpu.memory_space<vmem_shared>>
    tpu.enqueue_indirect_dma source(%arg19 : memref<80x16xf32, #tpu.memory_space<vmem>>) target(%dma_start3A_563 : memref<10000x16xf32, #tpu.memory_space<vmem_shared>>) offsets(%dma_start3A_560 : memref<80xi32, #tpu.memory_space<vmem>>) semaphore(%arg21 : memref<!tpu.dma_semaphore, #tpu.memory_space<semaphore_mem>>) {add = true}
    %dma_wait3A_564 = arith.constant 30 : i32
    %dma_wait3A_565 = arith.constant 0 : i32
    %dma_wait3A_566 = tpu.memref_slice %arg7[%dma_wait3A_564, %dma_wait3A_565] : memref<32x80xi32, #tpu.memory_space<vmem>> -> memref<1x80xi32, #tpu.memory_space<vmem>>
    %dma_wait3A_567 = tpu.memref_squeeze %dma_wait3A_566 : memref<1x80xi32, #tpu.memory_space<vmem>> -> memref<80xi32, #tpu.memory_space<vmem>>
    %dma_wait3A_568 = arith.constant 0 : i32
    %dma_wait3A_569 = arith.constant 0 : i32
    %dma_wait3A_570 = tpu.memref_slice %arg20[%dma_wait3A_568, %dma_wait3A_569] : memref<10000x16xf32, #tpu.memory_space<vmem_shared>> -> memref<10000x16xf32, #tpu.memory_space<vmem_shared>>
    tpu.wait_indirect_dma semaphore(%arg21 : memref<!tpu.dma_semaphore, #tpu.memory_space<semaphore_mem>>) src(%arg19 : memref<80x16xf32, #tpu.memory_space<vmem>>) dst(%dma_wait3A_570 : memref<10000x16xf32, #tpu.memory_space<vmem_shared>>)
    %dma_start3A_571 = arith.constant 31 : i32
    %dma_start3A_572 = arith.constant 0 : i32
    %dma_start3A_573 = tpu.memref_slice %arg7[%dma_start3A_571, %dma_start3A_572] : memref<32x80xi32, #tpu.memory_space<vmem>> -> memref<1x80xi32, #tpu.memory_space<vmem>>
    %dma_start3A_574 = tpu.memref_squeeze %dma_start3A_573 : memref<1x80xi32, #tpu.memory_space<vmem>> -> memref<80xi32, #tpu.memory_space<vmem>>
    %dma_start3A_575 = arith.constant 0 : i32
    %dma_start3A_576 = arith.constant 0 : i32
    %dma_start3A_577 = tpu.memref_slice %arg2[%dma_start3A_575, %dma_start3A_576] : memref<10000x128xf32, #tpu.memory_space<hbm>> -> memref<10000x128xf32, #tpu.memory_space<hbm>>
    tpu.enqueue_indirect_dma source(%dma_start3A_577 : memref<10000x128xf32, #tpu.memory_space<hbm>>) target(%arg9 : memref<80x128xf32, #tpu.memory_space<vmem>>) offsets(%dma_start3A_574 : memref<80xi32, #tpu.memory_space<vmem>>) semaphore(%arg13 : memref<!tpu.dma_semaphore, #tpu.memory_space<semaphore_mem>>)
    %dma_wait3A_578 = arith.constant 31 : i32
    %dma_wait3A_579 = arith.constant 0 : i32
    %dma_wait3A_580 = tpu.memref_slice %arg7[%dma_wait3A_578, %dma_wait3A_579] : memref<32x80xi32, #tpu.memory_space<vmem>> -> memref<1x80xi32, #tpu.memory_space<vmem>>
    %dma_wait3A_581 = tpu.memref_squeeze %dma_wait3A_580 : memref<1x80xi32, #tpu.memory_space<vmem>> -> memref<80xi32, #tpu.memory_space<vmem>>
    %dma_wait3A_582 = arith.constant 0 : i32
    %dma_wait3A_583 = arith.constant 0 : i32
    %dma_wait3A_584 = tpu.memref_slice %arg2[%dma_wait3A_582, %dma_wait3A_583] : memref<10000x128xf32, #tpu.memory_space<hbm>> -> memref<10000x128xf32, #tpu.memory_space<hbm>>
    tpu.wait_indirect_dma semaphore(%arg13 : memref<!tpu.dma_semaphore, #tpu.memory_space<semaphore_mem>>) src(%dma_wait3A_584 : memref<10000x128xf32, #tpu.memory_space<hbm>>) dst(%arg9 : memref<80x128xf32, #tpu.memory_space<vmem>>)
    %run_scoped3A_585 = arith.constant 31 : i32
    "tpu.region"() ({
      %run_scoped3A_790 = tpu.sem_alloc : memref<!tpu.dma_semaphore, #tpu.memory_space<semaphore_mem>>
      %dma_start3A_791 = arith.constant 0 : i32
      %dma_start3A_792 = tpu.memref_slice %arg8[%run_scoped3A_585, %dma_start3A_791] : memref<32x80xi32, #tpu.memory_space<vmem>> -> memref<1x80xi32, #tpu.memory_space<vmem>>
      %dma_start3A_793 = tpu.memref_squeeze %dma_start3A_792 : memref<1x80xi32, #tpu.memory_space<vmem>> -> memref<80xi32, #tpu.memory_space<vmem>>
      %dma_start3A_794 = arith.constant 0 : i32
      %dma_start3A_795 = arith.constant 0 : i32
      %dma_start3A_796 = tpu.memref_slice %arg12[%dma_start3A_794, %dma_start3A_795] : memref<10000x128xf32, #tpu.memory_space<vmem_shared>> -> memref<10000x128xf32, #tpu.memory_space<vmem_shared>>
      tpu.enqueue_indirect_dma source(%arg9 : memref<80x128xf32, #tpu.memory_space<vmem>>) target(%dma_start3A_796 : memref<10000x128xf32, #tpu.memory_space<vmem_shared>>) offsets(%dma_start3A_793 : memref<80xi32, #tpu.memory_space<vmem>>) semaphore(%run_scoped3A_790 : memref<!tpu.dma_semaphore, #tpu.memory_space<semaphore_mem>>) {add = true}
      %dma_wait3A_797 = arith.constant 0 : i32
      %dma_wait3A_798 = tpu.memref_slice %arg8[%run_scoped3A_585, %dma_wait3A_797] : memref<32x80xi32, #tpu.memory_space<vmem>> -> memref<1x80xi32, #tpu.memory_space<vmem>>
      %dma_wait3A_799 = tpu.memref_squeeze %dma_wait3A_798 : memref<1x80xi32, #tpu.memory_space<vmem>> -> memref<80xi32, #tpu.memory_space<vmem>>
      %dma_wait3A_800 = arith.constant 0 : i32
      %dma_wait3A_801 = arith.constant 0 : i32
      %dma_wait3A_802 = tpu.memref_slice %arg12[%dma_wait3A_800, %dma_wait3A_801] : memref<10000x128xf32, #tpu.memory_space<vmem_shared>> -> memref<10000x128xf32, #tpu.memory_space<vmem_shared>>
      tpu.wait_indirect_dma semaphore(%run_scoped3A_790 : memref<!tpu.dma_semaphore, #tpu.memory_space<semaphore_mem>>) src(%arg9 : memref<80x128xf32, #tpu.memory_space<vmem>>) dst(%dma_wait3A_802 : memref<10000x128xf32, #tpu.memory_space<vmem_shared>>)
      tpu.yield
    }) : () -> ()
    %dma_start3A_586 = arith.constant 31 : i32
    %dma_start3A_587 = arith.constant 0 : i32
    %dma_start3A_588 = tpu.memref_slice %arg7[%dma_start3A_586, %dma_start3A_587] : memref<32x80xi32, #tpu.memory_space<vmem>> -> memref<1x80xi32, #tpu.memory_space<vmem>>
    %dma_start3A_589 = tpu.memref_squeeze %dma_start3A_588 : memref<1x80xi32, #tpu.memory_space<vmem>> -> memref<80xi32, #tpu.memory_space<vmem>>
    %dma_start3A_590 = arith.constant 0 : i32
    %dma_start3A_591 = arith.constant 0 : i32
    %dma_start3A_592 = tpu.memref_slice %arg20[%dma_start3A_590, %dma_start3A_591] : memref<10000x16xf32, #tpu.memory_space<vmem_shared>> -> memref<10000x16xf32, #tpu.memory_space<vmem_shared>>
    tpu.enqueue_indirect_dma source(%arg19 : memref<80x16xf32, #tpu.memory_space<vmem>>) target(%dma_start3A_592 : memref<10000x16xf32, #tpu.memory_space<vmem_shared>>) offsets(%dma_start3A_589 : memref<80xi32, #tpu.memory_space<vmem>>) semaphore(%arg21 : memref<!tpu.dma_semaphore, #tpu.memory_space<semaphore_mem>>) {add = true}
    %dma_wait3A_593 = arith.constant 31 : i32
    %dma_wait3A_594 = arith.constant 0 : i32
    %dma_wait3A_595 = tpu.memref_slice %arg7[%dma_wait3A_593, %dma_wait3A_594] : memref<32x80xi32, #tpu.memory_space<vmem>> -> memref<1x80xi32, #tpu.memory_space<vmem>>
    %dma_wait3A_596 = tpu.memref_squeeze %dma_wait3A_595 : memref<1x80xi32, #tpu.memory_space<vmem>> -> memref<80xi32, #tpu.memory_space<vmem>>
    %dma_wait3A_597 = arith.constant 0 : i32
    %dma_wait3A_598 = arith.constant 0 : i32
    %dma_wait3A_599 = tpu.memref_slice %arg20[%dma_wait3A_597, %dma_wait3A_598] : memref<10000x16xf32, #tpu.memory_space<vmem_shared>> -> memref<10000x16xf32, #tpu.memory_space<vmem_shared>>
    tpu.wait_indirect_dma semaphore(%arg21 : memref<!tpu.dma_semaphore, #tpu.memory_space<semaphore_mem>>) src(%arg19 : memref<80x16xf32, #tpu.memory_space<vmem>>) dst(%dma_wait3A_599 : memref<10000x16xf32, #tpu.memory_space<vmem_shared>>)
    "tpu.region"() ({
      %run_scoped3A_790 = tpu.sem_alloc : memref<!tpu.dma_semaphore, #tpu.memory_space<semaphore_mem>>
      %dma_start3A_791 = arith.constant 93 : i32
      %dma_start3A_792 = arith.constant 0 : i32
      %dma_start3A_793 = tpu.memref_slice %arg3[%add3A, %dma_start3A_791, %dma_start3A_792] : memref<32x125x80xi32, #tpu.memory_space<hbm>> -> memref<1x32x80xi32, #tpu.memory_space<hbm>>
      %dma_start3A_794 = tpu.memref_squeeze %dma_start3A_793 : memref<1x32x80xi32, #tpu.memory_space<hbm>> -> memref<32x80xi32, #tpu.memory_space<hbm>>
      %dma_start3A_795 = arith.constant 93 : i32
      %dma_start3A_796 = arith.constant 0 : i32
      %dma_start3A_797 = tpu.memref_slice %arg3[%add3A, %dma_start3A_795, %dma_start3A_796] : memref<32x125x80xi32, #tpu.memory_space<hbm>> -> memref<1x32x80xi32, #tpu.memory_space<hbm>>
      %dma_start3A_798 = tpu.memref_squeeze %dma_start3A_797 : memref<1x32x80xi32, #tpu.memory_space<hbm>> -> memref<32x80xi32, #tpu.memory_space<hbm>>
      tpu.enqueue_dma source(%dma_start3A_798 : memref<32x80xi32, #tpu.memory_space<hbm>>) target(%arg7 : memref<32x80xi32, #tpu.memory_space<vmem>>) target_semaphore(%run_scoped3A_790 : memref<!tpu.dma_semaphore, #tpu.memory_space<semaphore_mem>>)
      %dma_wait3A_799 = arith.constant 93 : i32
      %dma_wait3A_800 = arith.constant 0 : i32
      %dma_wait3A_801 = tpu.memref_slice %arg3[%add3A, %dma_wait3A_799, %dma_wait3A_800] : memref<32x125x80xi32, #tpu.memory_space<hbm>> -> memref<1x32x80xi32, #tpu.memory_space<hbm>>
      %dma_wait3A_802 = tpu.memref_squeeze %dma_wait3A_801 : memref<1x32x80xi32, #tpu.memory_space<hbm>> -> memref<32x80xi32, #tpu.memory_space<hbm>>
      %dma_wait3A_803 = arith.constant 93 : i32
      %dma_wait3A_804 = arith.constant 0 : i32
      %dma_wait3A_805 = tpu.memref_slice %arg3[%add3A, %dma_wait3A_803, %dma_wait3A_804] : memref<32x125x80xi32, #tpu.memory_space<hbm>> -> memref<1x32x80xi32, #tpu.memory_space<hbm>>
      %dma_wait3A_806 = tpu.memref_squeeze %dma_wait3A_805 : memref<1x32x80xi32, #tpu.memory_space<hbm>> -> memref<32x80xi32, #tpu.memory_space<hbm>>
      tpu.wait_dma2 semaphore(%run_scoped3A_790 : memref<!tpu.dma_semaphore, #tpu.memory_space<semaphore_mem>>) src(%dma_wait3A_806 : memref<32x80xi32, #tpu.memory_space<hbm>>) dst(%arg7 : memref<32x80xi32, #tpu.memory_space<vmem>>)
      tpu.yield
    }) : () -> ()
    "tpu.region"() ({
      %run_scoped3A_790 = tpu.sem_alloc : memref<!tpu.dma_semaphore, #tpu.memory_space<semaphore_mem>>
      %dma_start3A_791 = arith.constant 93 : i32
      %dma_start3A_792 = arith.constant 0 : i32
      %dma_start3A_793 = tpu.memref_slice %arg4[%add3A, %dma_start3A_791, %dma_start3A_792] : memref<32x125x80xi32, #tpu.memory_space<hbm>> -> memref<1x32x80xi32, #tpu.memory_space<hbm>>
      %dma_start3A_794 = tpu.memref_squeeze %dma_start3A_793 : memref<1x32x80xi32, #tpu.memory_space<hbm>> -> memref<32x80xi32, #tpu.memory_space<hbm>>
      %dma_start3A_795 = arith.constant 93 : i32
      %dma_start3A_796 = arith.constant 0 : i32
      %dma_start3A_797 = tpu.memref_slice %arg4[%add3A, %dma_start3A_795, %dma_start3A_796] : memref<32x125x80xi32, #tpu.memory_space<hbm>> -> memref<1x32x80xi32, #tpu.memory_space<hbm>>
      %dma_start3A_798 = tpu.memref_squeeze %dma_start3A_797 : memref<1x32x80xi32, #tpu.memory_space<hbm>> -> memref<32x80xi32, #tpu.memory_space<hbm>>
      tpu.enqueue_dma source(%dma_start3A_798 : memref<32x80xi32, #tpu.memory_space<hbm>>) target(%arg8 : memref<32x80xi32, #tpu.memory_space<vmem>>) target_semaphore(%run_scoped3A_790 : memref<!tpu.dma_semaphore, #tpu.memory_space<semaphore_mem>>)
      %dma_wait3A_799 = arith.constant 93 : i32
      %dma_wait3A_800 = arith.constant 0 : i32
      %dma_wait3A_801 = tpu.memref_slice %arg4[%add3A, %dma_wait3A_799, %dma_wait3A_800] : memref<32x125x80xi32, #tpu.memory_space<hbm>> -> memref<1x32x80xi32, #tpu.memory_space<hbm>>
      %dma_wait3A_802 = tpu.memref_squeeze %dma_wait3A_801 : memref<1x32x80xi32, #tpu.memory_space<hbm>> -> memref<32x80xi32, #tpu.memory_space<hbm>>
      %dma_wait3A_803 = arith.constant 93 : i32
      %dma_wait3A_804 = arith.constant 0 : i32
      %dma_wait3A_805 = tpu.memref_slice %arg4[%add3A, %dma_wait3A_803, %dma_wait3A_804] : memref<32x125x80xi32, #tpu.memory_space<hbm>> -> memref<1x32x80xi32, #tpu.memory_space<hbm>>
      %dma_wait3A_806 = tpu.memref_squeeze %dma_wait3A_805 : memref<1x32x80xi32, #tpu.memory_space<hbm>> -> memref<32x80xi32, #tpu.memory_space<hbm>>
      tpu.wait_dma2 semaphore(%run_scoped3A_790 : memref<!tpu.dma_semaphore, #tpu.memory_space<semaphore_mem>>) src(%dma_wait3A_806 : memref<32x80xi32, #tpu.memory_space<hbm>>) dst(%arg8 : memref<32x80xi32, #tpu.memory_space<vmem>>)
      tpu.yield
    }) : () -> ()
    %dma_start3A_600 = arith.constant 3 : i32
    %dma_start3A_601 = arith.constant 0 : i32
    %dma_start3A_602 = tpu.memref_slice %arg7[%dma_start3A_600, %dma_start3A_601] : memref<32x80xi32, #tpu.memory_space<vmem>> -> memref<1x80xi32, #tpu.memory_space<vmem>>
    %dma_start3A_603 = tpu.memref_squeeze %dma_start3A_602 : memref<1x80xi32, #tpu.memory_space<vmem>> -> memref<80xi32, #tpu.memory_space<vmem>>
    %dma_start3A_604 = arith.constant 0 : i32
    %dma_start3A_605 = arith.constant 0 : i32
    %dma_start3A_606 = tpu.memref_slice %arg2[%dma_start3A_604, %dma_start3A_605] : memref<10000x128xf32, #tpu.memory_space<hbm>> -> memref<10000x128xf32, #tpu.memory_space<hbm>>
    tpu.enqueue_indirect_dma source(%dma_start3A_606 : memref<10000x128xf32, #tpu.memory_space<hbm>>) target(%arg9 : memref<80x128xf32, #tpu.memory_space<vmem>>) offsets(%dma_start3A_603 : memref<80xi32, #tpu.memory_space<vmem>>) semaphore(%arg13 : memref<!tpu.dma_semaphore, #tpu.memory_space<semaphore_mem>>)
    %dma_start3A_607 = arith.constant 4 : i32
    %dma_start3A_608 = arith.constant 0 : i32
    %dma_start3A_609 = tpu.memref_slice %arg7[%dma_start3A_607, %dma_start3A_608] : memref<32x80xi32, #tpu.memory_space<vmem>> -> memref<1x80xi32, #tpu.memory_space<vmem>>
    %dma_start3A_610 = tpu.memref_squeeze %dma_start3A_609 : memref<1x80xi32, #tpu.memory_space<vmem>> -> memref<80xi32, #tpu.memory_space<vmem>>
    %dma_start3A_611 = arith.constant 0 : i32
    %dma_start3A_612 = arith.constant 0 : i32
    %dma_start3A_613 = tpu.memref_slice %arg2[%dma_start3A_611, %dma_start3A_612] : memref<10000x128xf32, #tpu.memory_space<hbm>> -> memref<10000x128xf32, #tpu.memory_space<hbm>>
    tpu.enqueue_indirect_dma source(%dma_start3A_613 : memref<10000x128xf32, #tpu.memory_space<hbm>>) target(%arg10 : memref<80x128xf32, #tpu.memory_space<vmem>>) offsets(%dma_start3A_610 : memref<80xi32, #tpu.memory_space<vmem>>) semaphore(%arg14 : memref<!tpu.dma_semaphore, #tpu.memory_space<semaphore_mem>>)
    %dma_start3A_614 = arith.constant 5 : i32
    %dma_start3A_615 = arith.constant 0 : i32
    %dma_start3A_616 = tpu.memref_slice %arg7[%dma_start3A_614, %dma_start3A_615] : memref<32x80xi32, #tpu.memory_space<vmem>> -> memref<1x80xi32, #tpu.memory_space<vmem>>
    %dma_start3A_617 = tpu.memref_squeeze %dma_start3A_616 : memref<1x80xi32, #tpu.memory_space<vmem>> -> memref<80xi32, #tpu.memory_space<vmem>>
    %dma_start3A_618 = arith.constant 0 : i32
    %dma_start3A_619 = arith.constant 0 : i32
    %dma_start3A_620 = tpu.memref_slice %arg2[%dma_start3A_618, %dma_start3A_619] : memref<10000x128xf32, #tpu.memory_space<hbm>> -> memref<10000x128xf32, #tpu.memory_space<hbm>>
    tpu.enqueue_indirect_dma source(%dma_start3A_620 : memref<10000x128xf32, #tpu.memory_space<hbm>>) target(%arg11 : memref<80x128xf32, #tpu.memory_space<vmem>>) offsets(%dma_start3A_617 : memref<80xi32, #tpu.memory_space<vmem>>) semaphore(%arg15 : memref<!tpu.dma_semaphore, #tpu.memory_space<semaphore_mem>>)
    %scan3A_621 = arith.constant 0 : i32
    %scan3A_622 = arith.constant 8 : i32
    %scan3A_623 = arith.addi %scan3A_621, %scan3A_622 : i32
    %scan3A_624 = arith.constant 1 : i32
    scf.for %scan3A_790 = %scan3A_621 to %scan3A_623 step %scan3A_624  : i32 {
      %mul3A_791 = arith.constant 1 : i32
      %mul3A_792 = arith.muli %scan3A_790, %mul3A_791 : i32
      %add3A_793 = arith.constant 0 : i32
      %add3A_794 = arith.addi %add3A_793, %mul3A_792 : i32
      %mul3A_795 = arith.constant 3 : i32
      %mul3A_796 = arith.muli %mul3A_795, %add3A_794 : i32
      %add3A_797 = arith.constant 3 : i32
      %add3A_798 = arith.addi %add3A_797, %mul3A_796 : i32
      %add3A_799 = arith.constant 0 : i32
      %add3A_800 = arith.addi %add3A_798, %add3A_799 : i32
      %dma_wait3A_801 = arith.constant 0 : i32
      %dma_wait3A_802 = tpu.memref_slice %arg7[%add3A_800, %dma_wait3A_801] : memref<32x80xi32, #tpu.memory_space<vmem>> -> memref<1x80xi32, #tpu.memory_space<vmem>>
      %dma_wait3A_803 = tpu.memref_squeeze %dma_wait3A_802 : memref<1x80xi32, #tpu.memory_space<vmem>> -> memref<80xi32, #tpu.memory_space<vmem>>
      %dma_wait3A_804 = arith.constant 0 : i32
      %dma_wait3A_805 = arith.constant 0 : i32
      %dma_wait3A_806 = tpu.memref_slice %arg2[%dma_wait3A_804, %dma_wait3A_805] : memref<10000x128xf32, #tpu.memory_space<hbm>> -> memref<10000x128xf32, #tpu.memory_space<hbm>>
      tpu.wait_indirect_dma semaphore(%arg13 : memref<!tpu.dma_semaphore, #tpu.memory_space<semaphore_mem>>) src(%dma_wait3A_806 : memref<10000x128xf32, #tpu.memory_space<hbm>>) dst(%arg9 : memref<80x128xf32, #tpu.memory_space<vmem>>)
      %add3A_807 = arith.constant 0 : i32
      %add3A_808 = arith.addi %add3A_798, %add3A_807 : i32
      %dma_start3A_809 = arith.constant 0 : i32
      %dma_start3A_810 = tpu.memref_slice %arg8[%add3A_808, %dma_start3A_809] : memref<32x80xi32, #tpu.memory_space<vmem>> -> memref<1x80xi32, #tpu.memory_space<vmem>>
      %dma_start3A_811 = tpu.memref_squeeze %dma_start3A_810 : memref<1x80xi32, #tpu.memory_space<vmem>> -> memref<80xi32, #tpu.memory_space<vmem>>
      %dma_start3A_812 = arith.constant 0 : i32
      %dma_start3A_813 = arith.constant 0 : i32
      %dma_start3A_814 = tpu.memref_slice %arg12[%dma_start3A_812, %dma_start3A_813] : memref<10000x128xf32, #tpu.memory_space<vmem_shared>> -> memref<10000x128xf32, #tpu.memory_space<vmem_shared>>
      tpu.enqueue_indirect_dma source(%arg9 : memref<80x128xf32, #tpu.memory_space<vmem>>) target(%dma_start3A_814 : memref<10000x128xf32, #tpu.memory_space<vmem_shared>>) offsets(%dma_start3A_811 : memref<80xi32, #tpu.memory_space<vmem>>) semaphore(%arg16 : memref<!tpu.dma_semaphore, #tpu.memory_space<semaphore_mem>>) {add = true}
      %add3A_815 = arith.constant 0 : i32
      %add3A_816 = arith.addi %add3A_798, %add3A_815 : i32
      %dma_start3A_817 = arith.constant 0 : i32
      %dma_start3A_818 = tpu.memref_slice %arg7[%add3A_816, %dma_start3A_817] : memref<32x80xi32, #tpu.memory_space<vmem>> -> memref<1x80xi32, #tpu.memory_space<vmem>>
      %dma_start3A_819 = tpu.memref_squeeze %dma_start3A_818 : memref<1x80xi32, #tpu.memory_space<vmem>> -> memref<80xi32, #tpu.memory_space<vmem>>
      %dma_start3A_820 = arith.constant 0 : i32
      %dma_start3A_821 = arith.constant 0 : i32
      %dma_start3A_822 = tpu.memref_slice %arg20[%dma_start3A_820, %dma_start3A_821] : memref<10000x16xf32, #tpu.memory_space<vmem_shared>> -> memref<10000x16xf32, #tpu.memory_space<vmem_shared>>
      tpu.enqueue_indirect_dma source(%arg19 : memref<80x16xf32, #tpu.memory_space<vmem>>) target(%dma_start3A_822 : memref<10000x16xf32, #tpu.memory_space<vmem_shared>>) offsets(%dma_start3A_819 : memref<80xi32, #tpu.memory_space<vmem>>) semaphore(%arg21 : memref<!tpu.dma_semaphore, #tpu.memory_space<semaphore_mem>>) {add = true}
      %add3A_823 = arith.constant 1 : i32
      %add3A_824 = arith.addi %add3A_798, %add3A_823 : i32
      %dma_wait3A_825 = arith.constant 0 : i32
      %dma_wait3A_826 = tpu.memref_slice %arg7[%add3A_824, %dma_wait3A_825] : memref<32x80xi32, #tpu.memory_space<vmem>> -> memref<1x80xi32, #tpu.memory_space<vmem>>
      %dma_wait3A_827 = tpu.memref_squeeze %dma_wait3A_826 : memref<1x80xi32, #tpu.memory_space<vmem>> -> memref<80xi32, #tpu.memory_space<vmem>>
      %dma_wait3A_828 = arith.constant 0 : i32
      %dma_wait3A_829 = arith.constant 0 : i32
      %dma_wait3A_830 = tpu.memref_slice %arg2[%dma_wait3A_828, %dma_wait3A_829] : memref<10000x128xf32, #tpu.memory_space<hbm>> -> memref<10000x128xf32, #tpu.memory_space<hbm>>
      tpu.wait_indirect_dma semaphore(%arg14 : memref<!tpu.dma_semaphore, #tpu.memory_space<semaphore_mem>>) src(%dma_wait3A_830 : memref<10000x128xf32, #tpu.memory_space<hbm>>) dst(%arg10 : memref<80x128xf32, #tpu.memory_space<vmem>>)
      %add3A_831 = arith.constant 1 : i32
      %add3A_832 = arith.addi %add3A_798, %add3A_831 : i32
      %dma_start3A_833 = arith.constant 0 : i32
      %dma_start3A_834 = tpu.memref_slice %arg8[%add3A_832, %dma_start3A_833] : memref<32x80xi32, #tpu.memory_space<vmem>> -> memref<1x80xi32, #tpu.memory_space<vmem>>
      %dma_start3A_835 = tpu.memref_squeeze %dma_start3A_834 : memref<1x80xi32, #tpu.memory_space<vmem>> -> memref<80xi32, #tpu.memory_space<vmem>>
      %dma_start3A_836 = arith.constant 0 : i32
      %dma_start3A_837 = arith.constant 0 : i32
      %dma_start3A_838 = tpu.memref_slice %arg12[%dma_start3A_836, %dma_start3A_837] : memref<10000x128xf32, #tpu.memory_space<vmem_shared>> -> memref<10000x128xf32, #tpu.memory_space<vmem_shared>>
      tpu.enqueue_indirect_dma source(%arg10 : memref<80x128xf32, #tpu.memory_space<vmem>>) target(%dma_start3A_838 : memref<10000x128xf32, #tpu.memory_space<vmem_shared>>) offsets(%dma_start3A_835 : memref<80xi32, #tpu.memory_space<vmem>>) semaphore(%arg17 : memref<!tpu.dma_semaphore, #tpu.memory_space<semaphore_mem>>) {add = true}
      %add3A_839 = arith.constant 1 : i32
      %add3A_840 = arith.addi %add3A_798, %add3A_839 : i32
      %dma_start3A_841 = arith.constant 0 : i32
      %dma_start3A_842 = tpu.memref_slice %arg7[%add3A_840, %dma_start3A_841] : memref<32x80xi32, #tpu.memory_space<vmem>> -> memref<1x80xi32, #tpu.memory_space<vmem>>
      %dma_start3A_843 = tpu.memref_squeeze %dma_start3A_842 : memref<1x80xi32, #tpu.memory_space<vmem>> -> memref<80xi32, #tpu.memory_space<vmem>>
      %dma_start3A_844 = arith.constant 0 : i32
      %dma_start3A_845 = arith.constant 0 : i32
      %dma_start3A_846 = tpu.memref_slice %arg20[%dma_start3A_844, %dma_start3A_845] : memref<10000x16xf32, #tpu.memory_space<vmem_shared>> -> memref<10000x16xf32, #tpu.memory_space<vmem_shared>>
      tpu.enqueue_indirect_dma source(%arg19 : memref<80x16xf32, #tpu.memory_space<vmem>>) target(%dma_start3A_846 : memref<10000x16xf32, #tpu.memory_space<vmem_shared>>) offsets(%dma_start3A_843 : memref<80xi32, #tpu.memory_space<vmem>>) semaphore(%arg21 : memref<!tpu.dma_semaphore, #tpu.memory_space<semaphore_mem>>) {add = true}
      %add3A_847 = arith.constant 2 : i32
      %add3A_848 = arith.addi %add3A_798, %add3A_847 : i32
      %dma_wait3A_849 = arith.constant 0 : i32
      %dma_wait3A_850 = tpu.memref_slice %arg7[%add3A_848, %dma_wait3A_849] : memref<32x80xi32, #tpu.memory_space<vmem>> -> memref<1x80xi32, #tpu.memory_space<vmem>>
      %dma_wait3A_851 = tpu.memref_squeeze %dma_wait3A_850 : memref<1x80xi32, #tpu.memory_space<vmem>> -> memref<80xi32, #tpu.memory_space<vmem>>
      %dma_wait3A_852 = arith.constant 0 : i32
      %dma_wait3A_853 = arith.constant 0 : i32
      %dma_wait3A_854 = tpu.memref_slice %arg2[%dma_wait3A_852, %dma_wait3A_853] : memref<10000x128xf32, #tpu.memory_space<hbm>> -> memref<10000x128xf32, #tpu.memory_space<hbm>>
      tpu.wait_indirect_dma semaphore(%arg15 : memref<!tpu.dma_semaphore, #tpu.memory_space<semaphore_mem>>) src(%dma_wait3A_854 : memref<10000x128xf32, #tpu.memory_space<hbm>>) dst(%arg11 : memref<80x128xf32, #tpu.memory_space<vmem>>)
      %add3A_855 = arith.constant 2 : i32
      %add3A_856 = arith.addi %add3A_798, %add3A_855 : i32
      %dma_start3A_857 = arith.constant 0 : i32
      %dma_start3A_858 = tpu.memref_slice %arg8[%add3A_856, %dma_start3A_857] : memref<32x80xi32, #tpu.memory_space<vmem>> -> memref<1x80xi32, #tpu.memory_space<vmem>>
      %dma_start3A_859 = tpu.memref_squeeze %dma_start3A_858 : memref<1x80xi32, #tpu.memory_space<vmem>> -> memref<80xi32, #tpu.memory_space<vmem>>
      %dma_start3A_860 = arith.constant 0 : i32
      %dma_start3A_861 = arith.constant 0 : i32
      %dma_start3A_862 = tpu.memref_slice %arg12[%dma_start3A_860, %dma_start3A_861] : memref<10000x128xf32, #tpu.memory_space<vmem_shared>> -> memref<10000x128xf32, #tpu.memory_space<vmem_shared>>
      tpu.enqueue_indirect_dma source(%arg11 : memref<80x128xf32, #tpu.memory_space<vmem>>) target(%dma_start3A_862 : memref<10000x128xf32, #tpu.memory_space<vmem_shared>>) offsets(%dma_start3A_859 : memref<80xi32, #tpu.memory_space<vmem>>) semaphore(%arg18 : memref<!tpu.dma_semaphore, #tpu.memory_space<semaphore_mem>>) {add = true}
      %add3A_863 = arith.constant 2 : i32
      %add3A_864 = arith.addi %add3A_798, %add3A_863 : i32
      %dma_start3A_865 = arith.constant 0 : i32
      %dma_start3A_866 = tpu.memref_slice %arg7[%add3A_864, %dma_start3A_865] : memref<32x80xi32, #tpu.memory_space<vmem>> -> memref<1x80xi32, #tpu.memory_space<vmem>>
      %dma_start3A_867 = tpu.memref_squeeze %dma_start3A_866 : memref<1x80xi32, #tpu.memory_space<vmem>> -> memref<80xi32, #tpu.memory_space<vmem>>
      %dma_start3A_868 = arith.constant 0 : i32
      %dma_start3A_869 = arith.constant 0 : i32
      %dma_start3A_870 = tpu.memref_slice %arg20[%dma_start3A_868, %dma_start3A_869] : memref<10000x16xf32, #tpu.memory_space<vmem_shared>> -> memref<10000x16xf32, #tpu.memory_space<vmem_shared>>
      tpu.enqueue_indirect_dma source(%arg19 : memref<80x16xf32, #tpu.memory_space<vmem>>) target(%dma_start3A_870 : memref<10000x16xf32, #tpu.memory_space<vmem_shared>>) offsets(%dma_start3A_867 : memref<80xi32, #tpu.memory_space<vmem>>) semaphore(%arg21 : memref<!tpu.dma_semaphore, #tpu.memory_space<semaphore_mem>>) {add = true}
      %add3A_871 = arith.constant 0 : i32
      %add3A_872 = arith.addi %add3A_798, %add3A_871 : i32
      %dma_wait3A_873 = arith.constant 0 : i32
      %dma_wait3A_874 = tpu.memref_slice %arg8[%add3A_872, %dma_wait3A_873] : memref<32x80xi32, #tpu.memory_space<vmem>> -> memref<1x80xi32, #tpu.memory_space<vmem>>
      %dma_wait3A_875 = tpu.memref_squeeze %dma_wait3A_874 : memref<1x80xi32, #tpu.memory_space<vmem>> -> memref<80xi32, #tpu.memory_space<vmem>>
      %dma_wait3A_876 = arith.constant 0 : i32
      %dma_wait3A_877 = arith.constant 0 : i32
      %dma_wait3A_878 = tpu.memref_slice %arg12[%dma_wait3A_876, %dma_wait3A_877] : memref<10000x128xf32, #tpu.memory_space<vmem_shared>> -> memref<10000x128xf32, #tpu.memory_space<vmem_shared>>
      tpu.wait_indirect_dma semaphore(%arg16 : memref<!tpu.dma_semaphore, #tpu.memory_space<semaphore_mem>>) src(%arg9 : memref<80x128xf32, #tpu.memory_space<vmem>>) dst(%dma_wait3A_878 : memref<10000x128xf32, #tpu.memory_space<vmem_shared>>)
      %add3A_879 = arith.constant 0 : i32
      %add3A_880 = arith.addi %add3A_798, %add3A_879 : i32
      %dma_wait3A_881 = arith.constant 0 : i32
      %dma_wait3A_882 = tpu.memref_slice %arg7[%add3A_880, %dma_wait3A_881] : memref<32x80xi32, #tpu.memory_space<vmem>> -> memref<1x80xi32, #tpu.memory_space<vmem>>
      %dma_wait3A_883 = tpu.memref_squeeze %dma_wait3A_882 : memref<1x80xi32, #tpu.memory_space<vmem>> -> memref<80xi32, #tpu.memory_space<vmem>>
      %dma_wait3A_884 = arith.constant 0 : i32
      %dma_wait3A_885 = arith.constant 0 : i32
      %dma_wait3A_886 = tpu.memref_slice %arg20[%dma_wait3A_884, %dma_wait3A_885] : memref<10000x16xf32, #tpu.memory_space<vmem_shared>> -> memref<10000x16xf32, #tpu.memory_space<vmem_shared>>
      tpu.wait_indirect_dma semaphore(%arg21 : memref<!tpu.dma_semaphore, #tpu.memory_space<semaphore_mem>>) src(%arg19 : memref<80x16xf32, #tpu.memory_space<vmem>>) dst(%dma_wait3A_886 : memref<10000x16xf32, #tpu.memory_space<vmem_shared>>)
      %add3A_887 = arith.constant 3 : i32
      %add3A_888 = arith.addi %add3A_798, %add3A_887 : i32
      %add3A_889 = arith.constant 0 : i32
      %add3A_890 = arith.addi %add3A_888, %add3A_889 : i32
      %dma_start3A_891 = arith.constant 0 : i32
      %dma_start3A_892 = tpu.memref_slice %arg7[%add3A_890, %dma_start3A_891] : memref<32x80xi32, #tpu.memory_space<vmem>> -> memref<1x80xi32, #tpu.memory_space<vmem>>
      %dma_start3A_893 = tpu.memref_squeeze %dma_start3A_892 : memref<1x80xi32, #tpu.memory_space<vmem>> -> memref<80xi32, #tpu.memory_space<vmem>>
      %dma_start3A_894 = arith.constant 0 : i32
      %dma_start3A_895 = arith.constant 0 : i32
      %dma_start3A_896 = tpu.memref_slice %arg2[%dma_start3A_894, %dma_start3A_895] : memref<10000x128xf32, #tpu.memory_space<hbm>> -> memref<10000x128xf32, #tpu.memory_space<hbm>>
      tpu.enqueue_indirect_dma source(%dma_start3A_896 : memref<10000x128xf32, #tpu.memory_space<hbm>>) target(%arg9 : memref<80x128xf32, #tpu.memory_space<vmem>>) offsets(%dma_start3A_893 : memref<80xi32, #tpu.memory_space<vmem>>) semaphore(%arg13 : memref<!tpu.dma_semaphore, #tpu.memory_space<semaphore_mem>>)
      %add3A_897 = arith.constant 1 : i32
      %add3A_898 = arith.addi %add3A_798, %add3A_897 : i32
      %dma_wait3A_899 = arith.constant 0 : i32
      %dma_wait3A_900 = tpu.memref_slice %arg8[%add3A_898, %dma_wait3A_899] : memref<32x80xi32, #tpu.memory_space<vmem>> -> memref<1x80xi32, #tpu.memory_space<vmem>>
      %dma_wait3A_901 = tpu.memref_squeeze %dma_wait3A_900 : memref<1x80xi32, #tpu.memory_space<vmem>> -> memref<80xi32, #tpu.memory_space<vmem>>
      %dma_wait3A_902 = arith.constant 0 : i32
      %dma_wait3A_903 = arith.constant 0 : i32
      %dma_wait3A_904 = tpu.memref_slice %arg12[%dma_wait3A_902, %dma_wait3A_903] : memref<10000x128xf32, #tpu.memory_space<vmem_shared>> -> memref<10000x128xf32, #tpu.memory_space<vmem_shared>>
      tpu.wait_indirect_dma semaphore(%arg17 : memref<!tpu.dma_semaphore, #tpu.memory_space<semaphore_mem>>) src(%arg10 : memref<80x128xf32, #tpu.memory_space<vmem>>) dst(%dma_wait3A_904 : memref<10000x128xf32, #tpu.memory_space<vmem_shared>>)
      %add3A_905 = arith.constant 1 : i32
      %add3A_906 = arith.addi %add3A_798, %add3A_905 : i32
      %dma_wait3A_907 = arith.constant 0 : i32
      %dma_wait3A_908 = tpu.memref_slice %arg7[%add3A_906, %dma_wait3A_907] : memref<32x80xi32, #tpu.memory_space<vmem>> -> memref<1x80xi32, #tpu.memory_space<vmem>>
      %dma_wait3A_909 = tpu.memref_squeeze %dma_wait3A_908 : memref<1x80xi32, #tpu.memory_space<vmem>> -> memref<80xi32, #tpu.memory_space<vmem>>
      %dma_wait3A_910 = arith.constant 0 : i32
      %dma_wait3A_911 = arith.constant 0 : i32
      %dma_wait3A_912 = tpu.memref_slice %arg20[%dma_wait3A_910, %dma_wait3A_911] : memref<10000x16xf32, #tpu.memory_space<vmem_shared>> -> memref<10000x16xf32, #tpu.memory_space<vmem_shared>>
      tpu.wait_indirect_dma semaphore(%arg21 : memref<!tpu.dma_semaphore, #tpu.memory_space<semaphore_mem>>) src(%arg19 : memref<80x16xf32, #tpu.memory_space<vmem>>) dst(%dma_wait3A_912 : memref<10000x16xf32, #tpu.memory_space<vmem_shared>>)
      %add3A_913 = arith.constant 3 : i32
      %add3A_914 = arith.addi %add3A_798, %add3A_913 : i32
      %add3A_915 = arith.constant 1 : i32
      %add3A_916 = arith.addi %add3A_914, %add3A_915 : i32
      %dma_start3A_917 = arith.constant 0 : i32
      %dma_start3A_918 = tpu.memref_slice %arg7[%add3A_916, %dma_start3A_917] : memref<32x80xi32, #tpu.memory_space<vmem>> -> memref<1x80xi32, #tpu.memory_space<vmem>>
      %dma_start3A_919 = tpu.memref_squeeze %dma_start3A_918 : memref<1x80xi32, #tpu.memory_space<vmem>> -> memref<80xi32, #tpu.memory_space<vmem>>
      %dma_start3A_920 = arith.constant 0 : i32
      %dma_start3A_921 = arith.constant 0 : i32
      %dma_start3A_922 = tpu.memref_slice %arg2[%dma_start3A_920, %dma_start3A_921] : memref<10000x128xf32, #tpu.memory_space<hbm>> -> memref<10000x128xf32, #tpu.memory_space<hbm>>
      tpu.enqueue_indirect_dma source(%dma_start3A_922 : memref<10000x128xf32, #tpu.memory_space<hbm>>) target(%arg10 : memref<80x128xf32, #tpu.memory_space<vmem>>) offsets(%dma_start3A_919 : memref<80xi32, #tpu.memory_space<vmem>>) semaphore(%arg14 : memref<!tpu.dma_semaphore, #tpu.memory_space<semaphore_mem>>)
      %add3A_923 = arith.constant 2 : i32
      %add3A_924 = arith.addi %add3A_798, %add3A_923 : i32
      %dma_wait3A_925 = arith.constant 0 : i32
      %dma_wait3A_926 = tpu.memref_slice %arg8[%add3A_924, %dma_wait3A_925] : memref<32x80xi32, #tpu.memory_space<vmem>> -> memref<1x80xi32, #tpu.memory_space<vmem>>
      %dma_wait3A_927 = tpu.memref_squeeze %dma_wait3A_926 : memref<1x80xi32, #tpu.memory_space<vmem>> -> memref<80xi32, #tpu.memory_space<vmem>>
      %dma_wait3A_928 = arith.constant 0 : i32
      %dma_wait3A_929 = arith.constant 0 : i32
      %dma_wait3A_930 = tpu.memref_slice %arg12[%dma_wait3A_928, %dma_wait3A_929] : memref<10000x128xf32, #tpu.memory_space<vmem_shared>> -> memref<10000x128xf32, #tpu.memory_space<vmem_shared>>
      tpu.wait_indirect_dma semaphore(%arg18 : memref<!tpu.dma_semaphore, #tpu.memory_space<semaphore_mem>>) src(%arg11 : memref<80x128xf32, #tpu.memory_space<vmem>>) dst(%dma_wait3A_930 : memref<10000x128xf32, #tpu.memory_space<vmem_shared>>)
      %add3A_931 = arith.constant 2 : i32
      %add3A_932 = arith.addi %add3A_798, %add3A_931 : i32
      %dma_wait3A_933 = arith.constant 0 : i32
      %dma_wait3A_934 = tpu.memref_slice %arg7[%add3A_932, %dma_wait3A_933] : memref<32x80xi32, #tpu.memory_space<vmem>> -> memref<1x80xi32, #tpu.memory_space<vmem>>
      %dma_wait3A_935 = tpu.memref_squeeze %dma_wait3A_934 : memref<1x80xi32, #tpu.memory_space<vmem>> -> memref<80xi32, #tpu.memory_space<vmem>>
      %dma_wait3A_936 = arith.constant 0 : i32
      %dma_wait3A_937 = arith.constant 0 : i32
      %dma_wait3A_938 = tpu.memref_slice %arg20[%dma_wait3A_936, %dma_wait3A_937] : memref<10000x16xf32, #tpu.memory_space<vmem_shared>> -> memref<10000x16xf32, #tpu.memory_space<vmem_shared>>
      tpu.wait_indirect_dma semaphore(%arg21 : memref<!tpu.dma_semaphore, #tpu.memory_space<semaphore_mem>>) src(%arg19 : memref<80x16xf32, #tpu.memory_space<vmem>>) dst(%dma_wait3A_938 : memref<10000x16xf32, #tpu.memory_space<vmem_shared>>)
      %add3A_939 = arith.constant 3 : i32
      %add3A_940 = arith.addi %add3A_798, %add3A_939 : i32
      %add3A_941 = arith.constant 2 : i32
      %add3A_942 = arith.addi %add3A_940, %add3A_941 : i32
      %dma_start3A_943 = arith.constant 0 : i32
      %dma_start3A_944 = tpu.memref_slice %arg7[%add3A_942, %dma_start3A_943] : memref<32x80xi32, #tpu.memory_space<vmem>> -> memref<1x80xi32, #tpu.memory_space<vmem>>
      %dma_start3A_945 = tpu.memref_squeeze %dma_start3A_944 : memref<1x80xi32, #tpu.memory_space<vmem>> -> memref<80xi32, #tpu.memory_space<vmem>>
      %dma_start3A_946 = arith.constant 0 : i32
      %dma_start3A_947 = arith.constant 0 : i32
      %dma_start3A_948 = tpu.memref_slice %arg2[%dma_start3A_946, %dma_start3A_947] : memref<10000x128xf32, #tpu.memory_space<hbm>> -> memref<10000x128xf32, #tpu.memory_space<hbm>>
      tpu.enqueue_indirect_dma source(%dma_start3A_948 : memref<10000x128xf32, #tpu.memory_space<hbm>>) target(%arg11 : memref<80x128xf32, #tpu.memory_space<vmem>>) offsets(%dma_start3A_945 : memref<80xi32, #tpu.memory_space<vmem>>) semaphore(%arg15 : memref<!tpu.dma_semaphore, #tpu.memory_space<semaphore_mem>>)
    }
    %scan3A_625 = arith.constant 8 : i32
    %dma_wait3A_626 = arith.constant 27 : i32
    %dma_wait3A_627 = arith.constant 0 : i32
    %dma_wait3A_628 = tpu.memref_slice %arg7[%dma_wait3A_626, %dma_wait3A_627] : memref<32x80xi32, #tpu.memory_space<vmem>> -> memref<1x80xi32, #tpu.memory_space<vmem>>
    %dma_wait3A_629 = tpu.memref_squeeze %dma_wait3A_628 : memref<1x80xi32, #tpu.memory_space<vmem>> -> memref<80xi32, #tpu.memory_space<vmem>>
    %dma_wait3A_630 = arith.constant 0 : i32
    %dma_wait3A_631 = arith.constant 0 : i32
    %dma_wait3A_632 = tpu.memref_slice %arg2[%dma_wait3A_630, %dma_wait3A_631] : memref<10000x128xf32, #tpu.memory_space<hbm>> -> memref<10000x128xf32, #tpu.memory_space<hbm>>
    tpu.wait_indirect_dma semaphore(%arg13 : memref<!tpu.dma_semaphore, #tpu.memory_space<semaphore_mem>>) src(%dma_wait3A_632 : memref<10000x128xf32, #tpu.memory_space<hbm>>) dst(%arg9 : memref<80x128xf32, #tpu.memory_space<vmem>>)
    %dma_start3A_633 = arith.constant 27 : i32
    %dma_start3A_634 = arith.constant 0 : i32
    %dma_start3A_635 = tpu.memref_slice %arg8[%dma_start3A_633, %dma_start3A_634] : memref<32x80xi32, #tpu.memory_space<vmem>> -> memref<1x80xi32, #tpu.memory_space<vmem>>
    %dma_start3A_636 = tpu.memref_squeeze %dma_start3A_635 : memref<1x80xi32, #tpu.memory_space<vmem>> -> memref<80xi32, #tpu.memory_space<vmem>>
    %dma_start3A_637 = arith.constant 0 : i32
    %dma_start3A_638 = arith.constant 0 : i32
    %dma_start3A_639 = tpu.memref_slice %arg12[%dma_start3A_637, %dma_start3A_638] : memref<10000x128xf32, #tpu.memory_space<vmem_shared>> -> memref<10000x128xf32, #tpu.memory_space<vmem_shared>>
    tpu.enqueue_indirect_dma source(%arg9 : memref<80x128xf32, #tpu.memory_space<vmem>>) target(%dma_start3A_639 : memref<10000x128xf32, #tpu.memory_space<vmem_shared>>) offsets(%dma_start3A_636 : memref<80xi32, #tpu.memory_space<vmem>>) semaphore(%arg16 : memref<!tpu.dma_semaphore, #tpu.memory_space<semaphore_mem>>) {add = true}
    %dma_start3A_640 = arith.constant 27 : i32
    %dma_start3A_641 = arith.constant 0 : i32
    %dma_start3A_642 = tpu.memref_slice %arg7[%dma_start3A_640, %dma_start3A_641] : memref<32x80xi32, #tpu.memory_space<vmem>> -> memref<1x80xi32, #tpu.memory_space<vmem>>
    %dma_start3A_643 = tpu.memref_squeeze %dma_start3A_642 : memref<1x80xi32, #tpu.memory_space<vmem>> -> memref<80xi32, #tpu.memory_space<vmem>>
    %dma_start3A_644 = arith.constant 0 : i32
    %dma_start3A_645 = arith.constant 0 : i32
    %dma_start3A_646 = tpu.memref_slice %arg20[%dma_start3A_644, %dma_start3A_645] : memref<10000x16xf32, #tpu.memory_space<vmem_shared>> -> memref<10000x16xf32, #tpu.memory_space<vmem_shared>>
    tpu.enqueue_indirect_dma source(%arg19 : memref<80x16xf32, #tpu.memory_space<vmem>>) target(%dma_start3A_646 : memref<10000x16xf32, #tpu.memory_space<vmem_shared>>) offsets(%dma_start3A_643 : memref<80xi32, #tpu.memory_space<vmem>>) semaphore(%arg21 : memref<!tpu.dma_semaphore, #tpu.memory_space<semaphore_mem>>) {add = true}
    %dma_wait3A_647 = arith.constant 28 : i32
    %dma_wait3A_648 = arith.constant 0 : i32
    %dma_wait3A_649 = tpu.memref_slice %arg7[%dma_wait3A_647, %dma_wait3A_648] : memref<32x80xi32, #tpu.memory_space<vmem>> -> memref<1x80xi32, #tpu.memory_space<vmem>>
    %dma_wait3A_650 = tpu.memref_squeeze %dma_wait3A_649 : memref<1x80xi32, #tpu.memory_space<vmem>> -> memref<80xi32, #tpu.memory_space<vmem>>
    %dma_wait3A_651 = arith.constant 0 : i32
    %dma_wait3A_652 = arith.constant 0 : i32
    %dma_wait3A_653 = tpu.memref_slice %arg2[%dma_wait3A_651, %dma_wait3A_652] : memref<10000x128xf32, #tpu.memory_space<hbm>> -> memref<10000x128xf32, #tpu.memory_space<hbm>>
    tpu.wait_indirect_dma semaphore(%arg14 : memref<!tpu.dma_semaphore, #tpu.memory_space<semaphore_mem>>) src(%dma_wait3A_653 : memref<10000x128xf32, #tpu.memory_space<hbm>>) dst(%arg10 : memref<80x128xf32, #tpu.memory_space<vmem>>)
    %dma_start3A_654 = arith.constant 28 : i32
    %dma_start3A_655 = arith.constant 0 : i32
    %dma_start3A_656 = tpu.memref_slice %arg8[%dma_start3A_654, %dma_start3A_655] : memref<32x80xi32, #tpu.memory_space<vmem>> -> memref<1x80xi32, #tpu.memory_space<vmem>>
    %dma_start3A_657 = tpu.memref_squeeze %dma_start3A_656 : memref<1x80xi32, #tpu.memory_space<vmem>> -> memref<80xi32, #tpu.memory_space<vmem>>
    %dma_start3A_658 = arith.constant 0 : i32
    %dma_start3A_659 = arith.constant 0 : i32
    %dma_start3A_660 = tpu.memref_slice %arg12[%dma_start3A_658, %dma_start3A_659] : memref<10000x128xf32, #tpu.memory_space<vmem_shared>> -> memref<10000x128xf32, #tpu.memory_space<vmem_shared>>
    tpu.enqueue_indirect_dma source(%arg10 : memref<80x128xf32, #tpu.memory_space<vmem>>) target(%dma_start3A_660 : memref<10000x128xf32, #tpu.memory_space<vmem_shared>>) offsets(%dma_start3A_657 : memref<80xi32, #tpu.memory_space<vmem>>) semaphore(%arg17 : memref<!tpu.dma_semaphore, #tpu.memory_space<semaphore_mem>>) {add = true}
    %dma_start3A_661 = arith.constant 28 : i32
    %dma_start3A_662 = arith.constant 0 : i32
    %dma_start3A_663 = tpu.memref_slice %arg7[%dma_start3A_661, %dma_start3A_662] : memref<32x80xi32, #tpu.memory_space<vmem>> -> memref<1x80xi32, #tpu.memory_space<vmem>>
    %dma_start3A_664 = tpu.memref_squeeze %dma_start3A_663 : memref<1x80xi32, #tpu.memory_space<vmem>> -> memref<80xi32, #tpu.memory_space<vmem>>
    %dma_start3A_665 = arith.constant 0 : i32
    %dma_start3A_666 = arith.constant 0 : i32
    %dma_start3A_667 = tpu.memref_slice %arg20[%dma_start3A_665, %dma_start3A_666] : memref<10000x16xf32, #tpu.memory_space<vmem_shared>> -> memref<10000x16xf32, #tpu.memory_space<vmem_shared>>
    tpu.enqueue_indirect_dma source(%arg19 : memref<80x16xf32, #tpu.memory_space<vmem>>) target(%dma_start3A_667 : memref<10000x16xf32, #tpu.memory_space<vmem_shared>>) offsets(%dma_start3A_664 : memref<80xi32, #tpu.memory_space<vmem>>) semaphore(%arg21 : memref<!tpu.dma_semaphore, #tpu.memory_space<semaphore_mem>>) {add = true}
    %dma_wait3A_668 = arith.constant 29 : i32
    %dma_wait3A_669 = arith.constant 0 : i32
    %dma_wait3A_670 = tpu.memref_slice %arg7[%dma_wait3A_668, %dma_wait3A_669] : memref<32x80xi32, #tpu.memory_space<vmem>> -> memref<1x80xi32, #tpu.memory_space<vmem>>
    %dma_wait3A_671 = tpu.memref_squeeze %dma_wait3A_670 : memref<1x80xi32, #tpu.memory_space<vmem>> -> memref<80xi32, #tpu.memory_space<vmem>>
    %dma_wait3A_672 = arith.constant 0 : i32
    %dma_wait3A_673 = arith.constant 0 : i32
    %dma_wait3A_674 = tpu.memref_slice %arg2[%dma_wait3A_672, %dma_wait3A_673] : memref<10000x128xf32, #tpu.memory_space<hbm>> -> memref<10000x128xf32, #tpu.memory_space<hbm>>
    tpu.wait_indirect_dma semaphore(%arg15 : memref<!tpu.dma_semaphore, #tpu.memory_space<semaphore_mem>>) src(%dma_wait3A_674 : memref<10000x128xf32, #tpu.memory_space<hbm>>) dst(%arg11 : memref<80x128xf32, #tpu.memory_space<vmem>>)
    %dma_start3A_675 = arith.constant 29 : i32
    %dma_start3A_676 = arith.constant 0 : i32
    %dma_start3A_677 = tpu.memref_slice %arg8[%dma_start3A_675, %dma_start3A_676] : memref<32x80xi32, #tpu.memory_space<vmem>> -> memref<1x80xi32, #tpu.memory_space<vmem>>
    %dma_start3A_678 = tpu.memref_squeeze %dma_start3A_677 : memref<1x80xi32, #tpu.memory_space<vmem>> -> memref<80xi32, #tpu.memory_space<vmem>>
    %dma_start3A_679 = arith.constant 0 : i32
    %dma_start3A_680 = arith.constant 0 : i32
    %dma_start3A_681 = tpu.memref_slice %arg12[%dma_start3A_679, %dma_start3A_680] : memref<10000x128xf32, #tpu.memory_space<vmem_shared>> -> memref<10000x128xf32, #tpu.memory_space<vmem_shared>>
    tpu.enqueue_indirect_dma source(%arg11 : memref<80x128xf32, #tpu.memory_space<vmem>>) target(%dma_start3A_681 : memref<10000x128xf32, #tpu.memory_space<vmem_shared>>) offsets(%dma_start3A_678 : memref<80xi32, #tpu.memory_space<vmem>>) semaphore(%arg18 : memref<!tpu.dma_semaphore, #tpu.memory_space<semaphore_mem>>) {add = true}
    %dma_start3A_682 = arith.constant 29 : i32
    %dma_start3A_683 = arith.constant 0 : i32
    %dma_start3A_684 = tpu.memref_slice %arg7[%dma_start3A_682, %dma_start3A_683] : memref<32x80xi32, #tpu.memory_space<vmem>> -> memref<1x80xi32, #tpu.memory_space<vmem>>
    %dma_start3A_685 = tpu.memref_squeeze %dma_start3A_684 : memref<1x80xi32, #tpu.memory_space<vmem>> -> memref<80xi32, #tpu.memory_space<vmem>>
    %dma_start3A_686 = arith.constant 0 : i32
    %dma_start3A_687 = arith.constant 0 : i32
    %dma_start3A_688 = tpu.memref_slice %arg20[%dma_start3A_686, %dma_start3A_687] : memref<10000x16xf32, #tpu.memory_space<vmem_shared>> -> memref<10000x16xf32, #tpu.memory_space<vmem_shared>>
    tpu.enqueue_indirect_dma source(%arg19 : memref<80x16xf32, #tpu.memory_space<vmem>>) target(%dma_start3A_688 : memref<10000x16xf32, #tpu.memory_space<vmem_shared>>) offsets(%dma_start3A_685 : memref<80xi32, #tpu.memory_space<vmem>>) semaphore(%arg21 : memref<!tpu.dma_semaphore, #tpu.memory_space<semaphore_mem>>) {add = true}
    %dma_wait3A_689 = arith.constant 27 : i32
    %dma_wait3A_690 = arith.constant 0 : i32
    %dma_wait3A_691 = tpu.memref_slice %arg8[%dma_wait3A_689, %dma_wait3A_690] : memref<32x80xi32, #tpu.memory_space<vmem>> -> memref<1x80xi32, #tpu.memory_space<vmem>>
    %dma_wait3A_692 = tpu.memref_squeeze %dma_wait3A_691 : memref<1x80xi32, #tpu.memory_space<vmem>> -> memref<80xi32, #tpu.memory_space<vmem>>
    %dma_wait3A_693 = arith.constant 0 : i32
    %dma_wait3A_694 = arith.constant 0 : i32
    %dma_wait3A_695 = tpu.memref_slice %arg12[%dma_wait3A_693, %dma_wait3A_694] : memref<10000x128xf32, #tpu.memory_space<vmem_shared>> -> memref<10000x128xf32, #tpu.memory_space<vmem_shared>>
    tpu.wait_indirect_dma semaphore(%arg16 : memref<!tpu.dma_semaphore, #tpu.memory_space<semaphore_mem>>) src(%arg9 : memref<80x128xf32, #tpu.memory_space<vmem>>) dst(%dma_wait3A_695 : memref<10000x128xf32, #tpu.memory_space<vmem_shared>>)
    %dma_wait3A_696 = arith.constant 27 : i32
    %dma_wait3A_697 = arith.constant 0 : i32
    %dma_wait3A_698 = tpu.memref_slice %arg7[%dma_wait3A_696, %dma_wait3A_697] : memref<32x80xi32, #tpu.memory_space<vmem>> -> memref<1x80xi32, #tpu.memory_space<vmem>>
    %dma_wait3A_699 = tpu.memref_squeeze %dma_wait3A_698 : memref<1x80xi32, #tpu.memory_space<vmem>> -> memref<80xi32, #tpu.memory_space<vmem>>
    %dma_wait3A_700 = arith.constant 0 : i32
    %dma_wait3A_701 = arith.constant 0 : i32
    %dma_wait3A_702 = tpu.memref_slice %arg20[%dma_wait3A_700, %dma_wait3A_701] : memref<10000x16xf32, #tpu.memory_space<vmem_shared>> -> memref<10000x16xf32, #tpu.memory_space<vmem_shared>>
    tpu.wait_indirect_dma semaphore(%arg21 : memref<!tpu.dma_semaphore, #tpu.memory_space<semaphore_mem>>) src(%arg19 : memref<80x16xf32, #tpu.memory_space<vmem>>) dst(%dma_wait3A_702 : memref<10000x16xf32, #tpu.memory_space<vmem_shared>>)
    %dma_wait3A_703 = arith.constant 28 : i32
    %dma_wait3A_704 = arith.constant 0 : i32
    %dma_wait3A_705 = tpu.memref_slice %arg8[%dma_wait3A_703, %dma_wait3A_704] : memref<32x80xi32, #tpu.memory_space<vmem>> -> memref<1x80xi32, #tpu.memory_space<vmem>>
    %dma_wait3A_706 = tpu.memref_squeeze %dma_wait3A_705 : memref<1x80xi32, #tpu.memory_space<vmem>> -> memref<80xi32, #tpu.memory_space<vmem>>
    %dma_wait3A_707 = arith.constant 0 : i32
    %dma_wait3A_708 = arith.constant 0 : i32
    %dma_wait3A_709 = tpu.memref_slice %arg12[%dma_wait3A_707, %dma_wait3A_708] : memref<10000x128xf32, #tpu.memory_space<vmem_shared>> -> memref<10000x128xf32, #tpu.memory_space<vmem_shared>>
    tpu.wait_indirect_dma semaphore(%arg17 : memref<!tpu.dma_semaphore, #tpu.memory_space<semaphore_mem>>) src(%arg10 : memref<80x128xf32, #tpu.memory_space<vmem>>) dst(%dma_wait3A_709 : memref<10000x128xf32, #tpu.memory_space<vmem_shared>>)
    %dma_wait3A_710 = arith.constant 28 : i32
    %dma_wait3A_711 = arith.constant 0 : i32
    %dma_wait3A_712 = tpu.memref_slice %arg7[%dma_wait3A_710, %dma_wait3A_711] : memref<32x80xi32, #tpu.memory_space<vmem>> -> memref<1x80xi32, #tpu.memory_space<vmem>>
    %dma_wait3A_713 = tpu.memref_squeeze %dma_wait3A_712 : memref<1x80xi32, #tpu.memory_space<vmem>> -> memref<80xi32, #tpu.memory_space<vmem>>
    %dma_wait3A_714 = arith.constant 0 : i32
    %dma_wait3A_715 = arith.constant 0 : i32
    %dma_wait3A_716 = tpu.memref_slice %arg20[%dma_wait3A_714, %dma_wait3A_715] : memref<10000x16xf32, #tpu.memory_space<vmem_shared>> -> memref<10000x16xf32, #tpu.memory_space<vmem_shared>>
    tpu.wait_indirect_dma semaphore(%arg21 : memref<!tpu.dma_semaphore, #tpu.memory_space<semaphore_mem>>) src(%arg19 : memref<80x16xf32, #tpu.memory_space<vmem>>) dst(%dma_wait3A_716 : memref<10000x16xf32, #tpu.memory_space<vmem_shared>>)
    %dma_wait3A_717 = arith.constant 29 : i32
    %dma_wait3A_718 = arith.constant 0 : i32
    %dma_wait3A_719 = tpu.memref_slice %arg8[%dma_wait3A_717, %dma_wait3A_718] : memref<32x80xi32, #tpu.memory_space<vmem>> -> memref<1x80xi32, #tpu.memory_space<vmem>>
    %dma_wait3A_720 = tpu.memref_squeeze %dma_wait3A_719 : memref<1x80xi32, #tpu.memory_space<vmem>> -> memref<80xi32, #tpu.memory_space<vmem>>
    %dma_wait3A_721 = arith.constant 0 : i32
    %dma_wait3A_722 = arith.constant 0 : i32
    %dma_wait3A_723 = tpu.memref_slice %arg12[%dma_wait3A_721, %dma_wait3A_722] : memref<10000x128xf32, #tpu.memory_space<vmem_shared>> -> memref<10000x128xf32, #tpu.memory_space<vmem_shared>>
    tpu.wait_indirect_dma semaphore(%arg18 : memref<!tpu.dma_semaphore, #tpu.memory_space<semaphore_mem>>) src(%arg11 : memref<80x128xf32, #tpu.memory_space<vmem>>) dst(%dma_wait3A_723 : memref<10000x128xf32, #tpu.memory_space<vmem_shared>>)
    %dma_wait3A_724 = arith.constant 29 : i32
    %dma_wait3A_725 = arith.constant 0 : i32
    %dma_wait3A_726 = tpu.memref_slice %arg7[%dma_wait3A_724, %dma_wait3A_725] : memref<32x80xi32, #tpu.memory_space<vmem>> -> memref<1x80xi32, #tpu.memory_space<vmem>>
    %dma_wait3A_727 = tpu.memref_squeeze %dma_wait3A_726 : memref<1x80xi32, #tpu.memory_space<vmem>> -> memref<80xi32, #tpu.memory_space<vmem>>
    %dma_wait3A_728 = arith.constant 0 : i32
    %dma_wait3A_729 = arith.constant 0 : i32
    %dma_wait3A_730 = tpu.memref_slice %arg20[%dma_wait3A_728, %dma_wait3A_729] : memref<10000x16xf32, #tpu.memory_space<vmem_shared>> -> memref<10000x16xf32, #tpu.memory_space<vmem_shared>>
    tpu.wait_indirect_dma semaphore(%arg21 : memref<!tpu.dma_semaphore, #tpu.memory_space<semaphore_mem>>) src(%arg19 : memref<80x16xf32, #tpu.memory_space<vmem>>) dst(%dma_wait3A_730 : memref<10000x16xf32, #tpu.memory_space<vmem_shared>>)
    %dma_start3A_731 = arith.constant 30 : i32
    %dma_start3A_732 = arith.constant 0 : i32
    %dma_start3A_733 = tpu.memref_slice %arg7[%dma_start3A_731, %dma_start3A_732] : memref<32x80xi32, #tpu.memory_space<vmem>> -> memref<1x80xi32, #tpu.memory_space<vmem>>
    %dma_start3A_734 = tpu.memref_squeeze %dma_start3A_733 : memref<1x80xi32, #tpu.memory_space<vmem>> -> memref<80xi32, #tpu.memory_space<vmem>>
    %dma_start3A_735 = arith.constant 0 : i32
    %dma_start3A_736 = arith.constant 0 : i32
    %dma_start3A_737 = tpu.memref_slice %arg2[%dma_start3A_735, %dma_start3A_736] : memref<10000x128xf32, #tpu.memory_space<hbm>> -> memref<10000x128xf32, #tpu.memory_space<hbm>>
    tpu.enqueue_indirect_dma source(%dma_start3A_737 : memref<10000x128xf32, #tpu.memory_space<hbm>>) target(%arg9 : memref<80x128xf32, #tpu.memory_space<vmem>>) offsets(%dma_start3A_734 : memref<80xi32, #tpu.memory_space<vmem>>) semaphore(%arg13 : memref<!tpu.dma_semaphore, #tpu.memory_space<semaphore_mem>>)
    %dma_wait3A_738 = arith.constant 30 : i32
    %dma_wait3A_739 = arith.constant 0 : i32
    %dma_wait3A_740 = tpu.memref_slice %arg7[%dma_wait3A_738, %dma_wait3A_739] : memref<32x80xi32, #tpu.memory_space<vmem>> -> memref<1x80xi32, #tpu.memory_space<vmem>>
    %dma_wait3A_741 = tpu.memref_squeeze %dma_wait3A_740 : memref<1x80xi32, #tpu.memory_space<vmem>> -> memref<80xi32, #tpu.memory_space<vmem>>
    %dma_wait3A_742 = arith.constant 0 : i32
    %dma_wait3A_743 = arith.constant 0 : i32
    %dma_wait3A_744 = tpu.memref_slice %arg2[%dma_wait3A_742, %dma_wait3A_743] : memref<10000x128xf32, #tpu.memory_space<hbm>> -> memref<10000x128xf32, #tpu.memory_space<hbm>>
    tpu.wait_indirect_dma semaphore(%arg13 : memref<!tpu.dma_semaphore, #tpu.memory_space<semaphore_mem>>) src(%dma_wait3A_744 : memref<10000x128xf32, #tpu.memory_space<hbm>>) dst(%arg9 : memref<80x128xf32, #tpu.memory_space<vmem>>)
    %run_scoped3A_745 = arith.constant 30 : i32
    "tpu.region"() ({
      %run_scoped3A_790 = tpu.sem_alloc : memref<!tpu.dma_semaphore, #tpu.memory_space<semaphore_mem>>
      %dma_start3A_791 = arith.constant 0 : i32
      %dma_start3A_792 = tpu.memref_slice %arg8[%run_scoped3A_745, %dma_start3A_791] : memref<32x80xi32, #tpu.memory_space<vmem>> -> memref<1x80xi32, #tpu.memory_space<vmem>>
      %dma_start3A_793 = tpu.memref_squeeze %dma_start3A_792 : memref<1x80xi32, #tpu.memory_space<vmem>> -> memref<80xi32, #tpu.memory_space<vmem>>
      %dma_start3A_794 = arith.constant 0 : i32
      %dma_start3A_795 = arith.constant 0 : i32
      %dma_start3A_796 = tpu.memref_slice %arg12[%dma_start3A_794, %dma_start3A_795] : memref<10000x128xf32, #tpu.memory_space<vmem_shared>> -> memref<10000x128xf32, #tpu.memory_space<vmem_shared>>
      tpu.enqueue_indirect_dma source(%arg9 : memref<80x128xf32, #tpu.memory_space<vmem>>) target(%dma_start3A_796 : memref<10000x128xf32, #tpu.memory_space<vmem_shared>>) offsets(%dma_start3A_793 : memref<80xi32, #tpu.memory_space<vmem>>) semaphore(%run_scoped3A_790 : memref<!tpu.dma_semaphore, #tpu.memory_space<semaphore_mem>>) {add = true}
      %dma_wait3A_797 = arith.constant 0 : i32
      %dma_wait3A_798 = tpu.memref_slice %arg8[%run_scoped3A_745, %dma_wait3A_797] : memref<32x80xi32, #tpu.memory_space<vmem>> -> memref<1x80xi32, #tpu.memory_space<vmem>>
      %dma_wait3A_799 = tpu.memref_squeeze %dma_wait3A_798 : memref<1x80xi32, #tpu.memory_space<vmem>> -> memref<80xi32, #tpu.memory_space<vmem>>
      %dma_wait3A_800 = arith.constant 0 : i32
      %dma_wait3A_801 = arith.constant 0 : i32
      %dma_wait3A_802 = tpu.memref_slice %arg12[%dma_wait3A_800, %dma_wait3A_801] : memref<10000x128xf32, #tpu.memory_space<vmem_shared>> -> memref<10000x128xf32, #tpu.memory_space<vmem_shared>>
      tpu.wait_indirect_dma semaphore(%run_scoped3A_790 : memref<!tpu.dma_semaphore, #tpu.memory_space<semaphore_mem>>) src(%arg9 : memref<80x128xf32, #tpu.memory_space<vmem>>) dst(%dma_wait3A_802 : memref<10000x128xf32, #tpu.memory_space<vmem_shared>>)
      tpu.yield
    }) : () -> ()
    %dma_start3A_746 = arith.constant 30 : i32
    %dma_start3A_747 = arith.constant 0 : i32
    %dma_start3A_748 = tpu.memref_slice %arg7[%dma_start3A_746, %dma_start3A_747] : memref<32x80xi32, #tpu.memory_space<vmem>> -> memref<1x80xi32, #tpu.memory_space<vmem>>
    %dma_start3A_749 = tpu.memref_squeeze %dma_start3A_748 : memref<1x80xi32, #tpu.memory_space<vmem>> -> memref<80xi32, #tpu.memory_space<vmem>>
    %dma_start3A_750 = arith.constant 0 : i32
    %dma_start3A_751 = arith.constant 0 : i32
    %dma_start3A_752 = tpu.memref_slice %arg20[%dma_start3A_750, %dma_start3A_751] : memref<10000x16xf32, #tpu.memory_space<vmem_shared>> -> memref<10000x16xf32, #tpu.memory_space<vmem_shared>>
    tpu.enqueue_indirect_dma source(%arg19 : memref<80x16xf32, #tpu.memory_space<vmem>>) target(%dma_start3A_752 : memref<10000x16xf32, #tpu.memory_space<vmem_shared>>) offsets(%dma_start3A_749 : memref<80xi32, #tpu.memory_space<vmem>>) semaphore(%arg21 : memref<!tpu.dma_semaphore, #tpu.memory_space<semaphore_mem>>) {add = true}
    %dma_wait3A_753 = arith.constant 30 : i32
    %dma_wait3A_754 = arith.constant 0 : i32
    %dma_wait3A_755 = tpu.memref_slice %arg7[%dma_wait3A_753, %dma_wait3A_754] : memref<32x80xi32, #tpu.memory_space<vmem>> -> memref<1x80xi32, #tpu.memory_space<vmem>>
    %dma_wait3A_756 = tpu.memref_squeeze %dma_wait3A_755 : memref<1x80xi32, #tpu.memory_space<vmem>> -> memref<80xi32, #tpu.memory_space<vmem>>
    %dma_wait3A_757 = arith.constant 0 : i32
    %dma_wait3A_758 = arith.constant 0 : i32
    %dma_wait3A_759 = tpu.memref_slice %arg20[%dma_wait3A_757, %dma_wait3A_758] : memref<10000x16xf32, #tpu.memory_space<vmem_shared>> -> memref<10000x16xf32, #tpu.memory_space<vmem_shared>>
    tpu.wait_indirect_dma semaphore(%arg21 : memref<!tpu.dma_semaphore, #tpu.memory_space<semaphore_mem>>) src(%arg19 : memref<80x16xf32, #tpu.memory_space<vmem>>) dst(%dma_wait3A_759 : memref<10000x16xf32, #tpu.memory_space<vmem_shared>>)
    %dma_start3A_760 = arith.constant 31 : i32
    %dma_start3A_761 = arith.constant 0 : i32
    %dma_start3A_762 = tpu.memref_slice %arg7[%dma_start3A_760, %dma_start3A_761] : memref<32x80xi32, #tpu.memory_space<vmem>> -> memref<1x80xi32, #tpu.memory_space<vmem>>
    %dma_start3A_763 = tpu.memref_squeeze %dma_start3A_762 : memref<1x80xi32, #tpu.memory_space<vmem>> -> memref<80xi32, #tpu.memory_space<vmem>>
    %dma_start3A_764 = arith.constant 0 : i32
    %dma_start3A_765 = arith.constant 0 : i32
    %dma_start3A_766 = tpu.memref_slice %arg2[%dma_start3A_764, %dma_start3A_765] : memref<10000x128xf32, #tpu.memory_space<hbm>> -> memref<10000x128xf32, #tpu.memory_space<hbm>>
    tpu.enqueue_indirect_dma source(%dma_start3A_766 : memref<10000x128xf32, #tpu.memory_space<hbm>>) target(%arg9 : memref<80x128xf32, #tpu.memory_space<vmem>>) offsets(%dma_start3A_763 : memref<80xi32, #tpu.memory_space<vmem>>) semaphore(%arg13 : memref<!tpu.dma_semaphore, #tpu.memory_space<semaphore_mem>>)
    %dma_wait3A_767 = arith.constant 31 : i32
    %dma_wait3A_768 = arith.constant 0 : i32
    %dma_wait3A_769 = tpu.memref_slice %arg7[%dma_wait3A_767, %dma_wait3A_768] : memref<32x80xi32, #tpu.memory_space<vmem>> -> memref<1x80xi32, #tpu.memory_space<vmem>>
    %dma_wait3A_770 = tpu.memref_squeeze %dma_wait3A_769 : memref<1x80xi32, #tpu.memory_space<vmem>> -> memref<80xi32, #tpu.memory_space<vmem>>
    %dma_wait3A_771 = arith.constant 0 : i32
    %dma_wait3A_772 = arith.constant 0 : i32
    %dma_wait3A_773 = tpu.memref_slice %arg2[%dma_wait3A_771, %dma_wait3A_772] : memref<10000x128xf32, #tpu.memory_space<hbm>> -> memref<10000x128xf32, #tpu.memory_space<hbm>>
    tpu.wait_indirect_dma semaphore(%arg13 : memref<!tpu.dma_semaphore, #tpu.memory_space<semaphore_mem>>) src(%dma_wait3A_773 : memref<10000x128xf32, #tpu.memory_space<hbm>>) dst(%arg9 : memref<80x128xf32, #tpu.memory_space<vmem>>)
    %run_scoped3A_774 = arith.constant 31 : i32
    "tpu.region"() ({
      %run_scoped3A_790 = tpu.sem_alloc : memref<!tpu.dma_semaphore, #tpu.memory_space<semaphore_mem>>
      %dma_start3A_791 = arith.constant 0 : i32
      %dma_start3A_792 = tpu.memref_slice %arg8[%run_scoped3A_774, %dma_start3A_791] : memref<32x80xi32, #tpu.memory_space<vmem>> -> memref<1x80xi32, #tpu.memory_space<vmem>>
      %dma_start3A_793 = tpu.memref_squeeze %dma_start3A_792 : memref<1x80xi32, #tpu.memory_space<vmem>> -> memref<80xi32, #tpu.memory_space<vmem>>
      %dma_start3A_794 = arith.constant 0 : i32
      %dma_start3A_795 = arith.constant 0 : i32
      %dma_start3A_796 = tpu.memref_slice %arg12[%dma_start3A_794, %dma_start3A_795] : memref<10000x128xf32, #tpu.memory_space<vmem_shared>> -> memref<10000x128xf32, #tpu.memory_space<vmem_shared>>
      tpu.enqueue_indirect_dma source(%arg9 : memref<80x128xf32, #tpu.memory_space<vmem>>) target(%dma_start3A_796 : memref<10000x128xf32, #tpu.memory_space<vmem_shared>>) offsets(%dma_start3A_793 : memref<80xi32, #tpu.memory_space<vmem>>) semaphore(%run_scoped3A_790 : memref<!tpu.dma_semaphore, #tpu.memory_space<semaphore_mem>>) {add = true}
      %dma_wait3A_797 = arith.constant 0 : i32
      %dma_wait3A_798 = tpu.memref_slice %arg8[%run_scoped3A_774, %dma_wait3A_797] : memref<32x80xi32, #tpu.memory_space<vmem>> -> memref<1x80xi32, #tpu.memory_space<vmem>>
      %dma_wait3A_799 = tpu.memref_squeeze %dma_wait3A_798 : memref<1x80xi32, #tpu.memory_space<vmem>> -> memref<80xi32, #tpu.memory_space<vmem>>
      %dma_wait3A_800 = arith.constant 0 : i32
      %dma_wait3A_801 = arith.constant 0 : i32
      %dma_wait3A_802 = tpu.memref_slice %arg12[%dma_wait3A_800, %dma_wait3A_801] : memref<10000x128xf32, #tpu.memory_space<vmem_shared>> -> memref<10000x128xf32, #tpu.memory_space<vmem_shared>>
      tpu.wait_indirect_dma semaphore(%run_scoped3A_790 : memref<!tpu.dma_semaphore, #tpu.memory_space<semaphore_mem>>) src(%arg9 : memref<80x128xf32, #tpu.memory_space<vmem>>) dst(%dma_wait3A_802 : memref<10000x128xf32, #tpu.memory_space<vmem_shared>>)
      tpu.yield
    }) : () -> ()
    %dma_start3A_775 = arith.constant 31 : i32
    %dma_start3A_776 = arith.constant 0 : i32
    %dma_start3A_777 = tpu.memref_slice %arg7[%dma_start3A_775, %dma_start3A_776] : memref<32x80xi32, #tpu.memory_space<vmem>> -> memref<1x80xi32, #tpu.memory_space<vmem>>
    %dma_start3A_778 = tpu.memref_squeeze %dma_start3A_777 : memref<1x80xi32, #tpu.memory_space<vmem>> -> memref<80xi32, #tpu.memory_space<vmem>>
    %dma_start3A_779 = arith.constant 0 : i32
    %dma_start3A_780 = arith.constant 0 : i32
    %dma_start3A_781 = tpu.memref_slice %arg20[%dma_start3A_779, %dma_start3A_780] : memref<10000x16xf32, #tpu.memory_space<vmem_shared>> -> memref<10000x16xf32, #tpu.memory_space<vmem_shared>>
    tpu.enqueue_indirect_dma source(%arg19 : memref<80x16xf32, #tpu.memory_space<vmem>>) target(%dma_start3A_781 : memref<10000x16xf32, #tpu.memory_space<vmem_shared>>) offsets(%dma_start3A_778 : memref<80xi32, #tpu.memory_space<vmem>>) semaphore(%arg21 : memref<!tpu.dma_semaphore, #tpu.memory_space<semaphore_mem>>) {add = true}
    %dma_wait3A_782 = arith.constant 31 : i32
    %dma_wait3A_783 = arith.constant 0 : i32
    %dma_wait3A_784 = tpu.memref_slice %arg7[%dma_wait3A_782, %dma_wait3A_783] : memref<32x80xi32, #tpu.memory_space<vmem>> -> memref<1x80xi32, #tpu.memory_space<vmem>>
    %dma_wait3A_785 = tpu.memref_squeeze %dma_wait3A_784 : memref<1x80xi32, #tpu.memory_space<vmem>> -> memref<80xi32, #tpu.memory_space<vmem>>
    %dma_wait3A_786 = arith.constant 0 : i32
    %dma_wait3A_787 = arith.constant 0 : i32
    %dma_wait3A_788 = tpu.memref_slice %arg20[%dma_wait3A_786, %dma_wait3A_787] : memref<10000x16xf32, #tpu.memory_space<vmem_shared>> -> memref<10000x16xf32, #tpu.memory_space<vmem_shared>>
    tpu.wait_indirect_dma semaphore(%arg21 : memref<!tpu.dma_semaphore, #tpu.memory_space<semaphore_mem>>) src(%arg19 : memref<80x16xf32, #tpu.memory_space<vmem>>) dst(%dma_wait3A_788 : memref<10000x16xf32, #tpu.memory_space<vmem_shared>>)
    %barrier3A_789 = arith.constant 0 : index
    tpu.barrier barrier_id(%barrier3A_789)
    "tpu.region"() ({
      %run_scoped3A_790 = tpu.sem_alloc : memref<!tpu.dma_semaphore, #tpu.memory_space<semaphore_mem>>
      %dma_start3A_791 = arith.constant 0 : i32
      %dma_start3A_792 = tpu.memref_slice %arg5[%arg0, %mul3A_2, %dma_start3A_791] : memref<2x10000x128xf32, #tpu.memory_space<hbm>> -> memref<1x625x128xf32, #tpu.memory_space<hbm>>
      %dma_start3A_793 = tpu.memref_squeeze %dma_start3A_792 : memref<1x625x128xf32, #tpu.memory_space<hbm>> -> memref<625x128xf32, #tpu.memory_space<hbm>>
      %dma_start3A_794 = arith.constant 0 : i32
      %dma_start3A_795 = tpu.memref_slice %arg12[%mul3A_2, %dma_start3A_794] : memref<10000x128xf32, #tpu.memory_space<vmem_shared>> -> memref<625x128xf32, #tpu.memory_space<vmem_shared>>
      tpu.enqueue_dma source(%dma_start3A_795 : memref<625x128xf32, #tpu.memory_space<vmem_shared>>) target(%dma_start3A_793 : memref<625x128xf32, #tpu.memory_space<hbm>>) target_semaphore(%run_scoped3A_790 : memref<!tpu.dma_semaphore, #tpu.memory_space<semaphore_mem>>)
      %dma_wait3A_796 = arith.constant 0 : i32
      %dma_wait3A_797 = tpu.memref_slice %arg5[%arg0, %mul3A_2, %dma_wait3A_796] : memref<2x10000x128xf32, #tpu.memory_space<hbm>> -> memref<1x625x128xf32, #tpu.memory_space<hbm>>
      %dma_wait3A_798 = tpu.memref_squeeze %dma_wait3A_797 : memref<1x625x128xf32, #tpu.memory_space<hbm>> -> memref<625x128xf32, #tpu.memory_space<hbm>>
      %dma_wait3A_799 = arith.constant 0 : i32
      %dma_wait3A_800 = tpu.memref_slice %arg12[%mul3A_2, %dma_wait3A_799] : memref<10000x128xf32, #tpu.memory_space<vmem_shared>> -> memref<625x128xf32, #tpu.memory_space<vmem_shared>>
      tpu.wait_dma2 semaphore(%run_scoped3A_790 : memref<!tpu.dma_semaphore, #tpu.memory_space<semaphore_mem>>) src(%dma_wait3A_800 : memref<625x128xf32, #tpu.memory_space<vmem_shared>>) dst(%dma_wait3A_798 : memref<625x128xf32, #tpu.memory_space<hbm>>)
      tpu.yield
    }) : () -> ()
    "tpu.region"() ({
      %run_scoped3A_790 = tpu.sem_alloc : memref<!tpu.dma_semaphore, #tpu.memory_space<semaphore_mem>>
      %dma_start3A_791 = arith.constant 0 : i32
      %dma_start3A_792 = tpu.memref_slice %arg6[%arg0, %mul3A_2, %dma_start3A_791] : memref<2x10000x16xf32, #tpu.memory_space<hbm>> -> memref<1x625x16xf32, #tpu.memory_space<hbm>>
      %dma_start3A_793 = tpu.memref_squeeze %dma_start3A_792 : memref<1x625x16xf32, #tpu.memory_space<hbm>> -> memref<625x16xf32, #tpu.memory_space<hbm>>
      %dma_start3A_794 = arith.constant 0 : i32
      %dma_start3A_795 = tpu.memref_slice %arg20[%mul3A_2, %dma_start3A_794] : memref<10000x16xf32, #tpu.memory_space<vmem_shared>> -> memref<625x16xf32, #tpu.memory_space<vmem_shared>>
      tpu.enqueue_dma source(%dma_start3A_795 : memref<625x16xf32, #tpu.memory_space<vmem_shared>>) target(%dma_start3A_793 : memref<625x16xf32, #tpu.memory_space<hbm>>) target_semaphore(%run_scoped3A_790 : memref<!tpu.dma_semaphore, #tpu.memory_space<semaphore_mem>>)
      %dma_wait3A_796 = arith.constant 0 : i32
      %dma_wait3A_797 = tpu.memref_slice %arg6[%arg0, %mul3A_2, %dma_wait3A_796] : memref<2x10000x16xf32, #tpu.memory_space<hbm>> -> memref<1x625x16xf32, #tpu.memory_space<hbm>>
      %dma_wait3A_798 = tpu.memref_squeeze %dma_wait3A_797 : memref<1x625x16xf32, #tpu.memory_space<hbm>> -> memref<625x16xf32, #tpu.memory_space<hbm>>
      %dma_wait3A_799 = arith.constant 0 : i32
      %dma_wait3A_800 = tpu.memref_slice %arg20[%mul3A_2, %dma_wait3A_799] : memref<10000x16xf32, #tpu.memory_space<vmem_shared>> -> memref<625x16xf32, #tpu.memory_space<vmem_shared>>
      tpu.wait_dma2 semaphore(%run_scoped3A_790 : memref<!tpu.dma_semaphore, #tpu.memory_space<semaphore_mem>>) src(%dma_wait3A_800 : memref<625x16xf32, #tpu.memory_space<vmem_shared>>) dst(%dma_wait3A_798 : memref<625x16xf32, #tpu.memory_space<hbm>>)
      tpu.yield
    }) : () -> ()
    return
  }
}

#map = affine_map<(d0, d1) -> (0, 0)>
#map1 = affine_map<(d0, d1) -> (0, 0, 0)>
module attributes {stable_mosaic.version = 14 : i64} {
  func.func @k(%arg0: i32, %arg1: i32, %arg2: memref<10000x128xf32, #tpu.memory_space<hbm>>, %arg3: memref<32x125x80xi32, #tpu.memory_space<hbm>>, %arg4: memref<32x125x80xi32, #tpu.memory_space<hbm>>, %arg5: memref<2x10000x128xf32, #tpu.memory_space<hbm>>, %arg6: memref<125x80xi32, #tpu.memory_space<vmem>>, %arg7: memref<125x80xi32, #tpu.memory_space<vmem>>, %arg8: memref<80x128xf32, #tpu.memory_space<vmem>>, %arg9: memref<80x128xf32, #tpu.memory_space<vmem>>, %arg10: memref<80x128xf32, #tpu.memory_space<vmem>>, %arg11: memref<10000x128xf32, #tpu.memory_space<vmem_shared>>, %arg12: memref<!tpu.dma_semaphore, #tpu.memory_space<semaphore_mem>>, %arg13: memref<!tpu.dma_semaphore, #tpu.memory_space<semaphore_mem>>, %arg14: memref<!tpu.dma_semaphore, #tpu.memory_space<semaphore_mem>>, %arg15: memref<!tpu.dma_semaphore, #tpu.memory_space<semaphore_mem>>, %arg16: memref<!tpu.dma_semaphore, #tpu.memory_space<semaphore_mem>>, %arg17: memref<!tpu.dma_semaphore, #tpu.memory_space<semaphore_mem>>) attributes {dimension_semantics = [#tpu.dimension_semantics<core_parallel>, #tpu.dimension_semantics<subcore_parallel>], iteration_bounds = array<i64: 2, 16>, scalar_prefetch = 0 : i64, scratch_operands = 12 : i64, tpu.core_type = #tpu.core_type<sc_vector_subcore>, window_params = [{transform_indices = #map}, {transform_indices = #map1}, {transform_indices = #map1}, {transform_indices = #map1}]} {
    %mul3A = arith.constant 2 : i32
    %mul3A_0 = arith.muli %arg1, %mul3A : i32
    %add3A = arith.addi %mul3A_0, %arg0 : i32
    %mul3A_1 = arith.constant 625 : i32
    %mul3A_2 = arith.muli %arg1, %mul3A_1 : i32
    %broadcast_in_dim3A = arith.constant 0.000000e+00 : f32
    %broadcast_in_dim3A_3 = vector.broadcast %broadcast_in_dim3A : f32 to vector<16xf32>
    %scan3A = arith.constant 0 : i32
    %scan3A_4 = arith.constant 80 : i32
    %scan3A_5 = arith.addi %scan3A, %scan3A_4 : i32
    %scan3A_6 = arith.constant 1 : i32
    scf.for %scan3A_132 = %scan3A to %scan3A_5 step %scan3A_6  : i32 {
      %mul3A_133 = arith.constant 1 : i32
      %mul3A_134 = arith.muli %scan3A_132, %mul3A_133 : i32
      %add3A_135 = arith.constant 0 : i32
      %add3A_136 = arith.addi %add3A_135, %mul3A_134 : i32
      %scan3A_137 = arith.constant 0 : i32
      %scan3A_138 = arith.constant 8 : i32
      %scan3A_139 = arith.addi %scan3A_137, %scan3A_138 : i32
      %scan3A_140 = arith.constant 1 : i32
      scf.for %scan3A_142 = %scan3A_137 to %scan3A_139 step %scan3A_140  : i32 {
        %mul3A_143 = arith.constant 16 : i32
        %mul3A_144 = arith.muli %scan3A_142, %mul3A_143 : i32
        %add3A_145 = arith.constant 0 : i32
        %add3A_146 = arith.addi %add3A_145, %mul3A_144 : i32
        %swap3A = arith.index_cast %add3A_136 : i32 to index
        %swap3A_147 = arith.index_cast %add3A_146 : i32 to index
        %swap3A_148 = tpu.vector_load %arg8[%swap3A, %swap3A_147] {strides = array<i32>} : memref<80x128xf32, #tpu.memory_space<vmem>>, vector<1x16xf32>,
        %swap3A_149 = vector.shape_cast %swap3A_148 : vector<1x16xf32> to vector<16xf32>
        %swap3A_150 = vector.shape_cast %broadcast_in_dim3A_3 : vector<16xf32> to vector<1x16xf32>
        tpu.vector_store %arg8[%swap3A, %swap3A_147], %swap3A_150 {strides = array<i32>} : memref<80x128xf32, #tpu.memory_space<vmem>>, vector<1x16xf32>,
      }
      %scan3A_141 = arith.constant 8 : i32
    }
    %scan3A_7 = arith.constant 80 : i32
    %scan3A_8 = arith.constant 0 : i32
    %scan3A_9 = arith.constant 7 : i32
    %scan3A_10 = arith.addi %scan3A_8, %scan3A_9 : i32
    %scan3A_11 = arith.constant 1 : i32
    scf.for %scan3A_132 = %scan3A_8 to %scan3A_10 step %scan3A_11  : i32 {
      %mul3A_133 = arith.constant 1 : i32
      %mul3A_134 = arith.muli %scan3A_132, %mul3A_133 : i32
      %add3A_135 = arith.constant 0 : i32
      %add3A_136 = arith.addi %add3A_135, %mul3A_134 : i32
      %mul3A_137 = arith.constant 80 : i32
      %mul3A_138 = arith.muli %add3A_136, %mul3A_137 : i32
      %add3A_139 = arith.addi %mul3A_2, %mul3A_138 : i32
      "tpu.region"() ({
        %run_scoped3A_140 = tpu.sem_alloc : memref<!tpu.dma_semaphore, #tpu.memory_space<semaphore_mem>>
        %dma_start3A_141 = arith.constant 0 : i32
        %dma_start3A_142 = tpu.memref_slice %arg11[%add3A_139, %dma_start3A_141] : memref<10000x128xf32, #tpu.memory_space<vmem_shared>> -> memref<80x128xf32, #tpu.memory_space<vmem_shared>>
        %dma_start3A_143 = arith.constant 0 : i32
        %dma_start3A_144 = tpu.memref_slice %arg11[%add3A_139, %dma_start3A_143] : memref<10000x128xf32, #tpu.memory_space<vmem_shared>> -> memref<80x128xf32, #tpu.memory_space<vmem_shared>>
        tpu.enqueue_dma source(%arg8 : memref<80x128xf32, #tpu.memory_space<vmem>>) target(%dma_start3A_144 : memref<80x128xf32, #tpu.memory_space<vmem_shared>>) target_semaphore(%run_scoped3A_140 : memref<!tpu.dma_semaphore, #tpu.memory_space<semaphore_mem>>)
        %dma_wait3A_145 = arith.constant 0 : i32
        %dma_wait3A_146 = tpu.memref_slice %arg11[%add3A_139, %dma_wait3A_145] : memref<10000x128xf32, #tpu.memory_space<vmem_shared>> -> memref<80x128xf32, #tpu.memory_space<vmem_shared>>
        %dma_wait3A_147 = arith.constant 0 : i32
        %dma_wait3A_148 = tpu.memref_slice %arg11[%add3A_139, %dma_wait3A_147] : memref<10000x128xf32, #tpu.memory_space<vmem_shared>> -> memref<80x128xf32, #tpu.memory_space<vmem_shared>>
        tpu.wait_dma2 semaphore(%run_scoped3A_140 : memref<!tpu.dma_semaphore, #tpu.memory_space<semaphore_mem>>) src(%arg8 : memref<80x128xf32, #tpu.memory_space<vmem>>) dst(%dma_wait3A_148 : memref<80x128xf32, #tpu.memory_space<vmem_shared>>)
        tpu.yield
      }) : () -> ()
    }
    %scan3A_12 = arith.constant 7 : i32
    %add3A_13 = arith.constant 560 : i32
    %add3A_14 = arith.addi %mul3A_2, %add3A_13 : i32
    "tpu.region"() ({
      %run_scoped3A_132 = tpu.sem_alloc : memref<!tpu.dma_semaphore, #tpu.memory_space<semaphore_mem>>
      %dma_start3A_133 = arith.constant 0 : i32
      %dma_start3A_134 = arith.constant 0 : i32
      %dma_start3A_135 = tpu.memref_slice %arg8[%dma_start3A_133, %dma_start3A_134] : memref<80x128xf32, #tpu.memory_space<vmem>> -> memref<65x128xf32, #tpu.memory_space<vmem>>
      %dma_start3A_136 = arith.constant 0 : i32
      %dma_start3A_137 = tpu.memref_slice %arg11[%add3A_14, %dma_start3A_136] : memref<10000x128xf32, #tpu.memory_space<vmem_shared>> -> memref<65x128xf32, #tpu.memory_space<vmem_shared>>
      %dma_start3A_138 = arith.constant 0 : i32
      %dma_start3A_139 = tpu.memref_slice %arg11[%add3A_14, %dma_start3A_138] : memref<10000x128xf32, #tpu.memory_space<vmem_shared>> -> memref<65x128xf32, #tpu.memory_space<vmem_shared>>
      %dma_start3A_140 = arith.constant 0 : i32
      %dma_start3A_141 = arith.constant 0 : i32
      %dma_start3A_142 = tpu.memref_slice %arg8[%dma_start3A_140, %dma_start3A_141] : memref<80x128xf32, #tpu.memory_space<vmem>> -> memref<65x128xf32, #tpu.memory_space<vmem>>
      tpu.enqueue_dma source(%dma_start3A_142 : memref<65x128xf32, #tpu.memory_space<vmem>>) target(%dma_start3A_139 : memref<65x128xf32, #tpu.memory_space<vmem_shared>>) target_semaphore(%run_scoped3A_132 : memref<!tpu.dma_semaphore, #tpu.memory_space<semaphore_mem>>)
      %dma_wait3A_143 = arith.constant 0 : i32
      %dma_wait3A_144 = arith.constant 0 : i32
      %dma_wait3A_145 = tpu.memref_slice %arg8[%dma_wait3A_143, %dma_wait3A_144] : memref<80x128xf32, #tpu.memory_space<vmem>> -> memref<65x128xf32, #tpu.memory_space<vmem>>
      %dma_wait3A_146 = arith.constant 0 : i32
      %dma_wait3A_147 = tpu.memref_slice %arg11[%add3A_14, %dma_wait3A_146] : memref<10000x128xf32, #tpu.memory_space<vmem_shared>> -> memref<65x128xf32, #tpu.memory_space<vmem_shared>>
      %dma_wait3A_148 = arith.constant 0 : i32
      %dma_wait3A_149 = tpu.memref_slice %arg11[%add3A_14, %dma_wait3A_148] : memref<10000x128xf32, #tpu.memory_space<vmem_shared>> -> memref<65x128xf32, #tpu.memory_space<vmem_shared>>
      %dma_wait3A_150 = arith.constant 0 : i32
      %dma_wait3A_151 = arith.constant 0 : i32
      %dma_wait3A_152 = tpu.memref_slice %arg8[%dma_wait3A_150, %dma_wait3A_151] : memref<80x128xf32, #tpu.memory_space<vmem>> -> memref<65x128xf32, #tpu.memory_space<vmem>>
      tpu.wait_dma2 semaphore(%run_scoped3A_132 : memref<!tpu.dma_semaphore, #tpu.memory_space<semaphore_mem>>) src(%dma_wait3A_152 : memref<65x128xf32, #tpu.memory_space<vmem>>) dst(%dma_wait3A_149 : memref<65x128xf32, #tpu.memory_space<vmem_shared>>)
      tpu.yield
    }) : () -> ()
    %barrier3A = arith.constant 0 : index
    tpu.barrier barrier_id(%barrier3A)
    "tpu.region"() ({
      %run_scoped3A_132 = tpu.sem_alloc : memref<!tpu.dma_semaphore, #tpu.memory_space<semaphore_mem>>
      %dma_start3A_133 = arith.constant 0 : i32
      %dma_start3A_134 = arith.constant 0 : i32
      %dma_start3A_135 = tpu.memref_slice %arg3[%add3A, %dma_start3A_133, %dma_start3A_134] : memref<32x125x80xi32, #tpu.memory_space<hbm>> -> memref<1x125x80xi32, #tpu.memory_space<hbm>>
      %dma_start3A_136 = tpu.memref_squeeze %dma_start3A_135 : memref<1x125x80xi32, #tpu.memory_space<hbm>> -> memref<125x80xi32, #tpu.memory_space<hbm>>
      %dma_start3A_137 = arith.constant 0 : i32
      %dma_start3A_138 = arith.constant 0 : i32
      %dma_start3A_139 = tpu.memref_slice %arg3[%add3A, %dma_start3A_137, %dma_start3A_138] : memref<32x125x80xi32, #tpu.memory_space<hbm>> -> memref<1x125x80xi32, #tpu.memory_space<hbm>>
      %dma_start3A_140 = tpu.memref_squeeze %dma_start3A_139 : memref<1x125x80xi32, #tpu.memory_space<hbm>> -> memref<125x80xi32, #tpu.memory_space<hbm>>
      tpu.enqueue_dma source(%dma_start3A_140 : memref<125x80xi32, #tpu.memory_space<hbm>>) target(%arg6 : memref<125x80xi32, #tpu.memory_space<vmem>>) target_semaphore(%run_scoped3A_132 : memref<!tpu.dma_semaphore, #tpu.memory_space<semaphore_mem>>)
      %dma_wait3A_141 = arith.constant 0 : i32
      %dma_wait3A_142 = arith.constant 0 : i32
      %dma_wait3A_143 = tpu.memref_slice %arg3[%add3A, %dma_wait3A_141, %dma_wait3A_142] : memref<32x125x80xi32, #tpu.memory_space<hbm>> -> memref<1x125x80xi32, #tpu.memory_space<hbm>>
      %dma_wait3A_144 = tpu.memref_squeeze %dma_wait3A_143 : memref<1x125x80xi32, #tpu.memory_space<hbm>> -> memref<125x80xi32, #tpu.memory_space<hbm>>
      %dma_wait3A_145 = arith.constant 0 : i32
      %dma_wait3A_146 = arith.constant 0 : i32
      %dma_wait3A_147 = tpu.memref_slice %arg3[%add3A, %dma_wait3A_145, %dma_wait3A_146] : memref<32x125x80xi32, #tpu.memory_space<hbm>> -> memref<1x125x80xi32, #tpu.memory_space<hbm>>
      %dma_wait3A_148 = tpu.memref_squeeze %dma_wait3A_147 : memref<1x125x80xi32, #tpu.memory_space<hbm>> -> memref<125x80xi32, #tpu.memory_space<hbm>>
      tpu.wait_dma2 semaphore(%run_scoped3A_132 : memref<!tpu.dma_semaphore, #tpu.memory_space<semaphore_mem>>) src(%dma_wait3A_148 : memref<125x80xi32, #tpu.memory_space<hbm>>) dst(%arg6 : memref<125x80xi32, #tpu.memory_space<vmem>>)
      tpu.yield
    }) : () -> ()
    "tpu.region"() ({
      %run_scoped3A_132 = tpu.sem_alloc : memref<!tpu.dma_semaphore, #tpu.memory_space<semaphore_mem>>
      %dma_start3A_133 = arith.constant 0 : i32
      %dma_start3A_134 = arith.constant 0 : i32
      %dma_start3A_135 = tpu.memref_slice %arg4[%add3A, %dma_start3A_133, %dma_start3A_134] : memref<32x125x80xi32, #tpu.memory_space<hbm>> -> memref<1x125x80xi32, #tpu.memory_space<hbm>>
      %dma_start3A_136 = tpu.memref_squeeze %dma_start3A_135 : memref<1x125x80xi32, #tpu.memory_space<hbm>> -> memref<125x80xi32, #tpu.memory_space<hbm>>
      %dma_start3A_137 = arith.constant 0 : i32
      %dma_start3A_138 = arith.constant 0 : i32
      %dma_start3A_139 = tpu.memref_slice %arg4[%add3A, %dma_start3A_137, %dma_start3A_138] : memref<32x125x80xi32, #tpu.memory_space<hbm>> -> memref<1x125x80xi32, #tpu.memory_space<hbm>>
      %dma_start3A_140 = tpu.memref_squeeze %dma_start3A_139 : memref<1x125x80xi32, #tpu.memory_space<hbm>> -> memref<125x80xi32, #tpu.memory_space<hbm>>
      tpu.enqueue_dma source(%dma_start3A_140 : memref<125x80xi32, #tpu.memory_space<hbm>>) target(%arg7 : memref<125x80xi32, #tpu.memory_space<vmem>>) target_semaphore(%run_scoped3A_132 : memref<!tpu.dma_semaphore, #tpu.memory_space<semaphore_mem>>)
      %dma_wait3A_141 = arith.constant 0 : i32
      %dma_wait3A_142 = arith.constant 0 : i32
      %dma_wait3A_143 = tpu.memref_slice %arg4[%add3A, %dma_wait3A_141, %dma_wait3A_142] : memref<32x125x80xi32, #tpu.memory_space<hbm>> -> memref<1x125x80xi32, #tpu.memory_space<hbm>>
      %dma_wait3A_144 = tpu.memref_squeeze %dma_wait3A_143 : memref<1x125x80xi32, #tpu.memory_space<hbm>> -> memref<125x80xi32, #tpu.memory_space<hbm>>
      %dma_wait3A_145 = arith.constant 0 : i32
      %dma_wait3A_146 = arith.constant 0 : i32
      %dma_wait3A_147 = tpu.memref_slice %arg4[%add3A, %dma_wait3A_145, %dma_wait3A_146] : memref<32x125x80xi32, #tpu.memory_space<hbm>> -> memref<1x125x80xi32, #tpu.memory_space<hbm>>
      %dma_wait3A_148 = tpu.memref_squeeze %dma_wait3A_147 : memref<1x125x80xi32, #tpu.memory_space<hbm>> -> memref<125x80xi32, #tpu.memory_space<hbm>>
      tpu.wait_dma2 semaphore(%run_scoped3A_132 : memref<!tpu.dma_semaphore, #tpu.memory_space<semaphore_mem>>) src(%dma_wait3A_148 : memref<125x80xi32, #tpu.memory_space<hbm>>) dst(%arg7 : memref<125x80xi32, #tpu.memory_space<vmem>>)
      tpu.yield
    }) : () -> ()
    %dma_start3A = arith.constant 0 : i32
    %dma_start3A_15 = arith.constant 0 : i32
    %dma_start3A_16 = tpu.memref_slice %arg6[%dma_start3A, %dma_start3A_15] : memref<125x80xi32, #tpu.memory_space<vmem>> -> memref<1x80xi32, #tpu.memory_space<vmem>>
    %dma_start3A_17 = tpu.memref_squeeze %dma_start3A_16 : memref<1x80xi32, #tpu.memory_space<vmem>> -> memref<80xi32, #tpu.memory_space<vmem>>
    %dma_start3A_18 = arith.constant 0 : i32
    %dma_start3A_19 = arith.constant 0 : i32
    %dma_start3A_20 = tpu.memref_slice %arg2[%dma_start3A_18, %dma_start3A_19] : memref<10000x128xf32, #tpu.memory_space<hbm>> -> memref<10000x128xf32, #tpu.memory_space<hbm>>
    tpu.enqueue_indirect_dma source(%dma_start3A_20 : memref<10000x128xf32, #tpu.memory_space<hbm>>) target(%arg8 : memref<80x128xf32, #tpu.memory_space<vmem>>) offsets(%dma_start3A_17 : memref<80xi32, #tpu.memory_space<vmem>>) semaphore(%arg12 : memref<!tpu.dma_semaphore, #tpu.memory_space<semaphore_mem>>)
    %dma_start3A_21 = arith.constant 1 : i32
    %dma_start3A_22 = arith.constant 0 : i32
    %dma_start3A_23 = tpu.memref_slice %arg6[%dma_start3A_21, %dma_start3A_22] : memref<125x80xi32, #tpu.memory_space<vmem>> -> memref<1x80xi32, #tpu.memory_space<vmem>>
    %dma_start3A_24 = tpu.memref_squeeze %dma_start3A_23 : memref<1x80xi32, #tpu.memory_space<vmem>> -> memref<80xi32, #tpu.memory_space<vmem>>
    %dma_start3A_25 = arith.constant 0 : i32
    %dma_start3A_26 = arith.constant 0 : i32
    %dma_start3A_27 = tpu.memref_slice %arg2[%dma_start3A_25, %dma_start3A_26] : memref<10000x128xf32, #tpu.memory_space<hbm>> -> memref<10000x128xf32, #tpu.memory_space<hbm>>
    tpu.enqueue_indirect_dma source(%dma_start3A_27 : memref<10000x128xf32, #tpu.memory_space<hbm>>) target(%arg9 : memref<80x128xf32, #tpu.memory_space<vmem>>) offsets(%dma_start3A_24 : memref<80xi32, #tpu.memory_space<vmem>>) semaphore(%arg13 : memref<!tpu.dma_semaphore, #tpu.memory_space<semaphore_mem>>)
    %dma_start3A_28 = arith.constant 2 : i32
    %dma_start3A_29 = arith.constant 0 : i32
    %dma_start3A_30 = tpu.memref_slice %arg6[%dma_start3A_28, %dma_start3A_29] : memref<125x80xi32, #tpu.memory_space<vmem>> -> memref<1x80xi32, #tpu.memory_space<vmem>>
    %dma_start3A_31 = tpu.memref_squeeze %dma_start3A_30 : memref<1x80xi32, #tpu.memory_space<vmem>> -> memref<80xi32, #tpu.memory_space<vmem>>
    %dma_start3A_32 = arith.constant 0 : i32
    %dma_start3A_33 = arith.constant 0 : i32
    %dma_start3A_34 = tpu.memref_slice %arg2[%dma_start3A_32, %dma_start3A_33] : memref<10000x128xf32, #tpu.memory_space<hbm>> -> memref<10000x128xf32, #tpu.memory_space<hbm>>
    tpu.enqueue_indirect_dma source(%dma_start3A_34 : memref<10000x128xf32, #tpu.memory_space<hbm>>) target(%arg10 : memref<80x128xf32, #tpu.memory_space<vmem>>) offsets(%dma_start3A_31 : memref<80xi32, #tpu.memory_space<vmem>>) semaphore(%arg14 : memref<!tpu.dma_semaphore, #tpu.memory_space<semaphore_mem>>)
    %scan3A_35 = arith.constant 0 : i32
    %scan3A_36 = arith.constant 40 : i32
    %scan3A_37 = arith.addi %scan3A_35, %scan3A_36 : i32
    %scan3A_38 = arith.constant 1 : i32
    scf.for %scan3A_132 = %scan3A_35 to %scan3A_37 step %scan3A_38  : i32 {
      %mul3A_133 = arith.constant 1 : i32
      %mul3A_134 = arith.muli %scan3A_132, %mul3A_133 : i32
      %add3A_135 = arith.constant 0 : i32
      %add3A_136 = arith.addi %add3A_135, %mul3A_134 : i32
      %mul3A_137 = arith.constant 3 : i32
      %mul3A_138 = arith.muli %mul3A_137, %add3A_136 : i32
      %add3A_139 = arith.constant 0 : i32
      %add3A_140 = arith.addi %add3A_139, %mul3A_138 : i32
      %add3A_141 = arith.constant 0 : i32
      %add3A_142 = arith.addi %add3A_140, %add3A_141 : i32
      %dma_wait3A_143 = arith.constant 0 : i32
      %dma_wait3A_144 = tpu.memref_slice %arg6[%add3A_142, %dma_wait3A_143] : memref<125x80xi32, #tpu.memory_space<vmem>> -> memref<1x80xi32, #tpu.memory_space<vmem>>
      %dma_wait3A_145 = tpu.memref_squeeze %dma_wait3A_144 : memref<1x80xi32, #tpu.memory_space<vmem>> -> memref<80xi32, #tpu.memory_space<vmem>>
      %dma_wait3A_146 = arith.constant 0 : i32
      %dma_wait3A_147 = arith.constant 0 : i32
      %dma_wait3A_148 = tpu.memref_slice %arg2[%dma_wait3A_146, %dma_wait3A_147] : memref<10000x128xf32, #tpu.memory_space<hbm>> -> memref<10000x128xf32, #tpu.memory_space<hbm>>
      tpu.wait_indirect_dma semaphore(%arg12 : memref<!tpu.dma_semaphore, #tpu.memory_space<semaphore_mem>>) src(%dma_wait3A_148 : memref<10000x128xf32, #tpu.memory_space<hbm>>) dst(%arg8 : memref<80x128xf32, #tpu.memory_space<vmem>>)
      %add3A_149 = arith.constant 0 : i32
      %add3A_150 = arith.addi %add3A_140, %add3A_149 : i32
      %dma_start3A_151 = arith.constant 0 : i32
      %dma_start3A_152 = tpu.memref_slice %arg7[%add3A_150, %dma_start3A_151] : memref<125x80xi32, #tpu.memory_space<vmem>> -> memref<1x80xi32, #tpu.memory_space<vmem>>
      %dma_start3A_153 = tpu.memref_squeeze %dma_start3A_152 : memref<1x80xi32, #tpu.memory_space<vmem>> -> memref<80xi32, #tpu.memory_space<vmem>>
      %dma_start3A_154 = arith.constant 0 : i32
      %dma_start3A_155 = arith.constant 0 : i32
      %dma_start3A_156 = tpu.memref_slice %arg11[%dma_start3A_154, %dma_start3A_155] : memref<10000x128xf32, #tpu.memory_space<vmem_shared>> -> memref<10000x128xf32, #tpu.memory_space<vmem_shared>>
      tpu.enqueue_indirect_dma source(%arg8 : memref<80x128xf32, #tpu.memory_space<vmem>>) target(%dma_start3A_156 : memref<10000x128xf32, #tpu.memory_space<vmem_shared>>) offsets(%dma_start3A_153 : memref<80xi32, #tpu.memory_space<vmem>>) semaphore(%arg15 : memref<!tpu.dma_semaphore, #tpu.memory_space<semaphore_mem>>) {add = true}
      %add3A_157 = arith.constant 0 : i32
      %add3A_158 = arith.addi %add3A_140, %add3A_157 : i32
      %add3A_159 = arith.constant 1 : i32
      %add3A_160 = arith.addi %add3A_140, %add3A_159 : i32
      %dma_wait3A_161 = arith.constant 0 : i32
      %dma_wait3A_162 = tpu.memref_slice %arg6[%add3A_160, %dma_wait3A_161] : memref<125x80xi32, #tpu.memory_space<vmem>> -> memref<1x80xi32, #tpu.memory_space<vmem>>
      %dma_wait3A_163 = tpu.memref_squeeze %dma_wait3A_162 : memref<1x80xi32, #tpu.memory_space<vmem>> -> memref<80xi32, #tpu.memory_space<vmem>>
      %dma_wait3A_164 = arith.constant 0 : i32
      %dma_wait3A_165 = arith.constant 0 : i32
      %dma_wait3A_166 = tpu.memref_slice %arg2[%dma_wait3A_164, %dma_wait3A_165] : memref<10000x128xf32, #tpu.memory_space<hbm>> -> memref<10000x128xf32, #tpu.memory_space<hbm>>
      tpu.wait_indirect_dma semaphore(%arg13 : memref<!tpu.dma_semaphore, #tpu.memory_space<semaphore_mem>>) src(%dma_wait3A_166 : memref<10000x128xf32, #tpu.memory_space<hbm>>) dst(%arg9 : memref<80x128xf32, #tpu.memory_space<vmem>>)
      %add3A_167 = arith.constant 1 : i32
      %add3A_168 = arith.addi %add3A_140, %add3A_167 : i32
      %dma_start3A_169 = arith.constant 0 : i32
      %dma_start3A_170 = tpu.memref_slice %arg7[%add3A_168, %dma_start3A_169] : memref<125x80xi32, #tpu.memory_space<vmem>> -> memref<1x80xi32, #tpu.memory_space<vmem>>
      %dma_start3A_171 = tpu.memref_squeeze %dma_start3A_170 : memref<1x80xi32, #tpu.memory_space<vmem>> -> memref<80xi32, #tpu.memory_space<vmem>>
      %dma_start3A_172 = arith.constant 0 : i32
      %dma_start3A_173 = arith.constant 0 : i32
      %dma_start3A_174 = tpu.memref_slice %arg11[%dma_start3A_172, %dma_start3A_173] : memref<10000x128xf32, #tpu.memory_space<vmem_shared>> -> memref<10000x128xf32, #tpu.memory_space<vmem_shared>>
      tpu.enqueue_indirect_dma source(%arg9 : memref<80x128xf32, #tpu.memory_space<vmem>>) target(%dma_start3A_174 : memref<10000x128xf32, #tpu.memory_space<vmem_shared>>) offsets(%dma_start3A_171 : memref<80xi32, #tpu.memory_space<vmem>>) semaphore(%arg16 : memref<!tpu.dma_semaphore, #tpu.memory_space<semaphore_mem>>) {add = true}
      %add3A_175 = arith.constant 1 : i32
      %add3A_176 = arith.addi %add3A_140, %add3A_175 : i32
      %add3A_177 = arith.constant 2 : i32
      %add3A_178 = arith.addi %add3A_140, %add3A_177 : i32
      %dma_wait3A_179 = arith.constant 0 : i32
      %dma_wait3A_180 = tpu.memref_slice %arg6[%add3A_178, %dma_wait3A_179] : memref<125x80xi32, #tpu.memory_space<vmem>> -> memref<1x80xi32, #tpu.memory_space<vmem>>
      %dma_wait3A_181 = tpu.memref_squeeze %dma_wait3A_180 : memref<1x80xi32, #tpu.memory_space<vmem>> -> memref<80xi32, #tpu.memory_space<vmem>>
      %dma_wait3A_182 = arith.constant 0 : i32
      %dma_wait3A_183 = arith.constant 0 : i32
      %dma_wait3A_184 = tpu.memref_slice %arg2[%dma_wait3A_182, %dma_wait3A_183] : memref<10000x128xf32, #tpu.memory_space<hbm>> -> memref<10000x128xf32, #tpu.memory_space<hbm>>
      tpu.wait_indirect_dma semaphore(%arg14 : memref<!tpu.dma_semaphore, #tpu.memory_space<semaphore_mem>>) src(%dma_wait3A_184 : memref<10000x128xf32, #tpu.memory_space<hbm>>) dst(%arg10 : memref<80x128xf32, #tpu.memory_space<vmem>>)
      %add3A_185 = arith.constant 2 : i32
      %add3A_186 = arith.addi %add3A_140, %add3A_185 : i32
      %dma_start3A_187 = arith.constant 0 : i32
      %dma_start3A_188 = tpu.memref_slice %arg7[%add3A_186, %dma_start3A_187] : memref<125x80xi32, #tpu.memory_space<vmem>> -> memref<1x80xi32, #tpu.memory_space<vmem>>
      %dma_start3A_189 = tpu.memref_squeeze %dma_start3A_188 : memref<1x80xi32, #tpu.memory_space<vmem>> -> memref<80xi32, #tpu.memory_space<vmem>>
      %dma_start3A_190 = arith.constant 0 : i32
      %dma_start3A_191 = arith.constant 0 : i32
      %dma_start3A_192 = tpu.memref_slice %arg11[%dma_start3A_190, %dma_start3A_191] : memref<10000x128xf32, #tpu.memory_space<vmem_shared>> -> memref<10000x128xf32, #tpu.memory_space<vmem_shared>>
      tpu.enqueue_indirect_dma source(%arg10 : memref<80x128xf32, #tpu.memory_space<vmem>>) target(%dma_start3A_192 : memref<10000x128xf32, #tpu.memory_space<vmem_shared>>) offsets(%dma_start3A_189 : memref<80xi32, #tpu.memory_space<vmem>>) semaphore(%arg17 : memref<!tpu.dma_semaphore, #tpu.memory_space<semaphore_mem>>) {add = true}
      %add3A_193 = arith.constant 2 : i32
      %add3A_194 = arith.addi %add3A_140, %add3A_193 : i32
      %add3A_195 = arith.constant 0 : i32
      %add3A_196 = arith.addi %add3A_140, %add3A_195 : i32
      %dma_wait3A_197 = arith.constant 0 : i32
      %dma_wait3A_198 = tpu.memref_slice %arg7[%add3A_196, %dma_wait3A_197] : memref<125x80xi32, #tpu.memory_space<vmem>> -> memref<1x80xi32, #tpu.memory_space<vmem>>
      %dma_wait3A_199 = tpu.memref_squeeze %dma_wait3A_198 : memref<1x80xi32, #tpu.memory_space<vmem>> -> memref<80xi32, #tpu.memory_space<vmem>>
      %dma_wait3A_200 = arith.constant 0 : i32
      %dma_wait3A_201 = arith.constant 0 : i32
      %dma_wait3A_202 = tpu.memref_slice %arg11[%dma_wait3A_200, %dma_wait3A_201] : memref<10000x128xf32, #tpu.memory_space<vmem_shared>> -> memref<10000x128xf32, #tpu.memory_space<vmem_shared>>
      tpu.wait_indirect_dma semaphore(%arg15 : memref<!tpu.dma_semaphore, #tpu.memory_space<semaphore_mem>>) src(%arg8 : memref<80x128xf32, #tpu.memory_space<vmem>>) dst(%dma_wait3A_202 : memref<10000x128xf32, #tpu.memory_space<vmem_shared>>)
      %add3A_203 = arith.constant 0 : i32
      %add3A_204 = arith.addi %add3A_140, %add3A_203 : i32
      %add3A_205 = arith.constant 3 : i32
      %add3A_206 = arith.addi %add3A_140, %add3A_205 : i32
      %add3A_207 = arith.constant 0 : i32
      %add3A_208 = arith.addi %add3A_206, %add3A_207 : i32
      %dma_start3A_209 = arith.constant 0 : i32
      %dma_start3A_210 = tpu.memref_slice %arg6[%add3A_208, %dma_start3A_209] : memref<125x80xi32, #tpu.memory_space<vmem>> -> memref<1x80xi32, #tpu.memory_space<vmem>>
      %dma_start3A_211 = tpu.memref_squeeze %dma_start3A_210 : memref<1x80xi32, #tpu.memory_space<vmem>> -> memref<80xi32, #tpu.memory_space<vmem>>
      %dma_start3A_212 = arith.constant 0 : i32
      %dma_start3A_213 = arith.constant 0 : i32
      %dma_start3A_214 = tpu.memref_slice %arg2[%dma_start3A_212, %dma_start3A_213] : memref<10000x128xf32, #tpu.memory_space<hbm>> -> memref<10000x128xf32, #tpu.memory_space<hbm>>
      tpu.enqueue_indirect_dma source(%dma_start3A_214 : memref<10000x128xf32, #tpu.memory_space<hbm>>) target(%arg8 : memref<80x128xf32, #tpu.memory_space<vmem>>) offsets(%dma_start3A_211 : memref<80xi32, #tpu.memory_space<vmem>>) semaphore(%arg12 : memref<!tpu.dma_semaphore, #tpu.memory_space<semaphore_mem>>)
      %add3A_215 = arith.constant 1 : i32
      %add3A_216 = arith.addi %add3A_140, %add3A_215 : i32
      %dma_wait3A_217 = arith.constant 0 : i32
      %dma_wait3A_218 = tpu.memref_slice %arg7[%add3A_216, %dma_wait3A_217] : memref<125x80xi32, #tpu.memory_space<vmem>> -> memref<1x80xi32, #tpu.memory_space<vmem>>
      %dma_wait3A_219 = tpu.memref_squeeze %dma_wait3A_218 : memref<1x80xi32, #tpu.memory_space<vmem>> -> memref<80xi32, #tpu.memory_space<vmem>>
      %dma_wait3A_220 = arith.constant 0 : i32
      %dma_wait3A_221 = arith.constant 0 : i32
      %dma_wait3A_222 = tpu.memref_slice %arg11[%dma_wait3A_220, %dma_wait3A_221] : memref<10000x128xf32, #tpu.memory_space<vmem_shared>> -> memref<10000x128xf32, #tpu.memory_space<vmem_shared>>
      tpu.wait_indirect_dma semaphore(%arg16 : memref<!tpu.dma_semaphore, #tpu.memory_space<semaphore_mem>>) src(%arg9 : memref<80x128xf32, #tpu.memory_space<vmem>>) dst(%dma_wait3A_222 : memref<10000x128xf32, #tpu.memory_space<vmem_shared>>)
      %add3A_223 = arith.constant 1 : i32
      %add3A_224 = arith.addi %add3A_140, %add3A_223 : i32
      %add3A_225 = arith.constant 3 : i32
      %add3A_226 = arith.addi %add3A_140, %add3A_225 : i32
      %add3A_227 = arith.constant 1 : i32
      %add3A_228 = arith.addi %add3A_226, %add3A_227 : i32
      %dma_start3A_229 = arith.constant 0 : i32
      %dma_start3A_230 = tpu.memref_slice %arg6[%add3A_228, %dma_start3A_229] : memref<125x80xi32, #tpu.memory_space<vmem>> -> memref<1x80xi32, #tpu.memory_space<vmem>>
      %dma_start3A_231 = tpu.memref_squeeze %dma_start3A_230 : memref<1x80xi32, #tpu.memory_space<vmem>> -> memref<80xi32, #tpu.memory_space<vmem>>
      %dma_start3A_232 = arith.constant 0 : i32
      %dma_start3A_233 = arith.constant 0 : i32
      %dma_start3A_234 = tpu.memref_slice %arg2[%dma_start3A_232, %dma_start3A_233] : memref<10000x128xf32, #tpu.memory_space<hbm>> -> memref<10000x128xf32, #tpu.memory_space<hbm>>
      tpu.enqueue_indirect_dma source(%dma_start3A_234 : memref<10000x128xf32, #tpu.memory_space<hbm>>) target(%arg9 : memref<80x128xf32, #tpu.memory_space<vmem>>) offsets(%dma_start3A_231 : memref<80xi32, #tpu.memory_space<vmem>>) semaphore(%arg13 : memref<!tpu.dma_semaphore, #tpu.memory_space<semaphore_mem>>)
      %add3A_235 = arith.constant 2 : i32
      %add3A_236 = arith.addi %add3A_140, %add3A_235 : i32
      %dma_wait3A_237 = arith.constant 0 : i32
      %dma_wait3A_238 = tpu.memref_slice %arg7[%add3A_236, %dma_wait3A_237] : memref<125x80xi32, #tpu.memory_space<vmem>> -> memref<1x80xi32, #tpu.memory_space<vmem>>
      %dma_wait3A_239 = tpu.memref_squeeze %dma_wait3A_238 : memref<1x80xi32, #tpu.memory_space<vmem>> -> memref<80xi32, #tpu.memory_space<vmem>>
      %dma_wait3A_240 = arith.constant 0 : i32
      %dma_wait3A_241 = arith.constant 0 : i32
      %dma_wait3A_242 = tpu.memref_slice %arg11[%dma_wait3A_240, %dma_wait3A_241] : memref<10000x128xf32, #tpu.memory_space<vmem_shared>> -> memref<10000x128xf32, #tpu.memory_space<vmem_shared>>
      tpu.wait_indirect_dma semaphore(%arg17 : memref<!tpu.dma_semaphore, #tpu.memory_space<semaphore_mem>>) src(%arg10 : memref<80x128xf32, #tpu.memory_space<vmem>>) dst(%dma_wait3A_242 : memref<10000x128xf32, #tpu.memory_space<vmem_shared>>)
      %add3A_243 = arith.constant 2 : i32
      %add3A_244 = arith.addi %add3A_140, %add3A_243 : i32
      %add3A_245 = arith.constant 3 : i32
      %add3A_246 = arith.addi %add3A_140, %add3A_245 : i32
      %add3A_247 = arith.constant 2 : i32
      %add3A_248 = arith.addi %add3A_246, %add3A_247 : i32
      %dma_start3A_249 = arith.constant 0 : i32
      %dma_start3A_250 = tpu.memref_slice %arg6[%add3A_248, %dma_start3A_249] : memref<125x80xi32, #tpu.memory_space<vmem>> -> memref<1x80xi32, #tpu.memory_space<vmem>>
      %dma_start3A_251 = tpu.memref_squeeze %dma_start3A_250 : memref<1x80xi32, #tpu.memory_space<vmem>> -> memref<80xi32, #tpu.memory_space<vmem>>
      %dma_start3A_252 = arith.constant 0 : i32
      %dma_start3A_253 = arith.constant 0 : i32
      %dma_start3A_254 = tpu.memref_slice %arg2[%dma_start3A_252, %dma_start3A_253] : memref<10000x128xf32, #tpu.memory_space<hbm>> -> memref<10000x128xf32, #tpu.memory_space<hbm>>
      tpu.enqueue_indirect_dma source(%dma_start3A_254 : memref<10000x128xf32, #tpu.memory_space<hbm>>) target(%arg10 : memref<80x128xf32, #tpu.memory_space<vmem>>) offsets(%dma_start3A_251 : memref<80xi32, #tpu.memory_space<vmem>>) semaphore(%arg14 : memref<!tpu.dma_semaphore, #tpu.memory_space<semaphore_mem>>)
    }
    %scan3A_39 = arith.constant 40 : i32
    %dma_wait3A = arith.constant 120 : i32
    %dma_wait3A_40 = arith.constant 0 : i32
    %dma_wait3A_41 = tpu.memref_slice %arg6[%dma_wait3A, %dma_wait3A_40] : memref<125x80xi32, #tpu.memory_space<vmem>> -> memref<1x80xi32, #tpu.memory_space<vmem>>
    %dma_wait3A_42 = tpu.memref_squeeze %dma_wait3A_41 : memref<1x80xi32, #tpu.memory_space<vmem>> -> memref<80xi32, #tpu.memory_space<vmem>>
    %dma_wait3A_43 = arith.constant 0 : i32
    %dma_wait3A_44 = arith.constant 0 : i32
    %dma_wait3A_45 = tpu.memref_slice %arg2[%dma_wait3A_43, %dma_wait3A_44] : memref<10000x128xf32, #tpu.memory_space<hbm>> -> memref<10000x128xf32, #tpu.memory_space<hbm>>
    tpu.wait_indirect_dma semaphore(%arg12 : memref<!tpu.dma_semaphore, #tpu.memory_space<semaphore_mem>>) src(%dma_wait3A_45 : memref<10000x128xf32, #tpu.memory_space<hbm>>) dst(%arg8 : memref<80x128xf32, #tpu.memory_space<vmem>>)
    %dma_start3A_46 = arith.constant 120 : i32
    %dma_start3A_47 = arith.constant 0 : i32
    %dma_start3A_48 = tpu.memref_slice %arg7[%dma_start3A_46, %dma_start3A_47] : memref<125x80xi32, #tpu.memory_space<vmem>> -> memref<1x80xi32, #tpu.memory_space<vmem>>
    %dma_start3A_49 = tpu.memref_squeeze %dma_start3A_48 : memref<1x80xi32, #tpu.memory_space<vmem>> -> memref<80xi32, #tpu.memory_space<vmem>>
    %dma_start3A_50 = arith.constant 0 : i32
    %dma_start3A_51 = arith.constant 0 : i32
    %dma_start3A_52 = tpu.memref_slice %arg11[%dma_start3A_50, %dma_start3A_51] : memref<10000x128xf32, #tpu.memory_space<vmem_shared>> -> memref<10000x128xf32, #tpu.memory_space<vmem_shared>>
    tpu.enqueue_indirect_dma source(%arg8 : memref<80x128xf32, #tpu.memory_space<vmem>>) target(%dma_start3A_52 : memref<10000x128xf32, #tpu.memory_space<vmem_shared>>) offsets(%dma_start3A_49 : memref<80xi32, #tpu.memory_space<vmem>>) semaphore(%arg15 : memref<!tpu.dma_semaphore, #tpu.memory_space<semaphore_mem>>) {add = true}
    %dma_wait3A_53 = arith.constant 121 : i32
    %dma_wait3A_54 = arith.constant 0 : i32
    %dma_wait3A_55 = tpu.memref_slice %arg6[%dma_wait3A_53, %dma_wait3A_54] : memref<125x80xi32, #tpu.memory_space<vmem>> -> memref<1x80xi32, #tpu.memory_space<vmem>>
    %dma_wait3A_56 = tpu.memref_squeeze %dma_wait3A_55 : memref<1x80xi32, #tpu.memory_space<vmem>> -> memref<80xi32, #tpu.memory_space<vmem>>
    %dma_wait3A_57 = arith.constant 0 : i32
    %dma_wait3A_58 = arith.constant 0 : i32
    %dma_wait3A_59 = tpu.memref_slice %arg2[%dma_wait3A_57, %dma_wait3A_58] : memref<10000x128xf32, #tpu.memory_space<hbm>> -> memref<10000x128xf32, #tpu.memory_space<hbm>>
    tpu.wait_indirect_dma semaphore(%arg13 : memref<!tpu.dma_semaphore, #tpu.memory_space<semaphore_mem>>) src(%dma_wait3A_59 : memref<10000x128xf32, #tpu.memory_space<hbm>>) dst(%arg9 : memref<80x128xf32, #tpu.memory_space<vmem>>)
    %dma_start3A_60 = arith.constant 121 : i32
    %dma_start3A_61 = arith.constant 0 : i32
    %dma_start3A_62 = tpu.memref_slice %arg7[%dma_start3A_60, %dma_start3A_61] : memref<125x80xi32, #tpu.memory_space<vmem>> -> memref<1x80xi32, #tpu.memory_space<vmem>>
    %dma_start3A_63 = tpu.memref_squeeze %dma_start3A_62 : memref<1x80xi32, #tpu.memory_space<vmem>> -> memref<80xi32, #tpu.memory_space<vmem>>
    %dma_start3A_64 = arith.constant 0 : i32
    %dma_start3A_65 = arith.constant 0 : i32
    %dma_start3A_66 = tpu.memref_slice %arg11[%dma_start3A_64, %dma_start3A_65] : memref<10000x128xf32, #tpu.memory_space<vmem_shared>> -> memref<10000x128xf32, #tpu.memory_space<vmem_shared>>
    tpu.enqueue_indirect_dma source(%arg9 : memref<80x128xf32, #tpu.memory_space<vmem>>) target(%dma_start3A_66 : memref<10000x128xf32, #tpu.memory_space<vmem_shared>>) offsets(%dma_start3A_63 : memref<80xi32, #tpu.memory_space<vmem>>) semaphore(%arg16 : memref<!tpu.dma_semaphore, #tpu.memory_space<semaphore_mem>>) {add = true}
    %dma_wait3A_67 = arith.constant 122 : i32
    %dma_wait3A_68 = arith.constant 0 : i32
    %dma_wait3A_69 = tpu.memref_slice %arg6[%dma_wait3A_67, %dma_wait3A_68] : memref<125x80xi32, #tpu.memory_space<vmem>> -> memref<1x80xi32, #tpu.memory_space<vmem>>
    %dma_wait3A_70 = tpu.memref_squeeze %dma_wait3A_69 : memref<1x80xi32, #tpu.memory_space<vmem>> -> memref<80xi32, #tpu.memory_space<vmem>>
    %dma_wait3A_71 = arith.constant 0 : i32
    %dma_wait3A_72 = arith.constant 0 : i32
    %dma_wait3A_73 = tpu.memref_slice %arg2[%dma_wait3A_71, %dma_wait3A_72] : memref<10000x128xf32, #tpu.memory_space<hbm>> -> memref<10000x128xf32, #tpu.memory_space<hbm>>
    tpu.wait_indirect_dma semaphore(%arg14 : memref<!tpu.dma_semaphore, #tpu.memory_space<semaphore_mem>>) src(%dma_wait3A_73 : memref<10000x128xf32, #tpu.memory_space<hbm>>) dst(%arg10 : memref<80x128xf32, #tpu.memory_space<vmem>>)
    %dma_start3A_74 = arith.constant 122 : i32
    %dma_start3A_75 = arith.constant 0 : i32
    %dma_start3A_76 = tpu.memref_slice %arg7[%dma_start3A_74, %dma_start3A_75] : memref<125x80xi32, #tpu.memory_space<vmem>> -> memref<1x80xi32, #tpu.memory_space<vmem>>
    %dma_start3A_77 = tpu.memref_squeeze %dma_start3A_76 : memref<1x80xi32, #tpu.memory_space<vmem>> -> memref<80xi32, #tpu.memory_space<vmem>>
    %dma_start3A_78 = arith.constant 0 : i32
    %dma_start3A_79 = arith.constant 0 : i32
    %dma_start3A_80 = tpu.memref_slice %arg11[%dma_start3A_78, %dma_start3A_79] : memref<10000x128xf32, #tpu.memory_space<vmem_shared>> -> memref<10000x128xf32, #tpu.memory_space<vmem_shared>>
    tpu.enqueue_indirect_dma source(%arg10 : memref<80x128xf32, #tpu.memory_space<vmem>>) target(%dma_start3A_80 : memref<10000x128xf32, #tpu.memory_space<vmem_shared>>) offsets(%dma_start3A_77 : memref<80xi32, #tpu.memory_space<vmem>>) semaphore(%arg17 : memref<!tpu.dma_semaphore, #tpu.memory_space<semaphore_mem>>) {add = true}
    %dma_wait3A_81 = arith.constant 120 : i32
    %dma_wait3A_82 = arith.constant 0 : i32
    %dma_wait3A_83 = tpu.memref_slice %arg7[%dma_wait3A_81, %dma_wait3A_82] : memref<125x80xi32, #tpu.memory_space<vmem>> -> memref<1x80xi32, #tpu.memory_space<vmem>>
    %dma_wait3A_84 = tpu.memref_squeeze %dma_wait3A_83 : memref<1x80xi32, #tpu.memory_space<vmem>> -> memref<80xi32, #tpu.memory_space<vmem>>
    %dma_wait3A_85 = arith.constant 0 : i32
    %dma_wait3A_86 = arith.constant 0 : i32
    %dma_wait3A_87 = tpu.memref_slice %arg11[%dma_wait3A_85, %dma_wait3A_86] : memref<10000x128xf32, #tpu.memory_space<vmem_shared>> -> memref<10000x128xf32, #tpu.memory_space<vmem_shared>>
    tpu.wait_indirect_dma semaphore(%arg15 : memref<!tpu.dma_semaphore, #tpu.memory_space<semaphore_mem>>) src(%arg8 : memref<80x128xf32, #tpu.memory_space<vmem>>) dst(%dma_wait3A_87 : memref<10000x128xf32, #tpu.memory_space<vmem_shared>>)
    %dma_wait3A_88 = arith.constant 121 : i32
    %dma_wait3A_89 = arith.constant 0 : i32
    %dma_wait3A_90 = tpu.memref_slice %arg7[%dma_wait3A_88, %dma_wait3A_89] : memref<125x80xi32, #tpu.memory_space<vmem>> -> memref<1x80xi32, #tpu.memory_space<vmem>>
    %dma_wait3A_91 = tpu.memref_squeeze %dma_wait3A_90 : memref<1x80xi32, #tpu.memory_space<vmem>> -> memref<80xi32, #tpu.memory_space<vmem>>
    %dma_wait3A_92 = arith.constant 0 : i32
    %dma_wait3A_93 = arith.constant 0 : i32
    %dma_wait3A_94 = tpu.memref_slice %arg11[%dma_wait3A_92, %dma_wait3A_93] : memref<10000x128xf32, #tpu.memory_space<vmem_shared>> -> memref<10000x128xf32, #tpu.memory_space<vmem_shared>>
    tpu.wait_indirect_dma semaphore(%arg16 : memref<!tpu.dma_semaphore, #tpu.memory_space<semaphore_mem>>) src(%arg9 : memref<80x128xf32, #tpu.memory_space<vmem>>) dst(%dma_wait3A_94 : memref<10000x128xf32, #tpu.memory_space<vmem_shared>>)
    %dma_wait3A_95 = arith.constant 122 : i32
    %dma_wait3A_96 = arith.constant 0 : i32
    %dma_wait3A_97 = tpu.memref_slice %arg7[%dma_wait3A_95, %dma_wait3A_96] : memref<125x80xi32, #tpu.memory_space<vmem>> -> memref<1x80xi32, #tpu.memory_space<vmem>>
    %dma_wait3A_98 = tpu.memref_squeeze %dma_wait3A_97 : memref<1x80xi32, #tpu.memory_space<vmem>> -> memref<80xi32, #tpu.memory_space<vmem>>
    %dma_wait3A_99 = arith.constant 0 : i32
    %dma_wait3A_100 = arith.constant 0 : i32
    %dma_wait3A_101 = tpu.memref_slice %arg11[%dma_wait3A_99, %dma_wait3A_100] : memref<10000x128xf32, #tpu.memory_space<vmem_shared>> -> memref<10000x128xf32, #tpu.memory_space<vmem_shared>>
    tpu.wait_indirect_dma semaphore(%arg17 : memref<!tpu.dma_semaphore, #tpu.memory_space<semaphore_mem>>) src(%arg10 : memref<80x128xf32, #tpu.memory_space<vmem>>) dst(%dma_wait3A_101 : memref<10000x128xf32, #tpu.memory_space<vmem_shared>>)
    %dma_start3A_102 = arith.constant 123 : i32
    %dma_start3A_103 = arith.constant 0 : i32
    %dma_start3A_104 = tpu.memref_slice %arg6[%dma_start3A_102, %dma_start3A_103] : memref<125x80xi32, #tpu.memory_space<vmem>> -> memref<1x80xi32, #tpu.memory_space<vmem>>
    %dma_start3A_105 = tpu.memref_squeeze %dma_start3A_104 : memref<1x80xi32, #tpu.memory_space<vmem>> -> memref<80xi32, #tpu.memory_space<vmem>>
    %dma_start3A_106 = arith.constant 0 : i32
    %dma_start3A_107 = arith.constant 0 : i32
    %dma_start3A_108 = tpu.memref_slice %arg2[%dma_start3A_106, %dma_start3A_107] : memref<10000x128xf32, #tpu.memory_space<hbm>> -> memref<10000x128xf32, #tpu.memory_space<hbm>>
    tpu.enqueue_indirect_dma source(%dma_start3A_108 : memref<10000x128xf32, #tpu.memory_space<hbm>>) target(%arg8 : memref<80x128xf32, #tpu.memory_space<vmem>>) offsets(%dma_start3A_105 : memref<80xi32, #tpu.memory_space<vmem>>) semaphore(%arg12 : memref<!tpu.dma_semaphore, #tpu.memory_space<semaphore_mem>>)
    %dma_wait3A_109 = arith.constant 123 : i32
    %dma_wait3A_110 = arith.constant 0 : i32
    %dma_wait3A_111 = tpu.memref_slice %arg6[%dma_wait3A_109, %dma_wait3A_110] : memref<125x80xi32, #tpu.memory_space<vmem>> -> memref<1x80xi32, #tpu.memory_space<vmem>>
    %dma_wait3A_112 = tpu.memref_squeeze %dma_wait3A_111 : memref<1x80xi32, #tpu.memory_space<vmem>> -> memref<80xi32, #tpu.memory_space<vmem>>
    %dma_wait3A_113 = arith.constant 0 : i32
    %dma_wait3A_114 = arith.constant 0 : i32
    %dma_wait3A_115 = tpu.memref_slice %arg2[%dma_wait3A_113, %dma_wait3A_114] : memref<10000x128xf32, #tpu.memory_space<hbm>> -> memref<10000x128xf32, #tpu.memory_space<hbm>>
    tpu.wait_indirect_dma semaphore(%arg12 : memref<!tpu.dma_semaphore, #tpu.memory_space<semaphore_mem>>) src(%dma_wait3A_115 : memref<10000x128xf32, #tpu.memory_space<hbm>>) dst(%arg8 : memref<80x128xf32, #tpu.memory_space<vmem>>)
    %run_scoped3A = arith.constant 123 : i32
    "tpu.region"() ({
      %run_scoped3A_132 = tpu.sem_alloc : memref<!tpu.dma_semaphore, #tpu.memory_space<semaphore_mem>>
      %dma_start3A_133 = arith.constant 0 : i32
      %dma_start3A_134 = tpu.memref_slice %arg7[%run_scoped3A, %dma_start3A_133] : memref<125x80xi32, #tpu.memory_space<vmem>> -> memref<1x80xi32, #tpu.memory_space<vmem>>
      %dma_start3A_135 = tpu.memref_squeeze %dma_start3A_134 : memref<1x80xi32, #tpu.memory_space<vmem>> -> memref<80xi32, #tpu.memory_space<vmem>>
      %dma_start3A_136 = arith.constant 0 : i32
      %dma_start3A_137 = arith.constant 0 : i32
      %dma_start3A_138 = tpu.memref_slice %arg11[%dma_start3A_136, %dma_start3A_137] : memref<10000x128xf32, #tpu.memory_space<vmem_shared>> -> memref<10000x128xf32, #tpu.memory_space<vmem_shared>>
      tpu.enqueue_indirect_dma source(%arg8 : memref<80x128xf32, #tpu.memory_space<vmem>>) target(%dma_start3A_138 : memref<10000x128xf32, #tpu.memory_space<vmem_shared>>) offsets(%dma_start3A_135 : memref<80xi32, #tpu.memory_space<vmem>>) semaphore(%run_scoped3A_132 : memref<!tpu.dma_semaphore, #tpu.memory_space<semaphore_mem>>) {add = true}
      %dma_wait3A_139 = arith.constant 0 : i32
      %dma_wait3A_140 = tpu.memref_slice %arg7[%run_scoped3A, %dma_wait3A_139] : memref<125x80xi32, #tpu.memory_space<vmem>> -> memref<1x80xi32, #tpu.memory_space<vmem>>
      %dma_wait3A_141 = tpu.memref_squeeze %dma_wait3A_140 : memref<1x80xi32, #tpu.memory_space<vmem>> -> memref<80xi32, #tpu.memory_space<vmem>>
      %dma_wait3A_142 = arith.constant 0 : i32
      %dma_wait3A_143 = arith.constant 0 : i32
      %dma_wait3A_144 = tpu.memref_slice %arg11[%dma_wait3A_142, %dma_wait3A_143] : memref<10000x128xf32, #tpu.memory_space<vmem_shared>> -> memref<10000x128xf32, #tpu.memory_space<vmem_shared>>
      tpu.wait_indirect_dma semaphore(%run_scoped3A_132 : memref<!tpu.dma_semaphore, #tpu.memory_space<semaphore_mem>>) src(%arg8 : memref<80x128xf32, #tpu.memory_space<vmem>>) dst(%dma_wait3A_144 : memref<10000x128xf32, #tpu.memory_space<vmem_shared>>)
      tpu.yield
    }) : () -> ()
    %dma_start3A_116 = arith.constant 124 : i32
    %dma_start3A_117 = arith.constant 0 : i32
    %dma_start3A_118 = tpu.memref_slice %arg6[%dma_start3A_116, %dma_start3A_117] : memref<125x80xi32, #tpu.memory_space<vmem>> -> memref<1x80xi32, #tpu.memory_space<vmem>>
    %dma_start3A_119 = tpu.memref_squeeze %dma_start3A_118 : memref<1x80xi32, #tpu.memory_space<vmem>> -> memref<80xi32, #tpu.memory_space<vmem>>
    %dma_start3A_120 = arith.constant 0 : i32
    %dma_start3A_121 = arith.constant 0 : i32
    %dma_start3A_122 = tpu.memref_slice %arg2[%dma_start3A_120, %dma_start3A_121] : memref<10000x128xf32, #tpu.memory_space<hbm>> -> memref<10000x128xf32, #tpu.memory_space<hbm>>
    tpu.enqueue_indirect_dma source(%dma_start3A_122 : memref<10000x128xf32, #tpu.memory_space<hbm>>) target(%arg8 : memref<80x128xf32, #tpu.memory_space<vmem>>) offsets(%dma_start3A_119 : memref<80xi32, #tpu.memory_space<vmem>>) semaphore(%arg12 : memref<!tpu.dma_semaphore, #tpu.memory_space<semaphore_mem>>)
    %dma_wait3A_123 = arith.constant 124 : i32
    %dma_wait3A_124 = arith.constant 0 : i32
    %dma_wait3A_125 = tpu.memref_slice %arg6[%dma_wait3A_123, %dma_wait3A_124] : memref<125x80xi32, #tpu.memory_space<vmem>> -> memref<1x80xi32, #tpu.memory_space<vmem>>
    %dma_wait3A_126 = tpu.memref_squeeze %dma_wait3A_125 : memref<1x80xi32, #tpu.memory_space<vmem>> -> memref<80xi32, #tpu.memory_space<vmem>>
    %dma_wait3A_127 = arith.constant 0 : i32
    %dma_wait3A_128 = arith.constant 0 : i32
    %dma_wait3A_129 = tpu.memref_slice %arg2[%dma_wait3A_127, %dma_wait3A_128] : memref<10000x128xf32, #tpu.memory_space<hbm>> -> memref<10000x128xf32, #tpu.memory_space<hbm>>
    tpu.wait_indirect_dma semaphore(%arg12 : memref<!tpu.dma_semaphore, #tpu.memory_space<semaphore_mem>>) src(%dma_wait3A_129 : memref<10000x128xf32, #tpu.memory_space<hbm>>) dst(%arg8 : memref<80x128xf32, #tpu.memory_space<vmem>>)
    %run_scoped3A_130 = arith.constant 124 : i32
    "tpu.region"() ({
      %run_scoped3A_132 = tpu.sem_alloc : memref<!tpu.dma_semaphore, #tpu.memory_space<semaphore_mem>>
      %dma_start3A_133 = arith.constant 0 : i32
      %dma_start3A_134 = tpu.memref_slice %arg7[%run_scoped3A_130, %dma_start3A_133] : memref<125x80xi32, #tpu.memory_space<vmem>> -> memref<1x80xi32, #tpu.memory_space<vmem>>
      %dma_start3A_135 = tpu.memref_squeeze %dma_start3A_134 : memref<1x80xi32, #tpu.memory_space<vmem>> -> memref<80xi32, #tpu.memory_space<vmem>>
      %dma_start3A_136 = arith.constant 0 : i32
      %dma_start3A_137 = arith.constant 0 : i32
      %dma_start3A_138 = tpu.memref_slice %arg11[%dma_start3A_136, %dma_start3A_137] : memref<10000x128xf32, #tpu.memory_space<vmem_shared>> -> memref<10000x128xf32, #tpu.memory_space<vmem_shared>>
      tpu.enqueue_indirect_dma source(%arg8 : memref<80x128xf32, #tpu.memory_space<vmem>>) target(%dma_start3A_138 : memref<10000x128xf32, #tpu.memory_space<vmem_shared>>) offsets(%dma_start3A_135 : memref<80xi32, #tpu.memory_space<vmem>>) semaphore(%run_scoped3A_132 : memref<!tpu.dma_semaphore, #tpu.memory_space<semaphore_mem>>) {add = true}
      %dma_wait3A_139 = arith.constant 0 : i32
      %dma_wait3A_140 = tpu.memref_slice %arg7[%run_scoped3A_130, %dma_wait3A_139] : memref<125x80xi32, #tpu.memory_space<vmem>> -> memref<1x80xi32, #tpu.memory_space<vmem>>
      %dma_wait3A_141 = tpu.memref_squeeze %dma_wait3A_140 : memref<1x80xi32, #tpu.memory_space<vmem>> -> memref<80xi32, #tpu.memory_space<vmem>>
      %dma_wait3A_142 = arith.constant 0 : i32
      %dma_wait3A_143 = arith.constant 0 : i32
      %dma_wait3A_144 = tpu.memref_slice %arg11[%dma_wait3A_142, %dma_wait3A_143] : memref<10000x128xf32, #tpu.memory_space<vmem_shared>> -> memref<10000x128xf32, #tpu.memory_space<vmem_shared>>
      tpu.wait_indirect_dma semaphore(%run_scoped3A_132 : memref<!tpu.dma_semaphore, #tpu.memory_space<semaphore_mem>>) src(%arg8 : memref<80x128xf32, #tpu.memory_space<vmem>>) dst(%dma_wait3A_144 : memref<10000x128xf32, #tpu.memory_space<vmem_shared>>)
      tpu.yield
    }) : () -> ()
    %barrier3A_131 = arith.constant 0 : index
    tpu.barrier barrier_id(%barrier3A_131)
    "tpu.region"() ({
      %run_scoped3A_132 = tpu.sem_alloc : memref<!tpu.dma_semaphore, #tpu.memory_space<semaphore_mem>>
      %dma_start3A_133 = arith.constant 0 : i32
      %dma_start3A_134 = tpu.memref_slice %arg5[%arg0, %mul3A_2, %dma_start3A_133] : memref<2x10000x128xf32, #tpu.memory_space<hbm>> -> memref<1x625x128xf32, #tpu.memory_space<hbm>>
      %dma_start3A_135 = tpu.memref_squeeze %dma_start3A_134 : memref<1x625x128xf32, #tpu.memory_space<hbm>> -> memref<625x128xf32, #tpu.memory_space<hbm>>
      %dma_start3A_136 = arith.constant 0 : i32
      %dma_start3A_137 = tpu.memref_slice %arg11[%mul3A_2, %dma_start3A_136] : memref<10000x128xf32, #tpu.memory_space<vmem_shared>> -> memref<625x128xf32, #tpu.memory_space<vmem_shared>>
      tpu.enqueue_dma source(%dma_start3A_137 : memref<625x128xf32, #tpu.memory_space<vmem_shared>>) target(%dma_start3A_135 : memref<625x128xf32, #tpu.memory_space<hbm>>) target_semaphore(%run_scoped3A_132 : memref<!tpu.dma_semaphore, #tpu.memory_space<semaphore_mem>>)
      %dma_wait3A_138 = arith.constant 0 : i32
      %dma_wait3A_139 = tpu.memref_slice %arg5[%arg0, %mul3A_2, %dma_wait3A_138] : memref<2x10000x128xf32, #tpu.memory_space<hbm>> -> memref<1x625x128xf32, #tpu.memory_space<hbm>>
      %dma_wait3A_140 = tpu.memref_squeeze %dma_wait3A_139 : memref<1x625x128xf32, #tpu.memory_space<hbm>> -> memref<625x128xf32, #tpu.memory_space<hbm>>
      %dma_wait3A_141 = arith.constant 0 : i32
      %dma_wait3A_142 = tpu.memref_slice %arg11[%mul3A_2, %dma_wait3A_141] : memref<10000x128xf32, #tpu.memory_space<vmem_shared>> -> memref<625x128xf32, #tpu.memory_space<vmem_shared>>
      tpu.wait_dma2 semaphore(%run_scoped3A_132 : memref<!tpu.dma_semaphore, #tpu.memory_space<semaphore_mem>>) src(%dma_wait3A_142 : memref<625x128xf32, #tpu.memory_space<vmem_shared>>) dst(%dma_wait3A_140 : memref<625x128xf32, #tpu.memory_space<hbm>>)
      tpu.yield
    }) : () -> ()
    return
  }
}

#map = affine_map<(d0, d1) -> (0, 0)>
#map1 = affine_map<(d0, d1) -> (0, 0, 0)>
module attributes {stable_mosaic.version = 14 : i64} {
  func.func @k(%arg0: i32, %arg1: i32, %arg2: memref<10000x128xf32, #tpu.memory_space<hbm>>, %arg3: memref<32x125x80xi32, #tpu.memory_space<hbm>>, %arg4: memref<32x125x80xi32, #tpu.memory_space<hbm>>, %arg5: memref<2x10000x128xf32, #tpu.memory_space<hbm>>, %arg6: memref<125x80xi32, #tpu.memory_space<vmem>>, %arg7: memref<125x80xi32, #tpu.memory_space<vmem>>, %arg8: memref<80x128xf32, #tpu.memory_space<vmem>>, %arg9: memref<80x128xf32, #tpu.memory_space<vmem>>, %arg10: memref<80x128xf32, #tpu.memory_space<vmem>>, %arg11: memref<10000x128xf32, #tpu.memory_space<vmem_shared>>, %arg12: memref<!tpu.dma_semaphore, #tpu.memory_space<semaphore_mem>>, %arg13: memref<!tpu.dma_semaphore, #tpu.memory_space<semaphore_mem>>, %arg14: memref<!tpu.dma_semaphore, #tpu.memory_space<semaphore_mem>>, %arg15: memref<!tpu.dma_semaphore, #tpu.memory_space<semaphore_mem>>, %arg16: memref<!tpu.dma_semaphore, #tpu.memory_space<semaphore_mem>>, %arg17: memref<!tpu.dma_semaphore, #tpu.memory_space<semaphore_mem>>) attributes {dimension_semantics = [#tpu.dimension_semantics<core_parallel>, #tpu.dimension_semantics<subcore_parallel>], iteration_bounds = array<i64: 2, 16>, scalar_prefetch = 0 : i64, scratch_operands = 12 : i64, tpu.core_type = #tpu.core_type<sc_vector_subcore>, window_params = [{transform_indices = #map}, {transform_indices = #map1}, {transform_indices = #map1}, {transform_indices = #map1}]} {
    %mul3A = arith.constant 2 : i32
    %mul3A_0 = arith.muli %arg1, %mul3A : i32
    %add3A = arith.addi %mul3A_0, %arg0 : i32
    %mul3A_1 = arith.constant 625 : i32
    %mul3A_2 = arith.muli %arg1, %mul3A_1 : i32
    %broadcast_in_dim3A = arith.constant 0.000000e+00 : f32
    %broadcast_in_dim3A_3 = vector.broadcast %broadcast_in_dim3A : f32 to vector<16xf32>
    %scan3A = arith.constant 0 : i32
    %scan3A_4 = arith.constant 80 : i32
    %scan3A_5 = arith.addi %scan3A, %scan3A_4 : i32
    %scan3A_6 = arith.constant 1 : i32
    scf.for %scan3A_132 = %scan3A to %scan3A_5 step %scan3A_6  : i32 {
      %mul3A_133 = arith.constant 1 : i32
      %mul3A_134 = arith.muli %scan3A_132, %mul3A_133 : i32
      %add3A_135 = arith.constant 0 : i32
      %add3A_136 = arith.addi %add3A_135, %mul3A_134 : i32
      %scan3A_137 = arith.constant 0 : i32
      %scan3A_138 = arith.constant 8 : i32
      %scan3A_139 = arith.addi %scan3A_137, %scan3A_138 : i32
      %scan3A_140 = arith.constant 1 : i32
      scf.for %scan3A_142 = %scan3A_137 to %scan3A_139 step %scan3A_140  : i32 {
        %mul3A_143 = arith.constant 16 : i32
        %mul3A_144 = arith.muli %scan3A_142, %mul3A_143 : i32
        %add3A_145 = arith.constant 0 : i32
        %add3A_146 = arith.addi %add3A_145, %mul3A_144 : i32
        %swap3A = arith.index_cast %add3A_136 : i32 to index
        %swap3A_147 = arith.index_cast %add3A_146 : i32 to index
        %swap3A_148 = tpu.vector_load %arg8[%swap3A, %swap3A_147] {strides = array<i32>} : memref<80x128xf32, #tpu.memory_space<vmem>>, vector<1x16xf32>,
        %swap3A_149 = vector.shape_cast %swap3A_148 : vector<1x16xf32> to vector<16xf32>
        %swap3A_150 = vector.shape_cast %broadcast_in_dim3A_3 : vector<16xf32> to vector<1x16xf32>
        tpu.vector_store %arg8[%swap3A, %swap3A_147], %swap3A_150 {strides = array<i32>} : memref<80x128xf32, #tpu.memory_space<vmem>>, vector<1x16xf32>,
      }
      %scan3A_141 = arith.constant 8 : i32
    }
    %scan3A_7 = arith.constant 80 : i32
    %scan3A_8 = arith.constant 0 : i32
    %scan3A_9 = arith.constant 7 : i32
    %scan3A_10 = arith.addi %scan3A_8, %scan3A_9 : i32
    %scan3A_11 = arith.constant 1 : i32
    scf.for %scan3A_132 = %scan3A_8 to %scan3A_10 step %scan3A_11  : i32 {
      %mul3A_133 = arith.constant 1 : i32
      %mul3A_134 = arith.muli %scan3A_132, %mul3A_133 : i32
      %add3A_135 = arith.constant 0 : i32
      %add3A_136 = arith.addi %add3A_135, %mul3A_134 : i32
      %mul3A_137 = arith.constant 80 : i32
      %mul3A_138 = arith.muli %add3A_136, %mul3A_137 : i32
      %add3A_139 = arith.addi %mul3A_2, %mul3A_138 : i32
      "tpu.region"() ({
        %run_scoped3A_140 = tpu.sem_alloc : memref<!tpu.dma_semaphore, #tpu.memory_space<semaphore_mem>>
        %dma_start3A_141 = arith.constant 0 : i32
        %dma_start3A_142 = tpu.memref_slice %arg11[%add3A_139, %dma_start3A_141] : memref<10000x128xf32, #tpu.memory_space<vmem_shared>> -> memref<80x128xf32, #tpu.memory_space<vmem_shared>>
        %dma_start3A_143 = arith.constant 0 : i32
        %dma_start3A_144 = tpu.memref_slice %arg11[%add3A_139, %dma_start3A_143] : memref<10000x128xf32, #tpu.memory_space<vmem_shared>> -> memref<80x128xf32, #tpu.memory_space<vmem_shared>>
        tpu.enqueue_dma source(%arg8 : memref<80x128xf32, #tpu.memory_space<vmem>>) target(%dma_start3A_144 : memref<80x128xf32, #tpu.memory_space<vmem_shared>>) target_semaphore(%run_scoped3A_140 : memref<!tpu.dma_semaphore, #tpu.memory_space<semaphore_mem>>)
        %dma_wait3A_145 = arith.constant 0 : i32
        %dma_wait3A_146 = tpu.memref_slice %arg11[%add3A_139, %dma_wait3A_145] : memref<10000x128xf32, #tpu.memory_space<vmem_shared>> -> memref<80x128xf32, #tpu.memory_space<vmem_shared>>
        %dma_wait3A_147 = arith.constant 0 : i32
        %dma_wait3A_148 = tpu.memref_slice %arg11[%add3A_139, %dma_wait3A_147] : memref<10000x128xf32, #tpu.memory_space<vmem_shared>> -> memref<80x128xf32, #tpu.memory_space<vmem_shared>>
        tpu.wait_dma2 semaphore(%run_scoped3A_140 : memref<!tpu.dma_semaphore, #tpu.memory_space<semaphore_mem>>) src(%arg8 : memref<80x128xf32, #tpu.memory_space<vmem>>) dst(%dma_wait3A_148 : memref<80x128xf32, #tpu.memory_space<vmem_shared>>)
        tpu.yield
      }) : () -> ()
    }
    %scan3A_12 = arith.constant 7 : i32
    %add3A_13 = arith.constant 560 : i32
    %add3A_14 = arith.addi %mul3A_2, %add3A_13 : i32
    "tpu.region"() ({
      %run_scoped3A_132 = tpu.sem_alloc : memref<!tpu.dma_semaphore, #tpu.memory_space<semaphore_mem>>
      %dma_start3A_133 = arith.constant 0 : i32
      %dma_start3A_134 = arith.constant 0 : i32
      %dma_start3A_135 = tpu.memref_slice %arg8[%dma_start3A_133, %dma_start3A_134] : memref<80x128xf32, #tpu.memory_space<vmem>> -> memref<65x128xf32, #tpu.memory_space<vmem>>
      %dma_start3A_136 = arith.constant 0 : i32
      %dma_start3A_137 = tpu.memref_slice %arg11[%add3A_14, %dma_start3A_136] : memref<10000x128xf32, #tpu.memory_space<vmem_shared>> -> memref<65x128xf32, #tpu.memory_space<vmem_shared>>
      %dma_start3A_138 = arith.constant 0 : i32
      %dma_start3A_139 = tpu.memref_slice %arg11[%add3A_14, %dma_start3A_138] : memref<10000x128xf32, #tpu.memory_space<vmem_shared>> -> memref<65x128xf32, #tpu.memory_space<vmem_shared>>
      %dma_start3A_140 = arith.constant 0 : i32
      %dma_start3A_141 = arith.constant 0 : i32
      %dma_start3A_142 = tpu.memref_slice %arg8[%dma_start3A_140, %dma_start3A_141] : memref<80x128xf32, #tpu.memory_space<vmem>> -> memref<65x128xf32, #tpu.memory_space<vmem>>
      tpu.enqueue_dma source(%dma_start3A_142 : memref<65x128xf32, #tpu.memory_space<vmem>>) target(%dma_start3A_139 : memref<65x128xf32, #tpu.memory_space<vmem_shared>>) target_semaphore(%run_scoped3A_132 : memref<!tpu.dma_semaphore, #tpu.memory_space<semaphore_mem>>)
      %dma_wait3A_143 = arith.constant 0 : i32
      %dma_wait3A_144 = arith.constant 0 : i32
      %dma_wait3A_145 = tpu.memref_slice %arg8[%dma_wait3A_143, %dma_wait3A_144] : memref<80x128xf32, #tpu.memory_space<vmem>> -> memref<65x128xf32, #tpu.memory_space<vmem>>
      %dma_wait3A_146 = arith.constant 0 : i32
      %dma_wait3A_147 = tpu.memref_slice %arg11[%add3A_14, %dma_wait3A_146] : memref<10000x128xf32, #tpu.memory_space<vmem_shared>> -> memref<65x128xf32, #tpu.memory_space<vmem_shared>>
      %dma_wait3A_148 = arith.constant 0 : i32
      %dma_wait3A_149 = tpu.memref_slice %arg11[%add3A_14, %dma_wait3A_148] : memref<10000x128xf32, #tpu.memory_space<vmem_shared>> -> memref<65x128xf32, #tpu.memory_space<vmem_shared>>
      %dma_wait3A_150 = arith.constant 0 : i32
      %dma_wait3A_151 = arith.constant 0 : i32
      %dma_wait3A_152 = tpu.memref_slice %arg8[%dma_wait3A_150, %dma_wait3A_151] : memref<80x128xf32, #tpu.memory_space<vmem>> -> memref<65x128xf32, #tpu.memory_space<vmem>>
      tpu.wait_dma2 semaphore(%run_scoped3A_132 : memref<!tpu.dma_semaphore, #tpu.memory_space<semaphore_mem>>) src(%dma_wait3A_152 : memref<65x128xf32, #tpu.memory_space<vmem>>) dst(%dma_wait3A_149 : memref<65x128xf32, #tpu.memory_space<vmem_shared>>)
      tpu.yield
    }) : () -> ()
    %barrier3A = arith.constant 0 : index
    tpu.barrier barrier_id(%barrier3A)
    "tpu.region"() ({
      %run_scoped3A_132 = tpu.sem_alloc : memref<!tpu.dma_semaphore, #tpu.memory_space<semaphore_mem>>
      %dma_start3A_133 = arith.constant 0 : i32
      %dma_start3A_134 = arith.constant 0 : i32
      %dma_start3A_135 = tpu.memref_slice %arg3[%add3A, %dma_start3A_133, %dma_start3A_134] : memref<32x125x80xi32, #tpu.memory_space<hbm>> -> memref<1x125x80xi32, #tpu.memory_space<hbm>>
      %dma_start3A_136 = tpu.memref_squeeze %dma_start3A_135 : memref<1x125x80xi32, #tpu.memory_space<hbm>> -> memref<125x80xi32, #tpu.memory_space<hbm>>
      %dma_start3A_137 = arith.constant 0 : i32
      %dma_start3A_138 = arith.constant 0 : i32
      %dma_start3A_139 = tpu.memref_slice %arg3[%add3A, %dma_start3A_137, %dma_start3A_138] : memref<32x125x80xi32, #tpu.memory_space<hbm>> -> memref<1x125x80xi32, #tpu.memory_space<hbm>>
      %dma_start3A_140 = tpu.memref_squeeze %dma_start3A_139 : memref<1x125x80xi32, #tpu.memory_space<hbm>> -> memref<125x80xi32, #tpu.memory_space<hbm>>
      tpu.enqueue_dma source(%dma_start3A_140 : memref<125x80xi32, #tpu.memory_space<hbm>>) target(%arg6 : memref<125x80xi32, #tpu.memory_space<vmem>>) target_semaphore(%run_scoped3A_132 : memref<!tpu.dma_semaphore, #tpu.memory_space<semaphore_mem>>)
      %dma_wait3A_141 = arith.constant 0 : i32
      %dma_wait3A_142 = arith.constant 0 : i32
      %dma_wait3A_143 = tpu.memref_slice %arg3[%add3A, %dma_wait3A_141, %dma_wait3A_142] : memref<32x125x80xi32, #tpu.memory_space<hbm>> -> memref<1x125x80xi32, #tpu.memory_space<hbm>>
      %dma_wait3A_144 = tpu.memref_squeeze %dma_wait3A_143 : memref<1x125x80xi32, #tpu.memory_space<hbm>> -> memref<125x80xi32, #tpu.memory_space<hbm>>
      %dma_wait3A_145 = arith.constant 0 : i32
      %dma_wait3A_146 = arith.constant 0 : i32
      %dma_wait3A_147 = tpu.memref_slice %arg3[%add3A, %dma_wait3A_145, %dma_wait3A_146] : memref<32x125x80xi32, #tpu.memory_space<hbm>> -> memref<1x125x80xi32, #tpu.memory_space<hbm>>
      %dma_wait3A_148 = tpu.memref_squeeze %dma_wait3A_147 : memref<1x125x80xi32, #tpu.memory_space<hbm>> -> memref<125x80xi32, #tpu.memory_space<hbm>>
      tpu.wait_dma2 semaphore(%run_scoped3A_132 : memref<!tpu.dma_semaphore, #tpu.memory_space<semaphore_mem>>) src(%dma_wait3A_148 : memref<125x80xi32, #tpu.memory_space<hbm>>) dst(%arg6 : memref<125x80xi32, #tpu.memory_space<vmem>>)
      tpu.yield
    }) : () -> ()
    "tpu.region"() ({
      %run_scoped3A_132 = tpu.sem_alloc : memref<!tpu.dma_semaphore, #tpu.memory_space<semaphore_mem>>
      %dma_start3A_133 = arith.constant 0 : i32
      %dma_start3A_134 = arith.constant 0 : i32
      %dma_start3A_135 = tpu.memref_slice %arg4[%add3A, %dma_start3A_133, %dma_start3A_134] : memref<32x125x80xi32, #tpu.memory_space<hbm>> -> memref<1x125x80xi32, #tpu.memory_space<hbm>>
      %dma_start3A_136 = tpu.memref_squeeze %dma_start3A_135 : memref<1x125x80xi32, #tpu.memory_space<hbm>> -> memref<125x80xi32, #tpu.memory_space<hbm>>
      %dma_start3A_137 = arith.constant 0 : i32
      %dma_start3A_138 = arith.constant 0 : i32
      %dma_start3A_139 = tpu.memref_slice %arg4[%add3A, %dma_start3A_137, %dma_start3A_138] : memref<32x125x80xi32, #tpu.memory_space<hbm>> -> memref<1x125x80xi32, #tpu.memory_space<hbm>>
      %dma_start3A_140 = tpu.memref_squeeze %dma_start3A_139 : memref<1x125x80xi32, #tpu.memory_space<hbm>> -> memref<125x80xi32, #tpu.memory_space<hbm>>
      tpu.enqueue_dma source(%dma_start3A_140 : memref<125x80xi32, #tpu.memory_space<hbm>>) target(%arg7 : memref<125x80xi32, #tpu.memory_space<vmem>>) target_semaphore(%run_scoped3A_132 : memref<!tpu.dma_semaphore, #tpu.memory_space<semaphore_mem>>)
      %dma_wait3A_141 = arith.constant 0 : i32
      %dma_wait3A_142 = arith.constant 0 : i32
      %dma_wait3A_143 = tpu.memref_slice %arg4[%add3A, %dma_wait3A_141, %dma_wait3A_142] : memref<32x125x80xi32, #tpu.memory_space<hbm>> -> memref<1x125x80xi32, #tpu.memory_space<hbm>>
      %dma_wait3A_144 = tpu.memref_squeeze %dma_wait3A_143 : memref<1x125x80xi32, #tpu.memory_space<hbm>> -> memref<125x80xi32, #tpu.memory_space<hbm>>
      %dma_wait3A_145 = arith.constant 0 : i32
      %dma_wait3A_146 = arith.constant 0 : i32
      %dma_wait3A_147 = tpu.memref_slice %arg4[%add3A, %dma_wait3A_145, %dma_wait3A_146] : memref<32x125x80xi32, #tpu.memory_space<hbm>> -> memref<1x125x80xi32, #tpu.memory_space<hbm>>
      %dma_wait3A_148 = tpu.memref_squeeze %dma_wait3A_147 : memref<1x125x80xi32, #tpu.memory_space<hbm>> -> memref<125x80xi32, #tpu.memory_space<hbm>>
      tpu.wait_dma2 semaphore(%run_scoped3A_132 : memref<!tpu.dma_semaphore, #tpu.memory_space<semaphore_mem>>) src(%dma_wait3A_148 : memref<125x80xi32, #tpu.memory_space<hbm>>) dst(%arg7 : memref<125x80xi32, #tpu.memory_space<vmem>>)
      tpu.yield
    }) : () -> ()
    %dma_start3A = arith.constant 0 : i32
    %dma_start3A_15 = arith.constant 0 : i32
    %dma_start3A_16 = tpu.memref_slice %arg6[%dma_start3A, %dma_start3A_15] : memref<125x80xi32, #tpu.memory_space<vmem>> -> memref<1x80xi32, #tpu.memory_space<vmem>>
    %dma_start3A_17 = tpu.memref_squeeze %dma_start3A_16 : memref<1x80xi32, #tpu.memory_space<vmem>> -> memref<80xi32, #tpu.memory_space<vmem>>
    %dma_start3A_18 = arith.constant 0 : i32
    %dma_start3A_19 = arith.constant 0 : i32
    %dma_start3A_20 = tpu.memref_slice %arg2[%dma_start3A_18, %dma_start3A_19] : memref<10000x128xf32, #tpu.memory_space<hbm>> -> memref<10000x128xf32, #tpu.memory_space<hbm>>
    tpu.enqueue_indirect_dma source(%dma_start3A_20 : memref<10000x128xf32, #tpu.memory_space<hbm>>) target(%arg8 : memref<80x128xf32, #tpu.memory_space<vmem>>) offsets(%dma_start3A_17 : memref<80xi32, #tpu.memory_space<vmem>>) semaphore(%arg12 : memref<!tpu.dma_semaphore, #tpu.memory_space<semaphore_mem>>)
    %dma_start3A_21 = arith.constant 1 : i32
    %dma_start3A_22 = arith.constant 0 : i32
    %dma_start3A_23 = tpu.memref_slice %arg6[%dma_start3A_21, %dma_start3A_22] : memref<125x80xi32, #tpu.memory_space<vmem>> -> memref<1x80xi32, #tpu.memory_space<vmem>>
    %dma_start3A_24 = tpu.memref_squeeze %dma_start3A_23 : memref<1x80xi32, #tpu.memory_space<vmem>> -> memref<80xi32, #tpu.memory_space<vmem>>
    %dma_start3A_25 = arith.constant 0 : i32
    %dma_start3A_26 = arith.constant 0 : i32
    %dma_start3A_27 = tpu.memref_slice %arg2[%dma_start3A_25, %dma_start3A_26] : memref<10000x128xf32, #tpu.memory_space<hbm>> -> memref<10000x128xf32, #tpu.memory_space<hbm>>
    tpu.enqueue_indirect_dma source(%dma_start3A_27 : memref<10000x128xf32, #tpu.memory_space<hbm>>) target(%arg9 : memref<80x128xf32, #tpu.memory_space<vmem>>) offsets(%dma_start3A_24 : memref<80xi32, #tpu.memory_space<vmem>>) semaphore(%arg13 : memref<!tpu.dma_semaphore, #tpu.memory_space<semaphore_mem>>)
    %dma_start3A_28 = arith.constant 2 : i32
    %dma_start3A_29 = arith.constant 0 : i32
    %dma_start3A_30 = tpu.memref_slice %arg6[%dma_start3A_28, %dma_start3A_29] : memref<125x80xi32, #tpu.memory_space<vmem>> -> memref<1x80xi32, #tpu.memory_space<vmem>>
    %dma_start3A_31 = tpu.memref_squeeze %dma_start3A_30 : memref<1x80xi32, #tpu.memory_space<vmem>> -> memref<80xi32, #tpu.memory_space<vmem>>
    %dma_start3A_32 = arith.constant 0 : i32
    %dma_start3A_33 = arith.constant 0 : i32
    %dma_start3A_34 = tpu.memref_slice %arg2[%dma_start3A_32, %dma_start3A_33] : memref<10000x128xf32, #tpu.memory_space<hbm>> -> memref<10000x128xf32, #tpu.memory_space<hbm>>
    tpu.enqueue_indirect_dma source(%dma_start3A_34 : memref<10000x128xf32, #tpu.memory_space<hbm>>) target(%arg10 : memref<80x128xf32, #tpu.memory_space<vmem>>) offsets(%dma_start3A_31 : memref<80xi32, #tpu.memory_space<vmem>>) semaphore(%arg14 : memref<!tpu.dma_semaphore, #tpu.memory_space<semaphore_mem>>)
    %scan3A_35 = arith.constant 0 : i32
    %scan3A_36 = arith.constant 40 : i32
    %scan3A_37 = arith.addi %scan3A_35, %scan3A_36 : i32
    %scan3A_38 = arith.constant 1 : i32
    scf.for %scan3A_132 = %scan3A_35 to %scan3A_37 step %scan3A_38  : i32 {
      %mul3A_133 = arith.constant 1 : i32
      %mul3A_134 = arith.muli %scan3A_132, %mul3A_133 : i32
      %add3A_135 = arith.constant 0 : i32
      %add3A_136 = arith.addi %add3A_135, %mul3A_134 : i32
      %mul3A_137 = arith.constant 3 : i32
      %mul3A_138 = arith.muli %mul3A_137, %add3A_136 : i32
      %add3A_139 = arith.constant 0 : i32
      %add3A_140 = arith.addi %add3A_139, %mul3A_138 : i32
      %add3A_141 = arith.constant 0 : i32
      %add3A_142 = arith.addi %add3A_140, %add3A_141 : i32
      %dma_wait3A_143 = arith.constant 0 : i32
      %dma_wait3A_144 = tpu.memref_slice %arg6[%add3A_142, %dma_wait3A_143] : memref<125x80xi32, #tpu.memory_space<vmem>> -> memref<1x80xi32, #tpu.memory_space<vmem>>
      %dma_wait3A_145 = tpu.memref_squeeze %dma_wait3A_144 : memref<1x80xi32, #tpu.memory_space<vmem>> -> memref<80xi32, #tpu.memory_space<vmem>>
      %dma_wait3A_146 = arith.constant 0 : i32
      %dma_wait3A_147 = arith.constant 0 : i32
      %dma_wait3A_148 = tpu.memref_slice %arg2[%dma_wait3A_146, %dma_wait3A_147] : memref<10000x128xf32, #tpu.memory_space<hbm>> -> memref<10000x128xf32, #tpu.memory_space<hbm>>
      tpu.wait_indirect_dma semaphore(%arg12 : memref<!tpu.dma_semaphore, #tpu.memory_space<semaphore_mem>>) src(%dma_wait3A_148 : memref<10000x128xf32, #tpu.memory_space<hbm>>) dst(%arg8 : memref<80x128xf32, #tpu.memory_space<vmem>>)
      %add3A_149 = arith.constant 0 : i32
      %add3A_150 = arith.addi %add3A_140, %add3A_149 : i32
      %dma_start3A_151 = arith.constant 0 : i32
      %dma_start3A_152 = tpu.memref_slice %arg7[%add3A_150, %dma_start3A_151] : memref<125x80xi32, #tpu.memory_space<vmem>> -> memref<1x80xi32, #tpu.memory_space<vmem>>
      %dma_start3A_153 = tpu.memref_squeeze %dma_start3A_152 : memref<1x80xi32, #tpu.memory_space<vmem>> -> memref<80xi32, #tpu.memory_space<vmem>>
      %dma_start3A_154 = arith.constant 0 : i32
      %dma_start3A_155 = arith.constant 0 : i32
      %dma_start3A_156 = tpu.memref_slice %arg11[%dma_start3A_154, %dma_start3A_155] : memref<10000x128xf32, #tpu.memory_space<vmem_shared>> -> memref<10000x128xf32, #tpu.memory_space<vmem_shared>>
      tpu.enqueue_indirect_dma source(%arg8 : memref<80x128xf32, #tpu.memory_space<vmem>>) target(%dma_start3A_156 : memref<10000x128xf32, #tpu.memory_space<vmem_shared>>) offsets(%dma_start3A_153 : memref<80xi32, #tpu.memory_space<vmem>>) semaphore(%arg15 : memref<!tpu.dma_semaphore, #tpu.memory_space<semaphore_mem>>) {add = true}
      %add3A_157 = arith.constant 0 : i32
      %add3A_158 = arith.addi %add3A_140, %add3A_157 : i32
      %add3A_159 = arith.constant 1 : i32
      %add3A_160 = arith.addi %add3A_140, %add3A_159 : i32
      %dma_wait3A_161 = arith.constant 0 : i32
      %dma_wait3A_162 = tpu.memref_slice %arg6[%add3A_160, %dma_wait3A_161] : memref<125x80xi32, #tpu.memory_space<vmem>> -> memref<1x80xi32, #tpu.memory_space<vmem>>
      %dma_wait3A_163 = tpu.memref_squeeze %dma_wait3A_162 : memref<1x80xi32, #tpu.memory_space<vmem>> -> memref<80xi32, #tpu.memory_space<vmem>>
      %dma_wait3A_164 = arith.constant 0 : i32
      %dma_wait3A_165 = arith.constant 0 : i32
      %dma_wait3A_166 = tpu.memref_slice %arg2[%dma_wait3A_164, %dma_wait3A_165] : memref<10000x128xf32, #tpu.memory_space<hbm>> -> memref<10000x128xf32, #tpu.memory_space<hbm>>
      tpu.wait_indirect_dma semaphore(%arg13 : memref<!tpu.dma_semaphore, #tpu.memory_space<semaphore_mem>>) src(%dma_wait3A_166 : memref<10000x128xf32, #tpu.memory_space<hbm>>) dst(%arg9 : memref<80x128xf32, #tpu.memory_space<vmem>>)
      %add3A_167 = arith.constant 1 : i32
      %add3A_168 = arith.addi %add3A_140, %add3A_167 : i32
      %dma_start3A_169 = arith.constant 0 : i32
      %dma_start3A_170 = tpu.memref_slice %arg7[%add3A_168, %dma_start3A_169] : memref<125x80xi32, #tpu.memory_space<vmem>> -> memref<1x80xi32, #tpu.memory_space<vmem>>
      %dma_start3A_171 = tpu.memref_squeeze %dma_start3A_170 : memref<1x80xi32, #tpu.memory_space<vmem>> -> memref<80xi32, #tpu.memory_space<vmem>>
      %dma_start3A_172 = arith.constant 0 : i32
      %dma_start3A_173 = arith.constant 0 : i32
      %dma_start3A_174 = tpu.memref_slice %arg11[%dma_start3A_172, %dma_start3A_173] : memref<10000x128xf32, #tpu.memory_space<vmem_shared>> -> memref<10000x128xf32, #tpu.memory_space<vmem_shared>>
      tpu.enqueue_indirect_dma source(%arg9 : memref<80x128xf32, #tpu.memory_space<vmem>>) target(%dma_start3A_174 : memref<10000x128xf32, #tpu.memory_space<vmem_shared>>) offsets(%dma_start3A_171 : memref<80xi32, #tpu.memory_space<vmem>>) semaphore(%arg16 : memref<!tpu.dma_semaphore, #tpu.memory_space<semaphore_mem>>) {add = true}
      %add3A_175 = arith.constant 1 : i32
      %add3A_176 = arith.addi %add3A_140, %add3A_175 : i32
      %add3A_177 = arith.constant 2 : i32
      %add3A_178 = arith.addi %add3A_140, %add3A_177 : i32
      %dma_wait3A_179 = arith.constant 0 : i32
      %dma_wait3A_180 = tpu.memref_slice %arg6[%add3A_178, %dma_wait3A_179] : memref<125x80xi32, #tpu.memory_space<vmem>> -> memref<1x80xi32, #tpu.memory_space<vmem>>
      %dma_wait3A_181 = tpu.memref_squeeze %dma_wait3A_180 : memref<1x80xi32, #tpu.memory_space<vmem>> -> memref<80xi32, #tpu.memory_space<vmem>>
      %dma_wait3A_182 = arith.constant 0 : i32
      %dma_wait3A_183 = arith.constant 0 : i32
      %dma_wait3A_184 = tpu.memref_slice %arg2[%dma_wait3A_182, %dma_wait3A_183] : memref<10000x128xf32, #tpu.memory_space<hbm>> -> memref<10000x128xf32, #tpu.memory_space<hbm>>
      tpu.wait_indirect_dma semaphore(%arg14 : memref<!tpu.dma_semaphore, #tpu.memory_space<semaphore_mem>>) src(%dma_wait3A_184 : memref<10000x128xf32, #tpu.memory_space<hbm>>) dst(%arg10 : memref<80x128xf32, #tpu.memory_space<vmem>>)
      %add3A_185 = arith.constant 2 : i32
      %add3A_186 = arith.addi %add3A_140, %add3A_185 : i32
      %dma_start3A_187 = arith.constant 0 : i32
      %dma_start3A_188 = tpu.memref_slice %arg7[%add3A_186, %dma_start3A_187] : memref<125x80xi32, #tpu.memory_space<vmem>> -> memref<1x80xi32, #tpu.memory_space<vmem>>
      %dma_start3A_189 = tpu.memref_squeeze %dma_start3A_188 : memref<1x80xi32, #tpu.memory_space<vmem>> -> memref<80xi32, #tpu.memory_space<vmem>>
      %dma_start3A_190 = arith.constant 0 : i32
      %dma_start3A_191 = arith.constant 0 : i32
      %dma_start3A_192 = tpu.memref_slice %arg11[%dma_start3A_190, %dma_start3A_191] : memref<10000x128xf32, #tpu.memory_space<vmem_shared>> -> memref<10000x128xf32, #tpu.memory_space<vmem_shared>>
      tpu.enqueue_indirect_dma source(%arg10 : memref<80x128xf32, #tpu.memory_space<vmem>>) target(%dma_start3A_192 : memref<10000x128xf32, #tpu.memory_space<vmem_shared>>) offsets(%dma_start3A_189 : memref<80xi32, #tpu.memory_space<vmem>>) semaphore(%arg17 : memref<!tpu.dma_semaphore, #tpu.memory_space<semaphore_mem>>) {add = true}
      %add3A_193 = arith.constant 2 : i32
      %add3A_194 = arith.addi %add3A_140, %add3A_193 : i32
      %add3A_195 = arith.constant 0 : i32
      %add3A_196 = arith.addi %add3A_140, %add3A_195 : i32
      %dma_wait3A_197 = arith.constant 0 : i32
      %dma_wait3A_198 = tpu.memref_slice %arg7[%add3A_196, %dma_wait3A_197] : memref<125x80xi32, #tpu.memory_space<vmem>> -> memref<1x80xi32, #tpu.memory_space<vmem>>
      %dma_wait3A_199 = tpu.memref_squeeze %dma_wait3A_198 : memref<1x80xi32, #tpu.memory_space<vmem>> -> memref<80xi32, #tpu.memory_space<vmem>>
      %dma_wait3A_200 = arith.constant 0 : i32
      %dma_wait3A_201 = arith.constant 0 : i32
      %dma_wait3A_202 = tpu.memref_slice %arg11[%dma_wait3A_200, %dma_wait3A_201] : memref<10000x128xf32, #tpu.memory_space<vmem_shared>> -> memref<10000x128xf32, #tpu.memory_space<vmem_shared>>
      tpu.wait_indirect_dma semaphore(%arg15 : memref<!tpu.dma_semaphore, #tpu.memory_space<semaphore_mem>>) src(%arg8 : memref<80x128xf32, #tpu.memory_space<vmem>>) dst(%dma_wait3A_202 : memref<10000x128xf32, #tpu.memory_space<vmem_shared>>)
      %add3A_203 = arith.constant 0 : i32
      %add3A_204 = arith.addi %add3A_140, %add3A_203 : i32
      %add3A_205 = arith.constant 3 : i32
      %add3A_206 = arith.addi %add3A_140, %add3A_205 : i32
      %add3A_207 = arith.constant 0 : i32
      %add3A_208 = arith.addi %add3A_206, %add3A_207 : i32
      %dma_start3A_209 = arith.constant 0 : i32
      %dma_start3A_210 = tpu.memref_slice %arg6[%add3A_208, %dma_start3A_209] : memref<125x80xi32, #tpu.memory_space<vmem>> -> memref<1x80xi32, #tpu.memory_space<vmem>>
      %dma_start3A_211 = tpu.memref_squeeze %dma_start3A_210 : memref<1x80xi32, #tpu.memory_space<vmem>> -> memref<80xi32, #tpu.memory_space<vmem>>
      %dma_start3A_212 = arith.constant 0 : i32
      %dma_start3A_213 = arith.constant 0 : i32
      %dma_start3A_214 = tpu.memref_slice %arg2[%dma_start3A_212, %dma_start3A_213] : memref<10000x128xf32, #tpu.memory_space<hbm>> -> memref<10000x128xf32, #tpu.memory_space<hbm>>
      tpu.enqueue_indirect_dma source(%dma_start3A_214 : memref<10000x128xf32, #tpu.memory_space<hbm>>) target(%arg8 : memref<80x128xf32, #tpu.memory_space<vmem>>) offsets(%dma_start3A_211 : memref<80xi32, #tpu.memory_space<vmem>>) semaphore(%arg12 : memref<!tpu.dma_semaphore, #tpu.memory_space<semaphore_mem>>)
      %add3A_215 = arith.constant 1 : i32
      %add3A_216 = arith.addi %add3A_140, %add3A_215 : i32
      %dma_wait3A_217 = arith.constant 0 : i32
      %dma_wait3A_218 = tpu.memref_slice %arg7[%add3A_216, %dma_wait3A_217] : memref<125x80xi32, #tpu.memory_space<vmem>> -> memref<1x80xi32, #tpu.memory_space<vmem>>
      %dma_wait3A_219 = tpu.memref_squeeze %dma_wait3A_218 : memref<1x80xi32, #tpu.memory_space<vmem>> -> memref<80xi32, #tpu.memory_space<vmem>>
      %dma_wait3A_220 = arith.constant 0 : i32
      %dma_wait3A_221 = arith.constant 0 : i32
      %dma_wait3A_222 = tpu.memref_slice %arg11[%dma_wait3A_220, %dma_wait3A_221] : memref<10000x128xf32, #tpu.memory_space<vmem_shared>> -> memref<10000x128xf32, #tpu.memory_space<vmem_shared>>
      tpu.wait_indirect_dma semaphore(%arg16 : memref<!tpu.dma_semaphore, #tpu.memory_space<semaphore_mem>>) src(%arg9 : memref<80x128xf32, #tpu.memory_space<vmem>>) dst(%dma_wait3A_222 : memref<10000x128xf32, #tpu.memory_space<vmem_shared>>)
      %add3A_223 = arith.constant 1 : i32
      %add3A_224 = arith.addi %add3A_140, %add3A_223 : i32
      %add3A_225 = arith.constant 3 : i32
      %add3A_226 = arith.addi %add3A_140, %add3A_225 : i32
      %add3A_227 = arith.constant 1 : i32
      %add3A_228 = arith.addi %add3A_226, %add3A_227 : i32
      %dma_start3A_229 = arith.constant 0 : i32
      %dma_start3A_230 = tpu.memref_slice %arg6[%add3A_228, %dma_start3A_229] : memref<125x80xi32, #tpu.memory_space<vmem>> -> memref<1x80xi32, #tpu.memory_space<vmem>>
      %dma_start3A_231 = tpu.memref_squeeze %dma_start3A_230 : memref<1x80xi32, #tpu.memory_space<vmem>> -> memref<80xi32, #tpu.memory_space<vmem>>
      %dma_start3A_232 = arith.constant 0 : i32
      %dma_start3A_233 = arith.constant 0 : i32
      %dma_start3A_234 = tpu.memref_slice %arg2[%dma_start3A_232, %dma_start3A_233] : memref<10000x128xf32, #tpu.memory_space<hbm>> -> memref<10000x128xf32, #tpu.memory_space<hbm>>
      tpu.enqueue_indirect_dma source(%dma_start3A_234 : memref<10000x128xf32, #tpu.memory_space<hbm>>) target(%arg9 : memref<80x128xf32, #tpu.memory_space<vmem>>) offsets(%dma_start3A_231 : memref<80xi32, #tpu.memory_space<vmem>>) semaphore(%arg13 : memref<!tpu.dma_semaphore, #tpu.memory_space<semaphore_mem>>)
      %add3A_235 = arith.constant 2 : i32
      %add3A_236 = arith.addi %add3A_140, %add3A_235 : i32
      %dma_wait3A_237 = arith.constant 0 : i32
      %dma_wait3A_238 = tpu.memref_slice %arg7[%add3A_236, %dma_wait3A_237] : memref<125x80xi32, #tpu.memory_space<vmem>> -> memref<1x80xi32, #tpu.memory_space<vmem>>
      %dma_wait3A_239 = tpu.memref_squeeze %dma_wait3A_238 : memref<1x80xi32, #tpu.memory_space<vmem>> -> memref<80xi32, #tpu.memory_space<vmem>>
      %dma_wait3A_240 = arith.constant 0 : i32
      %dma_wait3A_241 = arith.constant 0 : i32
      %dma_wait3A_242 = tpu.memref_slice %arg11[%dma_wait3A_240, %dma_wait3A_241] : memref<10000x128xf32, #tpu.memory_space<vmem_shared>> -> memref<10000x128xf32, #tpu.memory_space<vmem_shared>>
      tpu.wait_indirect_dma semaphore(%arg17 : memref<!tpu.dma_semaphore, #tpu.memory_space<semaphore_mem>>) src(%arg10 : memref<80x128xf32, #tpu.memory_space<vmem>>) dst(%dma_wait3A_242 : memref<10000x128xf32, #tpu.memory_space<vmem_shared>>)
      %add3A_243 = arith.constant 2 : i32
      %add3A_244 = arith.addi %add3A_140, %add3A_243 : i32
      %add3A_245 = arith.constant 3 : i32
      %add3A_246 = arith.addi %add3A_140, %add3A_245 : i32
      %add3A_247 = arith.constant 2 : i32
      %add3A_248 = arith.addi %add3A_246, %add3A_247 : i32
      %dma_start3A_249 = arith.constant 0 : i32
      %dma_start3A_250 = tpu.memref_slice %arg6[%add3A_248, %dma_start3A_249] : memref<125x80xi32, #tpu.memory_space<vmem>> -> memref<1x80xi32, #tpu.memory_space<vmem>>
      %dma_start3A_251 = tpu.memref_squeeze %dma_start3A_250 : memref<1x80xi32, #tpu.memory_space<vmem>> -> memref<80xi32, #tpu.memory_space<vmem>>
      %dma_start3A_252 = arith.constant 0 : i32
      %dma_start3A_253 = arith.constant 0 : i32
      %dma_start3A_254 = tpu.memref_slice %arg2[%dma_start3A_252, %dma_start3A_253] : memref<10000x128xf32, #tpu.memory_space<hbm>> -> memref<10000x128xf32, #tpu.memory_space<hbm>>
      tpu.enqueue_indirect_dma source(%dma_start3A_254 : memref<10000x128xf32, #tpu.memory_space<hbm>>) target(%arg10 : memref<80x128xf32, #tpu.memory_space<vmem>>) offsets(%dma_start3A_251 : memref<80xi32, #tpu.memory_space<vmem>>) semaphore(%arg14 : memref<!tpu.dma_semaphore, #tpu.memory_space<semaphore_mem>>)
    }
    %scan3A_39 = arith.constant 40 : i32
    %dma_wait3A = arith.constant 120 : i32
    %dma_wait3A_40 = arith.constant 0 : i32
    %dma_wait3A_41 = tpu.memref_slice %arg6[%dma_wait3A, %dma_wait3A_40] : memref<125x80xi32, #tpu.memory_space<vmem>> -> memref<1x80xi32, #tpu.memory_space<vmem>>
    %dma_wait3A_42 = tpu.memref_squeeze %dma_wait3A_41 : memref<1x80xi32, #tpu.memory_space<vmem>> -> memref<80xi32, #tpu.memory_space<vmem>>
    %dma_wait3A_43 = arith.constant 0 : i32
    %dma_wait3A_44 = arith.constant 0 : i32
    %dma_wait3A_45 = tpu.memref_slice %arg2[%dma_wait3A_43, %dma_wait3A_44] : memref<10000x128xf32, #tpu.memory_space<hbm>> -> memref<10000x128xf32, #tpu.memory_space<hbm>>
    tpu.wait_indirect_dma semaphore(%arg12 : memref<!tpu.dma_semaphore, #tpu.memory_space<semaphore_mem>>) src(%dma_wait3A_45 : memref<10000x128xf32, #tpu.memory_space<hbm>>) dst(%arg8 : memref<80x128xf32, #tpu.memory_space<vmem>>)
    %dma_start3A_46 = arith.constant 120 : i32
    %dma_start3A_47 = arith.constant 0 : i32
    %dma_start3A_48 = tpu.memref_slice %arg7[%dma_start3A_46, %dma_start3A_47] : memref<125x80xi32, #tpu.memory_space<vmem>> -> memref<1x80xi32, #tpu.memory_space<vmem>>
    %dma_start3A_49 = tpu.memref_squeeze %dma_start3A_48 : memref<1x80xi32, #tpu.memory_space<vmem>> -> memref<80xi32, #tpu.memory_space<vmem>>
    %dma_start3A_50 = arith.constant 0 : i32
    %dma_start3A_51 = arith.constant 0 : i32
    %dma_start3A_52 = tpu.memref_slice %arg11[%dma_start3A_50, %dma_start3A_51] : memref<10000x128xf32, #tpu.memory_space<vmem_shared>> -> memref<10000x128xf32, #tpu.memory_space<vmem_shared>>
    tpu.enqueue_indirect_dma source(%arg8 : memref<80x128xf32, #tpu.memory_space<vmem>>) target(%dma_start3A_52 : memref<10000x128xf32, #tpu.memory_space<vmem_shared>>) offsets(%dma_start3A_49 : memref<80xi32, #tpu.memory_space<vmem>>) semaphore(%arg15 : memref<!tpu.dma_semaphore, #tpu.memory_space<semaphore_mem>>) {add = true}
    %dma_wait3A_53 = arith.constant 121 : i32
    %dma_wait3A_54 = arith.constant 0 : i32
    %dma_wait3A_55 = tpu.memref_slice %arg6[%dma_wait3A_53, %dma_wait3A_54] : memref<125x80xi32, #tpu.memory_space<vmem>> -> memref<1x80xi32, #tpu.memory_space<vmem>>
    %dma_wait3A_56 = tpu.memref_squeeze %dma_wait3A_55 : memref<1x80xi32, #tpu.memory_space<vmem>> -> memref<80xi32, #tpu.memory_space<vmem>>
    %dma_wait3A_57 = arith.constant 0 : i32
    %dma_wait3A_58 = arith.constant 0 : i32
    %dma_wait3A_59 = tpu.memref_slice %arg2[%dma_wait3A_57, %dma_wait3A_58] : memref<10000x128xf32, #tpu.memory_space<hbm>> -> memref<10000x128xf32, #tpu.memory_space<hbm>>
    tpu.wait_indirect_dma semaphore(%arg13 : memref<!tpu.dma_semaphore, #tpu.memory_space<semaphore_mem>>) src(%dma_wait3A_59 : memref<10000x128xf32, #tpu.memory_space<hbm>>) dst(%arg9 : memref<80x128xf32, #tpu.memory_space<vmem>>)
    %dma_start3A_60 = arith.constant 121 : i32
    %dma_start3A_61 = arith.constant 0 : i32
    %dma_start3A_62 = tpu.memref_slice %arg7[%dma_start3A_60, %dma_start3A_61] : memref<125x80xi32, #tpu.memory_space<vmem>> -> memref<1x80xi32, #tpu.memory_space<vmem>>
    %dma_start3A_63 = tpu.memref_squeeze %dma_start3A_62 : memref<1x80xi32, #tpu.memory_space<vmem>> -> memref<80xi32, #tpu.memory_space<vmem>>
    %dma_start3A_64 = arith.constant 0 : i32
    %dma_start3A_65 = arith.constant 0 : i32
    %dma_start3A_66 = tpu.memref_slice %arg11[%dma_start3A_64, %dma_start3A_65] : memref<10000x128xf32, #tpu.memory_space<vmem_shared>> -> memref<10000x128xf32, #tpu.memory_space<vmem_shared>>
    tpu.enqueue_indirect_dma source(%arg9 : memref<80x128xf32, #tpu.memory_space<vmem>>) target(%dma_start3A_66 : memref<10000x128xf32, #tpu.memory_space<vmem_shared>>) offsets(%dma_start3A_63 : memref<80xi32, #tpu.memory_space<vmem>>) semaphore(%arg16 : memref<!tpu.dma_semaphore, #tpu.memory_space<semaphore_mem>>) {add = true}
    %dma_wait3A_67 = arith.constant 122 : i32
    %dma_wait3A_68 = arith.constant 0 : i32
    %dma_wait3A_69 = tpu.memref_slice %arg6[%dma_wait3A_67, %dma_wait3A_68] : memref<125x80xi32, #tpu.memory_space<vmem>> -> memref<1x80xi32, #tpu.memory_space<vmem>>
    %dma_wait3A_70 = tpu.memref_squeeze %dma_wait3A_69 : memref<1x80xi32, #tpu.memory_space<vmem>> -> memref<80xi32, #tpu.memory_space<vmem>>
    %dma_wait3A_71 = arith.constant 0 : i32
    %dma_wait3A_72 = arith.constant 0 : i32
    %dma_wait3A_73 = tpu.memref_slice %arg2[%dma_wait3A_71, %dma_wait3A_72] : memref<10000x128xf32, #tpu.memory_space<hbm>> -> memref<10000x128xf32, #tpu.memory_space<hbm>>
    tpu.wait_indirect_dma semaphore(%arg14 : memref<!tpu.dma_semaphore, #tpu.memory_space<semaphore_mem>>) src(%dma_wait3A_73 : memref<10000x128xf32, #tpu.memory_space<hbm>>) dst(%arg10 : memref<80x128xf32, #tpu.memory_space<vmem>>)
    %dma_start3A_74 = arith.constant 122 : i32
    %dma_start3A_75 = arith.constant 0 : i32
    %dma_start3A_76 = tpu.memref_slice %arg7[%dma_start3A_74, %dma_start3A_75] : memref<125x80xi32, #tpu.memory_space<vmem>> -> memref<1x80xi32, #tpu.memory_space<vmem>>
    %dma_start3A_77 = tpu.memref_squeeze %dma_start3A_76 : memref<1x80xi32, #tpu.memory_space<vmem>> -> memref<80xi32, #tpu.memory_space<vmem>>
    %dma_start3A_78 = arith.constant 0 : i32
    %dma_start3A_79 = arith.constant 0 : i32
    %dma_start3A_80 = tpu.memref_slice %arg11[%dma_start3A_78, %dma_start3A_79] : memref<10000x128xf32, #tpu.memory_space<vmem_shared>> -> memref<10000x128xf32, #tpu.memory_space<vmem_shared>>
    tpu.enqueue_indirect_dma source(%arg10 : memref<80x128xf32, #tpu.memory_space<vmem>>) target(%dma_start3A_80 : memref<10000x128xf32, #tpu.memory_space<vmem_shared>>) offsets(%dma_start3A_77 : memref<80xi32, #tpu.memory_space<vmem>>) semaphore(%arg17 : memref<!tpu.dma_semaphore, #tpu.memory_space<semaphore_mem>>) {add = true}
    %dma_wait3A_81 = arith.constant 120 : i32
    %dma_wait3A_82 = arith.constant 0 : i32
    %dma_wait3A_83 = tpu.memref_slice %arg7[%dma_wait3A_81, %dma_wait3A_82] : memref<125x80xi32, #tpu.memory_space<vmem>> -> memref<1x80xi32, #tpu.memory_space<vmem>>
    %dma_wait3A_84 = tpu.memref_squeeze %dma_wait3A_83 : memref<1x80xi32, #tpu.memory_space<vmem>> -> memref<80xi32, #tpu.memory_space<vmem>>
    %dma_wait3A_85 = arith.constant 0 : i32
    %dma_wait3A_86 = arith.constant 0 : i32
    %dma_wait3A_87 = tpu.memref_slice %arg11[%dma_wait3A_85, %dma_wait3A_86] : memref<10000x128xf32, #tpu.memory_space<vmem_shared>> -> memref<10000x128xf32, #tpu.memory_space<vmem_shared>>
    tpu.wait_indirect_dma semaphore(%arg15 : memref<!tpu.dma_semaphore, #tpu.memory_space<semaphore_mem>>) src(%arg8 : memref<80x128xf32, #tpu.memory_space<vmem>>) dst(%dma_wait3A_87 : memref<10000x128xf32, #tpu.memory_space<vmem_shared>>)
    %dma_wait3A_88 = arith.constant 121 : i32
    %dma_wait3A_89 = arith.constant 0 : i32
    %dma_wait3A_90 = tpu.memref_slice %arg7[%dma_wait3A_88, %dma_wait3A_89] : memref<125x80xi32, #tpu.memory_space<vmem>> -> memref<1x80xi32, #tpu.memory_space<vmem>>
    %dma_wait3A_91 = tpu.memref_squeeze %dma_wait3A_90 : memref<1x80xi32, #tpu.memory_space<vmem>> -> memref<80xi32, #tpu.memory_space<vmem>>
    %dma_wait3A_92 = arith.constant 0 : i32
    %dma_wait3A_93 = arith.constant 0 : i32
    %dma_wait3A_94 = tpu.memref_slice %arg11[%dma_wait3A_92, %dma_wait3A_93] : memref<10000x128xf32, #tpu.memory_space<vmem_shared>> -> memref<10000x128xf32, #tpu.memory_space<vmem_shared>>
    tpu.wait_indirect_dma semaphore(%arg16 : memref<!tpu.dma_semaphore, #tpu.memory_space<semaphore_mem>>) src(%arg9 : memref<80x128xf32, #tpu.memory_space<vmem>>) dst(%dma_wait3A_94 : memref<10000x128xf32, #tpu.memory_space<vmem_shared>>)
    %dma_wait3A_95 = arith.constant 122 : i32
    %dma_wait3A_96 = arith.constant 0 : i32
    %dma_wait3A_97 = tpu.memref_slice %arg7[%dma_wait3A_95, %dma_wait3A_96] : memref<125x80xi32, #tpu.memory_space<vmem>> -> memref<1x80xi32, #tpu.memory_space<vmem>>
    %dma_wait3A_98 = tpu.memref_squeeze %dma_wait3A_97 : memref<1x80xi32, #tpu.memory_space<vmem>> -> memref<80xi32, #tpu.memory_space<vmem>>
    %dma_wait3A_99 = arith.constant 0 : i32
    %dma_wait3A_100 = arith.constant 0 : i32
    %dma_wait3A_101 = tpu.memref_slice %arg11[%dma_wait3A_99, %dma_wait3A_100] : memref<10000x128xf32, #tpu.memory_space<vmem_shared>> -> memref<10000x128xf32, #tpu.memory_space<vmem_shared>>
    tpu.wait_indirect_dma semaphore(%arg17 : memref<!tpu.dma_semaphore, #tpu.memory_space<semaphore_mem>>) src(%arg10 : memref<80x128xf32, #tpu.memory_space<vmem>>) dst(%dma_wait3A_101 : memref<10000x128xf32, #tpu.memory_space<vmem_shared>>)
    %dma_start3A_102 = arith.constant 123 : i32
    %dma_start3A_103 = arith.constant 0 : i32
    %dma_start3A_104 = tpu.memref_slice %arg6[%dma_start3A_102, %dma_start3A_103] : memref<125x80xi32, #tpu.memory_space<vmem>> -> memref<1x80xi32, #tpu.memory_space<vmem>>
    %dma_start3A_105 = tpu.memref_squeeze %dma_start3A_104 : memref<1x80xi32, #tpu.memory_space<vmem>> -> memref<80xi32, #tpu.memory_space<vmem>>
    %dma_start3A_106 = arith.constant 0 : i32
    %dma_start3A_107 = arith.constant 0 : i32
    %dma_start3A_108 = tpu.memref_slice %arg2[%dma_start3A_106, %dma_start3A_107] : memref<10000x128xf32, #tpu.memory_space<hbm>> -> memref<10000x128xf32, #tpu.memory_space<hbm>>
    tpu.enqueue_indirect_dma source(%dma_start3A_108 : memref<10000x128xf32, #tpu.memory_space<hbm>>) target(%arg8 : memref<80x128xf32, #tpu.memory_space<vmem>>) offsets(%dma_start3A_105 : memref<80xi32, #tpu.memory_space<vmem>>) semaphore(%arg12 : memref<!tpu.dma_semaphore, #tpu.memory_space<semaphore_mem>>)
    %dma_wait3A_109 = arith.constant 123 : i32
    %dma_wait3A_110 = arith.constant 0 : i32
    %dma_wait3A_111 = tpu.memref_slice %arg6[%dma_wait3A_109, %dma_wait3A_110] : memref<125x80xi32, #tpu.memory_space<vmem>> -> memref<1x80xi32, #tpu.memory_space<vmem>>
    %dma_wait3A_112 = tpu.memref_squeeze %dma_wait3A_111 : memref<1x80xi32, #tpu.memory_space<vmem>> -> memref<80xi32, #tpu.memory_space<vmem>>
    %dma_wait3A_113 = arith.constant 0 : i32
    %dma_wait3A_114 = arith.constant 0 : i32
    %dma_wait3A_115 = tpu.memref_slice %arg2[%dma_wait3A_113, %dma_wait3A_114] : memref<10000x128xf32, #tpu.memory_space<hbm>> -> memref<10000x128xf32, #tpu.memory_space<hbm>>
    tpu.wait_indirect_dma semaphore(%arg12 : memref<!tpu.dma_semaphore, #tpu.memory_space<semaphore_mem>>) src(%dma_wait3A_115 : memref<10000x128xf32, #tpu.memory_space<hbm>>) dst(%arg8 : memref<80x128xf32, #tpu.memory_space<vmem>>)
    %run_scoped3A = arith.constant 123 : i32
    "tpu.region"() ({
      %run_scoped3A_132 = tpu.sem_alloc : memref<!tpu.dma_semaphore, #tpu.memory_space<semaphore_mem>>
      %dma_start3A_133 = arith.constant 0 : i32
      %dma_start3A_134 = tpu.memref_slice %arg7[%run_scoped3A, %dma_start3A_133] : memref<125x80xi32, #tpu.memory_space<vmem>> -> memref<1x80xi32, #tpu.memory_space<vmem>>
      %dma_start3A_135 = tpu.memref_squeeze %dma_start3A_134 : memref<1x80xi32, #tpu.memory_space<vmem>> -> memref<80xi32, #tpu.memory_space<vmem>>
      %dma_start3A_136 = arith.constant 0 : i32
      %dma_start3A_137 = arith.constant 0 : i32
      %dma_start3A_138 = tpu.memref_slice %arg11[%dma_start3A_136, %dma_start3A_137] : memref<10000x128xf32, #tpu.memory_space<vmem_shared>> -> memref<10000x128xf32, #tpu.memory_space<vmem_shared>>
      tpu.enqueue_indirect_dma source(%arg8 : memref<80x128xf32, #tpu.memory_space<vmem>>) target(%dma_start3A_138 : memref<10000x128xf32, #tpu.memory_space<vmem_shared>>) offsets(%dma_start3A_135 : memref<80xi32, #tpu.memory_space<vmem>>) semaphore(%run_scoped3A_132 : memref<!tpu.dma_semaphore, #tpu.memory_space<semaphore_mem>>) {add = true}
      %dma_wait3A_139 = arith.constant 0 : i32
      %dma_wait3A_140 = tpu.memref_slice %arg7[%run_scoped3A, %dma_wait3A_139] : memref<125x80xi32, #tpu.memory_space<vmem>> -> memref<1x80xi32, #tpu.memory_space<vmem>>
      %dma_wait3A_141 = tpu.memref_squeeze %dma_wait3A_140 : memref<1x80xi32, #tpu.memory_space<vmem>> -> memref<80xi32, #tpu.memory_space<vmem>>
      %dma_wait3A_142 = arith.constant 0 : i32
      %dma_wait3A_143 = arith.constant 0 : i32
      %dma_wait3A_144 = tpu.memref_slice %arg11[%dma_wait3A_142, %dma_wait3A_143] : memref<10000x128xf32, #tpu.memory_space<vmem_shared>> -> memref<10000x128xf32, #tpu.memory_space<vmem_shared>>
      tpu.wait_indirect_dma semaphore(%run_scoped3A_132 : memref<!tpu.dma_semaphore, #tpu.memory_space<semaphore_mem>>) src(%arg8 : memref<80x128xf32, #tpu.memory_space<vmem>>) dst(%dma_wait3A_144 : memref<10000x128xf32, #tpu.memory_space<vmem_shared>>)
      tpu.yield
    }) : () -> ()
    %dma_start3A_116 = arith.constant 124 : i32
    %dma_start3A_117 = arith.constant 0 : i32
    %dma_start3A_118 = tpu.memref_slice %arg6[%dma_start3A_116, %dma_start3A_117] : memref<125x80xi32, #tpu.memory_space<vmem>> -> memref<1x80xi32, #tpu.memory_space<vmem>>
    %dma_start3A_119 = tpu.memref_squeeze %dma_start3A_118 : memref<1x80xi32, #tpu.memory_space<vmem>> -> memref<80xi32, #tpu.memory_space<vmem>>
    %dma_start3A_120 = arith.constant 0 : i32
    %dma_start3A_121 = arith.constant 0 : i32
    %dma_start3A_122 = tpu.memref_slice %arg2[%dma_start3A_120, %dma_start3A_121] : memref<10000x128xf32, #tpu.memory_space<hbm>> -> memref<10000x128xf32, #tpu.memory_space<hbm>>
    tpu.enqueue_indirect_dma source(%dma_start3A_122 : memref<10000x128xf32, #tpu.memory_space<hbm>>) target(%arg8 : memref<80x128xf32, #tpu.memory_space<vmem>>) offsets(%dma_start3A_119 : memref<80xi32, #tpu.memory_space<vmem>>) semaphore(%arg12 : memref<!tpu.dma_semaphore, #tpu.memory_space<semaphore_mem>>)
    %dma_wait3A_123 = arith.constant 124 : i32
    %dma_wait3A_124 = arith.constant 0 : i32
    %dma_wait3A_125 = tpu.memref_slice %arg6[%dma_wait3A_123, %dma_wait3A_124] : memref<125x80xi32, #tpu.memory_space<vmem>> -> memref<1x80xi32, #tpu.memory_space<vmem>>
    %dma_wait3A_126 = tpu.memref_squeeze %dma_wait3A_125 : memref<1x80xi32, #tpu.memory_space<vmem>> -> memref<80xi32, #tpu.memory_space<vmem>>
    %dma_wait3A_127 = arith.constant 0 : i32
    %dma_wait3A_128 = arith.constant 0 : i32
    %dma_wait3A_129 = tpu.memref_slice %arg2[%dma_wait3A_127, %dma_wait3A_128] : memref<10000x128xf32, #tpu.memory_space<hbm>> -> memref<10000x128xf32, #tpu.memory_space<hbm>>
    tpu.wait_indirect_dma semaphore(%arg12 : memref<!tpu.dma_semaphore, #tpu.memory_space<semaphore_mem>>) src(%dma_wait3A_129 : memref<10000x128xf32, #tpu.memory_space<hbm>>) dst(%arg8 : memref<80x128xf32, #tpu.memory_space<vmem>>)
    %run_scoped3A_130 = arith.constant 124 : i32
    "tpu.region"() ({
      %run_scoped3A_132 = tpu.sem_alloc : memref<!tpu.dma_semaphore, #tpu.memory_space<semaphore_mem>>
      %dma_start3A_133 = arith.constant 0 : i32
      %dma_start3A_134 = tpu.memref_slice %arg7[%run_scoped3A_130, %dma_start3A_133] : memref<125x80xi32, #tpu.memory_space<vmem>> -> memref<1x80xi32, #tpu.memory_space<vmem>>
      %dma_start3A_135 = tpu.memref_squeeze %dma_start3A_134 : memref<1x80xi32, #tpu.memory_space<vmem>> -> memref<80xi32, #tpu.memory_space<vmem>>
      %dma_start3A_136 = arith.constant 0 : i32
      %dma_start3A_137 = arith.constant 0 : i32
      %dma_start3A_138 = tpu.memref_slice %arg11[%dma_start3A_136, %dma_start3A_137] : memref<10000x128xf32, #tpu.memory_space<vmem_shared>> -> memref<10000x128xf32, #tpu.memory_space<vmem_shared>>
      tpu.enqueue_indirect_dma source(%arg8 : memref<80x128xf32, #tpu.memory_space<vmem>>) target(%dma_start3A_138 : memref<10000x128xf32, #tpu.memory_space<vmem_shared>>) offsets(%dma_start3A_135 : memref<80xi32, #tpu.memory_space<vmem>>) semaphore(%run_scoped3A_132 : memref<!tpu.dma_semaphore, #tpu.memory_space<semaphore_mem>>) {add = true}
      %dma_wait3A_139 = arith.constant 0 : i32
      %dma_wait3A_140 = tpu.memref_slice %arg7[%run_scoped3A_130, %dma_wait3A_139] : memref<125x80xi32, #tpu.memory_space<vmem>> -> memref<1x80xi32, #tpu.memory_space<vmem>>
      %dma_wait3A_141 = tpu.memref_squeeze %dma_wait3A_140 : memref<1x80xi32, #tpu.memory_space<vmem>> -> memref<80xi32, #tpu.memory_space<vmem>>
      %dma_wait3A_142 = arith.constant 0 : i32
      %dma_wait3A_143 = arith.constant 0 : i32
      %dma_wait3A_144 = tpu.memref_slice %arg11[%dma_wait3A_142, %dma_wait3A_143] : memref<10000x128xf32, #tpu.memory_space<vmem_shared>> -> memref<10000x128xf32, #tpu.memory_space<vmem_shared>>
      tpu.wait_indirect_dma semaphore(%run_scoped3A_132 : memref<!tpu.dma_semaphore, #tpu.memory_space<semaphore_mem>>) src(%arg8 : memref<80x128xf32, #tpu.memory_space<vmem>>) dst(%dma_wait3A_144 : memref<10000x128xf32, #tpu.memory_space<vmem_shared>>)
      tpu.yield
    }) : () -> ()
    %barrier3A_131 = arith.constant 0 : index
    tpu.barrier barrier_id(%barrier3A_131)
    "tpu.region"() ({
      %run_scoped3A_132 = tpu.sem_alloc : memref<!tpu.dma_semaphore, #tpu.memory_space<semaphore_mem>>
      %dma_start3A_133 = arith.constant 0 : i32
      %dma_start3A_134 = tpu.memref_slice %arg5[%arg0, %mul3A_2, %dma_start3A_133] : memref<2x10000x128xf32, #tpu.memory_space<hbm>> -> memref<1x625x128xf32, #tpu.memory_space<hbm>>
      %dma_start3A_135 = tpu.memref_squeeze %dma_start3A_134 : memref<1x625x128xf32, #tpu.memory_space<hbm>> -> memref<625x128xf32, #tpu.memory_space<hbm>>
      %dma_start3A_136 = arith.constant 0 : i32
      %dma_start3A_137 = tpu.memref_slice %arg11[%mul3A_2, %dma_start3A_136] : memref<10000x128xf32, #tpu.memory_space<vmem_shared>> -> memref<625x128xf32, #tpu.memory_space<vmem_shared>>
      tpu.enqueue_dma source(%dma_start3A_137 : memref<625x128xf32, #tpu.memory_space<vmem_shared>>) target(%dma_start3A_135 : memref<625x128xf32, #tpu.memory_space<hbm>>) target_semaphore(%run_scoped3A_132 : memref<!tpu.dma_semaphore, #tpu.memory_space<semaphore_mem>>)
      %dma_wait3A_138 = arith.constant 0 : i32
      %dma_wait3A_139 = tpu.memref_slice %arg5[%arg0, %mul3A_2, %dma_wait3A_138] : memref<2x10000x128xf32, #tpu.memory_space<hbm>> -> memref<1x625x128xf32, #tpu.memory_space<hbm>>
      %dma_wait3A_140 = tpu.memref_squeeze %dma_wait3A_139 : memref<1x625x128xf32, #tpu.memory_space<hbm>> -> memref<625x128xf32, #tpu.memory_space<hbm>>
      %dma_wait3A_141 = arith.constant 0 : i32
      %dma_wait3A_142 = tpu.memref_slice %arg11[%mul3A_2, %dma_wait3A_141] : memref<10000x128xf32, #tpu.memory_space<vmem_shared>> -> memref<625x128xf32, #tpu.memory_space<vmem_shared>>
      tpu.wait_dma2 semaphore(%run_scoped3A_132 : memref<!tpu.dma_semaphore, #tpu.memory_space<semaphore_mem>>) src(%dma_wait3A_142 : memref<625x128xf32, #tpu.memory_space<vmem_shared>>) dst(%dma_wait3A_140 : memref<625x128xf32, #tpu.memory_space<hbm>>)
      tpu.yield
    }) : () -> ()
    return
  }
}

module attributes {stable_mosaic.version = 14 : i64} {
  func.func @_combine_body(%arg0: i32, %arg1: memref<2x2000x128xf32, #tpu.memory_space<vmem>>, %arg2: memref<2x2000x16xf32, #tpu.memory_space<vmem>>, %arg3: memref<2000x128xf32, #tpu.memory_space<vmem>>, %arg4: memref<128x128xf32, #tpu.memory_space<vmem>>, %arg5: memref<1x128xf32, #tpu.memory_space<vmem>>, %arg6: memref<2000x128xf32, #tpu.memory_space<vmem>>) attributes {dimension_semantics = [#tpu.dimension_semantics<parallel>], iteration_bounds = array<i64: 5>, scalar_prefetch = 0 : i64, scratch_operands = 0 : i64, tpu.core_type = #tpu.core_type<tc>, window_params = [{transform_indices = @transform_0, window_bounds = array<i64: 2, 2000, 128>}, {transform_indices = @transform_1, window_bounds = array<i64: 2, 2000, 16>}, {transform_indices = @transform_2, window_bounds = array<i64: 2000, 128>}, {pipeline_mode = #tpu.pipeline_mode<synchronous>, transform_indices = @transform_3, window_bounds = array<i64: 128, 128>}, {pipeline_mode = #tpu.pipeline_mode<synchronous>, transform_indices = @transform_4, window_bounds = array<i64: 1, 128>}, {transform_indices = @transform_5, window_bounds = array<i64: 2000, 128>}]} {
    %get3A = arith.constant 0 : index
    %get3A_0 = arith.constant 0 : index
    %get3A_1 = arith.constant 0 : index
    %get3A_2 = vector.load %arg2[%get3A, %get3A_0, %get3A_1] : memref<2x2000x16xf32, #tpu.memory_space<vmem>>, vector<1x2000x1xf32>
    %get3A_3 = vector.shape_cast %get3A_2 : vector<1x2000x1xf32> to vector<2000x1xf32>
    %get3A_4 = arith.constant 1 : index
    %get3A_5 = arith.constant 0 : index
    %get3A_6 = arith.constant 0 : index
    %get3A_7 = vector.load %arg2[%get3A_4, %get3A_5, %get3A_6] : memref<2x2000x16xf32, #tpu.memory_space<vmem>>, vector<1x2000x1xf32>
    %get3A_8 = vector.shape_cast %get3A_7 : vector<1x2000x1xf32> to vector<2000x1xf32>
    %add3A = arith.addf %get3A_3, %get3A_8 : vector<2000x1xf32>
    %max3A = arith.constant 1.000000e+00 : f32
    %max3A_9 = vector.broadcast %max3A : f32 to vector<2000x1xf32>
    %max3A_10 = arith.maximumf %add3A, %max3A_9 : vector<2000x1xf32>
    %div3A = arith.constant 1.000000e+00 : f32
    %div3A_11 = vector.broadcast %div3A : f32 to vector<2000x1xf32>
    %div3A_12 = arith.divf %div3A_11, %max3A_10 : vector<2000x1xf32>
    %get3A_13 = arith.constant 0 : index
    %get3A_14 = arith.constant 0 : index
    %get3A_15 = arith.constant 0 : index
    %get3A_16 = vector.load %arg1[%get3A_13, %get3A_14, %get3A_15] : memref<2x2000x128xf32, #tpu.memory_space<vmem>>, vector<1x2000x128xf32>
    %get3A_17 = vector.shape_cast %get3A_16 : vector<1x2000x128xf32> to vector<2000x128xf32>
    %get3A_18 = arith.constant 1 : index
    %get3A_19 = arith.constant 0 : index
    %get3A_20 = arith.constant 0 : index
    %get3A_21 = vector.load %arg1[%get3A_18, %get3A_19, %get3A_20] : memref<2x2000x128xf32, #tpu.memory_space<vmem>>, vector<1x2000x128xf32>
    %get3A_22 = vector.shape_cast %get3A_21 : vector<1x2000x128xf32> to vector<2000x128xf32>
    %add3A_23 = arith.addf %get3A_17, %get3A_22 : vector<2000x128xf32>
    %mul3A = vector.broadcast %div3A_12 : vector<2000x1xf32> to vector<2000x128xf32>
    %mul3A_24 = arith.mulf %add3A_23, %mul3A : vector<2000x128xf32>
    %get3A_25 = arith.constant 0 : index
    %get3A_26 = arith.constant 0 : index
    %get3A_27 = vector.load %arg3[%get3A_25, %get3A_26] : memref<2000x128xf32, #tpu.memory_space<vmem>>, vector<2000x128xf32>
    %add3A_28 = arith.addf %mul3A_24, %get3A_27 : vector<2000x128xf32>
    %get3A_29 = arith.constant 0 : index
    %get3A_30 = arith.constant 0 : index
    %get3A_31 = vector.load %arg4[%get3A_29, %get3A_30] : memref<128x128xf32, #tpu.memory_space<vmem>>, vector<128x128xf32>
    %dot_general3A = arith.constant dense<0.000000e+00> : vector<2000x128xf32>
    %dot_general3A_32 = tpu.matmul %add3A_28, %get3A_31, %dot_general3A {dimension_numbers = #tpu.dot_dimension_numbers<[1], [0], [0], [1], [0, 0, 1, 1], [], []>, transpose_lhs_hint = false} : vector<2000x128xf32>, vector<128x128xf32>, vector<2000x128xf32> -> vector<2000x128xf32>
    %get3A_33 = arith.constant 0 : index
    %get3A_34 = arith.constant 0 : index
    %get3A_35 = vector.load %arg5[%get3A_33, %get3A_34] : memref<1x128xf32, #tpu.memory_space<vmem>>, vector<1x128xf32>
    %add3A_36 = vector.broadcast %get3A_35 : vector<1x128xf32> to vector<2000x128xf32>
    %add3A_37 = arith.addf %dot_general3A_32, %add3A_36 : vector<2000x128xf32>
    %max3A_38 = arith.constant 0.000000e+00 : f32
    %max3A_39 = vector.broadcast %max3A_38 : f32 to vector<2000x128xf32>
    %max3A_40 = arith.maximumf %add3A_37, %max3A_39 : vector<2000x128xf32>
    %swap3A = arith.constant 0 : index
    %swap3A_41 = arith.constant 0 : index
    %swap3A_42 = vector.load %arg6[%swap3A, %swap3A_41] : memref<2000x128xf32, #tpu.memory_space<vmem>>, vector<2000x128xf32>
    tpu.vector_store %arg6[%swap3A, %swap3A_41], %max3A_40 {strides = array<i32>} : memref<2000x128xf32, #tpu.memory_space<vmem>>, vector<2000x128xf32>,
    return
  }
  func.func @transform_0(%arg0: i32) -> (i32, i32, i32) {
    %c0_i32 = arith.constant 0 : i32
    %c0_i32_0 = arith.constant 0 : i32
    %c0_i32_1 = arith.constant 0 : i32
    return %c0_i32, %arg0, %c0_i32_0 : i32, i32, i32
  }
  func.func @transform_1(%arg0: i32) -> (i32, i32, i32) {
    %c0_i32 = arith.constant 0 : i32
    %c0_i32_0 = arith.constant 0 : i32
    %c0_i32_1 = arith.constant 0 : i32
    return %c0_i32, %arg0, %c0_i32_0 : i32, i32, i32
  }
  func.func @transform_2(%arg0: i32) -> (i32, i32) {
    %c0_i32 = arith.constant 0 : i32
    %c0_i32_0 = arith.constant 0 : i32
    return %arg0, %c0_i32 : i32, i32
  }
  func.func @transform_3(%arg0: i32) -> (i32, i32) {
    %c0_i32 = arith.constant 0 : i32
    %c0_i32_0 = arith.constant 0 : i32
    %c0_i32_1 = arith.constant 0 : i32
    return %c0_i32, %c0_i32_0 : i32, i32
  }
  func.func @transform_4(%arg0: i32) -> (i32, i32) {
    %c0_i32 = arith.constant 0 : i32
    %c0_i32_0 = arith.constant 0 : i32
    %c0_i32_1 = arith.constant 0 : i32
    return %c0_i32, %c0_i32_0 : i32, i32
  }
  func.func @transform_5(%arg0: i32) -> (i32, i32) {
    %c0_i32 = arith.constant 0 : i32
    %c0_i32_0 = arith.constant 0 : i32
    return %arg0, %c0_i32 : i32, i32
  }
}

module attributes {stable_mosaic.version = 14 : i64} {
  func.func @_combine_body(%arg0: i32, %arg1: memref<2x2000x128xf32, #tpu.memory_space<vmem>>, %arg2: memref<2x2000x16xf32, #tpu.memory_space<vmem>>, %arg3: memref<2000x128xf32, #tpu.memory_space<vmem>>, %arg4: memref<128x128xf32, #tpu.memory_space<vmem>>, %arg5: memref<1x128xf32, #tpu.memory_space<vmem>>, %arg6: memref<2000x128xf32, #tpu.memory_space<vmem>>) attributes {dimension_semantics = [#tpu.dimension_semantics<parallel>], iteration_bounds = array<i64: 5>, scalar_prefetch = 0 : i64, scratch_operands = 0 : i64, tpu.core_type = #tpu.core_type<tc>, window_params = [{transform_indices = @transform_0, window_bounds = array<i64: 2, 2000, 128>}, {transform_indices = @transform_1, window_bounds = array<i64: 2, 2000, 16>}, {transform_indices = @transform_2, window_bounds = array<i64: 2000, 128>}, {pipeline_mode = #tpu.pipeline_mode<synchronous>, transform_indices = @transform_3, window_bounds = array<i64: 128, 128>}, {pipeline_mode = #tpu.pipeline_mode<synchronous>, transform_indices = @transform_4, window_bounds = array<i64: 1, 128>}, {transform_indices = @transform_5, window_bounds = array<i64: 2000, 128>}]} {
    %get3A = arith.constant 0 : index
    %get3A_0 = arith.constant 0 : index
    %get3A_1 = arith.constant 0 : index
    %get3A_2 = vector.load %arg2[%get3A, %get3A_0, %get3A_1] : memref<2x2000x16xf32, #tpu.memory_space<vmem>>, vector<1x2000x1xf32>
    %get3A_3 = vector.shape_cast %get3A_2 : vector<1x2000x1xf32> to vector<2000x1xf32>
    %get3A_4 = arith.constant 1 : index
    %get3A_5 = arith.constant 0 : index
    %get3A_6 = arith.constant 0 : index
    %get3A_7 = vector.load %arg2[%get3A_4, %get3A_5, %get3A_6] : memref<2x2000x16xf32, #tpu.memory_space<vmem>>, vector<1x2000x1xf32>
    %get3A_8 = vector.shape_cast %get3A_7 : vector<1x2000x1xf32> to vector<2000x1xf32>
    %add3A = arith.addf %get3A_3, %get3A_8 : vector<2000x1xf32>
    %max3A = arith.constant 1.000000e+00 : f32
    %max3A_9 = vector.broadcast %max3A : f32 to vector<2000x1xf32>
    %max3A_10 = arith.maximumf %add3A, %max3A_9 : vector<2000x1xf32>
    %div3A = arith.constant 1.000000e+00 : f32
    %div3A_11 = vector.broadcast %div3A : f32 to vector<2000x1xf32>
    %div3A_12 = arith.divf %div3A_11, %max3A_10 : vector<2000x1xf32>
    %get3A_13 = arith.constant 0 : index
    %get3A_14 = arith.constant 0 : index
    %get3A_15 = arith.constant 0 : index
    %get3A_16 = vector.load %arg1[%get3A_13, %get3A_14, %get3A_15] : memref<2x2000x128xf32, #tpu.memory_space<vmem>>, vector<1x2000x128xf32>
    %get3A_17 = vector.shape_cast %get3A_16 : vector<1x2000x128xf32> to vector<2000x128xf32>
    %get3A_18 = arith.constant 1 : index
    %get3A_19 = arith.constant 0 : index
    %get3A_20 = arith.constant 0 : index
    %get3A_21 = vector.load %arg1[%get3A_18, %get3A_19, %get3A_20] : memref<2x2000x128xf32, #tpu.memory_space<vmem>>, vector<1x2000x128xf32>
    %get3A_22 = vector.shape_cast %get3A_21 : vector<1x2000x128xf32> to vector<2000x128xf32>
    %add3A_23 = arith.addf %get3A_17, %get3A_22 : vector<2000x128xf32>
    %mul3A = vector.broadcast %div3A_12 : vector<2000x1xf32> to vector<2000x128xf32>
    %mul3A_24 = arith.mulf %add3A_23, %mul3A : vector<2000x128xf32>
    %get3A_25 = arith.constant 0 : index
    %get3A_26 = arith.constant 0 : index
    %get3A_27 = vector.load %arg3[%get3A_25, %get3A_26] : memref<2000x128xf32, #tpu.memory_space<vmem>>, vector<2000x128xf32>
    %add3A_28 = arith.addf %mul3A_24, %get3A_27 : vector<2000x128xf32>
    %get3A_29 = arith.constant 0 : index
    %get3A_30 = arith.constant 0 : index
    %get3A_31 = vector.load %arg4[%get3A_29, %get3A_30] : memref<128x128xf32, #tpu.memory_space<vmem>>, vector<128x128xf32>
    %dot_general3A = arith.constant dense<0.000000e+00> : vector<2000x128xf32>
    %dot_general3A_32 = tpu.matmul %add3A_28, %get3A_31, %dot_general3A {dimension_numbers = #tpu.dot_dimension_numbers<[1], [0], [0], [1], [0, 0, 1, 1], [], []>, transpose_lhs_hint = false} : vector<2000x128xf32>, vector<128x128xf32>, vector<2000x128xf32> -> vector<2000x128xf32>
    %get3A_33 = arith.constant 0 : index
    %get3A_34 = arith.constant 0 : index
    %get3A_35 = vector.load %arg5[%get3A_33, %get3A_34] : memref<1x128xf32, #tpu.memory_space<vmem>>, vector<1x128xf32>
    %add3A_36 = vector.broadcast %get3A_35 : vector<1x128xf32> to vector<2000x128xf32>
    %add3A_37 = arith.addf %dot_general3A_32, %add3A_36 : vector<2000x128xf32>
    %swap3A = arith.constant 0 : index
    %swap3A_38 = arith.constant 0 : index
    %swap3A_39 = vector.load %arg6[%swap3A, %swap3A_38] : memref<2000x128xf32, #tpu.memory_space<vmem>>, vector<2000x128xf32>
    tpu.vector_store %arg6[%swap3A, %swap3A_38], %add3A_37 {strides = array<i32>} : memref<2000x128xf32, #tpu.memory_space<vmem>>, vector<2000x128xf32>,
    return
  }
  func.func @transform_0(%arg0: i32) -> (i32, i32, i32) {
    %c0_i32 = arith.constant 0 : i32
    %c0_i32_0 = arith.constant 0 : i32
    %c0_i32_1 = arith.constant 0 : i32
    return %c0_i32, %arg0, %c0_i32_0 : i32, i32, i32
  }
  func.func @transform_1(%arg0: i32) -> (i32, i32, i32) {
    %c0_i32 = arith.constant 0 : i32
    %c0_i32_0 = arith.constant 0 : i32
    %c0_i32_1 = arith.constant 0 : i32
    return %c0_i32, %arg0, %c0_i32_0 : i32, i32, i32
  }
  func.func @transform_2(%arg0: i32) -> (i32, i32) {
    %c0_i32 = arith.constant 0 : i32
    %c0_i32_0 = arith.constant 0 : i32
    return %arg0, %c0_i32 : i32, i32
  }
  func.func @transform_3(%arg0: i32) -> (i32, i32) {
    %c0_i32 = arith.constant 0 : i32
    %c0_i32_0 = arith.constant 0 : i32
    %c0_i32_1 = arith.constant 0 : i32
    return %c0_i32, %c0_i32_0 : i32, i32
  }
  func.func @transform_4(%arg0: i32) -> (i32, i32) {
    %c0_i32 = arith.constant 0 : i32
    %c0_i32_0 = arith.constant 0 : i32
    %c0_i32_1 = arith.constant 0 : i32
    return %c0_i32, %c0_i32_0 : i32, i32
  }
  func.func @transform_5(%arg0: i32) -> (i32, i32) {
    %c0_i32 = arith.constant 0 : i32
    %c0_i32_0 = arith.constant 0 : i32
    return %arg0, %c0_i32 : i32, i32
  }
}

</mosaic_0001>

<sc_bundles>
// kernel: kernel.11.cloned.1.call-start
scs
__scs_entry_jumppad:
0x0: {  	(pc) =	sbr.rel $0x88, $3  }
0x1: {  	(tag) =	ssettag $0x0;
	lr =	simm.s32 $0x1  }
0x2: {  	[smem:$0x3F99] =	sst lr;
	_ =	strace $0xD0000000  }
0x3: {  	_ = 	snop  }
0x4: {  	_ = 	snop  }
0x5: {  	_ = 	snop  }
0x6: {  	_ = 	snop  }
0x7: {  	_ = 	snop  }
__scs_overlays_trampoline_lowered:
0x8: {  	[smem:$0x3FA8] =	sst s0  }
0x9: {  	[smem:$0x3FA9] =	sst s1  }
0xa: {  	[smem:$0x3FAA] =	sst s2  }
0xb: {  	[smem:$0x3FAB] =	sst s3  }
0xc: {  	[smem:$0x3FAC] =	sst s4  }
0xd: {  	[smem:$0x3FAD] =	sst s5  }
0xe: {  	[smem:$0x3FAE] =	sst s6  }
0xf: {  	[smem:$0x3FAF] =	sst s7  }
0x10: {  	[smem:$0x3FB0] =	sst s8  }
0x11: {  	[smem:$0x3FB1] =	sst s9;
	s0 =	simm.s32 @!p0 $0x0  }
0x12: {  	s1 =	sld [smem:$0x3F97];
	s0 =	simm.s32 @p0 $0x1  }
0x13: {  	[smem:$0x3FB2] =	sst s0;
	s0 =	simm.s32 @!p1 $0x0  }
0x14: {  	s2 =	sld [smem:$0x3F96];
	s0 =	simm.s32 @p1 $0x1  }
0x15: {  	[smem:$0x3FB3] =	sst s0;
	s0 =	simm.s32 @!p2 $0x0  }
0x16: {  	s3 =	sld [smem:$0x3FDB];
	s0 =	simm.s32 @p2 $0x1  }
0x17: {  	s4 =	simm.s32 $0x1BF5;
	[smem:$0x3FB5] =	sst s0  }
0x18: {  	s0 =	sld [smem:$0x3F98];
	_ =	swait.ge [sflag:s4], $0x0  }
0x19: {  	s7 =	sld [smem:$0x3F99]  }
0x1a: {  	s8 =	sadd.s32 $0xFFFFE003, lr  }
0x1b: {  	s9 =	sadd.s32 $0xFFFFFEF7, lr;
	s5 =	simm.s32 $0xFFFFFFFF;
	p2 =	slt.u32 s8, $0xFFFFF086  }
0x1c: {  	p1 =	slt.u32 s9, $0xF7A;
	s5 =	simm.s32 @!p2 $0x0  }
0x1d: {  	s5 =	simm.s32 @p1 $0x1;
	p0 =	seq.s32 s7, s2  }
0x1e: {  	s7 =	smul.u32 @!p0 $0xF7A, s2;
	p2 =	seq.s32 @!p0 s5, $0x0  }
0x1f: {  	s9 =	smul.u32 $0xF7A, s1;
	s8 =	simm.s32 @!p0 $0x1BF5;
	p2 =	por !p2, p0  }
0x20: {  	[sflag:s8] =	ssyncset.s32 @!p0 $0xFFFFF086;
	s6 =	sadd.s32 @!p0 s3, s7;
	s7 =	simm.s32 @!p0 $0x108  }
0x21: {  	s3 =	sadd.s32 s3, s9;
	s6 =	sadd.s32 @!p0 $0x88, s6;
	s7 =	simm.s32 @p2 $0x1082  }
0x22: {  	[simem:s7], [sflag:s8] =	dma.local @!p0 [hbm:s6], $0xF7A  }
0x23: {  	s9 =	sor.u32 $0xD0000000, s2;
	s6 =	simm.s32 $0x108;
	_ =	swait.ge @!p0 [sflag:s8], $0x0  }
0x24: {  	s3 =	sadd.s32 $0x88, s3;
	s6 =	simm.s32 @!p1 $0x1082;
	[sflag:s4] =	ssyncset.s32 $0xFFFFF086  }
0x25: {  	[simem:s6], [sflag:s4] =	dma.local [hbm:s3], $0xF7A  }
0x26: {  	[smem:$0x3F99] =	sst s1;
	(tag) =	ssettag s2;
	_ =	strace s9  }
0x27: {  	s1 =	sld [smem:$0x3FA9]  }
0x28: {  	s2 =	sld [smem:$0x3FAA]  }
0x29: {  	s4 =	sld [smem:$0x3FAC]  }
0x2a: {  	p0 =	seq.s32 s5, $0x0;
	s5 =	sld [smem:$0x3FAD]  }
0x2b: {  	s6 =	sld [smem:$0x3FAE]  }
0x2c: {  	s7 =	sld [smem:$0x3FAF]  }
0x2d: {  	s3 =	simm.s32 $0x108;
	s8 =	sld [smem:$0x3FB0]  }
0x2e: {  	s3 =	simm.s32 @!p0 $0x1082;
	s9 =	sld [smem:$0x3FB1]  }
0x2f: {  	lr =	sadd.s32 s0, s3;
	s0 =	sld [smem:$0x3FA8]  }
0x30: {  	s3 =	sld [smem:$0x3FAB]  }
0x31: {  	[smem:$0x3FB4] =	sst s10  }
0x32: {  	s10 =	sld [smem:$0x3FB2];
	_ =	sdelay $0x3  }
0x33: {  	p0 =	seq.s32 s10, $0x1;
	s10 =	sld [smem:$0x3FB4];
	_ =	sdelay $0x3  }
0x34: {  	[smem:$0x3FB4] =	sst s10  }
0x35: {  	s10 =	sld [smem:$0x3FB3];
	_ =	sdelay $0x3  }
0x36: {  	p1 =	seq.s32 s10, $0x1;
	s10 =	sld [smem:$0x3FB4];
	_ =	sdelay $0x3  }
0x37: {  	[smem:$0x3FB4] =	sst s10  }
0x38: {  	s10 =	sld [smem:$0x3FB5]  }
0x39: {  	_ = 	snop;
	(pc) =	sbr.ind lr, $3  }
0x3a: {  	_ = 	snop  }
0x3b: {  	_ = 	snop  }
0x3c: {  	p2 =	seq.s32 s10, $0x1;
	s10 =	sld [smem:$0x3FB4]  }
0x3d: {  	_ =	shalt  }
0x3e: {  	_ =	shalt  }
0x3f: {  	_ =	shalt  }
0x40: {  	_ =	shalt  }
0x41: {  	_ =	shalt  }
0x42: {  	_ =	shalt  }
0x43: {  	_ =	shalt  }
0x44: {  	_ =	shalt  }
0x45: {  	_ =	shalt  }
0x46: {  	_ =	shalt  }
0x47: {  	_ =	shalt  }
0x48: {  	_ =	shalt  }
0x49: {  	_ =	shalt  }
0x4a: {  	_ =	shalt  }
0x4b: {  	_ =	shalt  }
0x4c: {  	_ =	shalt  }
0x4d: {  	_ =	shalt  }
0x4e: {  	_ =	shalt  }
0x4f: {  	_ =	shalt  }
0x50: {  	_ =	shalt  }
0x51: {  	_ =	shalt  }
0x52: {  	_ =	shalt  }
0x53: {  	_ =	shalt  }
0x54: {  	_ =	shalt  }
0x55: {  	_ =	shalt  }
0x56: {  	_ =	shalt  }
0x57: {  	_ =	shalt  }
0x58: {  	_ =	shalt  }
0x59: {  	_ =	shalt  }
0x5a: {  	_ =	shalt  }
0x5b: {  	_ =	shalt  }
0x5c: {  	_ =	shalt  }
0x5d: {  	_ =	shalt  }
0x5e: {  	_ =	shalt  }
0x5f: {  	_ =	shalt  }
0x60: {  	_ =	shalt  }
0x61: {  	_ =	shalt  }
0x62: {  	_ =	shalt  }
0x63: {  	_ =	shalt  }
0x64: {  	_ =	shalt  }
0x65: {  	_ =	shalt  }
0x66: {  	_ =	shalt  }
0x67: {  	_ =	shalt  }
0x68: {  	_ =	shalt  }
0x69: {  	_ =	shalt  }
0x6a: {  	_ =	shalt  }
0x6b: {  	_ =	shalt  }
0x6c: {  	_ =	shalt  }
0x6d: {  	_ =	shalt  }
0x6e: {  	_ =	shalt  }
0x6f: {  	_ =	shalt  }
0x70: {  	_ =	shalt  }
0x71: {  	_ =	shalt  }
0x72: {  	_ =	shalt  }
0x73: {  	_ =	shalt  }
0x74: {  	_ =	shalt  }
0x75: {  	_ =	shalt  }
0x76: {  	_ =	shalt  }
0x77: {  	_ =	shalt  }
0x78: {  	_ =	shalt  }
0x79: {  	_ =	shalt  }
0x7a: {  	_ =	shalt  }
0x7b: {  	_ =	shalt  }
0x7c: {  	_ =	shalt  }
0x7d: {  	_ =	shalt  }
0x7e: {  	_ =	shalt  }
0x7f: {  	_ =	shalt  }
0x80: {  	_ =	shalt  }
0x81: {  	_ =	shalt  }
0x82: {  	_ =	shalt  }
0x83: {  	_ =	shalt  }
0x84: {  	_ =	shalt  }
0x85: {  	_ =	shalt  }
0x86: {  	_ =	shalt  }
0x87: {  	_ =	shalt  }
.Lfunc_end0:
.L_simem_size_0:
called_computation.1_lowered:
.L_overlay_start_0:
0x88: {  	s2 =	sld [smem:$0x3FD9]  }
0x89: {  	s3 =	sld [smem:$0x3FFE];
	_ =	sdelay $0x1  }
0x8a: {  	s1 =	srdreg.scid  }
0x8b: {  	s0 =	sand.u32 $0x1, s1  }
0x8c: {  	s17 =	sshll.u32 s0, $0xA;
	s2 =	sadd.s32 s3, s2  }
0x8d: {  	s2 =	sadd.s32 s2, s17  }
0x8e: {  	[smem:$0x3FC0] =	sst s2  }
0x8f: {  	_ = 	snop  }
0x90: {  	s2 =	sld [smem:$0x3FD0];
	(tm) =	ssettm $0x1  }
0x91: {  	s18 =	sld [smem:$0x3FFB];
	_ =	sdelay $0x3  }
0x92: {  	_ =	strace s18  }
0x93: {  	s3 =	sld [smem:$0x3FFC];
	_ =	sdelay $0x3  }
0x94: {  	_ =	strace s3  }
0x95: {  	s3 =	sld [smem:$0x3FFD];
	_ =	sdelay $0x3  }
0x96: {  	_ =	strace s3  }
0x97: {  	_ =	strace $0x8FFFFFFF  }
0x98: {  	s19 =	sld [smem:$0x3FDB];
	_ =	sdelay $0x1  }
0x99: {  	s4 =	simm.s32 $_scs_section_size  }
0x9a: {  	s5 =	simm.s32 $_size__tile_overlayer_lowered;
	s6 =	simm.s32 $_tile_overlayer_lowered  }
0x9b: {  	s22 =	simm.s32 $0x1BFF;
	s21 =	sshll.u32 s6, $0x1;
	s3 =	sadd.s32 s4, s19  }
0x9c: {  	s7 =	simm.s32 $0x0;
	s20 =	sshll.u32 s5, $0x1;
	s5 =	sadd.s32 s21, s3  }
0x9d: {  	[timem:s7], [sflag:s22] =	dma.local [hbm:s5], s20  }
0x9e: {  	_ =	swait.ge [sflag:s22], s20  }
0x9f: {  	s4 =	ssub.s32 $0x0, s20;
	[sflag:s22] =	ssyncset.done $0x0  }
0xa0: {  	[sflag:s22] =	ssyncadd.s32 s4;
	_ =	sdelay $0x1  }
0xa1: {  	s23 =	simm.s32 $0x1B8B  }
0xa2: {  	_ =	swait.ge [sflag:s23], $0x1  }
0xa3: {  	[sflag:s23] =	ssyncset.done $0x0  }
0xa4: {  	s25 =	simm.s32 $0x1B8E;
	s24 =	sld [smem:$0x3FFE];
	[sflag:s23] =	ssyncadd.s32 $0xFFFFFFFF  }
0xa5: {  	s26 =	simm.s32 $execute0_lowered;
	[smem:$0x3FD2] =	sst s25  }
0xa6: {  	s5 =	sshll.u32 s26, $0x1;
	_ =	strace $0x80000049;
	[dreg:$0x1] =	wrdreg $0xFFFFFFFF  }
0xa7: {  	s28 =	simm.s32 $_size_execute0_lowered;
	s3 =	sadd.s32 s3, s5;
	[dreg:$0x0] =	wrdreg $0x0  }
0xa8: {  	s5 =	sshll.u32 s28, $0x1;
	[dreg:$0x2] =	wrdreg s3  }
0xa9: {  	[dreg:$0x3] =	wrdreg s5  }
0xaa: {  	[dreg:$0x4] =	wrdreg $0xC0  }
0xab: {  	_ =	task [dreg:s7], $0x5FFFF  }
0xac: {  	[dreg:$0x1] =	wrdreg $0xFFFFFFFF  }
0xad: {  	[dreg:$0x0] =	wrdreg $0x60  }
0xae: {  	[dreg:$0x2] =	wrdreg s2  }
0xaf: {  	[dreg:$0x3] =	wrdreg s24  }
0xb0: {  	[dreg:$0x4] =	wrdreg $0xC6200  }
0xb1: {  	[dreg:$0x5] =	wrdreg $0x9  }
0xb2: {  	_ =	task.clear_ibuf [dreg:s7], $0x6FFFF;
	_ =	strace $0x90000049  }
0xb3: {  	s29 =	simm.s32 $0x9;
	_ =	strace $0x8000004B  }
0xb4: {  	_ =	swait.ge [sflag:s29], $0x1  }
0xb5: {  	[sflag:s29] =	ssyncadd.s32 $0xFFFFFFFF  }
0xb6: {  	_ =	strace $0x9000004B  }
0xb7: {  	_ =	sfence  }
0xb8: {  	s30 =	sld [smem:$0x0];
	_ =	sdelay $0x2  }
0xb9: {  	s31 =	sshll.u32 s1, $0xD;
	s1 =	sshrl.u32 s1, $0x2  }
0xba: {  	s3 =	sand.u32 $0x4000, s31;
	s1 =	sadd.s32 s1, s30  }
0xbb: {  	s0 =	sor.u32 s3, s0;
	s1 =	sshll.u32 s1, $0x11  }
0xbc: {  	s0 =	sor.u32 s1, s0  }
0xbd: {  	s0 =	sadd.s32 $0x8F2B, s0  }
0xbe: {  	[sflag:s0] =	ssyncadd.remote.s32 $0x1  }
0xbf: {  	_ =	sfence.sel $0xFFFF  }
0xc0: {  	[dreg:$0x0] =	wrdreg $0xFFFFFFFF;
	(pc) =	sbr.abs _section_cstart, $3  }
0xc1: {  	[dreg:$0x1] =	wrdreg $0xFFFFFFFF  }
0xc2: {  	_ =	task.clear_ibuf [dreg:s7], $0x2FFFF;
	_ =	strace $0x9FFFFFFF  }
0xc3: {  	(tm) =	ssettm $0x7FFFFFFF  }
tec
execute0_lowered:
.L_overlay_start_1:
0x0: {  	(tag) =	ssettag $0x1  }
0x1: {  	s0 =	srdreg.scid;
	s1 =	rddreg [dreg:$0x0]  }
0x2: {  	s7 =	stileid.u32;
	s5 =	rddreg [dreg:$0x1]  }
0x3: {  	s3 =	rddreg [dreg:$0x2];
	s4 =	simm.s32 $0x0;
	s17 =	simm.s32 $0x4E20  }
0x4: {  	s18 =	simm.s32 $0x7;
	s20 =	simm.s32 $0x50;
	s21 =	simm.s32 $0x7620  }
0x5: {  	s23 =	simm.s32 $0x9E20;
	s24 =	simm.s32 $0x1;
	s28 =	simm.s32 $0x3  }
0x6: {  	s29 =	simm.s32 $0x4;
	s30 =	simm.s32 $0x5;
	s31 =	simm.s32 $0x6  }
0x7: {  	s19 =	simm.s32 $0x4DD0;
	s0 =	sand.u32 $0x1, s0;
	s10 =	smul.u32 $0x13880, s7  }
0x8: {  	s2 =	sshll.u32 s7, $0x1;
	[smem:$0x7FF] =	sst s4;
	s7 =	smul.u32 $0x4E200, s7  }
0x9: {  	s2 =	sor.u32 s0, s2;
	s6 =	smul.u32 $0x138800, s0;
	s0 =	ssub.s32 $0x2, s0  }
0xa: {  	_ =	strace $0x8000004A;
	s2 =	smul.u32 $0x4E2, s2;
	s8 =	sshrl.u32 s0, $0x1  }
0xb: {  	s7 =	sshrl.u32 s7, $0x2;
	s26 =	sadd.s32 s10, s3;
	s6 =	sadd.s32 s10, s6  }
0xc: {  	s0 =	ssub.s32 s0, s8;
	s25 =	sshrl.u32 s26, $0x3;
	s26 =	simm.s32 $0x2  }
0xd: {  	s2 =	sadd.s32 s2, s5;
	s6 =	sshrl.u32 s6, $0x3;
	s10 =	smax.u32 s0, $0x1  }
0xe: {  	s9 =	sadd.s32 s6, s5;
	s5 =	sadd.s32 s7, s3;
	s7 =	sadd.s32 $0xD400, s2  }
0xf: {  	s8 =	sadd.s32 $0x3600, s2;
	s6 =	sadd.s32 $0x11800, s5;
	s9 =	sadd.s32 $0x17200, s9  }
0x10: {  	s11 =	sadd.s32 $0x2800, s5;
	s12 =	sadd.s32 $0x5000, s5;
	s13 =	sadd.s32 $0x7800, s5  }
0x11: {  	v0 =	vimm.f32 $0.0e+00;
	s14 =	sadd.s32 $0xA000, s5;
	s15 =	sadd.s32 $0xC800, s5;
	s16 =	sadd.s32 $0xF000, s5  }
.LBB2_1:
0x12: {  	s22 =	simm.s32 $0x70;
	s2 =	simm.s32 $0x3C0  }
.LBB2_2:
0x13: {  	p0 =	sne.s32 s2, $0x9FC0;
	[tilespmem:s22+$0x4E20] =	vst v0  }
0x14: {  	[tilespmem:s22+$0x4DB0] =	vst v0  }
0x15: {  	[tilespmem:s22+$0x4DC0] =	vst v0  }
.Ltmp0:
0x16: {  	[tilespmem:s22+$0x4DD0] =	vst v0;
	(pc) =	sbr.rel @p0 .LBB2_2-.Ltmp0, $4  }
0x17: {  	[tilespmem:s22+$0x4DE0] =	vst v0  }
0x18: {  	[tilespmem:s22+$0x4DF0] =	vst v0  }
0x19: {  	[tilespmem:s22+$0x4E00] =	vst v0  }
0x1a: {  	[tilespmem:s22+$0x4E10] =	vst v0;
	s22 =	sshra.s32 s2, $0x2;
	s2 =	sadd.s32 $0x200, s2  }
0x1b: {  	[tilespmem:s22+$0x4E20] =	vst v0  }
0x1c: {  	[tilespmem:s22+$0x4DB0] =	vst v0  }
0x1d: {  	[tilespmem:s22+$0x4DC0] =	vst v0  }
0x1e: {  	[tilespmem:s22+$0x4DD0] =	vst v0  }
0x1f: {  	[tilespmem:s22+$0x4DE0] =	vst v0  }
0x20: {  	[tilespmem:s22+$0x4DF0] =	vst v0  }
0x21: {  	[tilespmem:s22+$0x4E00] =	vst v0  }
0x22: {  	[tilespmem:s22+$0x4E10] =	vst v0  }
0x23: {  	[spmem:s5] =	stream.linear.scatter [tilespmem:s17], [sflag:$0x7], $0x2800, $0x38;
	[tilespmem:$0x1FEA0] =	vst v63  }
0x24: {  	_ =	swait.ge [sflag:s18], $0x2800  }
0x25: {  	[sflag:s18] =	ssyncset.done $0x0  }
0x26: {  	[sflag:s18] =	ssyncadd.s32 $0xFFFFD800  }
0x27: {  	[spmem:s11] =	stream.linear.scatter [tilespmem:s17], [sflag:$0x7], $0x2800, $0x38;
	[tilespmem:$0x1FEA0] =	vst v63  }
0x28: {  	_ =	swait.ge [sflag:s18], $0x2800  }
0x29: {  	[sflag:s18] =	ssyncset.done $0x0  }
0x2a: {  	[sflag:s18] =	ssyncadd.s32 $0xFFFFD800  }
0x2b: {  	[spmem:s12] =	stream.linear.scatter [tilespmem:s17], [sflag:$0x7], $0x2800, $0x38;
	[tilespmem:$0x1FEA0] =	vst v63  }
0x2c: {  	_ =	swait.ge [sflag:s18], $0x2800  }
0x2d: {  	[sflag:s18] =	ssyncset.done $0x0  }
0x2e: {  	[sflag:s18] =	ssyncadd.s32 $0xFFFFD800  }
0x2f: {  	[spmem:s13] =	stream.linear.scatter [tilespmem:s17], [sflag:$0x7], $0x2800, $0x38;
	[tilespmem:$0x1FEA0] =	vst v63  }
0x30: {  	_ =	swait.ge [sflag:s18], $0x2800  }
0x31: {  	[sflag:s18] =	ssyncset.done $0x0  }
0x32: {  	[sflag:s18] =	ssyncadd.s32 $0xFFFFD800  }
0x33: {  	[spmem:s14] =	stream.linear.scatter [tilespmem:s17], [sflag:$0x7], $0x2800, $0x38;
	[tilespmem:$0x1FEA0] =	vst v63  }
0x34: {  	_ =	swait.ge [sflag:s18], $0x2800  }
0x35: {  	[sflag:s18] =	ssyncset.done $0x0  }
0x36: {  	[sflag:s18] =	ssyncadd.s32 $0xFFFFD800  }
0x37: {  	[spmem:s15] =	stream.linear.scatter [tilespmem:s17], [sflag:$0x7], $0x2800, $0x38;
	[tilespmem:$0x1FEA0] =	vst v63  }
0x38: {  	_ =	swait.ge [sflag:s18], $0x2800  }
0x39: {  	[sflag:s18] =	ssyncset.done $0x0  }
0x3a: {  	[sflag:s18] =	ssyncadd.s32 $0xFFFFD800  }
0x3b: {  	[spmem:s16] =	stream.linear.scatter [tilespmem:s17], [sflag:$0x7], $0x2800, $0x38;
	[tilespmem:$0x1FEA0] =	vst v63  }
0x3c: {  	_ =	swait.ge [sflag:s18], $0x2800  }
0x3d: {  	[sflag:s18] =	ssyncset.done $0x0  }
0x3e: {  	[sflag:s18] =	ssyncadd.s32 $0xFFFFD800  }
0x3f: {  	[spmem:s6] =	stream.linear.scatter [tilespmem:s17], [sflag:$0x7], $0x2080, $0x38;
	[tilespmem:$0x1FEA0] =	vst v63  }
0x40: {  	_ =	swait.ge [sflag:s18], $0x2080  }
0x41: {  	[sflag:s18] =	ssyncset.done $0x0  }
0x42: {  	[sflag:s18] =	ssyncadd.s32 $0xFFFFDF80  }
0x43: {  	s2 =	simm.s32 $0x0;
	[bflag:$0x0] =	sbarrier.arrive $0xFFFF  }
0x44: {  	[tilespmem:s2], [sflag:$0x7] =	stream.linear.gather [hbm4b:s7+s2], $0x2710, $0x38;
	[tilespmem:$0x1FEA0] =	vst v63  }
0x45: {  	_ =	swait.ge [sflag:s18], $0x2710  }
0x46: {  	[sflag:s18] =	ssyncset.done $0x0  }
0x47: {  	s0 =	simm.s32 $0x2710;
	[sflag:s18] =	ssyncadd.s32 $0xFFFFD8F0  }
0x48: {  	[tilespmem:s0], [sflag:$0x7] =	stream.linear.gather [hbm4b:s8+s2], $0x2710, $0x38;
	[tilespmem:$0x1FEA0] =	vst v63  }
0x49: {  	_ =	swait.ge [sflag:s18], $0x2710  }
0x4a: {  	[sflag:s18] =	ssyncset.done $0x0  }
0x4b: {  	[sflag:s18] =	ssyncadd.s32 $0xFFFFD8F0  }
0x4c: {  	[tilespmem:s17], [sflag:$0x1] =	stream.indirect.gather [hbm4b:s1+s20], $0x80, s2, s20, $0xb8;
	[tilespmem:$0x1FEA0] =	vst v63  }
0x4d: {  	_ = 	snop  }
0x4e: {  	[tilespmem:s21], [sflag:$0x2] =	stream.indirect.gather [hbm4b:s1+s20], $0x80, s20, s20, $0xb8;
	[tilespmem:$0x1FEA0] =	vst v63  }
0x4f: {  	s2 =	simm.s32 $0xA0  }
0x50: {  	[tilespmem:s23], [sflag:$0x3] =	stream.indirect.gather [hbm4b:s1+s20], $0x80, s2, s20, $0xb8;
	[tilespmem:$0x1FEA0] =	vst v63  }
0x51: {  	_ =	swait.ge [sflag:s24], $0x2800  }
0x52: {  	[sflag:s24] =	ssyncset.done $0x0  }
0x53: {  	s22 =	simm.s32 $0x2710;
	[sflag:s24] =	ssyncadd.s32 $0xFFFFD800  }
0x54: {  	[spmem:s3] =	stream.indirect.scatter.add.f32 [tilespmem:s17], [sflag:$0x4], $0x80, s22, s20, $0xb8;
	[tilespmem:$0x1FEA0] =	vst v63  }
0x55: {  	_ =	swait.ge [sflag:s26], $0x2800  }
0x56: {  	[sflag:s26] =	ssyncset.done $0x0  }
0x57: {  	s0 =	simm.s32 $0x2760;
	[sflag:s26] =	ssyncadd.s32 $0xFFFFD800  }
0x58: {  	[spmem:s3] =	stream.indirect.scatter.add.f32 [tilespmem:s21], [sflag:$0x5], $0x80, s0, s20, $0xb8;
	[tilespmem:$0x1FEA0] =	vst v63  }
0x59: {  	_ =	swait.ge [sflag:s28], $0x2800  }
0x5a: {  	[sflag:s28] =	ssyncset.done $0x0  }
0x5b: {  	s22 =	simm.s32 $0x27B0;
	[sflag:s28] =	ssyncadd.s32 $0xFFFFD800  }
0x5c: {  	[spmem:s3] =	stream.indirect.scatter.add.f32 [tilespmem:s23], [sflag:$0x6], $0x80, s22, s20, $0xb8;
	[tilespmem:$0x1FEA0] =	vst v63  }
0x5d: {  	_ =	swait.ge [sflag:s29], $0x2800  }
0x5e: {  	[sflag:s29] =	ssyncset.done $0x0  }
0x5f: {  	s0 =	simm.s32 $0xF0;
	[sflag:s29] =	ssyncadd.s32 $0xFFFFD800  }
0x60: {  	[tilespmem:s17], [sflag:$0x1] =	stream.indirect.gather [hbm4b:s1+s20], $0x80, s0, s20, $0xb8;
	[tilespmem:$0x1FEA0] =	vst v63  }
0x61: {  	_ =	swait.ge [sflag:s30], $0x2800  }
0x62: {  	[sflag:s30] =	ssyncset.done $0x0  }
0x63: {  	s22 =	simm.s32 $0x140;
	[sflag:s30] =	ssyncadd.s32 $0xFFFFD800  }
0x64: {  	[tilespmem:s21], [sflag:$0x2] =	stream.indirect.gather [hbm4b:s1+s20], $0x80, s22, s20, $0xb8;
	[tilespmem:$0x1FEA0] =	vst v63  }
0x65: {  	_ =	swait.ge [sflag:s31], $0x2800  }
0x66: {  	[sflag:s31] =	ssyncset.done $0x0  }
0x67: {  	s2 =	simm.s32 $0x190;
	s22 =	simm.s32 $0x3C0;
	[sflag:s31] =	ssyncadd.s32 $0xFFFFD800  }
.LBB2_4:
0x68: {  	[tilespmem:s23], [sflag:$0x3] =	stream.indirect.gather [hbm4b:s1+s20], $0x80, s2, s20, $0xb8;
	[tilespmem:$0x1FEA0] =	vst v63  }
0x69: {  	s2 =	smov.u32 s22  }
0x6a: {  	p0 =	sne.s32 s22, $0x9240;
	s22 =	sadd.s32 $0x3C0, s22;
	_ =	swait.ge [sflag:s24], $0x2800  }
0x6b: {  	s2 =	sshra.s32 s2, $0x2;
	[sflag:s24] =	ssyncset.done $0x0  }
0x6c: {  	s0 =	sadd.s32 $0x2710, s2;
	[sflag:s24] =	ssyncadd.s32 $0xFFFFD800  }
0x6d: {  	[spmem:s3] =	stream.indirect.scatter.add.f32 [tilespmem:s17], [sflag:$0x4], $0x80, s0, s20, $0xb8;
	[tilespmem:$0x1FEA0] =	vst v63  }
0x6e: {  	_ =	swait.ge [sflag:s26], $0x2800  }
0x6f: {  	[sflag:s26] =	ssyncset.done $0x0  }
0x70: {  	s0 =	sadd.s32 $0x2760, s2;
	[sflag:s26] =	ssyncadd.s32 $0xFFFFD800  }
0x71: {  	[spmem:s3] =	stream.indirect.scatter.add.f32 [tilespmem:s21], [sflag:$0x5], $0x80, s0, s20, $0xb8;
	[tilespmem:$0x1FEA0] =	vst v63  }
0x72: {  	_ =	swait.ge [sflag:s28], $0x2800  }
0x73: {  	[sflag:s28] =	ssyncset.done $0x0  }
0x74: {  	s0 =	sadd.s32 $0x27B0, s2;
	[sflag:s28] =	ssyncadd.s32 $0xFFFFD800  }
0x75: {  	[spmem:s3] =	stream.indirect.scatter.add.f32 [tilespmem:s23], [sflag:$0x6], $0x80, s0, s20, $0xb8;
	[tilespmem:$0x1FEA0] =	vst v63  }
0x76: {  	_ =	swait.ge [sflag:s29], $0x2800  }
0x77: {  	[sflag:s29] =	ssyncset.done $0x0  }
0x78: {  	s0 =	sadd.s32 $0xF0, s2;
	[sflag:s29] =	ssyncadd.s32 $0xFFFFD800  }
0x79: {  	[tilespmem:s17], [sflag:$0x1] =	stream.indirect.gather [hbm4b:s1+s20], $0x80, s0, s20, $0xb8;
	[tilespmem:$0x1FEA0] =	vst v63  }
0x7a: {  	_ =	swait.ge [sflag:s30], $0x2800  }
0x7b: {  	[sflag:s30] =	ssyncset.done $0x0  }
.Ltmp1:
0x7c: {  	s0 =	sadd.s32 $0x140, s2;
	[sflag:s30] =	ssyncadd.s32 $0xFFFFD800;
	(pc) =	sbr.rel @p0 .LBB2_4-.Ltmp1, $4  }
0x7d: {  	[tilespmem:s21], [sflag:$0x2] =	stream.indirect.gather [hbm4b:s1+s20], $0x80, s0, s20, $0xb8;
	[tilespmem:$0x1FEA0] =	vst v63  }
0x7e: {  	_ =	swait.ge [sflag:s31], $0x2800  }
0x7f: {  	[sflag:s31] =	ssyncset.done $0x0  }
0x80: {  	s2 =	sadd.s32 $0x190, s2;
	[sflag:s31] =	ssyncadd.s32 $0xFFFFD800  }
0x81: {  	[tilespmem:s23], [sflag:$0x3] =	stream.indirect.gather [hbm4b:s1+s20], $0x80, s2, s20, $0xb8;
	[tilespmem:$0x1FEA0] =	vst v63  }
0x82: {  	_ =	swait.ge [sflag:s24], $0x2800  }
0x83: {  	[sflag:s24] =	ssyncset.done $0x0  }
0x84: {  	s0 =	simm.s32 $0x4C90;
	[sflag:s24] =	ssyncadd.s32 $0xFFFFD800  }
0x85: {  	[spmem:s3] =	stream.indirect.scatter.add.f32 [tilespmem:s17], [sflag:$0x4], $0x80, s0, s20, $0xb8;
	[tilespmem:$0x1FEA0] =	vst v63  }
0x86: {  	_ =	swait.ge [sflag:s26], $0x2800  }
0x87: {  	[sflag:s26] =	ssyncset.done $0x0  }
0x88: {  	s2 =	simm.s32 $0x4CE0;
	[sflag:s26] =	ssyncadd.s32 $0xFFFFD800  }
0x89: {  	[spmem:s3] =	stream.indirect.scatter.add.f32 [tilespmem:s21], [sflag:$0x5], $0x80, s2, s20, $0xb8;
	[tilespmem:$0x1FEA0] =	vst v63  }
0x8a: {  	_ =	swait.ge [sflag:s28], $0x2800  }
0x8b: {  	[sflag:s28] =	ssyncset.done $0x0  }
0x8c: {  	s22 =	simm.s32 $0x4D30;
	[sflag:s28] =	ssyncadd.s32 $0xFFFFD800  }
0x8d: {  	[spmem:s3] =	stream.indirect.scatter.add.f32 [tilespmem:s23], [sflag:$0x6], $0x80, s22, s20, $0xb8;
	[tilespmem:$0x1FEA0] =	vst v63  }
0x8e: {  	_ =	swait.ge [sflag:s29], $0x2800  }
0x8f: {  	[sflag:s29] =	ssyncset.done $0x0  }
0x90: {  	[sflag:s29] =	ssyncadd.s32 $0xFFFFD800  }
0x91: {  	_ =	swait.ge [sflag:s30], $0x2800  }
0x92: {  	[sflag:s30] =	ssyncset.done $0x0  }
0x93: {  	[sflag:s30] =	ssyncadd.s32 $0xFFFFD800  }
0x94: {  	_ =	swait.ge [sflag:s31], $0x2800  }
0x95: {  	[sflag:s31] =	ssyncset.done $0x0  }
0x96: {  	s2 =	simm.s32 $0x2670;
	[sflag:s31] =	ssyncadd.s32 $0xFFFFD800  }
0x97: {  	[tilespmem:s17], [sflag:$0x1] =	stream.indirect.gather [hbm4b:s1+s20], $0x80, s2, s20, $0xb8;
	[tilespmem:$0x1FEA0] =	vst v63  }
0x98: {  	_ =	swait.ge [sflag:s24], $0x2800  }
0x99: {  	[sflag:s24] =	ssyncset.done $0x0  }
0x9a: {  	s22 =	simm.s32 $0x4D80;
	[sflag:s24] =	ssyncadd.s32 $0xFFFFD800  }
0x9b: {  	[spmem:s3] =	stream.indirect.scatter.add.f32 [tilespmem:s17], [sflag:$0x7], $0x80, s22, s20, $0xb8;
	[tilespmem:$0x1FEA0] =	vst v63  }
0x9c: {  	_ =	swait.ge [sflag:s18], $0x2800  }
0x9d: {  	[sflag:s18] =	ssyncset.done $0x0  }
0x9e: {  	s2 =	simm.s32 $0x26C0;
	[sflag:s18] =	ssyncadd.s32 $0xFFFFD800  }
0x9f: {  	[tilespmem:s17], [sflag:$0x1] =	stream.indirect.gather [hbm4b:s1+s20], $0x80, s2, s20, $0xb8;
	[tilespmem:$0x1FEA0] =	vst v63  }
0xa0: {  	_ =	swait.ge [sflag:s24], $0x2800  }
0xa1: {  	[sflag:s24] =	ssyncset.done $0x0  }
0xa2: {  	[sflag:s24] =	ssyncadd.s32 $0xFFFFD800  }
0xa3: {  	[spmem:s3] =	stream.indirect.scatter.add.f32 [tilespmem:s17], [sflag:$0x7], $0x80, s19, s20, $0xb8;
	[tilespmem:$0x1FEA0] =	vst v63  }
0xa4: {  	_ =	swait.ge [sflag:s18], $0x2800  }
0xa5: {  	s4 =	sadd.s32 $0x1, s4;
	s22 =	stileid.u32;
	[sflag:s18] =	ssyncset.done $0x0  }
0xa6: {  	p0 =	sne.s32 s4, s10;
	s0 =	sshll.u32 s22, $0x6;
	[sflag:s18] =	ssyncadd.s32 $0xFFFFD800  }
.Ltmp2:
0xa7: {  	s0 =	sor.u32 $0x1C07, s0;
	[bflag:$0x0] =	sbarrier.arrive $0xFFFF;
	(pc) =	sbr.rel @p0 .LBB2_1-.Ltmp2, $4  }
0xa8: {  	[hbm:s9], [sflag:s0] =	dma.local [spmem:s25], $0x2710  }
0xa9: {  	_ =	swait.ge [sflag:s18], $0x2710  }
0xaa: {  	[sflag:s18] =	ssyncset.done $0x0  }
0xab: {  	[sflag:s18] =	ssyncadd.s32 $0xFFFFD8F0  }
0xac: {  	_ =	sfence.sel $0x180000  }
0xad: {  	[bflag:$0x0] =	sbarrier.arrive $0xFFFF  }
0xae: {  	_ =	strace $0x9000004A  }
0xaf: {  	s0 =	stileid.u32;
	[bflag:$0x2] =	sbarrier.arrive $0xFFFF  }
0xb0: {  	p0 =	sne.s32 s0, $0x0;
	s0 =	rddreg [dreg:$0x3]  }
0xb1: {  	s0 =	sadd.s32 @!p0 $0x100000, s0  }
0xb2: {  	[sflag:s0] =	ssyncadd.tile.s32 @!p0 $0x1;
	_ =	shalt  }
.Lfunc_end2:
_tile_overlayer_lowered:
.L_overlay_start_2:
0xb3: {  	(tag) =	ssettag $0x2  }
0xb4: {  	s0 =	rddreg [dreg:$0x0];
	s2 =	stileid.u32  }
0xb5: {  	s1 =	rddreg [dreg:$0x1];
	p0 =	sne.s32 s2, $0x0  }
0xb6: {  	s3 =	rddreg [dreg:$0x2];
	[bflag:$0x3] =	sbarrier.arrive $0xFFFF;
	s2 =	simm.s32 @!p0 $0x1C07  }
0xb7: {  	[timem:s3], [sflag:s2] =	dma.local @!p0 [hbm:s0], s1  }
0xb8: {  	s0 =	simm.s32 @!p0 $0x7  }
0xb9: {  	_ =	swait.ge @!p0 [sflag:s0], s1  }
0xba: {  	s1 =	ssub.s32 @!p0 $0x0, s1;
	[sflag:s0] =	ssyncset.done @!p0 $0x0  }
0xbb: {  	[sflag:s0] =	ssyncadd.s32 @!p0 s1  }
0xbc: {  	[bflag:$0x3] =	sbarrier.arrive $0xFFFF  }
0xbd: {  	_ =	shalt  }

// kernel: kernel.14.cloned.1.call-start
scs
__scs_entry_jumppad:
0x0: {  	(pc) =	sbr.rel $0x88, $3  }
0x1: {  	(tag) =	ssettag $0x0;
	lr =	simm.s32 $0x1  }
0x2: {  	[smem:$0x3F99] =	sst lr;
	_ =	strace $0xD0000000  }
0x3: {  	_ = 	snop  }
0x4: {  	_ = 	snop  }
0x5: {  	_ = 	snop  }
0x6: {  	_ = 	snop  }
0x7: {  	_ = 	snop  }
__scs_overlays_trampoline_lowered:
0x8: {  	[smem:$0x3FA8] =	sst s0  }
0x9: {  	[smem:$0x3FA9] =	sst s1  }
0xa: {  	[smem:$0x3FAA] =	sst s2  }
0xb: {  	[smem:$0x3FAB] =	sst s3  }
0xc: {  	[smem:$0x3FAC] =	sst s4  }
0xd: {  	[smem:$0x3FAD] =	sst s5  }
0xe: {  	[smem:$0x3FAE] =	sst s6  }
0xf: {  	[smem:$0x3FAF] =	sst s7  }
0x10: {  	[smem:$0x3FB0] =	sst s8  }
0x11: {  	[smem:$0x3FB1] =	sst s9;
	s0 =	simm.s32 @!p0 $0x0  }
0x12: {  	s1 =	sld [smem:$0x3F97];
	s0 =	simm.s32 @p0 $0x1  }
0x13: {  	[smem:$0x3FB2] =	sst s0;
	s0 =	simm.s32 @!p1 $0x0  }
0x14: {  	s2 =	sld [smem:$0x3F96];
	s0 =	simm.s32 @p1 $0x1  }
0x15: {  	[smem:$0x3FB3] =	sst s0;
	s0 =	simm.s32 @!p2 $0x0  }
0x16: {  	s3 =	sld [smem:$0x3FDB];
	s0 =	simm.s32 @p2 $0x1  }
0x17: {  	s4 =	simm.s32 $0x1BF5;
	[smem:$0x3FB5] =	sst s0  }
0x18: {  	s0 =	sld [smem:$0x3F98];
	_ =	swait.ge [sflag:s4], $0x0  }
0x19: {  	s7 =	sld [smem:$0x3F99]  }
0x1a: {  	s8 =	sadd.s32 $0xFFFFE003, lr  }
0x1b: {  	s9 =	sadd.s32 $0xFFFFFEF7, lr;
	s5 =	simm.s32 $0xFFFFFFFF;
	p2 =	slt.u32 s8, $0xFFFFF086  }
0x1c: {  	p1 =	slt.u32 s9, $0xF7A;
	s5 =	simm.s32 @!p2 $0x0  }
0x1d: {  	s5 =	simm.s32 @p1 $0x1;
	p0 =	seq.s32 s7, s2  }
0x1e: {  	s7 =	smul.u32 @!p0 $0xF7A, s2;
	p2 =	seq.s32 @!p0 s5, $0x0  }
0x1f: {  	s9 =	smul.u32 $0xF7A, s1;
	s8 =	simm.s32 @!p0 $0x1BF5;
	p2 =	por !p2, p0  }
0x20: {  	[sflag:s8] =	ssyncset.s32 @!p0 $0xFFFFF086;
	s6 =	sadd.s32 @!p0 s3, s7;
	s7 =	simm.s32 @!p0 $0x108  }
0x21: {  	s3 =	sadd.s32 s3, s9;
	s6 =	sadd.s32 @!p0 $0x88, s6;
	s7 =	simm.s32 @p2 $0x1082  }
0x22: {  	[simem:s7], [sflag:s8] =	dma.local @!p0 [hbm:s6], $0xF7A  }
0x23: {  	s9 =	sor.u32 $0xD0000000, s2;
	s6 =	simm.s32 $0x108;
	_ =	swait.ge @!p0 [sflag:s8], $0x0  }
0x24: {  	s3 =	sadd.s32 $0x88, s3;
	s6 =	simm.s32 @!p1 $0x1082;
	[sflag:s4] =	ssyncset.s32 $0xFFFFF086  }
0x25: {  	[simem:s6], [sflag:s4] =	dma.local [hbm:s3], $0xF7A  }
0x26: {  	[smem:$0x3F99] =	sst s1;
	(tag) =	ssettag s2;
	_ =	strace s9  }
0x27: {  	s1 =	sld [smem:$0x3FA9]  }
0x28: {  	s2 =	sld [smem:$0x3FAA]  }
0x29: {  	s4 =	sld [smem:$0x3FAC]  }
0x2a: {  	p0 =	seq.s32 s5, $0x0;
	s5 =	sld [smem:$0x3FAD]  }
0x2b: {  	s6 =	sld [smem:$0x3FAE]  }
0x2c: {  	s7 =	sld [smem:$0x3FAF]  }
0x2d: {  	s3 =	simm.s32 $0x108;
	s8 =	sld [smem:$0x3FB0]  }
0x2e: {  	s3 =	simm.s32 @!p0 $0x1082;
	s9 =	sld [smem:$0x3FB1]  }
0x2f: {  	lr =	sadd.s32 s0, s3;
	s0 =	sld [smem:$0x3FA8]  }
0x30: {  	s3 =	sld [smem:$0x3FAB]  }
0x31: {  	[smem:$0x3FB4] =	sst s10  }
0x32: {  	s10 =	sld [smem:$0x3FB2];
	_ =	sdelay $0x3  }
0x33: {  	p0 =	seq.s32 s10, $0x1;
	s10 =	sld [smem:$0x3FB4];
	_ =	sdelay $0x3  }
0x34: {  	[smem:$0x3FB4] =	sst s10  }
0x35: {  	s10 =	sld [smem:$0x3FB3];
	_ =	sdelay $0x3  }
0x36: {  	p1 =	seq.s32 s10, $0x1;
	s10 =	sld [smem:$0x3FB4];
	_ =	sdelay $0x3  }
0x37: {  	[smem:$0x3FB4] =	sst s10  }
0x38: {  	s10 =	sld [smem:$0x3FB5]  }
0x39: {  	_ = 	snop;
	(pc) =	sbr.ind lr, $3  }
0x3a: {  	_ = 	snop  }
0x3b: {  	_ = 	snop  }
0x3c: {  	p2 =	seq.s32 s10, $0x1;
	s10 =	sld [smem:$0x3FB4]  }
0x3d: {  	_ =	shalt  }
0x3e: {  	_ =	shalt  }
0x3f: {  	_ =	shalt  }
0x40: {  	_ =	shalt  }
0x41: {  	_ =	shalt  }
0x42: {  	_ =	shalt  }
0x43: {  	_ =	shalt  }
0x44: {  	_ =	shalt  }
0x45: {  	_ =	shalt  }
0x46: {  	_ =	shalt  }
0x47: {  	_ =	shalt  }
0x48: {  	_ =	shalt  }
0x49: {  	_ =	shalt  }
0x4a: {  	_ =	shalt  }
0x4b: {  	_ =	shalt  }
0x4c: {  	_ =	shalt  }
0x4d: {  	_ =	shalt  }
0x4e: {  	_ =	shalt  }
0x4f: {  	_ =	shalt  }
0x50: {  	_ =	shalt  }
0x51: {  	_ =	shalt  }
0x52: {  	_ =	shalt  }
0x53: {  	_ =	shalt  }
0x54: {  	_ =	shalt  }
0x55: {  	_ =	shalt  }
0x56: {  	_ =	shalt  }
0x57: {  	_ =	shalt  }
0x58: {  	_ =	shalt  }
0x59: {  	_ =	shalt  }
0x5a: {  	_ =	shalt  }
0x5b: {  	_ =	shalt  }
0x5c: {  	_ =	shalt  }
0x5d: {  	_ =	shalt  }
0x5e: {  	_ =	shalt  }
0x5f: {  	_ =	shalt  }
0x60: {  	_ =	shalt  }
0x61: {  	_ =	shalt  }
0x62: {  	_ =	shalt  }
0x63: {  	_ =	shalt  }
0x64: {  	_ =	shalt  }
0x65: {  	_ =	shalt  }
0x66: {  	_ =	shalt  }
0x67: {  	_ =	shalt  }
0x68: {  	_ =	shalt  }
0x69: {  	_ =	shalt  }
0x6a: {  	_ =	shalt  }
0x6b: {  	_ =	shalt  }
0x6c: {  	_ =	shalt  }
0x6d: {  	_ =	shalt  }
0x6e: {  	_ =	shalt  }
0x6f: {  	_ =	shalt  }
0x70: {  	_ =	shalt  }
0x71: {  	_ =	shalt  }
0x72: {  	_ =	shalt  }
0x73: {  	_ =	shalt  }
0x74: {  	_ =	shalt  }
0x75: {  	_ =	shalt  }
0x76: {  	_ =	shalt  }
0x77: {  	_ =	shalt  }
0x78: {  	_ =	shalt  }
0x79: {  	_ =	shalt  }
0x7a: {  	_ =	shalt  }
0x7b: {  	_ =	shalt  }
0x7c: {  	_ =	shalt  }
0x7d: {  	_ =	shalt  }
0x7e: {  	_ =	shalt  }
0x7f: {  	_ =	shalt  }
0x80: {  	_ =	shalt  }
0x81: {  	_ =	shalt  }
0x82: {  	_ =	shalt  }
0x83: {  	_ =	shalt  }
0x84: {  	_ =	shalt  }
0x85: {  	_ =	shalt  }
0x86: {  	_ =	shalt  }
0x87: {  	_ =	shalt  }
.Lfunc_end0:
.L_simem_size_0:
called_computation.2_lowered:
.L_overlay_start_0:
0x88: {  	s2 =	sld [smem:$0x3FD9]  }
0x89: {  	s3 =	sld [smem:$0x3FFE];
	_ =	sdelay $0x1  }
0x8a: {  	s1 =	srdreg.scid  }
0x8b: {  	s0 =	sand.u32 $0x1, s1  }
0x8c: {  	s17 =	sshll.u32 s0, $0xA;
	s2 =	sadd.s32 s3, s2  }
0x8d: {  	s2 =	sadd.s32 s2, s17  }
0x8e: {  	[smem:$0x3FC0] =	sst s2  }
0x8f: {  	_ = 	snop  }
0x90: {  	s2 =	sld [smem:$0x3FD0];
	(tm) =	ssettm $0x1  }
0x91: {  	s18 =	sld [smem:$0x3FFB];
	_ =	sdelay $0x3  }
0x92: {  	_ =	strace s18  }
0x93: {  	s3 =	sld [smem:$0x3FFC];
	_ =	sdelay $0x3  }
0x94: {  	_ =	strace s3  }
0x95: {  	s3 =	sld [smem:$0x3FFD];
	_ =	sdelay $0x3  }
0x96: {  	_ =	strace s3  }
0x97: {  	_ =	strace $0x8FFFFFFF  }
0x98: {  	s19 =	sld [smem:$0x3FDB];
	_ =	sdelay $0x1  }
0x99: {  	s4 =	simm.s32 $_scs_section_size  }
0x9a: {  	s5 =	simm.s32 $_size__tile_overlayer_lowered;
	s6 =	simm.s32 $_tile_overlayer_lowered  }
0x9b: {  	s22 =	simm.s32 $0x1BFF;
	s21 =	sshll.u32 s6, $0x1;
	s3 =	sadd.s32 s4, s19  }
0x9c: {  	s7 =	simm.s32 $0x0;
	s20 =	sshll.u32 s5, $0x1;
	s5 =	sadd.s32 s21, s3  }
0x9d: {  	[timem:s7], [sflag:s22] =	dma.local [hbm:s5], s20  }
0x9e: {  	_ =	swait.ge [sflag:s22], s20  }
0x9f: {  	s4 =	ssub.s32 $0x0, s20;
	[sflag:s22] =	ssyncset.done $0x0  }
0xa0: {  	[sflag:s22] =	ssyncadd.s32 s4;
	_ =	sdelay $0x1  }
0xa1: {  	s23 =	simm.s32 $0x1B8B  }
0xa2: {  	_ =	swait.ge [sflag:s23], $0x1  }
0xa3: {  	[sflag:s23] =	ssyncset.done $0x0  }
0xa4: {  	s25 =	simm.s32 $0x1B8E;
	s24 =	sld [smem:$0x3FFE];
	[sflag:s23] =	ssyncadd.s32 $0xFFFFFFFF  }
0xa5: {  	s26 =	simm.s32 $execute0_lowered;
	[smem:$0x3FD2] =	sst s25  }
0xa6: {  	s5 =	sshll.u32 s26, $0x1;
	_ =	strace $0x8000004C;
	[dreg:$0x1] =	wrdreg $0xFFFFFFFF  }
0xa7: {  	s28 =	simm.s32 $_size_execute0_lowered;
	s3 =	sadd.s32 s3, s5;
	[dreg:$0x0] =	wrdreg $0x0  }
0xa8: {  	s5 =	sshll.u32 s28, $0x1;
	[dreg:$0x2] =	wrdreg s3  }
0xa9: {  	[dreg:$0x3] =	wrdreg s5  }
0xaa: {  	[dreg:$0x4] =	wrdreg $0xC0  }
0xab: {  	_ =	task [dreg:s7], $0x5FFFF  }
0xac: {  	[dreg:$0x1] =	wrdreg $0xFFFFFFFF  }
0xad: {  	[dreg:$0x0] =	wrdreg $0x60  }
0xae: {  	[dreg:$0x2] =	wrdreg s2  }
0xaf: {  	[dreg:$0x3] =	wrdreg s24  }
0xb0: {  	[dreg:$0x4] =	wrdreg $0xC6200  }
0xb1: {  	[dreg:$0x5] =	wrdreg $0x9  }
0xb2: {  	_ =	task.clear_ibuf [dreg:s7], $0x6FFFF;
	_ =	strace $0x9000004C  }
0xb3: {  	s29 =	simm.s32 $0x9;
	_ =	strace $0x8000004E  }
0xb4: {  	_ =	swait.ge [sflag:s29], $0x1  }
0xb5: {  	[sflag:s29] =	ssyncadd.s32 $0xFFFFFFFF  }
0xb6: {  	_ =	strace $0x9000004E  }
0xb7: {  	_ =	sfence  }
0xb8: {  	s30 =	sld [smem:$0x0];
	_ =	sdelay $0x2  }
0xb9: {  	s31 =	sshll.u32 s1, $0xD;
	s1 =	sshrl.u32 s1, $0x2  }
0xba: {  	s3 =	sand.u32 $0x4000, s31;
	s1 =	sadd.s32 s1, s30  }
0xbb: {  	s0 =	sor.u32 s3, s0;
	s1 =	sshll.u32 s1, $0x11  }
0xbc: {  	s0 =	sor.u32 s1, s0  }
0xbd: {  	s0 =	sadd.s32 $0x8F2B, s0  }
0xbe: {  	[sflag:s0] =	ssyncadd.remote.s32 $0x1  }
0xbf: {  	_ =	sfence.sel $0xFFFF  }
0xc0: {  	[dreg:$0x0] =	wrdreg $0xFFFFFFFF;
	(pc) =	sbr.abs _section_cstart, $3  }
0xc1: {  	[dreg:$0x1] =	wrdreg $0xFFFFFFFF  }
0xc2: {  	_ =	task.clear_ibuf [dreg:s7], $0x2FFFF;
	_ =	strace $0x9FFFFFFF  }
0xc3: {  	(tm) =	ssettm $0x7FFFFFFF  }
tec
execute0_lowered:
.L_overlay_start_1:
0x0: {  	(tag) =	ssettag $0x1  }
0x1: {  	s0 =	srdreg.scid;
	s1 =	rddreg [dreg:$0x0]  }
0x2: {  	s7 =	stileid.u32;
	s5 =	rddreg [dreg:$0x1]  }
0x3: {  	s3 =	rddreg [dreg:$0x2];
	s4 =	simm.s32 $0x0;
	s17 =	simm.s32 $0x4E20  }
0x4: {  	s18 =	simm.s32 $0x7;
	s20 =	simm.s32 $0x50;
	s21 =	simm.s32 $0x7620  }
0x5: {  	s23 =	simm.s32 $0x9E20;
	s24 =	simm.s32 $0x1;
	s28 =	simm.s32 $0x3  }
0x6: {  	s29 =	simm.s32 $0x4;
	s30 =	simm.s32 $0x5;
	s31 =	simm.s32 $0x6  }
0x7: {  	s19 =	simm.s32 $0x4DD0;
	s0 =	sand.u32 $0x1, s0;
	s10 =	smul.u32 $0x13880, s7  }
0x8: {  	s2 =	sshll.u32 s7, $0x1;
	[smem:$0x7FF] =	sst s4;
	s7 =	smul.u32 $0x4E200, s7  }
0x9: {  	s2 =	sor.u32 s0, s2;
	s6 =	smul.u32 $0x138800, s0;
	s0 =	ssub.s32 $0x2, s0  }
0xa: {  	_ =	strace $0x8000004D;
	s2 =	smul.u32 $0x4E2, s2;
	s8 =	sshrl.u32 s0, $0x1  }
0xb: {  	s7 =	sshrl.u32 s7, $0x2;
	s26 =	sadd.s32 s10, s3;
	s6 =	sadd.s32 s10, s6  }
0xc: {  	s0 =	ssub.s32 s0, s8;
	s25 =	sshrl.u32 s26, $0x3;
	s26 =	simm.s32 $0x2  }
0xd: {  	s2 =	sadd.s32 s2, s5;
	s6 =	sshrl.u32 s6, $0x3;
	s10 =	smax.u32 s0, $0x1  }
0xe: {  	s9 =	sadd.s32 s6, s5;
	s5 =	sadd.s32 s7, s3;
	s7 =	sadd.s32 $0xD400, s2  }
0xf: {  	s8 =	sadd.s32 $0x3600, s2;
	s6 =	sadd.s32 $0x11800, s5;
	s9 =	sadd.s32 $0x17200, s9  }
0x10: {  	s11 =	sadd.s32 $0x2800, s5;
	s12 =	sadd.s32 $0x5000, s5;
	s13 =	sadd.s32 $0x7800, s5  }
0x11: {  	v0 =	vimm.f32 $0.0e+00;
	s14 =	sadd.s32 $0xA000, s5;
	s15 =	sadd.s32 $0xC800, s5;
	s16 =	sadd.s32 $0xF000, s5  }
.LBB2_1:
0x12: {  	s22 =	simm.s32 $0x70;
	s2 =	simm.s32 $0x3C0  }
.LBB2_2:
0x13: {  	p0 =	sne.s32 s2, $0x9FC0;
	[tilespmem:s22+$0x4E20] =	vst v0  }
0x14: {  	[tilespmem:s22+$0x4DB0] =	vst v0  }
0x15: {  	[tilespmem:s22+$0x4DC0] =	vst v0  }
.Ltmp0:
0x16: {  	[tilespmem:s22+$0x4DD0] =	vst v0;
	(pc) =	sbr.rel @p0 .LBB2_2-.Ltmp0, $4  }
0x17: {  	[tilespmem:s22+$0x4DE0] =	vst v0  }
0x18: {  	[tilespmem:s22+$0x4DF0] =	vst v0  }
0x19: {  	[tilespmem:s22+$0x4E00] =	vst v0  }
0x1a: {  	[tilespmem:s22+$0x4E10] =	vst v0;
	s22 =	sshra.s32 s2, $0x2;
	s2 =	sadd.s32 $0x200, s2  }
0x1b: {  	[tilespmem:s22+$0x4E20] =	vst v0  }
0x1c: {  	[tilespmem:s22+$0x4DB0] =	vst v0  }
0x1d: {  	[tilespmem:s22+$0x4DC0] =	vst v0  }
0x1e: {  	[tilespmem:s22+$0x4DD0] =	vst v0  }
0x1f: {  	[tilespmem:s22+$0x4DE0] =	vst v0  }
0x20: {  	[tilespmem:s22+$0x4DF0] =	vst v0  }
0x21: {  	[tilespmem:s22+$0x4E00] =	vst v0  }
0x22: {  	[tilespmem:s22+$0x4E10] =	vst v0  }
0x23: {  	[spmem:s5] =	stream.linear.scatter [tilespmem:s17], [sflag:$0x7], $0x2800, $0x38;
	[tilespmem:$0x1FEA0] =	vst v63  }
0x24: {  	_ =	swait.ge [sflag:s18], $0x2800  }
0x25: {  	[sflag:s18] =	ssyncset.done $0x0  }
0x26: {  	[sflag:s18] =	ssyncadd.s32 $0xFFFFD800  }
0x27: {  	[spmem:s11] =	stream.linear.scatter [tilespmem:s17], [sflag:$0x7], $0x2800, $0x38;
	[tilespmem:$0x1FEA0] =	vst v63  }
0x28: {  	_ =	swait.ge [sflag:s18], $0x2800  }
0x29: {  	[sflag:s18] =	ssyncset.done $0x0  }
0x2a: {  	[sflag:s18] =	ssyncadd.s32 $0xFFFFD800  }
0x2b: {  	[spmem:s12] =	stream.linear.scatter [tilespmem:s17], [sflag:$0x7], $0x2800, $0x38;
	[tilespmem:$0x1FEA0] =	vst v63  }
0x2c: {  	_ =	swait.ge [sflag:s18], $0x2800  }
0x2d: {  	[sflag:s18] =	ssyncset.done $0x0  }
0x2e: {  	[sflag:s18] =	ssyncadd.s32 $0xFFFFD800  }
0x2f: {  	[spmem:s13] =	stream.linear.scatter [tilespmem:s17], [sflag:$0x7], $0x2800, $0x38;
	[tilespmem:$0x1FEA0] =	vst v63  }
0x30: {  	_ =	swait.ge [sflag:s18], $0x2800  }
0x31: {  	[sflag:s18] =	ssyncset.done $0x0  }
0x32: {  	[sflag:s18] =	ssyncadd.s32 $0xFFFFD800  }
0x33: {  	[spmem:s14] =	stream.linear.scatter [tilespmem:s17], [sflag:$0x7], $0x2800, $0x38;
	[tilespmem:$0x1FEA0] =	vst v63  }
0x34: {  	_ =	swait.ge [sflag:s18], $0x2800  }
0x35: {  	[sflag:s18] =	ssyncset.done $0x0  }
0x36: {  	[sflag:s18] =	ssyncadd.s32 $0xFFFFD800  }
0x37: {  	[spmem:s15] =	stream.linear.scatter [tilespmem:s17], [sflag:$0x7], $0x2800, $0x38;
	[tilespmem:$0x1FEA0] =	vst v63  }
0x38: {  	_ =	swait.ge [sflag:s18], $0x2800  }
0x39: {  	[sflag:s18] =	ssyncset.done $0x0  }
0x3a: {  	[sflag:s18] =	ssyncadd.s32 $0xFFFFD800  }
0x3b: {  	[spmem:s16] =	stream.linear.scatter [tilespmem:s17], [sflag:$0x7], $0x2800, $0x38;
	[tilespmem:$0x1FEA0] =	vst v63  }
0x3c: {  	_ =	swait.ge [sflag:s18], $0x2800  }
0x3d: {  	[sflag:s18] =	ssyncset.done $0x0  }
0x3e: {  	[sflag:s18] =	ssyncadd.s32 $0xFFFFD800  }
0x3f: {  	[spmem:s6] =	stream.linear.scatter [tilespmem:s17], [sflag:$0x7], $0x2080, $0x38;
	[tilespmem:$0x1FEA0] =	vst v63  }
0x40: {  	_ =	swait.ge [sflag:s18], $0x2080  }
0x41: {  	[sflag:s18] =	ssyncset.done $0x0  }
0x42: {  	[sflag:s18] =	ssyncadd.s32 $0xFFFFDF80  }
0x43: {  	s2 =	simm.s32 $0x0;
	[bflag:$0x0] =	sbarrier.arrive $0xFFFF  }
0x44: {  	[tilespmem:s2], [sflag:$0x7] =	stream.linear.gather [hbm4b:s7+s2], $0x2710, $0x38;
	[tilespmem:$0x1FEA0] =	vst v63  }
0x45: {  	_ =	swait.ge [sflag:s18], $0x2710  }
0x46: {  	[sflag:s18] =	ssyncset.done $0x0  }
0x47: {  	s0 =	simm.s32 $0x2710;
	[sflag:s18] =	ssyncadd.s32 $0xFFFFD8F0  }
0x48: {  	[tilespmem:s0], [sflag:$0x7] =	stream.linear.gather [hbm4b:s8+s2], $0x2710, $0x38;
	[tilespmem:$0x1FEA0] =	vst v63  }
0x49: {  	_ =	swait.ge [sflag:s18], $0x2710  }
0x4a: {  	[sflag:s18] =	ssyncset.done $0x0  }
0x4b: {  	[sflag:s18] =	ssyncadd.s32 $0xFFFFD8F0  }
0x4c: {  	[tilespmem:s17], [sflag:$0x1] =	stream.indirect.gather [hbm4b:s1+s20], $0x80, s2, s20, $0xb8;
	[tilespmem:$0x1FEA0] =	vst v63  }
0x4d: {  	_ = 	snop  }
0x4e: {  	[tilespmem:s21], [sflag:$0x2] =	stream.indirect.gather [hbm4b:s1+s20], $0x80, s20, s20, $0xb8;
	[tilespmem:$0x1FEA0] =	vst v63  }
0x4f: {  	s2 =	simm.s32 $0xA0  }
0x50: {  	[tilespmem:s23], [sflag:$0x3] =	stream.indirect.gather [hbm4b:s1+s20], $0x80, s2, s20, $0xb8;
	[tilespmem:$0x1FEA0] =	vst v63  }
0x51: {  	_ =	swait.ge [sflag:s24], $0x2800  }
0x52: {  	[sflag:s24] =	ssyncset.done $0x0  }
0x53: {  	s22 =	simm.s32 $0x2710;
	[sflag:s24] =	ssyncadd.s32 $0xFFFFD800  }
0x54: {  	[spmem:s3] =	stream.indirect.scatter.add.f32 [tilespmem:s17], [sflag:$0x4], $0x80, s22, s20, $0xb8;
	[tilespmem:$0x1FEA0] =	vst v63  }
0x55: {  	_ =	swait.ge [sflag:s26], $0x2800  }
0x56: {  	[sflag:s26] =	ssyncset.done $0x0  }
0x57: {  	s0 =	simm.s32 $0x2760;
	[sflag:s26] =	ssyncadd.s32 $0xFFFFD800  }
0x58: {  	[spmem:s3] =	stream.indirect.scatter.add.f32 [tilespmem:s21], [sflag:$0x5], $0x80, s0, s20, $0xb8;
	[tilespmem:$0x1FEA0] =	vst v63  }
0x59: {  	_ =	swait.ge [sflag:s28], $0x2800  }
0x5a: {  	[sflag:s28] =	ssyncset.done $0x0  }
0x5b: {  	s22 =	simm.s32 $0x27B0;
	[sflag:s28] =	ssyncadd.s32 $0xFFFFD800  }
0x5c: {  	[spmem:s3] =	stream.indirect.scatter.add.f32 [tilespmem:s23], [sflag:$0x6], $0x80, s22, s20, $0xb8;
	[tilespmem:$0x1FEA0] =	vst v63  }
0x5d: {  	_ =	swait.ge [sflag:s29], $0x2800  }
0x5e: {  	[sflag:s29] =	ssyncset.done $0x0  }
0x5f: {  	s0 =	simm.s32 $0xF0;
	[sflag:s29] =	ssyncadd.s32 $0xFFFFD800  }
0x60: {  	[tilespmem:s17], [sflag:$0x1] =	stream.indirect.gather [hbm4b:s1+s20], $0x80, s0, s20, $0xb8;
	[tilespmem:$0x1FEA0] =	vst v63  }
0x61: {  	_ =	swait.ge [sflag:s30], $0x2800  }
0x62: {  	[sflag:s30] =	ssyncset.done $0x0  }
0x63: {  	s22 =	simm.s32 $0x140;
	[sflag:s30] =	ssyncadd.s32 $0xFFFFD800  }
0x64: {  	[tilespmem:s21], [sflag:$0x2] =	stream.indirect.gather [hbm4b:s1+s20], $0x80, s22, s20, $0xb8;
	[tilespmem:$0x1FEA0] =	vst v63  }
0x65: {  	_ =	swait.ge [sflag:s31], $0x2800  }
0x66: {  	[sflag:s31] =	ssyncset.done $0x0  }
0x67: {  	s2 =	simm.s32 $0x190;
	s22 =	simm.s32 $0x3C0;
	[sflag:s31] =	ssyncadd.s32 $0xFFFFD800  }
.LBB2_4:
0x68: {  	[tilespmem:s23], [sflag:$0x3] =	stream.indirect.gather [hbm4b:s1+s20], $0x80, s2, s20, $0xb8;
	[tilespmem:$0x1FEA0] =	vst v63  }
0x69: {  	s2 =	smov.u32 s22  }
0x6a: {  	p0 =	sne.s32 s22, $0x9240;
	s22 =	sadd.s32 $0x3C0, s22;
	_ =	swait.ge [sflag:s24], $0x2800  }
0x6b: {  	s2 =	sshra.s32 s2, $0x2;
	[sflag:s24] =	ssyncset.done $0x0  }
0x6c: {  	s0 =	sadd.s32 $0x2710, s2;
	[sflag:s24] =	ssyncadd.s32 $0xFFFFD800  }
0x6d: {  	[spmem:s3] =	stream.indirect.scatter.add.f32 [tilespmem:s17], [sflag:$0x4], $0x80, s0, s20, $0xb8;
	[tilespmem:$0x1FEA0] =	vst v63  }
0x6e: {  	_ =	swait.ge [sflag:s26], $0x2800  }
0x6f: {  	[sflag:s26] =	ssyncset.done $0x0  }
0x70: {  	s0 =	sadd.s32 $0x2760, s2;
	[sflag:s26] =	ssyncadd.s32 $0xFFFFD800  }
0x71: {  	[spmem:s3] =	stream.indirect.scatter.add.f32 [tilespmem:s21], [sflag:$0x5], $0x80, s0, s20, $0xb8;
	[tilespmem:$0x1FEA0] =	vst v63  }
0x72: {  	_ =	swait.ge [sflag:s28], $0x2800  }
0x73: {  	[sflag:s28] =	ssyncset.done $0x0  }
0x74: {  	s0 =	sadd.s32 $0x27B0, s2;
	[sflag:s28] =	ssyncadd.s32 $0xFFFFD800  }
0x75: {  	[spmem:s3] =	stream.indirect.scatter.add.f32 [tilespmem:s23], [sflag:$0x6], $0x80, s0, s20, $0xb8;
	[tilespmem:$0x1FEA0] =	vst v63  }
0x76: {  	_ =	swait.ge [sflag:s29], $0x2800  }
0x77: {  	[sflag:s29] =	ssyncset.done $0x0  }
0x78: {  	s0 =	sadd.s32 $0xF0, s2;
	[sflag:s29] =	ssyncadd.s32 $0xFFFFD800  }
0x79: {  	[tilespmem:s17], [sflag:$0x1] =	stream.indirect.gather [hbm4b:s1+s20], $0x80, s0, s20, $0xb8;
	[tilespmem:$0x1FEA0] =	vst v63  }
0x7a: {  	_ =	swait.ge [sflag:s30], $0x2800  }
0x7b: {  	[sflag:s30] =	ssyncset.done $0x0  }
.Ltmp1:
0x7c: {  	s0 =	sadd.s32 $0x140, s2;
	[sflag:s30] =	ssyncadd.s32 $0xFFFFD800;
	(pc) =	sbr.rel @p0 .LBB2_4-.Ltmp1, $4  }
0x7d: {  	[tilespmem:s21], [sflag:$0x2] =	stream.indirect.gather [hbm4b:s1+s20], $0x80, s0, s20, $0xb8;
	[tilespmem:$0x1FEA0] =	vst v63  }
0x7e: {  	_ =	swait.ge [sflag:s31], $0x2800  }
0x7f: {  	[sflag:s31] =	ssyncset.done $0x0  }
0x80: {  	s2 =	sadd.s32 $0x190, s2;
	[sflag:s31] =	ssyncadd.s32 $0xFFFFD800  }
0x81: {  	[tilespmem:s23], [sflag:$0x3] =	stream.indirect.gather [hbm4b:s1+s20], $0x80, s2, s20, $0xb8;
	[tilespmem:$0x1FEA0] =	vst v63  }
0x82: {  	_ =	swait.ge [sflag:s24], $0x2800  }
0x83: {  	[sflag:s24] =	ssyncset.done $0x0  }
0x84: {  	s0 =	simm.s32 $0x4C90;
	[sflag:s24] =	ssyncadd.s32 $0xFFFFD800  }
0x85: {  	[spmem:s3] =	stream.indirect.scatter.add.f32 [tilespmem:s17], [sflag:$0x4], $0x80, s0, s20, $0xb8;
	[tilespmem:$0x1FEA0] =	vst v63  }
0x86: {  	_ =	swait.ge [sflag:s26], $0x2800  }
0x87: {  	[sflag:s26] =	ssyncset.done $0x0  }
0x88: {  	s2 =	simm.s32 $0x4CE0;
	[sflag:s26] =	ssyncadd.s32 $0xFFFFD800  }
0x89: {  	[spmem:s3] =	stream.indirect.scatter.add.f32 [tilespmem:s21], [sflag:$0x5], $0x80, s2, s20, $0xb8;
	[tilespmem:$0x1FEA0] =	vst v63  }
0x8a: {  	_ =	swait.ge [sflag:s28], $0x2800  }
0x8b: {  	[sflag:s28] =	ssyncset.done $0x0  }
0x8c: {  	s22 =	simm.s32 $0x4D30;
	[sflag:s28] =	ssyncadd.s32 $0xFFFFD800  }
0x8d: {  	[spmem:s3] =	stream.indirect.scatter.add.f32 [tilespmem:s23], [sflag:$0x6], $0x80, s22, s20, $0xb8;
	[tilespmem:$0x1FEA0] =	vst v63  }
0x8e: {  	_ =	swait.ge [sflag:s29], $0x2800  }
0x8f: {  	[sflag:s29] =	ssyncset.done $0x0  }
0x90: {  	[sflag:s29] =	ssyncadd.s32 $0xFFFFD800  }
0x91: {  	_ =	swait.ge [sflag:s30], $0x2800  }
0x92: {  	[sflag:s30] =	ssyncset.done $0x0  }
0x93: {  	[sflag:s30] =	ssyncadd.s32 $0xFFFFD800  }
0x94: {  	_ =	swait.ge [sflag:s31], $0x2800  }
0x95: {  	[sflag:s31] =	ssyncset.done $0x0  }
0x96: {  	s2 =	simm.s32 $0x2670;
	[sflag:s31] =	ssyncadd.s32 $0xFFFFD800  }
0x97: {  	[tilespmem:s17], [sflag:$0x1] =	stream.indirect.gather [hbm4b:s1+s20], $0x80, s2, s20, $0xb8;
	[tilespmem:$0x1FEA0] =	vst v63  }
0x98: {  	_ =	swait.ge [sflag:s24], $0x2800  }
0x99: {  	[sflag:s24] =	ssyncset.done $0x0  }
0x9a: {  	s22 =	simm.s32 $0x4D80;
	[sflag:s24] =	ssyncadd.s32 $0xFFFFD800  }
0x9b: {  	[spmem:s3] =	stream.indirect.scatter.add.f32 [tilespmem:s17], [sflag:$0x7], $0x80, s22, s20, $0xb8;
	[tilespmem:$0x1FEA0] =	vst v63  }
0x9c: {  	_ =	swait.ge [sflag:s18], $0x2800  }
0x9d: {  	[sflag:s18] =	ssyncset.done $0x0  }
0x9e: {  	s2 =	simm.s32 $0x26C0;
	[sflag:s18] =	ssyncadd.s32 $0xFFFFD800  }
0x9f: {  	[tilespmem:s17], [sflag:$0x1] =	stream.indirect.gather [hbm4b:s1+s20], $0x80, s2, s20, $0xb8;
	[tilespmem:$0x1FEA0] =	vst v63  }
0xa0: {  	_ =	swait.ge [sflag:s24], $0x2800  }
0xa1: {  	[sflag:s24] =	ssyncset.done $0x0  }
0xa2: {  	[sflag:s24] =	ssyncadd.s32 $0xFFFFD800  }
0xa3: {  	[spmem:s3] =	stream.indirect.scatter.add.f32 [tilespmem:s17], [sflag:$0x7], $0x80, s19, s20, $0xb8;
	[tilespmem:$0x1FEA0] =	vst v63  }
0xa4: {  	_ =	swait.ge [sflag:s18], $0x2800  }
0xa5: {  	s4 =	sadd.s32 $0x1, s4;
	s22 =	stileid.u32;
	[sflag:s18] =	ssyncset.done $0x0  }
0xa6: {  	p0 =	sne.s32 s4, s10;
	s0 =	sshll.u32 s22, $0x6;
	[sflag:s18] =	ssyncadd.s32 $0xFFFFD800  }
.Ltmp2:
0xa7: {  	s0 =	sor.u32 $0x1C07, s0;
	[bflag:$0x0] =	sbarrier.arrive $0xFFFF;
	(pc) =	sbr.rel @p0 .LBB2_1-.Ltmp2, $4  }
0xa8: {  	[hbm:s9], [sflag:s0] =	dma.local [spmem:s25], $0x2710  }
0xa9: {  	_ =	swait.ge [sflag:s18], $0x2710  }
0xaa: {  	[sflag:s18] =	ssyncset.done $0x0  }
0xab: {  	[sflag:s18] =	ssyncadd.s32 $0xFFFFD8F0  }
0xac: {  	_ =	sfence.sel $0x180000  }
0xad: {  	[bflag:$0x0] =	sbarrier.arrive $0xFFFF  }
0xae: {  	_ =	strace $0x9000004D  }
0xaf: {  	s0 =	stileid.u32;
	[bflag:$0x2] =	sbarrier.arrive $0xFFFF  }
0xb0: {  	p0 =	sne.s32 s0, $0x0;
	s0 =	rddreg [dreg:$0x3]  }
0xb1: {  	s0 =	sadd.s32 @!p0 $0x100000, s0  }
0xb2: {  	[sflag:s0] =	ssyncadd.tile.s32 @!p0 $0x1;
	_ =	shalt  }
.Lfunc_end2:
_tile_overlayer_lowered:
.L_overlay_start_2:
0xb3: {  	(tag) =	ssettag $0x2  }
0xb4: {  	s0 =	rddreg [dreg:$0x0];
	s2 =	stileid.u32  }
0xb5: {  	s1 =	rddreg [dreg:$0x1];
	p0 =	sne.s32 s2, $0x0  }
0xb6: {  	s3 =	rddreg [dreg:$0x2];
	[bflag:$0x3] =	sbarrier.arrive $0xFFFF;
	s2 =	simm.s32 @!p0 $0x1C07  }
0xb7: {  	[timem:s3], [sflag:s2] =	dma.local @!p0 [hbm:s0], s1  }
0xb8: {  	s0 =	simm.s32 @!p0 $0x7  }
0xb9: {  	_ =	swait.ge @!p0 [sflag:s0], s1  }
0xba: {  	s1 =	ssub.s32 @!p0 $0x0, s1;
	[sflag:s0] =	ssyncset.done @!p0 $0x0  }
0xbb: {  	[sflag:s0] =	ssyncadd.s32 @!p0 s1  }
0xbc: {  	[bflag:$0x3] =	sbarrier.arrive $0xFFFF  }
0xbd: {  	_ =	shalt  }

// kernel: kernel.8.cloned.1.call-start
scs
__scs_entry_jumppad:
0x0: {  	(pc) =	sbr.rel $0x88, $3  }
0x1: {  	(tag) =	ssettag $0x0;
	lr =	simm.s32 $0x1  }
0x2: {  	[smem:$0x3F99] =	sst lr;
	_ =	strace $0xD0000000  }
0x3: {  	_ = 	snop  }
0x4: {  	_ = 	snop  }
0x5: {  	_ = 	snop  }
0x6: {  	_ = 	snop  }
0x7: {  	_ = 	snop  }
__scs_overlays_trampoline_lowered:
0x8: {  	[smem:$0x3FA8] =	sst s0  }
0x9: {  	[smem:$0x3FA9] =	sst s1  }
0xa: {  	[smem:$0x3FAA] =	sst s2  }
0xb: {  	[smem:$0x3FAB] =	sst s3  }
0xc: {  	[smem:$0x3FAC] =	sst s4  }
0xd: {  	[smem:$0x3FAD] =	sst s5  }
0xe: {  	[smem:$0x3FAE] =	sst s6  }
0xf: {  	[smem:$0x3FAF] =	sst s7  }
0x10: {  	[smem:$0x3FB0] =	sst s8  }
0x11: {  	[smem:$0x3FB1] =	sst s9;
	s0 =	simm.s32 @!p0 $0x0  }
0x12: {  	s1 =	sld [smem:$0x3F97];
	s0 =	simm.s32 @p0 $0x1  }
0x13: {  	[smem:$0x3FB2] =	sst s0;
	s0 =	simm.s32 @!p1 $0x0  }
0x14: {  	s2 =	sld [smem:$0x3F96];
	s0 =	simm.s32 @p1 $0x1  }
0x15: {  	[smem:$0x3FB3] =	sst s0;
	s0 =	simm.s32 @!p2 $0x0  }
0x16: {  	s3 =	sld [smem:$0x3FDB];
	s0 =	simm.s32 @p2 $0x1  }
0x17: {  	s4 =	simm.s32 $0x1BF5;
	[smem:$0x3FB5] =	sst s0  }
0x18: {  	s0 =	sld [smem:$0x3F98];
	_ =	swait.ge [sflag:s4], $0x0  }
0x19: {  	s7 =	sld [smem:$0x3F99]  }
0x1a: {  	s8 =	sadd.s32 $0xFFFFE003, lr  }
0x1b: {  	s9 =	sadd.s32 $0xFFFFFEF7, lr;
	s5 =	simm.s32 $0xFFFFFFFF;
	p2 =	slt.u32 s8, $0xFFFFF086  }
0x1c: {  	p1 =	slt.u32 s9, $0xF7A;
	s5 =	simm.s32 @!p2 $0x0  }
0x1d: {  	s5 =	simm.s32 @p1 $0x1;
	p0 =	seq.s32 s7, s2  }
0x1e: {  	s7 =	smul.u32 @!p0 $0xF7A, s2;
	p2 =	seq.s32 @!p0 s5, $0x0  }
0x1f: {  	s9 =	smul.u32 $0xF7A, s1;
	s8 =	simm.s32 @!p0 $0x1BF5;
	p2 =	por !p2, p0  }
0x20: {  	[sflag:s8] =	ssyncset.s32 @!p0 $0xFFFFF086;
	s6 =	sadd.s32 @!p0 s3, s7;
	s7 =	simm.s32 @!p0 $0x108  }
0x21: {  	s3 =	sadd.s32 s3, s9;
	s6 =	sadd.s32 @!p0 $0x88, s6;
	s7 =	simm.s32 @p2 $0x1082  }
0x22: {  	[simem:s7], [sflag:s8] =	dma.local @!p0 [hbm:s6], $0xF7A  }
0x23: {  	s9 =	sor.u32 $0xD0000000, s2;
	s6 =	simm.s32 $0x108;
	_ =	swait.ge @!p0 [sflag:s8], $0x0  }
0x24: {  	s3 =	sadd.s32 $0x88, s3;
	s6 =	simm.s32 @!p1 $0x1082;
	[sflag:s4] =	ssyncset.s32 $0xFFFFF086  }
0x25: {  	[simem:s6], [sflag:s4] =	dma.local [hbm:s3], $0xF7A  }
0x26: {  	[smem:$0x3F99] =	sst s1;
	(tag) =	ssettag s2;
	_ =	strace s9  }
0x27: {  	s1 =	sld [smem:$0x3FA9]  }
0x28: {  	s2 =	sld [smem:$0x3FAA]  }
0x29: {  	s4 =	sld [smem:$0x3FAC]  }
0x2a: {  	p0 =	seq.s32 s5, $0x0;
	s5 =	sld [smem:$0x3FAD]  }
0x2b: {  	s6 =	sld [smem:$0x3FAE]  }
0x2c: {  	s7 =	sld [smem:$0x3FAF]  }
0x2d: {  	s3 =	simm.s32 $0x108;
	s8 =	sld [smem:$0x3FB0]  }
0x2e: {  	s3 =	simm.s32 @!p0 $0x1082;
	s9 =	sld [smem:$0x3FB1]  }
0x2f: {  	lr =	sadd.s32 s0, s3;
	s0 =	sld [smem:$0x3FA8]  }
0x30: {  	s3 =	sld [smem:$0x3FAB]  }
0x31: {  	[smem:$0x3FB4] =	sst s10  }
0x32: {  	s10 =	sld [smem:$0x3FB2];
	_ =	sdelay $0x3  }
0x33: {  	p0 =	seq.s32 s10, $0x1;
	s10 =	sld [smem:$0x3FB4];
	_ =	sdelay $0x3  }
0x34: {  	[smem:$0x3FB4] =	sst s10  }
0x35: {  	s10 =	sld [smem:$0x3FB3];
	_ =	sdelay $0x3  }
0x36: {  	p1 =	seq.s32 s10, $0x1;
	s10 =	sld [smem:$0x3FB4];
	_ =	sdelay $0x3  }
0x37: {  	[smem:$0x3FB4] =	sst s10  }
0x38: {  	s10 =	sld [smem:$0x3FB5]  }
0x39: {  	_ = 	snop;
	(pc) =	sbr.ind lr, $3  }
0x3a: {  	_ = 	snop  }
0x3b: {  	_ = 	snop  }
0x3c: {  	p2 =	seq.s32 s10, $0x1;
	s10 =	sld [smem:$0x3FB4]  }
0x3d: {  	_ =	shalt  }
0x3e: {  	_ =	shalt  }
0x3f: {  	_ =	shalt  }
0x40: {  	_ =	shalt  }
0x41: {  	_ =	shalt  }
0x42: {  	_ =	shalt  }
0x43: {  	_ =	shalt  }
0x44: {  	_ =	shalt  }
0x45: {  	_ =	shalt  }
0x46: {  	_ =	shalt  }
0x47: {  	_ =	shalt  }
0x48: {  	_ =	shalt  }
0x49: {  	_ =	shalt  }
0x4a: {  	_ =	shalt  }
0x4b: {  	_ =	shalt  }
0x4c: {  	_ =	shalt  }
0x4d: {  	_ =	shalt  }
0x4e: {  	_ =	shalt  }
0x4f: {  	_ =	shalt  }
0x50: {  	_ =	shalt  }
0x51: {  	_ =	shalt  }
0x52: {  	_ =	shalt  }
0x53: {  	_ =	shalt  }
0x54: {  	_ =	shalt  }
0x55: {  	_ =	shalt  }
0x56: {  	_ =	shalt  }
0x57: {  	_ =	shalt  }
0x58: {  	_ =	shalt  }
0x59: {  	_ =	shalt  }
0x5a: {  	_ =	shalt  }
0x5b: {  	_ =	shalt  }
0x5c: {  	_ =	shalt  }
0x5d: {  	_ =	shalt  }
0x5e: {  	_ =	shalt  }
0x5f: {  	_ =	shalt  }
0x60: {  	_ =	shalt  }
0x61: {  	_ =	shalt  }
0x62: {  	_ =	shalt  }
0x63: {  	_ =	shalt  }
0x64: {  	_ =	shalt  }
0x65: {  	_ =	shalt  }
0x66: {  	_ =	shalt  }
0x67: {  	_ =	shalt  }
0x68: {  	_ =	shalt  }
0x69: {  	_ =	shalt  }
0x6a: {  	_ =	shalt  }
0x6b: {  	_ =	shalt  }
0x6c: {  	_ =	shalt  }
0x6d: {  	_ =	shalt  }
0x6e: {  	_ =	shalt  }
0x6f: {  	_ =	shalt  }
0x70: {  	_ =	shalt  }
0x71: {  	_ =	shalt  }
0x72: {  	_ =	shalt  }
0x73: {  	_ =	shalt  }
0x74: {  	_ =	shalt  }
0x75: {  	_ =	shalt  }
0x76: {  	_ =	shalt  }
0x77: {  	_ =	shalt  }
0x78: {  	_ =	shalt  }
0x79: {  	_ =	shalt  }
0x7a: {  	_ =	shalt  }
0x7b: {  	_ =	shalt  }
0x7c: {  	_ =	shalt  }
0x7d: {  	_ =	shalt  }
0x7e: {  	_ =	shalt  }
0x7f: {  	_ =	shalt  }
0x80: {  	_ =	shalt  }
0x81: {  	_ =	shalt  }
0x82: {  	_ =	shalt  }
0x83: {  	_ =	shalt  }
0x84: {  	_ =	shalt  }
0x85: {  	_ =	shalt  }
0x86: {  	_ =	shalt  }
0x87: {  	_ =	shalt  }
.Lfunc_end0:
.L_simem_size_0:
called_computation_lowered:
.L_overlay_start_0:
0x88: {  	s2 =	sld [smem:$0x3FD9]  }
0x89: {  	s3 =	sld [smem:$0x3FFE];
	_ =	sdelay $0x1  }
0x8a: {  	s1 =	srdreg.scid  }
0x8b: {  	s0 =	sand.u32 $0x1, s1  }
0x8c: {  	s17 =	sshll.u32 s0, $0xA;
	s2 =	sadd.s32 s3, s2  }
0x8d: {  	s2 =	sadd.s32 s2, s17  }
0x8e: {  	[smem:$0x3FC0] =	sst s2  }
0x8f: {  	_ = 	snop  }
0x90: {  	s2 =	sld [smem:$0x3FC9]  }
0x91: {  	s18 =	sld [smem:$0x3FD0];
	(tm) =	ssettm $0x1  }
0x92: {  	s4 =	sld [smem:$0x3FFB];
	_ =	sdelay $0x3  }
0x93: {  	_ =	strace s4  }
0x94: {  	s4 =	sld [smem:$0x3FFC];
	_ =	sdelay $0x3  }
0x95: {  	_ =	strace s4  }
0x96: {  	s4 =	sld [smem:$0x3FFD];
	_ =	sdelay $0x3  }
0x97: {  	_ =	strace s4  }
0x98: {  	_ =	strace $0x8FFFFFFF  }
0x99: {  	s19 =	sld [smem:$0x3FDB];
	_ =	sdelay $0x1  }
0x9a: {  	s5 =	simm.s32 $_scs_section_size  }
0x9b: {  	s6 =	simm.s32 $_size__tile_overlayer_lowered;
	s7 =	simm.s32 $_tile_overlayer_lowered  }
0x9c: {  	s22 =	simm.s32 $0x1BFF;
	s21 =	sshll.u32 s7, $0x1;
	s4 =	sadd.s32 s5, s19  }
0x9d: {  	s8 =	simm.s32 $0x0;
	s20 =	sshll.u32 s6, $0x1;
	s6 =	sadd.s32 s21, s4  }
0x9e: {  	[timem:s8], [sflag:s22] =	dma.local [hbm:s6], s20  }
0x9f: {  	_ =	swait.ge [sflag:s22], s20  }
0xa0: {  	s5 =	ssub.s32 $0x0, s20;
	[sflag:s22] =	ssyncset.done $0x0  }
0xa1: {  	[sflag:s22] =	ssyncadd.s32 s5;
	_ =	sdelay $0x1  }
0xa2: {  	s23 =	simm.s32 $0x1B8B  }
0xa3: {  	_ =	swait.ge [sflag:s23], $0x1  }
0xa4: {  	[sflag:s23] =	ssyncset.done $0x0  }
0xa5: {  	s25 =	simm.s32 $0x1B8E;
	s24 =	sld [smem:$0x3FFE];
	[sflag:s23] =	ssyncadd.s32 $0xFFFFFFFF  }
0xa6: {  	s26 =	simm.s32 $execute0_lowered;
	[smem:$0x3FD2] =	sst s25  }
0xa7: {  	s6 =	sshll.u32 s26, $0x1;
	_ =	strace $0x80000046;
	[dreg:$0x1] =	wrdreg $0xFFFFFFFF  }
0xa8: {  	s28 =	simm.s32 $_size_execute0_lowered;
	s4 =	sadd.s32 s4, s6;
	[dreg:$0x0] =	wrdreg $0x0  }
0xa9: {  	s6 =	sshll.u32 s28, $0x1;
	[dreg:$0x2] =	wrdreg s4  }
0xaa: {  	[dreg:$0x3] =	wrdreg s6  }
0xab: {  	[dreg:$0x4] =	wrdreg $0xC0  }
0xac: {  	_ =	task [dreg:s8], $0x5FFFF  }
0xad: {  	[dreg:$0x1] =	wrdreg $0xFFFFFFFF  }
0xae: {  	[dreg:$0x0] =	wrdreg $0x60  }
0xaf: {  	[dreg:$0x2] =	wrdreg s2  }
0xb0: {  	[dreg:$0x3] =	wrdreg s24  }
0xb1: {  	[dreg:$0x4] =	wrdreg s18  }
0xb2: {  	[dreg:$0x5] =	wrdreg $0x8C000  }
0xb3: {  	[dreg:$0x6] =	wrdreg $0x1C9800  }
0xb4: {  	[dreg:$0x7] =	wrdreg $0x9  }
0xb5: {  	_ =	task.clear_ibuf [dreg:s8], $0x8FFFF;
	_ =	strace $0x90000046  }
0xb6: {  	s29 =	simm.s32 $0x9;
	_ =	strace $0x80000048  }
0xb7: {  	_ =	swait.ge [sflag:s29], $0x1  }
0xb8: {  	[sflag:s29] =	ssyncadd.s32 $0xFFFFFFFF  }
0xb9: {  	_ =	strace $0x90000048  }
0xba: {  	_ =	sfence  }
0xbb: {  	s30 =	sld [smem:$0x0];
	_ =	sdelay $0x2  }
0xbc: {  	s31 =	sshll.u32 s1, $0xD;
	s1 =	sshrl.u32 s1, $0x2  }
0xbd: {  	s3 =	sand.u32 $0x4000, s31;
	s1 =	sadd.s32 s1, s30  }
0xbe: {  	s0 =	sor.u32 s3, s0;
	s1 =	sshll.u32 s1, $0x11  }
0xbf: {  	s0 =	sor.u32 s1, s0  }
0xc0: {  	s0 =	sadd.s32 $0x8F2B, s0  }
0xc1: {  	[sflag:s0] =	ssyncadd.remote.s32 $0x1  }
0xc2: {  	_ =	sfence.sel $0xFFFF  }
0xc3: {  	[dreg:$0x0] =	wrdreg $0xFFFFFFFF;
	(pc) =	sbr.abs _section_cstart, $3  }
0xc4: {  	[dreg:$0x1] =	wrdreg $0xFFFFFFFF  }
0xc5: {  	_ =	task.clear_ibuf [dreg:s8], $0x2FFFF;
	_ =	strace $0x9FFFFFFF  }
0xc6: {  	(tm) =	ssettm $0x7FFFFFFF  }
0xc7: {  	_ =	shalt  }
tec
execute0_lowered:
.L_overlay_start_1:
0x0: {  	(tag) =	ssettag $0x1  }
0x1: {  	s1 =	rddreg [dreg:$0x0]  }
0x2: {  	s0 =	rddreg [dreg:$0x1]  }
0x3: {  	s4 =	rddreg [dreg:$0x2]  }
0x4: {  	s2 =	rddreg [dreg:$0x3];
	s16 =	stileid.u32  }
0x5: {  	s3 =	rddreg [dreg:$0x4];
	s8 =	smul.u32 $0x13880, s16  }
0x6: {  	s5 =	srdreg.scid;
	s28 =	simm.s32 $0x1310;
	s12 =	smul.u32 $0x271, s16  }
0x7: {  	s29 =	simm.s32 $0x910;
	s30 =	simm.s32 $0x960;
	s22 =	smul.u32 $0x2710, s16  }
0x8: {  	s31 =	simm.s32 $0x1360;
	s6 =	sand.u32 $0x1, s5;
	s26 =	smul.u32 $0x4E200, s16  }
0x9: {  	s5 =	simm.s32 $0x0;
	s11 =	sshll.u32 s16, $0x1;
	s16 =	smul.u32 $0x9C40, s16  }
0xa: {  	s9 =	sadd.s32 $0xD400, s0;
	s10 =	sadd.s32 $0x3600, s0;
	s7 =	smul.u32 $0x138800, s6  }
0xb: {  	[smem:$0x7FF] =	sst s5;
	s13 =	ssub.s32 $0x2, s6;
	s11 =	sor.u32 s6, s11  }
0xc: {  	s6 =	smul.u32 $0x27100, s6;
	_ =	strace $0x80000047;
	s14 =	sshrl.u32 s13, $0x1  }
0xd: {  	s15 =	sadd.s32 $0x230, s12;
	s11 =	smul.u32 $0x2710, s11;
	s7 =	sadd.s32 s8, s7  }
0xe: {  	s6 =	sadd.s32 s22, s6;
	s8 =	sadd.s32 s8, s2;
	s7 =	sshrl.u32 s7, $0x3  }
0xf: {  	s11 =	sshrl.u32 s11, $0x3;
	s25 =	sshrl.u32 s6, $0x3;
	s0 =	sadd.s32 s7, s0  }
0x10: {  	s7 =	ssub.s32 s13, s14;
	s14 =	sshll.u32 s15, $0x7;
	s17 =	sadd.s32 s9, s11  }
0x11: {  	s15 =	sshll.u32 s15, $0x4;
	s19 =	sadd.s32 s10, s11;
	[dreg:$0x8] =	wrdreg s17  }
0x12: {  	s18 =	sadd.s32 $0x140, s11;
	s13 =	sadd.s32 s14, s2;
	[dreg:$0x9] =	wrdreg s19  }
0x13: {  	s21 =	sadd.s32 $0x280, s11;
	s20 =	sadd.s32 s9, s18;
	[dreg:$0x6] =	wrdreg s13  }
0x14: {  	s11 =	sadd.s32 $0x3A2, s11;
	s23 =	sadd.s32 s9, s21;
	[dreg:$0xa] =	wrdreg s20  }
0x15: {  	s9 =	sadd.s32 s9, s11;
	s24 =	sadd.s32 s10, s11;
	[dreg:$0xc] =	wrdreg s23  }
0x16: {  	s0 =	sadd.s32 $0x17200, s0;
	s7 =	smax.u32 s7, $0x1;
	[dreg:$0xe] =	wrdreg s9  }
0x17: {  	s17 =	sadd.s32 $0x190, s12;
	s11 =	sshrl.u32 s16, $0x2;
	[dreg:$0xf] =	wrdreg s24  }
0x18: {  	s16 =	simm.s32 $0x1;
	s13 =	sadd.s32 s15, s3;
	[dreg:$0x10] =	wrdreg s0  }
0x19: {  	s0 =	sadd.s32 s4, s25;
	[dreg:$0x12] =	wrdreg s7;
	s9 =	sshrl.u32 s26, $0x2  }
0x1a: {  	s24 =	sadd.s32 $0xF0, s12;
	s26 =	sadd.s32 $0x140, s12;
	[dreg:$0x7] =	wrdreg s13  }
0x1b: {  	s11 =	sadd.s32 s11, s3;
	s13 =	sadd.s32 s10, s18;
	[dreg:$0x11] =	wrdreg s0  }
0x1c: {  	s0 =	sadd.s32 s22, s3;
	s4 =	sadd.s32 s9, s2;
	s22 =	sadd.s32 $0xA0, s12  }
0x1d: {  	s25 =	sshll.u32 s24, $0x7;
	s15 =	sshll.u32 s26, $0x7;
	s18 =	sshll.u32 s17, $0x7  }
0x1e: {  	[dreg:$0x1a] =	wrdreg s11;
	s9 =	sshll.u32 s24, $0x4;
	s11 =	simm.s32 $0xA00  }
0x1f: {  	[dreg:$0xb] =	wrdreg s13;
	s13 =	sadd.s32 s10, s21;
	s10 =	sadd.s32 $0x50, s12  }
0x20: {  	[dreg:$0x13] =	wrdreg s4;
	s23 =	sshll.u32 s22, $0x7;
	s12 =	sadd.s32 $0x1E0, s12  }
0x21: {  	s7 =	sshll.u32 s22, $0x4;
	s22 =	sadd.s32 s9, s3;
	s0 =	sshrl.u32 s0, $0x3  }
0x22: {  	s9 =	simm.s32 $0x8;
	[dreg:$0xd] =	wrdreg s13;
	s21 =	sshll.u32 s10, $0x7  }
0x23: {  	s19 =	sshll.u32 s12, $0x7;
	s13 =	sadd.s32 s18, s2;
	[dreg:$0x1d] =	wrdreg s22  }
0x24: {  	s6 =	sshll.u32 s10, $0x4;
	s24 =	sshll.u32 s12, $0x4;
	[smem:$0x7FD] =	sst s0  }
0x25: {  	s10 =	simm.s32 $0x1C480;
	s12 =	simm.s32 $0x50;
	s18 =	simm.s32 $0x3  }
0x26: {  	s22 =	simm.s32 $0x6;
	s4 =	sadd.s32 s21, s2;
	[dreg:$0x18] =	wrdreg s13  }
0x27: {  	s0 =	simm.s32 $0x9B0;
	s20 =	sadd.s32 s19, s2;
	[dreg:$0x14] =	wrdreg s4  }
0x28: {  	s6 =	sadd.s32 s6, s3;
	s21 =	sadd.s32 s7, s3;
	[dreg:$0x19] =	wrdreg s20  }
0x29: {  	s13 =	simm.s32 $0x3C00;
	s19 =	simm.s32 $0x4;
	[dreg:$0x1b] =	wrdreg s6  }
0x2a: {  	s4 =	sadd.s32 s23, s2;
	[dreg:$0x1c] =	wrdreg s21;
	s23 =	sshll.u32 s26, $0x4  }
0x2b: {  	s26 =	sshrl.u32 s8, $0x3;
	s8 =	simm.s32 $0x1400;
	[dreg:$0x15] =	wrdreg s4  }
0x2c: {  	s20 =	simm.s32 $0x7;
	s4 =	sadd.s32 s25, s2;
	[smem:$0x7FC] =	sst s26  }
0x2d: {  	s21 =	simm.s32 $0x5;
	s6 =	sadd.s32 s23, s3;
	[dreg:$0x16] =	wrdreg s4  }
0x2e: {  	s25 =	sadd.s32 s24, s3;
	s23 =	simm.s32 $0x1270;
	[dreg:$0x1e] =	wrdreg s6  }
0x2f: {  	s24 =	simm.s32 $0x870;
	s4 =	sadd.s32 s15, s2;
	[smem:$0x7FB] =	sst s25  }
0x30: {  	s26 =	simm.s32 $0x8C0;
	[dreg:$0x17] =	wrdreg s4;
	s4 =	sshll.u32 s17, $0x4  }
0x31: {  	s15 =	simm.s32 $0x6400;
	s25 =	simm.s32 $0x12C0;
	s4 =	sadd.s32 s4, s3  }
0x32: {  	v0 =	vimm.f32 $0.0e+00;
	v1 =	vimm.f32 $1.000000000e+00;
	s17 =	simm.s32 $0x2;
	[dreg:$0x1f] =	wrdreg s4;
	s4 =	simm.s32 $0x13B0  }
.LBB2_1:
0x33: {  	s6 =	simm.s32 $0x70;
	s7 =	simm.s32 $0x3C0  }
.LBB2_2:
0x34: {  	p0 =	sne.s32 s7, $0x9FC0;
	[tilespmem:s6+$0x1400] =	vst v0  }
0x35: {  	[tilespmem:s6+$0x1390] =	vst v0  }
0x36: {  	[tilespmem:s6+$0x13A0] =	vst v0  }
.Ltmp0:
0x37: {  	[tilespmem:s6+$0x13B0] =	vst v0;
	(pc) =	sbr.rel @p0 .LBB2_2-.Ltmp0, $4  }
0x38: {  	[tilespmem:s6+$0x13C0] =	vst v0  }
0x39: {  	[tilespmem:s6+$0x13D0] =	vst v0  }
0x3a: {  	[tilespmem:s6+$0x13E0] =	vst v0  }
0x3b: {  	[tilespmem:s6+$0x13F0] =	vst v0;
	s6 =	sshra.s32 s7, $0x2;
	s7 =	sadd.s32 $0x200, s7  }
0x3c: {  	[tilespmem:s6+$0x1400] =	vst v0  }
0x3d: {  	[tilespmem:s6+$0x1390] =	vst v0  }
0x3e: {  	[tilespmem:s6+$0x13A0] =	vst v0  }
0x3f: {  	[tilespmem:s6+$0x13B0] =	vst v0  }
0x40: {  	[tilespmem:s6+$0x13C0] =	vst v0  }
0x41: {  	[tilespmem:s6+$0x13D0] =	vst v0  }
0x42: {  	[tilespmem:s6+$0x13E0] =	vst v0  }
0x43: {  	[tilespmem:s6+$0x13F0] =	vst v0;
	s7 =	rddreg [dreg:$0x13]  }
0x44: {  	[spmem:s7] =	stream.linear.scatter [tilespmem:s8], [sflag:$0x8], $0x2800, $0x38;
	[tilespmem:$0x1F090] =	vst v63  }
0x45: {  	_ =	swait.ge [sflag:s9], $0x2800  }
0x46: {  	[sflag:s9] =	ssyncset.done $0x0  }
0x47: {  	s14 =	rddreg [dreg:$0x14];
	[sflag:s9] =	ssyncadd.s32 $0xFFFFD800  }
0x48: {  	[spmem:s14] =	stream.linear.scatter [tilespmem:s8], [sflag:$0x8], $0x2800, $0x38;
	[tilespmem:$0x1F090] =	vst v63  }
0x49: {  	_ =	swait.ge [sflag:s9], $0x2800  }
0x4a: {  	[sflag:s9] =	ssyncset.done $0x0  }
0x4b: {  	s7 =	rddreg [dreg:$0x15];
	[sflag:s9] =	ssyncadd.s32 $0xFFFFD800  }
0x4c: {  	[spmem:s7] =	stream.linear.scatter [tilespmem:s8], [sflag:$0x8], $0x2800, $0x38;
	[tilespmem:$0x1F090] =	vst v63  }
0x4d: {  	_ =	swait.ge [sflag:s9], $0x2800  }
0x4e: {  	[sflag:s9] =	ssyncset.done $0x0  }
0x4f: {  	s14 =	rddreg [dreg:$0x16];
	[sflag:s9] =	ssyncadd.s32 $0xFFFFD800  }
0x50: {  	[spmem:s14] =	stream.linear.scatter [tilespmem:s8], [sflag:$0x8], $0x2800, $0x38;
	[tilespmem:$0x1F090] =	vst v63  }
0x51: {  	_ =	swait.ge [sflag:s9], $0x2800  }
0x52: {  	[sflag:s9] =	ssyncset.done $0x0  }
0x53: {  	s7 =	rddreg [dreg:$0x17];
	[sflag:s9] =	ssyncadd.s32 $0xFFFFD800  }
0x54: {  	[spmem:s7] =	stream.linear.scatter [tilespmem:s8], [sflag:$0x8], $0x2800, $0x38;
	[tilespmem:$0x1F090] =	vst v63  }
0x55: {  	_ =	swait.ge [sflag:s9], $0x2800  }
0x56: {  	[sflag:s9] =	ssyncset.done $0x0  }
0x57: {  	s14 =	rddreg [dreg:$0x18];
	[sflag:s9] =	ssyncadd.s32 $0xFFFFD800  }
0x58: {  	[spmem:s14] =	stream.linear.scatter [tilespmem:s8], [sflag:$0x8], $0x2800, $0x38;
	[tilespmem:$0x1F090] =	vst v63  }
0x59: {  	_ =	swait.ge [sflag:s9], $0x2800  }
0x5a: {  	[sflag:s9] =	ssyncset.done $0x0  }
0x5b: {  	s7 =	rddreg [dreg:$0x19];
	[sflag:s9] =	ssyncadd.s32 $0xFFFFD800  }
0x5c: {  	[spmem:s7] =	stream.linear.scatter [tilespmem:s8], [sflag:$0x8], $0x2800, $0x38;
	[tilespmem:$0x1F090] =	vst v63  }
0x5d: {  	_ =	swait.ge [sflag:s9], $0x2800  }
0x5e: {  	[sflag:s9] =	ssyncset.done $0x0  }
0x5f: {  	s14 =	rddreg [dreg:$0x6];
	[sflag:s9] =	ssyncadd.s32 $0xFFFFD800  }
0x60: {  	[spmem:s14] =	stream.linear.scatter [tilespmem:s8], [sflag:$0x8], $0x2080, $0x38;
	[tilespmem:$0x1F090] =	vst v63  }
0x61: {  	_ =	swait.ge [sflag:s9], $0x2080  }
0x62: {  	[sflag:s9] =	ssyncset.done $0x0  }
0x63: {  	s6 =	simm.s32 $0x40;
	s7 =	simm.s32 $0x0;
	[sflag:s9] =	ssyncadd.s32 $0xFFFFDF80  }
.LBB2_4:
0x64: {  	p0 =	sne.s32 s6, $0x13C0;
	[tilespmem:s7+$0x1C480] =	vst v0;
	s7 =	smov.u32 s6;
	s6 =	sadd.s32 $0x40, s6  }
.Ltmp1:
0x65: {  	(pc) =	sbr.rel @p0 .LBB2_4-.Ltmp1, $2  }
0x66: {  	_ =	sdelay $0x2  }
0x67: {  	s7 =	sshra.s32 s7, $0x2  }
0x68: {  	[tilespmem:s7+$0x1C480] =	vst v0;
	s6 =	rddreg [dreg:$0x1a]  }
0x69: {  	[spmem:s6] =	stream.linear.scatter [tilespmem:s10], [sflag:$0x8], $0x500, $0x38;
	[tilespmem:$0x1F090] =	vst v63  }
0x6a: {  	_ =	swait.ge [sflag:s9], $0x500  }
0x6b: {  	[sflag:s9] =	ssyncset.done $0x0  }
0x6c: {  	s14 =	rddreg [dreg:$0x1b];
	[sflag:s9] =	ssyncadd.s32 $0xFFFFFB00  }
0x6d: {  	[spmem:s14] =	stream.linear.scatter [tilespmem:s10], [sflag:$0x8], $0x500, $0x38;
	[tilespmem:$0x1F090] =	vst v63  }
0x6e: {  	_ =	swait.ge [sflag:s9], $0x500  }
0x6f: {  	[sflag:s9] =	ssyncset.done $0x0  }
0x70: {  	s7 =	rddreg [dreg:$0x1c];
	[sflag:s9] =	ssyncadd.s32 $0xFFFFFB00  }
0x71: {  	[spmem:s7] =	stream.linear.scatter [tilespmem:s10], [sflag:$0x8], $0x500, $0x38;
	[tilespmem:$0x1F090] =	vst v63  }
0x72: {  	_ =	swait.ge [sflag:s9], $0x500  }
0x73: {  	[sflag:s9] =	ssyncset.done $0x0  }
0x74: {  	s14 =	rddreg [dreg:$0x1d];
	[sflag:s9] =	ssyncadd.s32 $0xFFFFFB00  }
0x75: {  	[spmem:s14] =	stream.linear.scatter [tilespmem:s10], [sflag:$0x8], $0x500, $0x38;
	[tilespmem:$0x1F090] =	vst v63  }
0x76: {  	_ =	swait.ge [sflag:s9], $0x500  }
0x77: {  	[sflag:s9] =	ssyncset.done $0x0  }
0x78: {  	s7 =	rddreg [dreg:$0x1e];
	[sflag:s9] =	ssyncadd.s32 $0xFFFFFB00  }
0x79: {  	[spmem:s7] =	stream.linear.scatter [tilespmem:s10], [sflag:$0x8], $0x500, $0x38;
	[tilespmem:$0x1F090] =	vst v63  }
0x7a: {  	_ =	swait.ge [sflag:s9], $0x500  }
0x7b: {  	[sflag:s9] =	ssyncset.done $0x0  }
0x7c: {  	s14 =	rddreg [dreg:$0x1f];
	[sflag:s9] =	ssyncadd.s32 $0xFFFFFB00  }
0x7d: {  	[spmem:s14] =	stream.linear.scatter [tilespmem:s10], [sflag:$0x8], $0x500, $0x38;
	[tilespmem:$0x1F090] =	vst v63  }
0x7e: {  	_ =	swait.ge [sflag:s9], $0x500  }
0x7f: {  	s7 =	sld [smem:$0x7FB]  }
0x80: {  	[sflag:s9] =	ssyncset.done $0x0  }
0x81: {  	[sflag:s9] =	ssyncadd.s32 $0xFFFFFB00  }
0x82: {  	[spmem:s7] =	stream.linear.scatter [tilespmem:s10], [sflag:$0x8], $0x500, $0x38;
	[tilespmem:$0x1F090] =	vst v63  }
0x83: {  	_ =	swait.ge [sflag:s9], $0x500  }
0x84: {  	[sflag:s9] =	ssyncset.done $0x0  }
0x85: {  	s14 =	rddreg [dreg:$0x7];
	[sflag:s9] =	ssyncadd.s32 $0xFFFFFB00  }
0x86: {  	[spmem:s14] =	stream.linear.scatter [tilespmem:s10], [sflag:$0x8], $0x410, $0x38;
	[tilespmem:$0x1F090] =	vst v63  }
0x87: {  	_ =	swait.ge [sflag:s9], $0x410  }
0x88: {  	[sflag:s9] =	ssyncset.done $0x0  }
0x89: {  	s6 =	simm.s32 $0x40;
	s7 =	simm.s32 $0x0;
	[sflag:s9] =	ssyncadd.s32 $0xFFFFFBF0  }
.LBB2_6:
0x8a: {  	p0 =	sne.s32 s6, $0x13C0;
	[tilespmem:s7+$0x1C480] =	vst v1;
	s7 =	smov.u32 s6;
	s6 =	sadd.s32 $0x40, s6  }
.Ltmp2:
0x8b: {  	(pc) =	sbr.rel @p0 .LBB2_6-.Ltmp2, $2  }
0x8c: {  	_ =	sdelay $0x2  }
0x8d: {  	s7 =	sshra.s32 s7, $0x2  }
0x8e: {  	[tilespmem:s7+$0x1C480] =	vst v1  }
0x8f: {  	[bflag:$0x0] =	sbarrier.arrive $0xFFFF  }
0x90: {  	s6 =	simm.s32 $0x0;
	s14 =	rddreg [dreg:$0x8]  }
0x91: {  	[tilespmem:s6], [sflag:$0x8] =	stream.linear.gather [hbm4b:s14+s6], $0xA00, $0x38;
	[tilespmem:$0x1F090] =	vst v63  }
0x92: {  	_ =	swait.ge [sflag:s9], $0xA00  }
0x93: {  	[sflag:s9] =	ssyncset.done $0x0  }
0x94: {  	s14 =	rddreg [dreg:$0x9];
	[sflag:s9] =	ssyncadd.s32 $0xFFFFF600  }
0x95: {  	[tilespmem:s11], [sflag:$0x8] =	stream.linear.gather [hbm4b:s14+s6], $0xA00, $0x38;
	[tilespmem:$0x1F090] =	vst v63  }
0x96: {  	_ =	swait.ge [sflag:s9], $0xA00  }
0x97: {  	[sflag:s9] =	ssyncset.done $0x0  }
0x98: {  	[sflag:s9] =	ssyncadd.s32 $0xFFFFF600  }
0x99: {  	[tilespmem:s8], [sflag:$0x1] =	stream.indirect.gather [hbm4b:s1+s12], $0x80, s6, s12, $0xb8;
	[tilespmem:$0x1F090] =	vst v63  }
0x9a: {  	_ = 	snop  }
0x9b: {  	[tilespmem:s13], [sflag:$0x2] =	stream.indirect.gather [hbm4b:s1+s12], $0x80, s12, s12, $0xb8;
	[tilespmem:$0x1F090] =	vst v63  }
0x9c: {  	s14 =	simm.s32 $0xA0  }
0x9d: {  	[tilespmem:s15], [sflag:$0x3] =	stream.indirect.gather [hbm4b:s1+s12], $0x80, s14, s12, $0xb8;
	[tilespmem:$0x1F090] =	vst v63  }
0x9e: {  	_ =	swait.ge [sflag:s16], $0x2800  }
0x9f: {  	[sflag:s16] =	ssyncset.done $0x0  }
0xa0: {  	s7 =	simm.s32 $0xA00;
	[sflag:s16] =	ssyncadd.s32 $0xFFFFD800  }
0xa1: {  	[spmem:s2] =	stream.indirect.scatter.add.f32 [tilespmem:s8], [sflag:$0x4], $0x80, s7, s12, $0xb8;
	[tilespmem:$0x1F090] =	vst v63  }
0xa2: {  	s14 =	simm.s32 $0x0  }
0xa3: {  	[spmem:s3] =	stream.indirect.scatter.add.f32 [tilespmem:s10], [sflag:$0x7], $0x10, s14, s12, $0xb8;
	[tilespmem:$0x1F090] =	vst v63  }
0xa4: {  	_ =	swait.ge [sflag:s17], $0x2800  }
0xa5: {  	[sflag:s17] =	ssyncset.done $0x0  }
0xa6: {  	s7 =	simm.s32 $0xA50;
	[sflag:s17] =	ssyncadd.s32 $0xFFFFD800  }
0xa7: {  	[spmem:s2] =	stream.indirect.scatter.add.f32 [tilespmem:s13], [sflag:$0x5], $0x80, s7, s12, $0xb8;
	[tilespmem:$0x1F090] =	vst v63  }
0xa8: {  	s14 =	simm.s32 $0x50  }
0xa9: {  	[spmem:s3] =	stream.indirect.scatter.add.f32 [tilespmem:s10], [sflag:$0x7], $0x10, s14, s12, $0xb8;
	[tilespmem:$0x1F090] =	vst v63  }
0xaa: {  	_ =	swait.ge [sflag:s18], $0x2800  }
0xab: {  	[sflag:s18] =	ssyncset.done $0x0  }
0xac: {  	s7 =	simm.s32 $0xAA0;
	[sflag:s18] =	ssyncadd.s32 $0xFFFFD800  }
0xad: {  	[spmem:s2] =	stream.indirect.scatter.add.f32 [tilespmem:s15], [sflag:$0x6], $0x80, s7, s12, $0xb8;
	[tilespmem:$0x1F090] =	vst v63  }
0xae: {  	s14 =	simm.s32 $0xA0  }
0xaf: {  	[spmem:s3] =	stream.indirect.scatter.add.f32 [tilespmem:s10], [sflag:$0x7], $0x10, s14, s12, $0xb8;
	[tilespmem:$0x1F090] =	vst v63  }
0xb0: {  	_ =	swait.ge [sflag:s19], $0x2800  }
0xb1: {  	[sflag:s19] =	ssyncset.done $0x0  }
0xb2: {  	[sflag:s19] =	ssyncadd.s32 $0xFFFFD800  }
0xb3: {  	_ =	swait.ge [sflag:s20], $0x500  }
0xb4: {  	[sflag:s20] =	ssyncset.done $0x0  }
0xb5: {  	s7 =	simm.s32 $0xF0;
	[sflag:s20] =	ssyncadd.s32 $0xFFFFFB00  }
0xb6: {  	[tilespmem:s8], [sflag:$0x1] =	stream.indirect.gather [hbm4b:s1+s12], $0x80, s7, s12, $0xb8;
	[tilespmem:$0x1F090] =	vst v63  }
0xb7: {  	_ =	swait.ge [sflag:s21], $0x2800  }
0xb8: {  	[sflag:s21] =	ssyncset.done $0x0  }
0xb9: {  	[sflag:s21] =	ssyncadd.s32 $0xFFFFD800  }
0xba: {  	_ =	swait.ge [sflag:s20], $0x500  }
0xbb: {  	[sflag:s20] =	ssyncset.done $0x0  }
0xbc: {  	s14 =	simm.s32 $0x140;
	[sflag:s20] =	ssyncadd.s32 $0xFFFFFB00  }
0xbd: {  	[tilespmem:s13], [sflag:$0x2] =	stream.indirect.gather [hbm4b:s1+s12], $0x80, s14, s12, $0xb8;
	[tilespmem:$0x1F090] =	vst v63  }
0xbe: {  	_ =	swait.ge [sflag:s22], $0x2800  }
0xbf: {  	[sflag:s22] =	ssyncset.done $0x0  }
0xc0: {  	[sflag:s22] =	ssyncadd.s32 $0xFFFFD800  }
0xc1: {  	_ =	swait.ge [sflag:s20], $0x500  }
0xc2: {  	[sflag:s20] =	ssyncset.done $0x0  }
0xc3: {  	s6 =	simm.s32 $0x3C0;
	s7 =	simm.s32 $0x190;
	[sflag:s20] =	ssyncadd.s32 $0xFFFFFB00  }
.LBB2_8:
0xc4: {  	[tilespmem:s15], [sflag:$0x3] =	stream.indirect.gather [hbm4b:s1+s12], $0x80, s7, s12, $0xb8;
	[tilespmem:$0x1F090] =	vst v63  }
0xc5: {  	s7 =	smov.u32 s6  }
0xc6: {  	p0 =	sne.s32 s6, $0x1E00;
	s6 =	sadd.s32 $0x3C0, s6;
	_ =	swait.ge [sflag:s16], $0x2800  }
0xc7: {  	s7 =	sshra.s32 s7, $0x2;
	[sflag:s16] =	ssyncset.done $0x0  }
0xc8: {  	s14 =	sadd.s32 $0xA00, s7;
	[sflag:s16] =	ssyncadd.s32 $0xFFFFD800  }
0xc9: {  	[spmem:s2] =	stream.indirect.scatter.add.f32 [tilespmem:s8], [sflag:$0x4], $0x80, s14, s12, $0xb8;
	[tilespmem:$0x1F090] =	vst v63  }
0xca: {  	_ = 	snop  }
0xcb: {  	[spmem:s3] =	stream.indirect.scatter.add.f32 [tilespmem:s10], [sflag:$0x7], $0x10, s7, s12, $0xb8;
	[tilespmem:$0x1F090] =	vst v63  }
0xcc: {  	_ =	swait.ge [sflag:s17], $0x2800  }
0xcd: {  	[sflag:s17] =	ssyncset.done $0x0  }
0xce: {  	s14 =	sadd.s32 $0xA50, s7;
	[sflag:s17] =	ssyncadd.s32 $0xFFFFD800  }
0xcf: {  	[spmem:s2] =	stream.indirect.scatter.add.f32 [tilespmem:s13], [sflag:$0x5], $0x80, s14, s12, $0xb8;
	[tilespmem:$0x1F090] =	vst v63  }
0xd0: {  	s14 =	sadd.s32 $0x50, s7  }
0xd1: {  	[spmem:s3] =	stream.indirect.scatter.add.f32 [tilespmem:s10], [sflag:$0x7], $0x10, s14, s12, $0xb8;
	[tilespmem:$0x1F090] =	vst v63  }
0xd2: {  	_ =	swait.ge [sflag:s18], $0x2800  }
0xd3: {  	[sflag:s18] =	ssyncset.done $0x0  }
0xd4: {  	s14 =	sadd.s32 $0xAA0, s7;
	[sflag:s18] =	ssyncadd.s32 $0xFFFFD800  }
0xd5: {  	[spmem:s2] =	stream.indirect.scatter.add.f32 [tilespmem:s15], [sflag:$0x6], $0x80, s14, s12, $0xb8;
	[tilespmem:$0x1F090] =	vst v63  }
0xd6: {  	s14 =	sadd.s32 $0xA0, s7  }
0xd7: {  	[spmem:s3] =	stream.indirect.scatter.add.f32 [tilespmem:s10], [sflag:$0x7], $0x10, s14, s12, $0xb8;
	[tilespmem:$0x1F090] =	vst v63  }
0xd8: {  	_ =	swait.ge [sflag:s19], $0x2800  }
0xd9: {  	[sflag:s19] =	ssyncset.done $0x0  }
0xda: {  	[sflag:s19] =	ssyncadd.s32 $0xFFFFD800  }
0xdb: {  	_ =	swait.ge [sflag:s20], $0x500  }
0xdc: {  	[sflag:s20] =	ssyncset.done $0x0  }
0xdd: {  	s14 =	sadd.s32 $0xF0, s7;
	[sflag:s20] =	ssyncadd.s32 $0xFFFFFB00  }
0xde: {  	[tilespmem:s8], [sflag:$0x1] =	stream.indirect.gather [hbm4b:s1+s12], $0x80, s14, s12, $0xb8;
	[tilespmem:$0x1F090] =	vst v63  }
0xdf: {  	_ =	swait.ge [sflag:s21], $0x2800  }
0xe0: {  	[sflag:s21] =	ssyncset.done $0x0  }
0xe1: {  	[sflag:s21] =	ssyncadd.s32 $0xFFFFD800  }
0xe2: {  	_ =	swait.ge [sflag:s20], $0x500  }
0xe3: {  	[sflag:s20] =	ssyncset.done $0x0  }
0xe4: {  	s14 =	sadd.s32 $0x140, s7;
	[sflag:s20] =	ssyncadd.s32 $0xFFFFFB00  }
0xe5: {  	[tilespmem:s13], [sflag:$0x2] =	stream.indirect.gather [hbm4b:s1+s12], $0x80, s14, s12, $0xb8;
	[tilespmem:$0x1F090] =	vst v63  }
0xe6: {  	_ =	swait.ge [sflag:s22], $0x2800  }
.Ltmp3:
0xe7: {  	[sflag:s22] =	ssyncset.done $0x0;
	(pc) =	sbr.rel @p0 .LBB2_8-.Ltmp3, $4  }
0xe8: {  	[sflag:s22] =	ssyncadd.s32 $0xFFFFD800  }
0xe9: {  	_ =	swait.ge [sflag:s20], $0x500  }
0xea: {  	[sflag:s20] =	ssyncset.done $0x0  }
0xeb: {  	s7 =	sadd.s32 $0x190, s7;
	[sflag:s20] =	ssyncadd.s32 $0xFFFFFB00  }
0xec: {  	[tilespmem:s15], [sflag:$0x3] =	stream.indirect.gather [hbm4b:s1+s12], $0x80, s7, s12, $0xb8;
	[tilespmem:$0x1F090] =	vst v63  }
0xed: {  	_ =	swait.ge [sflag:s16], $0x2800  }
0xee: {  	[sflag:s16] =	ssyncset.done $0x0  }
0xef: {  	[sflag:s16] =	ssyncadd.s32 $0xFFFFD800  }
0xf0: {  	[spmem:s2] =	stream.indirect.scatter.add.f32 [tilespmem:s8], [sflag:$0x4], $0x80, s23, s12, $0xb8;
	[tilespmem:$0x1F090] =	vst v63  }
0xf1: {  	_ = 	snop  }
0xf2: {  	[spmem:s3] =	stream.indirect.scatter.add.f32 [tilespmem:s10], [sflag:$0x7], $0x10, s24, s12, $0xb8;
	[tilespmem:$0x1F090] =	vst v63  }
0xf3: {  	_ =	swait.ge [sflag:s17], $0x2800  }
0xf4: {  	[sflag:s17] =	ssyncset.done $0x0  }
0xf5: {  	[sflag:s17] =	ssyncadd.s32 $0xFFFFD800  }
0xf6: {  	[spmem:s2] =	stream.indirect.scatter.add.f32 [tilespmem:s13], [sflag:$0x5], $0x80, s25, s12, $0xb8;
	[tilespmem:$0x1F090] =	vst v63  }
0xf7: {  	_ = 	snop  }
0xf8: {  	[spmem:s3] =	stream.indirect.scatter.add.f32 [tilespmem:s10], [sflag:$0x7], $0x10, s26, s12, $0xb8;
	[tilespmem:$0x1F090] =	vst v63  }
0xf9: {  	_ =	swait.ge [sflag:s18], $0x2800  }
0xfa: {  	[sflag:s18] =	ssyncset.done $0x0  }
0xfb: {  	[sflag:s18] =	ssyncadd.s32 $0xFFFFD800  }
0xfc: {  	[spmem:s2] =	stream.indirect.scatter.add.f32 [tilespmem:s15], [sflag:$0x6], $0x80, s28, s12, $0xb8;
	[tilespmem:$0x1F090] =	vst v63  }
0xfd: {  	_ = 	snop  }
0xfe: {  	[spmem:s3] =	stream.indirect.scatter.add.f32 [tilespmem:s10], [sflag:$0x7], $0x10, s29, s12, $0xb8;
	[tilespmem:$0x1F090] =	vst v63  }
0xff: {  	_ =	swait.ge [sflag:s19], $0x2800  }
0x100: {  	[sflag:s19] =	ssyncset.done $0x0  }
0x101: {  	[sflag:s19] =	ssyncadd.s32 $0xFFFFD800  }
0x102: {  	_ =	swait.ge [sflag:s20], $0x500  }
0x103: {  	[sflag:s20] =	ssyncset.done $0x0  }
0x104: {  	[sflag:s20] =	ssyncadd.s32 $0xFFFFFB00  }
0x105: {  	_ =	swait.ge [sflag:s21], $0x2800  }
0x106: {  	[sflag:s21] =	ssyncset.done $0x0  }
0x107: {  	[sflag:s21] =	ssyncadd.s32 $0xFFFFD800  }
0x108: {  	_ =	swait.ge [sflag:s20], $0x500  }
0x109: {  	[sflag:s20] =	ssyncset.done $0x0  }
0x10a: {  	[sflag:s20] =	ssyncadd.s32 $0xFFFFFB00  }
0x10b: {  	_ =	swait.ge [sflag:s22], $0x2800  }
0x10c: {  	[sflag:s22] =	ssyncset.done $0x0  }
0x10d: {  	[sflag:s22] =	ssyncadd.s32 $0xFFFFD800  }
0x10e: {  	_ =	swait.ge [sflag:s20], $0x500  }
0x10f: {  	[sflag:s20] =	ssyncset.done $0x0  }
0x110: {  	[sflag:s20] =	ssyncadd.s32 $0xFFFFFB00  }
0x111: {  	[tilespmem:s8], [sflag:$0x1] =	stream.indirect.gather [hbm4b:s1+s12], $0x80, s30, s12, $0xb8;
	[tilespmem:$0x1F090] =	vst v63  }
0x112: {  	_ =	swait.ge [sflag:s16], $0x2800  }
0x113: {  	[sflag:s16] =	ssyncset.done $0x0  }
0x114: {  	[sflag:s16] =	ssyncadd.s32 $0xFFFFD800  }
0x115: {  	[spmem:s2] =	stream.indirect.scatter.add.f32 [tilespmem:s8], [sflag:$0x8], $0x80, s31, s12, $0xb8;
	[tilespmem:$0x1F090] =	vst v63  }
0x116: {  	_ =	swait.ge [sflag:s9], $0x2800  }
0x117: {  	[sflag:s9] =	ssyncset.done $0x0  }
0x118: {  	[sflag:s9] =	ssyncadd.s32 $0xFFFFD800  }
0x119: {  	[spmem:s3] =	stream.indirect.scatter.add.f32 [tilespmem:s10], [sflag:$0x7], $0x10, s30, s12, $0xb8;
	[tilespmem:$0x1F090] =	vst v63  }
0x11a: {  	_ =	swait.ge [sflag:s20], $0x500  }
0x11b: {  	[sflag:s20] =	ssyncset.done $0x0  }
0x11c: {  	[sflag:s20] =	ssyncadd.s32 $0xFFFFFB00  }
0x11d: {  	[tilespmem:s8], [sflag:$0x1] =	stream.indirect.gather [hbm4b:s1+s12], $0x80, s0, s12, $0xb8;
	[tilespmem:$0x1F090] =	vst v63  }
0x11e: {  	_ =	swait.ge [sflag:s16], $0x2800  }
0x11f: {  	[sflag:s16] =	ssyncset.done $0x0  }
0x120: {  	[sflag:s16] =	ssyncadd.s32 $0xFFFFD800  }
0x121: {  	[spmem:s2] =	stream.indirect.scatter.add.f32 [tilespmem:s8], [sflag:$0x8], $0x80, s4, s12, $0xb8;
	[tilespmem:$0x1F090] =	vst v63  }
0x122: {  	_ =	swait.ge [sflag:s9], $0x2800  }
0x123: {  	[sflag:s9] =	ssyncset.done $0x0  }
0x124: {  	[sflag:s9] =	ssyncadd.s32 $0xFFFFD800  }
0x125: {  	[spmem:s3] =	stream.indirect.scatter.add.f32 [tilespmem:s10], [sflag:$0x7], $0x10, s0, s12, $0xb8;
	[tilespmem:$0x1F090] =	vst v63  }
0x126: {  	_ =	swait.ge [sflag:s20], $0x500  }
0x127: {  	[sflag:s20] =	ssyncset.done $0x0  }
0x128: {  	s6 =	simm.s32 $0x0;
	s14 =	rddreg [dreg:$0xa];
	[sflag:s20] =	ssyncadd.s32 $0xFFFFFB00  }
0x129: {  	[tilespmem:s6], [sflag:$0x8] =	stream.linear.gather [hbm4b:s14+s6], $0xA00, $0x38;
	[tilespmem:$0x1F090] =	vst v63  }
0x12a: {  	_ =	swait.ge [sflag:s9], $0xA00  }
0x12b: {  	[sflag:s9] =	ssyncset.done $0x0  }
0x12c: {  	s14 =	rddreg [dreg:$0xb];
	[sflag:s9] =	ssyncadd.s32 $0xFFFFF600  }
0x12d: {  	[tilespmem:s11], [sflag:$0x8] =	stream.linear.gather [hbm4b:s14+s6], $0xA00, $0x38;
	[tilespmem:$0x1F090] =	vst v63  }
0x12e: {  	_ =	swait.ge [sflag:s9], $0xA00  }
0x12f: {  	[sflag:s9] =	ssyncset.done $0x0  }
0x130: {  	[sflag:s9] =	ssyncadd.s32 $0xFFFFF600  }
0x131: {  	[tilespmem:s8], [sflag:$0x1] =	stream.indirect.gather [hbm4b:s1+s12], $0x80, s6, s12, $0xb8;
	[tilespmem:$0x1F090] =	vst v63  }
0x132: {  	_ = 	snop  }
0x133: {  	[tilespmem:s13], [sflag:$0x2] =	stream.indirect.gather [hbm4b:s1+s12], $0x80, s12, s12, $0xb8;
	[tilespmem:$0x1F090] =	vst v63  }
0x134: {  	s14 =	simm.s32 $0xA0  }
0x135: {  	[tilespmem:s15], [sflag:$0x3] =	stream.indirect.gather [hbm4b:s1+s12], $0x80, s14, s12, $0xb8;
	[tilespmem:$0x1F090] =	vst v63  }
0x136: {  	_ =	swait.ge [sflag:s16], $0x2800  }
0x137: {  	[sflag:s16] =	ssyncset.done $0x0  }
0x138: {  	s7 =	simm.s32 $0xA00;
	[sflag:s16] =	ssyncadd.s32 $0xFFFFD800  }
0x139: {  	[spmem:s2] =	stream.indirect.scatter.add.f32 [tilespmem:s8], [sflag:$0x4], $0x80, s7, s12, $0xb8;
	[tilespmem:$0x1F090] =	vst v63  }
0x13a: {  	s14 =	simm.s32 $0x0  }
0x13b: {  	[spmem:s3] =	stream.indirect.scatter.add.f32 [tilespmem:s10], [sflag:$0x7], $0x10, s14, s12, $0xb8;
	[tilespmem:$0x1F090] =	vst v63  }
0x13c: {  	_ =	swait.ge [sflag:s17], $0x2800  }
0x13d: {  	[sflag:s17] =	ssyncset.done $0x0  }
0x13e: {  	s7 =	simm.s32 $0xA50;
	[sflag:s17] =	ssyncadd.s32 $0xFFFFD800  }
0x13f: {  	[spmem:s2] =	stream.indirect.scatter.add.f32 [tilespmem:s13], [sflag:$0x5], $0x80, s7, s12, $0xb8;
	[tilespmem:$0x1F090] =	vst v63  }
0x140: {  	s14 =	simm.s32 $0x50  }
0x141: {  	[spmem:s3] =	stream.indirect.scatter.add.f32 [tilespmem:s10], [sflag:$0x7], $0x10, s14, s12, $0xb8;
	[tilespmem:$0x1F090] =	vst v63  }
0x142: {  	_ =	swait.ge [sflag:s18], $0x2800  }
0x143: {  	[sflag:s18] =	ssyncset.done $0x0  }
0x144: {  	s7 =	simm.s32 $0xAA0;
	[sflag:s18] =	ssyncadd.s32 $0xFFFFD800  }
0x145: {  	[spmem:s2] =	stream.indirect.scatter.add.f32 [tilespmem:s15], [sflag:$0x6], $0x80, s7, s12, $0xb8;
	[tilespmem:$0x1F090] =	vst v63  }
0x146: {  	s14 =	simm.s32 $0xA0  }
0x147: {  	[spmem:s3] =	stream.indirect.scatter.add.f32 [tilespmem:s10], [sflag:$0x7], $0x10, s14, s12, $0xb8;
	[tilespmem:$0x1F090] =	vst v63  }
0x148: {  	_ =	swait.ge [sflag:s19], $0x2800  }
0x149: {  	[sflag:s19] =	ssyncset.done $0x0  }
0x14a: {  	[sflag:s19] =	ssyncadd.s32 $0xFFFFD800  }
0x14b: {  	_ =	swait.ge [sflag:s20], $0x500  }
0x14c: {  	[sflag:s20] =	ssyncset.done $0x0  }
0x14d: {  	s7 =	simm.s32 $0xF0;
	[sflag:s20] =	ssyncadd.s32 $0xFFFFFB00  }
0x14e: {  	[tilespmem:s8], [sflag:$0x1] =	stream.indirect.gather [hbm4b:s1+s12], $0x80, s7, s12, $0xb8;
	[tilespmem:$0x1F090] =	vst v63  }
0x14f: {  	_ =	swait.ge [sflag:s21], $0x2800  }
0x150: {  	[sflag:s21] =	ssyncset.done $0x0  }
0x151: {  	[sflag:s21] =	ssyncadd.s32 $0xFFFFD800  }
0x152: {  	_ =	swait.ge [sflag:s20], $0x500  }
0x153: {  	[sflag:s20] =	ssyncset.done $0x0  }
0x154: {  	s14 =	simm.s32 $0x140;
	[sflag:s20] =	ssyncadd.s32 $0xFFFFFB00  }
0x155: {  	[tilespmem:s13], [sflag:$0x2] =	stream.indirect.gather [hbm4b:s1+s12], $0x80, s14, s12, $0xb8;
	[tilespmem:$0x1F090] =	vst v63  }
0x156: {  	_ =	swait.ge [sflag:s22], $0x2800  }
0x157: {  	[sflag:s22] =	ssyncset.done $0x0  }
0x158: {  	[sflag:s22] =	ssyncadd.s32 $0xFFFFD800  }
0x159: {  	_ =	swait.ge [sflag:s20], $0x500  }
0x15a: {  	[sflag:s20] =	ssyncset.done $0x0  }
0x15b: {  	s6 =	simm.s32 $0x3C0;
	s7 =	simm.s32 $0x190;
	[sflag:s20] =	ssyncadd.s32 $0xFFFFFB00  }
.LBB2_10:
0x15c: {  	[tilespmem:s15], [sflag:$0x3] =	stream.indirect.gather [hbm4b:s1+s12], $0x80, s7, s12, $0xb8;
	[tilespmem:$0x1F090] =	vst v63  }
0x15d: {  	s7 =	smov.u32 s6  }
0x15e: {  	p0 =	sne.s32 s6, $0x1E00;
	s6 =	sadd.s32 $0x3C0, s6;
	_ =	swait.ge [sflag:s16], $0x2800  }
0x15f: {  	s7 =	sshra.s32 s7, $0x2;
	[sflag:s16] =	ssyncset.done $0x0  }
0x160: {  	s14 =	sadd.s32 $0xA00, s7;
	[sflag:s16] =	ssyncadd.s32 $0xFFFFD800  }
0x161: {  	[spmem:s2] =	stream.indirect.scatter.add.f32 [tilespmem:s8], [sflag:$0x4], $0x80, s14, s12, $0xb8;
	[tilespmem:$0x1F090] =	vst v63  }
0x162: {  	_ = 	snop  }
0x163: {  	[spmem:s3] =	stream.indirect.scatter.add.f32 [tilespmem:s10], [sflag:$0x7], $0x10, s7, s12, $0xb8;
	[tilespmem:$0x1F090] =	vst v63  }
0x164: {  	_ =	swait.ge [sflag:s17], $0x2800  }
0x165: {  	[sflag:s17] =	ssyncset.done $0x0  }
0x166: {  	s14 =	sadd.s32 $0xA50, s7;
	[sflag:s17] =	ssyncadd.s32 $0xFFFFD800  }
0x167: {  	[spmem:s2] =	stream.indirect.scatter.add.f32 [tilespmem:s13], [sflag:$0x5], $0x80, s14, s12, $0xb8;
	[tilespmem:$0x1F090] =	vst v63  }
0x168: {  	s14 =	sadd.s32 $0x50, s7  }
0x169: {  	[spmem:s3] =	stream.indirect.scatter.add.f32 [tilespmem:s10], [sflag:$0x7], $0x10, s14, s12, $0xb8;
	[tilespmem:$0x1F090] =	vst v63  }
0x16a: {  	_ =	swait.ge [sflag:s18], $0x2800  }
0x16b: {  	[sflag:s18] =	ssyncset.done $0x0  }
0x16c: {  	s14 =	sadd.s32 $0xAA0, s7;
	[sflag:s18] =	ssyncadd.s32 $0xFFFFD800  }
0x16d: {  	[spmem:s2] =	stream.indirect.scatter.add.f32 [tilespmem:s15], [sflag:$0x6], $0x80, s14, s12, $0xb8;
	[tilespmem:$0x1F090] =	vst v63  }
0x16e: {  	s14 =	sadd.s32 $0xA0, s7  }
0x16f: {  	[spmem:s3] =	stream.indirect.scatter.add.f32 [tilespmem:s10], [sflag:$0x7], $0x10, s14, s12, $0xb8;
	[tilespmem:$0x1F090] =	vst v63  }
0x170: {  	_ =	swait.ge [sflag:s19], $0x2800  }
0x171: {  	[sflag:s19] =	ssyncset.done $0x0  }
0x172: {  	[sflag:s19] =	ssyncadd.s32 $0xFFFFD800  }
0x173: {  	_ =	swait.ge [sflag:s20], $0x500  }
0x174: {  	[sflag:s20] =	ssyncset.done $0x0  }
0x175: {  	s14 =	sadd.s32 $0xF0, s7;
	[sflag:s20] =	ssyncadd.s32 $0xFFFFFB00  }
0x176: {  	[tilespmem:s8], [sflag:$0x1] =	stream.indirect.gather [hbm4b:s1+s12], $0x80, s14, s12, $0xb8;
	[tilespmem:$0x1F090] =	vst v63  }
0x177: {  	_ =	swait.ge [sflag:s21], $0x2800  }
0x178: {  	[sflag:s21] =	ssyncset.done $0x0  }
0x179: {  	[sflag:s21] =	ssyncadd.s32 $0xFFFFD800  }
0x17a: {  	_ =	swait.ge [sflag:s20], $0x500  }
0x17b: {  	[sflag:s20] =	ssyncset.done $0x0  }
0x17c: {  	s14 =	sadd.s32 $0x140, s7;
	[sflag:s20] =	ssyncadd.s32 $0xFFFFFB00  }
0x17d: {  	[tilespmem:s13], [sflag:$0x2] =	stream.indirect.gather [hbm4b:s1+s12], $0x80, s14, s12, $0xb8;
	[tilespmem:$0x1F090] =	vst v63  }
0x17e: {  	_ =	swait.ge [sflag:s22], $0x2800  }
.Ltmp4:
0x17f: {  	[sflag:s22] =	ssyncset.done $0x0;
	(pc) =	sbr.rel @p0 .LBB2_10-.Ltmp4, $4  }
0x180: {  	[sflag:s22] =	ssyncadd.s32 $0xFFFFD800  }
0x181: {  	_ =	swait.ge [sflag:s20], $0x500  }
0x182: {  	[sflag:s20] =	ssyncset.done $0x0  }
0x183: {  	s7 =	sadd.s32 $0x190, s7;
	[sflag:s20] =	ssyncadd.s32 $0xFFFFFB00  }
0x184: {  	[tilespmem:s15], [sflag:$0x3] =	stream.indirect.gather [hbm4b:s1+s12], $0x80, s7, s12, $0xb8;
	[tilespmem:$0x1F090] =	vst v63  }
0x185: {  	_ =	swait.ge [sflag:s16], $0x2800  }
0x186: {  	[sflag:s16] =	ssyncset.done $0x0  }
0x187: {  	[sflag:s16] =	ssyncadd.s32 $0xFFFFD800  }
0x188: {  	[spmem:s2] =	stream.indirect.scatter.add.f32 [tilespmem:s8], [sflag:$0x4], $0x80, s23, s12, $0xb8;
	[tilespmem:$0x1F090] =	vst v63  }
0x189: {  	_ = 	snop  }
0x18a: {  	[spmem:s3] =	stream.indirect.scatter.add.f32 [tilespmem:s10], [sflag:$0x7], $0x10, s24, s12, $0xb8;
	[tilespmem:$0x1F090] =	vst v63  }
0x18b: {  	_ =	swait.ge [sflag:s17], $0x2800  }
0x18c: {  	[sflag:s17] =	ssyncset.done $0x0  }
0x18d: {  	[sflag:s17] =	ssyncadd.s32 $0xFFFFD800  }
0x18e: {  	[spmem:s2] =	stream.indirect.scatter.add.f32 [tilespmem:s13], [sflag:$0x5], $0x80, s25, s12, $0xb8;
	[tilespmem:$0x1F090] =	vst v63  }
0x18f: {  	_ = 	snop  }
0x190: {  	[spmem:s3] =	stream.indirect.scatter.add.f32 [tilespmem:s10], [sflag:$0x7], $0x10, s26, s12, $0xb8;
	[tilespmem:$0x1F090] =	vst v63  }
0x191: {  	_ =	swait.ge [sflag:s18], $0x2800  }
0x192: {  	[sflag:s18] =	ssyncset.done $0x0  }
0x193: {  	[sflag:s18] =	ssyncadd.s32 $0xFFFFD800  }
0x194: {  	[spmem:s2] =	stream.indirect.scatter.add.f32 [tilespmem:s15], [sflag:$0x6], $0x80, s28, s12, $0xb8;
	[tilespmem:$0x1F090] =	vst v63  }
0x195: {  	_ = 	snop  }
0x196: {  	[spmem:s3] =	stream.indirect.scatter.add.f32 [tilespmem:s10], [sflag:$0x7], $0x10, s29, s12, $0xb8;
	[tilespmem:$0x1F090] =	vst v63  }
0x197: {  	_ =	swait.ge [sflag:s19], $0x2800  }
0x198: {  	[sflag:s19] =	ssyncset.done $0x0  }
0x199: {  	[sflag:s19] =	ssyncadd.s32 $0xFFFFD800  }
0x19a: {  	_ =	swait.ge [sflag:s20], $0x500  }
0x19b: {  	[sflag:s20] =	ssyncset.done $0x0  }
0x19c: {  	[sflag:s20] =	ssyncadd.s32 $0xFFFFFB00  }
0x19d: {  	_ =	swait.ge [sflag:s21], $0x2800  }
0x19e: {  	[sflag:s21] =	ssyncset.done $0x0  }
0x19f: {  	[sflag:s21] =	ssyncadd.s32 $0xFFFFD800  }
0x1a0: {  	_ =	swait.ge [sflag:s20], $0x500  }
0x1a1: {  	[sflag:s20] =	ssyncset.done $0x0  }
0x1a2: {  	[sflag:s20] =	ssyncadd.s32 $0xFFFFFB00  }
0x1a3: {  	_ =	swait.ge [sflag:s22], $0x2800  }
0x1a4: {  	[sflag:s22] =	ssyncset.done $0x0  }
0x1a5: {  	[sflag:s22] =	ssyncadd.s32 $0xFFFFD800  }
0x1a6: {  	_ =	swait.ge [sflag:s20], $0x500  }
0x1a7: {  	[sflag:s20] =	ssyncset.done $0x0  }
0x1a8: {  	[sflag:s20] =	ssyncadd.s32 $0xFFFFFB00  }
0x1a9: {  	[tilespmem:s8], [sflag:$0x1] =	stream.indirect.gather [hbm4b:s1+s12], $0x80, s30, s12, $0xb8;
	[tilespmem:$0x1F090] =	vst v63  }
0x1aa: {  	_ =	swait.ge [sflag:s16], $0x2800  }
0x1ab: {  	[sflag:s16] =	ssyncset.done $0x0  }
0x1ac: {  	[sflag:s16] =	ssyncadd.s32 $0xFFFFD800  }
0x1ad: {  	[spmem:s2] =	stream.indirect.scatter.add.f32 [tilespmem:s8], [sflag:$0x8], $0x80, s31, s12, $0xb8;
	[tilespmem:$0x1F090] =	vst v63  }
0x1ae: {  	_ =	swait.ge [sflag:s9], $0x2800  }
0x1af: {  	[sflag:s9] =	ssyncset.done $0x0  }
0x1b0: {  	[sflag:s9] =	ssyncadd.s32 $0xFFFFD800  }
0x1b1: {  	[spmem:s3] =	stream.indirect.scatter.add.f32 [tilespmem:s10], [sflag:$0x7], $0x10, s30, s12, $0xb8;
	[tilespmem:$0x1F090] =	vst v63  }
0x1b2: {  	_ =	swait.ge [sflag:s20], $0x500  }
0x1b3: {  	[sflag:s20] =	ssyncset.done $0x0  }
0x1b4: {  	[sflag:s20] =	ssyncadd.s32 $0xFFFFFB00  }
0x1b5: {  	[tilespmem:s8], [sflag:$0x1] =	stream.indirect.gather [hbm4b:s1+s12], $0x80, s0, s12, $0xb8;
	[tilespmem:$0x1F090] =	vst v63  }
0x1b6: {  	_ =	swait.ge [sflag:s16], $0x2800  }
0x1b7: {  	[sflag:s16] =	ssyncset.done $0x0  }
0x1b8: {  	[sflag:s16] =	ssyncadd.s32 $0xFFFFD800  }
0x1b9: {  	[spmem:s2] =	stream.indirect.scatter.add.f32 [tilespmem:s8], [sflag:$0x8], $0x80, s4, s12, $0xb8;
	[tilespmem:$0x1F090] =	vst v63  }
0x1ba: {  	_ =	swait.ge [sflag:s9], $0x2800  }
0x1bb: {  	[sflag:s9] =	ssyncset.done $0x0  }
0x1bc: {  	[sflag:s9] =	ssyncadd.s32 $0xFFFFD800  }
0x1bd: {  	[spmem:s3] =	stream.indirect.scatter.add.f32 [tilespmem:s10], [sflag:$0x7], $0x10, s0, s12, $0xb8;
	[tilespmem:$0x1F090] =	vst v63  }
0x1be: {  	_ =	swait.ge [sflag:s20], $0x500  }
0x1bf: {  	[sflag:s20] =	ssyncset.done $0x0  }
0x1c0: {  	s6 =	simm.s32 $0x0;
	s14 =	rddreg [dreg:$0xc];
	[sflag:s20] =	ssyncadd.s32 $0xFFFFFB00  }
0x1c1: {  	[tilespmem:s6], [sflag:$0x8] =	stream.linear.gather [hbm4b:s14+s6], $0xA00, $0x38;
	[tilespmem:$0x1F090] =	vst v63  }
0x1c2: {  	_ =	swait.ge [sflag:s9], $0xA00  }
0x1c3: {  	[sflag:s9] =	ssyncset.done $0x0  }
0x1c4: {  	s14 =	rddreg [dreg:$0xd];
	[sflag:s9] =	ssyncadd.s32 $0xFFFFF600  }
0x1c5: {  	[tilespmem:s11], [sflag:$0x8] =	stream.linear.gather [hbm4b:s14+s6], $0xA00, $0x38;
	[tilespmem:$0x1F090] =	vst v63  }
0x1c6: {  	_ =	swait.ge [sflag:s9], $0xA00  }
0x1c7: {  	[sflag:s9] =	ssyncset.done $0x0  }
0x1c8: {  	[sflag:s9] =	ssyncadd.s32 $0xFFFFF600  }
0x1c9: {  	[tilespmem:s8], [sflag:$0x1] =	stream.indirect.gather [hbm4b:s1+s12], $0x80, s6, s12, $0xb8;
	[tilespmem:$0x1F090] =	vst v63  }
0x1ca: {  	_ = 	snop  }
0x1cb: {  	[tilespmem:s13], [sflag:$0x2] =	stream.indirect.gather [hbm4b:s1+s12], $0x80, s12, s12, $0xb8;
	[tilespmem:$0x1F090] =	vst v63  }
0x1cc: {  	s14 =	simm.s32 $0xA0  }
0x1cd: {  	[tilespmem:s15], [sflag:$0x3] =	stream.indirect.gather [hbm4b:s1+s12], $0x80, s14, s12, $0xb8;
	[tilespmem:$0x1F090] =	vst v63  }
0x1ce: {  	_ =	swait.ge [sflag:s16], $0x2800  }
0x1cf: {  	[sflag:s16] =	ssyncset.done $0x0  }
0x1d0: {  	s7 =	simm.s32 $0xA00;
	[sflag:s16] =	ssyncadd.s32 $0xFFFFD800  }
0x1d1: {  	[spmem:s2] =	stream.indirect.scatter.add.f32 [tilespmem:s8], [sflag:$0x4], $0x80, s7, s12, $0xb8;
	[tilespmem:$0x1F090] =	vst v63  }
0x1d2: {  	s14 =	simm.s32 $0x0  }
0x1d3: {  	[spmem:s3] =	stream.indirect.scatter.add.f32 [tilespmem:s10], [sflag:$0x7], $0x10, s14, s12, $0xb8;
	[tilespmem:$0x1F090] =	vst v63  }
0x1d4: {  	_ =	swait.ge [sflag:s17], $0x2800  }
0x1d5: {  	[sflag:s17] =	ssyncset.done $0x0  }
0x1d6: {  	s7 =	simm.s32 $0xA50;
	[sflag:s17] =	ssyncadd.s32 $0xFFFFD800  }
0x1d7: {  	[spmem:s2] =	stream.indirect.scatter.add.f32 [tilespmem:s13], [sflag:$0x5], $0x80, s7, s12, $0xb8;
	[tilespmem:$0x1F090] =	vst v63  }
0x1d8: {  	s14 =	simm.s32 $0x50  }
0x1d9: {  	[spmem:s3] =	stream.indirect.scatter.add.f32 [tilespmem:s10], [sflag:$0x7], $0x10, s14, s12, $0xb8;
	[tilespmem:$0x1F090] =	vst v63  }
0x1da: {  	_ =	swait.ge [sflag:s18], $0x2800  }
0x1db: {  	[sflag:s18] =	ssyncset.done $0x0  }
0x1dc: {  	s7 =	simm.s32 $0xAA0;
	[sflag:s18] =	ssyncadd.s32 $0xFFFFD800  }
0x1dd: {  	[spmem:s2] =	stream.indirect.scatter.add.f32 [tilespmem:s15], [sflag:$0x6], $0x80, s7, s12, $0xb8;
	[tilespmem:$0x1F090] =	vst v63  }
0x1de: {  	s14 =	simm.s32 $0xA0  }
0x1df: {  	[spmem:s3] =	stream.indirect.scatter.add.f32 [tilespmem:s10], [sflag:$0x7], $0x10, s14, s12, $0xb8;
	[tilespmem:$0x1F090] =	vst v63  }
0x1e0: {  	_ =	swait.ge [sflag:s19], $0x2800  }
0x1e1: {  	[sflag:s19] =	ssyncset.done $0x0  }
0x1e2: {  	[sflag:s19] =	ssyncadd.s32 $0xFFFFD800  }
0x1e3: {  	_ =	swait.ge [sflag:s20], $0x500  }
0x1e4: {  	[sflag:s20] =	ssyncset.done $0x0  }
0x1e5: {  	s7 =	simm.s32 $0xF0;
	[sflag:s20] =	ssyncadd.s32 $0xFFFFFB00  }
0x1e6: {  	[tilespmem:s8], [sflag:$0x1] =	stream.indirect.gather [hbm4b:s1+s12], $0x80, s7, s12, $0xb8;
	[tilespmem:$0x1F090] =	vst v63  }
0x1e7: {  	_ =	swait.ge [sflag:s21], $0x2800  }
0x1e8: {  	[sflag:s21] =	ssyncset.done $0x0  }
0x1e9: {  	[sflag:s21] =	ssyncadd.s32 $0xFFFFD800  }
0x1ea: {  	_ =	swait.ge [sflag:s20], $0x500  }
0x1eb: {  	[sflag:s20] =	ssyncset.done $0x0  }
0x1ec: {  	s14 =	simm.s32 $0x140;
	[sflag:s20] =	ssyncadd.s32 $0xFFFFFB00  }
0x1ed: {  	[tilespmem:s13], [sflag:$0x2] =	stream.indirect.gather [hbm4b:s1+s12], $0x80, s14, s12, $0xb8;
	[tilespmem:$0x1F090] =	vst v63  }
0x1ee: {  	_ =	swait.ge [sflag:s22], $0x2800  }
0x1ef: {  	[sflag:s22] =	ssyncset.done $0x0  }
0x1f0: {  	[sflag:s22] =	ssyncadd.s32 $0xFFFFD800  }
0x1f1: {  	_ =	swait.ge [sflag:s20], $0x500  }
0x1f2: {  	[sflag:s20] =	ssyncset.done $0x0  }
0x1f3: {  	s6 =	simm.s32 $0x3C0;
	s7 =	simm.s32 $0x190;
	[sflag:s20] =	ssyncadd.s32 $0xFFFFFB00  }
.LBB2_12:
0x1f4: {  	[tilespmem:s15], [sflag:$0x3] =	stream.indirect.gather [hbm4b:s1+s12], $0x80, s7, s12, $0xb8;
	[tilespmem:$0x1F090] =	vst v63  }
0x1f5: {  	s7 =	smov.u32 s6  }
0x1f6: {  	p0 =	sne.s32 s6, $0x1E00;
	s6 =	sadd.s32 $0x3C0, s6;
	_ =	swait.ge [sflag:s16], $0x2800  }
0x1f7: {  	s7 =	sshra.s32 s7, $0x2;
	[sflag:s16] =	ssyncset.done $0x0  }
0x1f8: {  	s14 =	sadd.s32 $0xA00, s7;
	[sflag:s16] =	ssyncadd.s32 $0xFFFFD800  }
0x1f9: {  	[spmem:s2] =	stream.indirect.scatter.add.f32 [tilespmem:s8], [sflag:$0x4], $0x80, s14, s12, $0xb8;
	[tilespmem:$0x1F090] =	vst v63  }
0x1fa: {  	_ = 	snop  }
0x1fb: {  	[spmem:s3] =	stream.indirect.scatter.add.f32 [tilespmem:s10], [sflag:$0x7], $0x10, s7, s12, $0xb8;
	[tilespmem:$0x1F090] =	vst v63  }
0x1fc: {  	_ =	swait.ge [sflag:s17], $0x2800  }
0x1fd: {  	[sflag:s17] =	ssyncset.done $0x0  }
0x1fe: {  	s14 =	sadd.s32 $0xA50, s7;
	[sflag:s17] =	ssyncadd.s32 $0xFFFFD800  }
0x1ff: {  	[spmem:s2] =	stream.indirect.scatter.add.f32 [tilespmem:s13], [sflag:$0x5], $0x80, s14, s12, $0xb8;
	[tilespmem:$0x1F090] =	vst v63  }
0x200: {  	s14 =	sadd.s32 $0x50, s7  }
0x201: {  	[spmem:s3] =	stream.indirect.scatter.add.f32 [tilespmem:s10], [sflag:$0x7], $0x10, s14, s12, $0xb8;
	[tilespmem:$0x1F090] =	vst v63  }
0x202: {  	_ =	swait.ge [sflag:s18], $0x2800  }
0x203: {  	[sflag:s18] =	ssyncset.done $0x0  }
0x204: {  	s14 =	sadd.s32 $0xAA0, s7;
	[sflag:s18] =	ssyncadd.s32 $0xFFFFD800  }
0x205: {  	[spmem:s2] =	stream.indirect.scatter.add.f32 [tilespmem:s15], [sflag:$0x6], $0x80, s14, s12, $0xb8;
	[tilespmem:$0x1F090] =	vst v63  }
0x206: {  	s14 =	sadd.s32 $0xA0, s7  }
0x207: {  	[spmem:s3] =	stream.indirect.scatter.add.f32 [tilespmem:s10], [sflag:$0x7], $0x10, s14, s12, $0xb8;
	[tilespmem:$0x1F090] =	vst v63  }
0x208: {  	_ =	swait.ge [sflag:s19], $0x2800  }
0x209: {  	[sflag:s19] =	ssyncset.done $0x0  }
0x20a: {  	[sflag:s19] =	ssyncadd.s32 $0xFFFFD800  }
0x20b: {  	_ =	swait.ge [sflag:s20], $0x500  }
0x20c: {  	[sflag:s20] =	ssyncset.done $0x0  }
0x20d: {  	s14 =	sadd.s32 $0xF0, s7;
	[sflag:s20] =	ssyncadd.s32 $0xFFFFFB00  }
0x20e: {  	[tilespmem:s8], [sflag:$0x1] =	stream.indirect.gather [hbm4b:s1+s12], $0x80, s14, s12, $0xb8;
	[tilespmem:$0x1F090] =	vst v63  }
0x20f: {  	_ =	swait.ge [sflag:s21], $0x2800  }
0x210: {  	[sflag:s21] =	ssyncset.done $0x0  }
0x211: {  	[sflag:s21] =	ssyncadd.s32 $0xFFFFD800  }
0x212: {  	_ =	swait.ge [sflag:s20], $0x500  }
0x213: {  	[sflag:s20] =	ssyncset.done $0x0  }
0x214: {  	s14 =	sadd.s32 $0x140, s7;
	[sflag:s20] =	ssyncadd.s32 $0xFFFFFB00  }
0x215: {  	[tilespmem:s13], [sflag:$0x2] =	stream.indirect.gather [hbm4b:s1+s12], $0x80, s14, s12, $0xb8;
	[tilespmem:$0x1F090] =	vst v63  }
0x216: {  	_ =	swait.ge [sflag:s22], $0x2800  }
.Ltmp5:
0x217: {  	[sflag:s22] =	ssyncset.done $0x0;
	(pc) =	sbr.rel @p0 .LBB2_12-.Ltmp5, $4  }
0x218: {  	[sflag:s22] =	ssyncadd.s32 $0xFFFFD800  }
0x219: {  	_ =	swait.ge [sflag:s20], $0x500  }
0x21a: {  	[sflag:s20] =	ssyncset.done $0x0  }
0x21b: {  	s7 =	sadd.s32 $0x190, s7;
	[sflag:s20] =	ssyncadd.s32 $0xFFFFFB00  }
0x21c: {  	[tilespmem:s15], [sflag:$0x3] =	stream.indirect.gather [hbm4b:s1+s12], $0x80, s7, s12, $0xb8;
	[tilespmem:$0x1F090] =	vst v63  }
0x21d: {  	_ =	swait.ge [sflag:s16], $0x2800  }
0x21e: {  	[sflag:s16] =	ssyncset.done $0x0  }
0x21f: {  	[sflag:s16] =	ssyncadd.s32 $0xFFFFD800  }
0x220: {  	[spmem:s2] =	stream.indirect.scatter.add.f32 [tilespmem:s8], [sflag:$0x4], $0x80, s23, s12, $0xb8;
	[tilespmem:$0x1F090] =	vst v63  }
0x221: {  	_ = 	snop  }
0x222: {  	[spmem:s3] =	stream.indirect.scatter.add.f32 [tilespmem:s10], [sflag:$0x7], $0x10, s24, s12, $0xb8;
	[tilespmem:$0x1F090] =	vst v63  }
0x223: {  	_ =	swait.ge [sflag:s17], $0x2800  }
0x224: {  	[sflag:s17] =	ssyncset.done $0x0  }
0x225: {  	[sflag:s17] =	ssyncadd.s32 $0xFFFFD800  }
0x226: {  	[spmem:s2] =	stream.indirect.scatter.add.f32 [tilespmem:s13], [sflag:$0x5], $0x80, s25, s12, $0xb8;
	[tilespmem:$0x1F090] =	vst v63  }
0x227: {  	_ = 	snop  }
0x228: {  	[spmem:s3] =	stream.indirect.scatter.add.f32 [tilespmem:s10], [sflag:$0x7], $0x10, s26, s12, $0xb8;
	[tilespmem:$0x1F090] =	vst v63  }
0x229: {  	_ =	swait.ge [sflag:s18], $0x2800  }
0x22a: {  	[sflag:s18] =	ssyncset.done $0x0  }
0x22b: {  	[sflag:s18] =	ssyncadd.s32 $0xFFFFD800  }
0x22c: {  	[spmem:s2] =	stream.indirect.scatter.add.f32 [tilespmem:s15], [sflag:$0x6], $0x80, s28, s12, $0xb8;
	[tilespmem:$0x1F090] =	vst v63  }
0x22d: {  	_ = 	snop  }
0x22e: {  	[spmem:s3] =	stream.indirect.scatter.add.f32 [tilespmem:s10], [sflag:$0x7], $0x10, s29, s12, $0xb8;
	[tilespmem:$0x1F090] =	vst v63  }
0x22f: {  	_ =	swait.ge [sflag:s19], $0x2800  }
0x230: {  	[sflag:s19] =	ssyncset.done $0x0  }
0x231: {  	[sflag:s19] =	ssyncadd.s32 $0xFFFFD800  }
0x232: {  	_ =	swait.ge [sflag:s20], $0x500  }
0x233: {  	[sflag:s20] =	ssyncset.done $0x0  }
0x234: {  	[sflag:s20] =	ssyncadd.s32 $0xFFFFFB00  }
0x235: {  	_ =	swait.ge [sflag:s21], $0x2800  }
0x236: {  	[sflag:s21] =	ssyncset.done $0x0  }
0x237: {  	[sflag:s21] =	ssyncadd.s32 $0xFFFFD800  }
0x238: {  	_ =	swait.ge [sflag:s20], $0x500  }
0x239: {  	[sflag:s20] =	ssyncset.done $0x0  }
0x23a: {  	[sflag:s20] =	ssyncadd.s32 $0xFFFFFB00  }
0x23b: {  	_ =	swait.ge [sflag:s22], $0x2800  }
0x23c: {  	[sflag:s22] =	ssyncset.done $0x0  }
0x23d: {  	[sflag:s22] =	ssyncadd.s32 $0xFFFFD800  }
0x23e: {  	_ =	swait.ge [sflag:s20], $0x500  }
0x23f: {  	[sflag:s20] =	ssyncset.done $0x0  }
0x240: {  	[sflag:s20] =	ssyncadd.s32 $0xFFFFFB00  }
0x241: {  	[tilespmem:s8], [sflag:$0x1] =	stream.indirect.gather [hbm4b:s1+s12], $0x80, s30, s12, $0xb8;
	[tilespmem:$0x1F090] =	vst v63  }
0x242: {  	_ =	swait.ge [sflag:s16], $0x2800  }
0x243: {  	[sflag:s16] =	ssyncset.done $0x0  }
0x244: {  	[sflag:s16] =	ssyncadd.s32 $0xFFFFD800  }
0x245: {  	[spmem:s2] =	stream.indirect.scatter.add.f32 [tilespmem:s8], [sflag:$0x8], $0x80, s31, s12, $0xb8;
	[tilespmem:$0x1F090] =	vst v63  }
0x246: {  	_ =	swait.ge [sflag:s9], $0x2800  }
0x247: {  	[sflag:s9] =	ssyncset.done $0x0  }
0x248: {  	[sflag:s9] =	ssyncadd.s32 $0xFFFFD800  }
0x249: {  	[spmem:s3] =	stream.indirect.scatter.add.f32 [tilespmem:s10], [sflag:$0x7], $0x10, s30, s12, $0xb8;
	[tilespmem:$0x1F090] =	vst v63  }
0x24a: {  	_ =	swait.ge [sflag:s20], $0x500  }
0x24b: {  	[sflag:s20] =	ssyncset.done $0x0  }
0x24c: {  	[sflag:s20] =	ssyncadd.s32 $0xFFFFFB00  }
0x24d: {  	[tilespmem:s8], [sflag:$0x1] =	stream.indirect.gather [hbm4b:s1+s12], $0x80, s0, s12, $0xb8;
	[tilespmem:$0x1F090] =	vst v63  }
0x24e: {  	_ =	swait.ge [sflag:s16], $0x2800  }
0x24f: {  	[sflag:s16] =	ssyncset.done $0x0  }
0x250: {  	[sflag:s16] =	ssyncadd.s32 $0xFFFFD800  }
0x251: {  	[spmem:s2] =	stream.indirect.scatter.add.f32 [tilespmem:s8], [sflag:$0x8], $0x80, s4, s12, $0xb8;
	[tilespmem:$0x1F090] =	vst v63  }
0x252: {  	_ =	swait.ge [sflag:s9], $0x2800  }
0x253: {  	[sflag:s9] =	ssyncset.done $0x0  }
0x254: {  	[sflag:s9] =	ssyncadd.s32 $0xFFFFD800  }
0x255: {  	[spmem:s3] =	stream.indirect.scatter.add.f32 [tilespmem:s10], [sflag:$0x7], $0x10, s0, s12, $0xb8;
	[tilespmem:$0x1F090] =	vst v63  }
0x256: {  	_ =	swait.ge [sflag:s20], $0x500  }
0x257: {  	[sflag:s20] =	ssyncset.done $0x0  }
0x258: {  	s6 =	simm.s32 $0x0;
	s14 =	rddreg [dreg:$0xe];
	[sflag:s20] =	ssyncadd.s32 $0xFFFFFB00  }
0x259: {  	[tilespmem:s6], [sflag:$0x8] =	stream.linear.gather [hbm4b:s14+s6], $0xA00, $0x38;
	[tilespmem:$0x1F090] =	vst v63  }
0x25a: {  	_ =	swait.ge [sflag:s9], $0xA00  }
0x25b: {  	[sflag:s9] =	ssyncset.done $0x0  }
0x25c: {  	s14 =	rddreg [dreg:$0xf];
	[sflag:s9] =	ssyncadd.s32 $0xFFFFF600  }
0x25d: {  	[tilespmem:s11], [sflag:$0x8] =	stream.linear.gather [hbm4b:s14+s6], $0xA00, $0x38;
	[tilespmem:$0x1F090] =	vst v63  }
0x25e: {  	_ =	swait.ge [sflag:s9], $0xA00  }
0x25f: {  	[sflag:s9] =	ssyncset.done $0x0  }
0x260: {  	s14 =	simm.s32 $0xF0;
	[sflag:s9] =	ssyncadd.s32 $0xFFFFF600  }
0x261: {  	[tilespmem:s8], [sflag:$0x1] =	stream.indirect.gather [hbm4b:s1+s12], $0x80, s14, s12, $0xb8;
	[tilespmem:$0x1F090] =	vst v63  }
0x262: {  	s7 =	simm.s32 $0x140  }
0x263: {  	[tilespmem:s13], [sflag:$0x2] =	stream.indirect.gather [hbm4b:s1+s12], $0x80, s7, s12, $0xb8;
	[tilespmem:$0x1F090] =	vst v63  }
0x264: {  	s14 =	simm.s32 $0x190  }
0x265: {  	[tilespmem:s15], [sflag:$0x3] =	stream.indirect.gather [hbm4b:s1+s12], $0x80, s14, s12, $0xb8;
	[tilespmem:$0x1F090] =	vst v63  }
0x266: {  	_ =	swait.ge [sflag:s16], $0x2800  }
0x267: {  	[sflag:s16] =	ssyncset.done $0x0  }
0x268: {  	s7 =	simm.s32 $0xAF0;
	[sflag:s16] =	ssyncadd.s32 $0xFFFFD800  }
0x269: {  	[spmem:s2] =	stream.indirect.scatter.add.f32 [tilespmem:s8], [sflag:$0x4], $0x80, s7, s12, $0xb8;
	[tilespmem:$0x1F090] =	vst v63  }
0x26a: {  	s14 =	simm.s32 $0xF0  }
0x26b: {  	[spmem:s3] =	stream.indirect.scatter.add.f32 [tilespmem:s10], [sflag:$0x7], $0x10, s14, s12, $0xb8;
	[tilespmem:$0x1F090] =	vst v63  }
0x26c: {  	_ =	swait.ge [sflag:s17], $0x2800  }
0x26d: {  	[sflag:s17] =	ssyncset.done $0x0  }
0x26e: {  	s7 =	simm.s32 $0xB40;
	[sflag:s17] =	ssyncadd.s32 $0xFFFFD800  }
0x26f: {  	[spmem:s2] =	stream.indirect.scatter.add.f32 [tilespmem:s13], [sflag:$0x5], $0x80, s7, s12, $0xb8;
	[tilespmem:$0x1F090] =	vst v63  }
0x270: {  	s14 =	simm.s32 $0x140  }
0x271: {  	[spmem:s3] =	stream.indirect.scatter.add.f32 [tilespmem:s10], [sflag:$0x7], $0x10, s14, s12, $0xb8;
	[tilespmem:$0x1F090] =	vst v63  }
0x272: {  	_ =	swait.ge [sflag:s18], $0x2800  }
0x273: {  	[sflag:s18] =	ssyncset.done $0x0  }
0x274: {  	s7 =	simm.s32 $0xB90;
	[sflag:s18] =	ssyncadd.s32 $0xFFFFD800  }
0x275: {  	[spmem:s2] =	stream.indirect.scatter.add.f32 [tilespmem:s15], [sflag:$0x6], $0x80, s7, s12, $0xb8;
	[tilespmem:$0x1F090] =	vst v63  }
0x276: {  	s14 =	simm.s32 $0x190  }
0x277: {  	[spmem:s3] =	stream.indirect.scatter.add.f32 [tilespmem:s10], [sflag:$0x7], $0x10, s14, s12, $0xb8;
	[tilespmem:$0x1F090] =	vst v63  }
0x278: {  	_ =	swait.ge [sflag:s19], $0x2800  }
0x279: {  	[sflag:s19] =	ssyncset.done $0x0  }
0x27a: {  	[sflag:s19] =	ssyncadd.s32 $0xFFFFD800  }
0x27b: {  	_ =	swait.ge [sflag:s20], $0x500  }
0x27c: {  	[sflag:s20] =	ssyncset.done $0x0  }
0x27d: {  	s7 =	simm.s32 $0x1E0;
	[sflag:s20] =	ssyncadd.s32 $0xFFFFFB00  }
0x27e: {  	[tilespmem:s8], [sflag:$0x1] =	stream.indirect.gather [hbm4b:s1+s12], $0x80, s7, s12, $0xb8;
	[tilespmem:$0x1F090] =	vst v63  }
0x27f: {  	_ =	swait.ge [sflag:s21], $0x2800  }
0x280: {  	[sflag:s21] =	ssyncset.done $0x0  }
0x281: {  	[sflag:s21] =	ssyncadd.s32 $0xFFFFD800  }
0x282: {  	_ =	swait.ge [sflag:s20], $0x500  }
0x283: {  	[sflag:s20] =	ssyncset.done $0x0  }
0x284: {  	s14 =	simm.s32 $0x230;
	[sflag:s20] =	ssyncadd.s32 $0xFFFFFB00  }
0x285: {  	[tilespmem:s13], [sflag:$0x2] =	stream.indirect.gather [hbm4b:s1+s12], $0x80, s14, s12, $0xb8;
	[tilespmem:$0x1F090] =	vst v63  }
0x286: {  	_ =	swait.ge [sflag:s22], $0x2800  }
0x287: {  	[sflag:s22] =	ssyncset.done $0x0  }
0x288: {  	[sflag:s22] =	ssyncadd.s32 $0xFFFFD800  }
0x289: {  	_ =	swait.ge [sflag:s20], $0x500  }
0x28a: {  	[sflag:s20] =	ssyncset.done $0x0  }
0x28b: {  	s6 =	simm.s32 $0x3C0;
	s7 =	simm.s32 $0x280;
	[sflag:s20] =	ssyncadd.s32 $0xFFFFFB00  }
.LBB2_14:
0x28c: {  	[tilespmem:s15], [sflag:$0x3] =	stream.indirect.gather [hbm4b:s1+s12], $0x80, s7, s12, $0xb8;
	[tilespmem:$0x1F090] =	vst v63  }
0x28d: {  	s7 =	smov.u32 s6  }
0x28e: {  	p0 =	sne.s32 s6, $0x1A40;
	s6 =	sadd.s32 $0x3C0, s6;
	_ =	swait.ge [sflag:s16], $0x2800  }
0x28f: {  	s7 =	sshra.s32 s7, $0x2;
	[sflag:s16] =	ssyncset.done $0x0  }
0x290: {  	s14 =	sadd.s32 $0xAF0, s7;
	[sflag:s16] =	ssyncadd.s32 $0xFFFFD800  }
0x291: {  	[spmem:s2] =	stream.indirect.scatter.add.f32 [tilespmem:s8], [sflag:$0x4], $0x80, s14, s12, $0xb8;
	[tilespmem:$0x1F090] =	vst v63  }
0x292: {  	s14 =	sadd.s32 $0xF0, s7  }
0x293: {  	[spmem:s3] =	stream.indirect.scatter.add.f32 [tilespmem:s10], [sflag:$0x7], $0x10, s14, s12, $0xb8;
	[tilespmem:$0x1F090] =	vst v63  }
0x294: {  	_ =	swait.ge [sflag:s17], $0x2800  }
0x295: {  	[sflag:s17] =	ssyncset.done $0x0  }
0x296: {  	s14 =	sadd.s32 $0xB40, s7;
	[sflag:s17] =	ssyncadd.s32 $0xFFFFD800  }
0x297: {  	[spmem:s2] =	stream.indirect.scatter.add.f32 [tilespmem:s13], [sflag:$0x5], $0x80, s14, s12, $0xb8;
	[tilespmem:$0x1F090] =	vst v63  }
0x298: {  	s14 =	sadd.s32 $0x140, s7  }
0x299: {  	[spmem:s3] =	stream.indirect.scatter.add.f32 [tilespmem:s10], [sflag:$0x7], $0x10, s14, s12, $0xb8;
	[tilespmem:$0x1F090] =	vst v63  }
0x29a: {  	_ =	swait.ge [sflag:s18], $0x2800  }
0x29b: {  	[sflag:s18] =	ssyncset.done $0x0  }
0x29c: {  	s14 =	sadd.s32 $0xB90, s7;
	[sflag:s18] =	ssyncadd.s32 $0xFFFFD800  }
0x29d: {  	[spmem:s2] =	stream.indirect.scatter.add.f32 [tilespmem:s15], [sflag:$0x6], $0x80, s14, s12, $0xb8;
	[tilespmem:$0x1F090] =	vst v63  }
0x29e: {  	s14 =	sadd.s32 $0x190, s7  }
0x29f: {  	[spmem:s3] =	stream.indirect.scatter.add.f32 [tilespmem:s10], [sflag:$0x7], $0x10, s14, s12, $0xb8;
	[tilespmem:$0x1F090] =	vst v63  }
0x2a0: {  	_ =	swait.ge [sflag:s19], $0x2800  }
0x2a1: {  	[sflag:s19] =	ssyncset.done $0x0  }
0x2a2: {  	[sflag:s19] =	ssyncadd.s32 $0xFFFFD800  }
0x2a3: {  	_ =	swait.ge [sflag:s20], $0x500  }
0x2a4: {  	[sflag:s20] =	ssyncset.done $0x0  }
0x2a5: {  	s14 =	sadd.s32 $0x1E0, s7;
	[sflag:s20] =	ssyncadd.s32 $0xFFFFFB00  }
0x2a6: {  	[tilespmem:s8], [sflag:$0x1] =	stream.indirect.gather [hbm4b:s1+s12], $0x80, s14, s12, $0xb8;
	[tilespmem:$0x1F090] =	vst v63  }
0x2a7: {  	_ =	swait.ge [sflag:s21], $0x2800  }
0x2a8: {  	[sflag:s21] =	ssyncset.done $0x0  }
0x2a9: {  	[sflag:s21] =	ssyncadd.s32 $0xFFFFD800  }
0x2aa: {  	_ =	swait.ge [sflag:s20], $0x500  }
0x2ab: {  	[sflag:s20] =	ssyncset.done $0x0  }
0x2ac: {  	s14 =	sadd.s32 $0x230, s7;
	[sflag:s20] =	ssyncadd.s32 $0xFFFFFB00  }
0x2ad: {  	[tilespmem:s13], [sflag:$0x2] =	stream.indirect.gather [hbm4b:s1+s12], $0x80, s14, s12, $0xb8;
	[tilespmem:$0x1F090] =	vst v63  }
0x2ae: {  	_ =	swait.ge [sflag:s22], $0x2800  }
.Ltmp6:
0x2af: {  	[sflag:s22] =	ssyncset.done $0x0;
	(pc) =	sbr.rel @p0 .LBB2_14-.Ltmp6, $4  }
0x2b0: {  	[sflag:s22] =	ssyncadd.s32 $0xFFFFD800  }
0x2b1: {  	_ =	swait.ge [sflag:s20], $0x500  }
0x2b2: {  	[sflag:s20] =	ssyncset.done $0x0  }
0x2b3: {  	s7 =	sadd.s32 $0x280, s7;
	[sflag:s20] =	ssyncadd.s32 $0xFFFFFB00  }
0x2b4: {  	[tilespmem:s15], [sflag:$0x3] =	stream.indirect.gather [hbm4b:s1+s12], $0x80, s7, s12, $0xb8;
	[tilespmem:$0x1F090] =	vst v63  }
0x2b5: {  	_ =	swait.ge [sflag:s16], $0x2800  }
0x2b6: {  	[sflag:s16] =	ssyncset.done $0x0  }
0x2b7: {  	[sflag:s16] =	ssyncadd.s32 $0xFFFFD800  }
0x2b8: {  	[spmem:s2] =	stream.indirect.scatter.add.f32 [tilespmem:s8], [sflag:$0x4], $0x80, s23, s12, $0xb8;
	[tilespmem:$0x1F090] =	vst v63  }
0x2b9: {  	_ = 	snop  }
0x2ba: {  	[spmem:s3] =	stream.indirect.scatter.add.f32 [tilespmem:s10], [sflag:$0x7], $0x10, s24, s12, $0xb8;
	[tilespmem:$0x1F090] =	vst v63  }
0x2bb: {  	_ =	swait.ge [sflag:s17], $0x2800  }
0x2bc: {  	[sflag:s17] =	ssyncset.done $0x0  }
0x2bd: {  	[sflag:s17] =	ssyncadd.s32 $0xFFFFD800  }
0x2be: {  	[spmem:s2] =	stream.indirect.scatter.add.f32 [tilespmem:s13], [sflag:$0x5], $0x80, s25, s12, $0xb8;
	[tilespmem:$0x1F090] =	vst v63  }
0x2bf: {  	_ = 	snop  }
0x2c0: {  	[spmem:s3] =	stream.indirect.scatter.add.f32 [tilespmem:s10], [sflag:$0x7], $0x10, s26, s12, $0xb8;
	[tilespmem:$0x1F090] =	vst v63  }
0x2c1: {  	_ =	swait.ge [sflag:s18], $0x2800  }
0x2c2: {  	[sflag:s18] =	ssyncset.done $0x0  }
0x2c3: {  	[sflag:s18] =	ssyncadd.s32 $0xFFFFD800  }
0x2c4: {  	[spmem:s2] =	stream.indirect.scatter.add.f32 [tilespmem:s15], [sflag:$0x6], $0x80, s28, s12, $0xb8;
	[tilespmem:$0x1F090] =	vst v63  }
0x2c5: {  	_ = 	snop  }
0x2c6: {  	[spmem:s3] =	stream.indirect.scatter.add.f32 [tilespmem:s10], [sflag:$0x7], $0x10, s29, s12, $0xb8;
	[tilespmem:$0x1F090] =	vst v63  }
0x2c7: {  	_ =	swait.ge [sflag:s19], $0x2800  }
0x2c8: {  	[sflag:s19] =	ssyncset.done $0x0  }
0x2c9: {  	[sflag:s19] =	ssyncadd.s32 $0xFFFFD800  }
0x2ca: {  	_ =	swait.ge [sflag:s20], $0x500  }
0x2cb: {  	[sflag:s20] =	ssyncset.done $0x0  }
0x2cc: {  	[sflag:s20] =	ssyncadd.s32 $0xFFFFFB00  }
0x2cd: {  	_ =	swait.ge [sflag:s21], $0x2800  }
0x2ce: {  	[sflag:s21] =	ssyncset.done $0x0  }
0x2cf: {  	[sflag:s21] =	ssyncadd.s32 $0xFFFFD800  }
0x2d0: {  	_ =	swait.ge [sflag:s20], $0x500  }
0x2d1: {  	[sflag:s20] =	ssyncset.done $0x0  }
0x2d2: {  	[sflag:s20] =	ssyncadd.s32 $0xFFFFFB00  }
0x2d3: {  	_ =	swait.ge [sflag:s22], $0x2800  }
0x2d4: {  	[sflag:s22] =	ssyncset.done $0x0  }
0x2d5: {  	[sflag:s22] =	ssyncadd.s32 $0xFFFFD800  }
0x2d6: {  	_ =	swait.ge [sflag:s20], $0x500  }
0x2d7: {  	[sflag:s20] =	ssyncset.done $0x0  }
0x2d8: {  	[sflag:s20] =	ssyncadd.s32 $0xFFFFFB00  }
0x2d9: {  	[tilespmem:s8], [sflag:$0x1] =	stream.indirect.gather [hbm4b:s1+s12], $0x80, s30, s12, $0xb8;
	[tilespmem:$0x1F090] =	vst v63  }
0x2da: {  	_ =	swait.ge [sflag:s16], $0x2800  }
0x2db: {  	[sflag:s16] =	ssyncset.done $0x0  }
0x2dc: {  	[sflag:s16] =	ssyncadd.s32 $0xFFFFD800  }
0x2dd: {  	[spmem:s2] =	stream.indirect.scatter.add.f32 [tilespmem:s8], [sflag:$0x8], $0x80, s31, s12, $0xb8;
	[tilespmem:$0x1F090] =	vst v63  }
0x2de: {  	_ =	swait.ge [sflag:s9], $0x2800  }
0x2df: {  	[sflag:s9] =	ssyncset.done $0x0  }
0x2e0: {  	[sflag:s9] =	ssyncadd.s32 $0xFFFFD800  }
0x2e1: {  	[spmem:s3] =	stream.indirect.scatter.add.f32 [tilespmem:s10], [sflag:$0x7], $0x10, s30, s12, $0xb8;
	[tilespmem:$0x1F090] =	vst v63  }
0x2e2: {  	_ =	swait.ge [sflag:s20], $0x500  }
0x2e3: {  	[sflag:s20] =	ssyncset.done $0x0  }
0x2e4: {  	[sflag:s20] =	ssyncadd.s32 $0xFFFFFB00  }
0x2e5: {  	[tilespmem:s8], [sflag:$0x1] =	stream.indirect.gather [hbm4b:s1+s12], $0x80, s0, s12, $0xb8;
	[tilespmem:$0x1F090] =	vst v63  }
0x2e6: {  	_ =	swait.ge [sflag:s16], $0x2800  }
0x2e7: {  	[sflag:s16] =	ssyncset.done $0x0  }
0x2e8: {  	[sflag:s16] =	ssyncadd.s32 $0xFFFFD800  }
0x2e9: {  	[spmem:s2] =	stream.indirect.scatter.add.f32 [tilespmem:s8], [sflag:$0x8], $0x80, s4, s12, $0xb8;
	[tilespmem:$0x1F090] =	vst v63  }
0x2ea: {  	_ =	swait.ge [sflag:s9], $0x2800  }
0x2eb: {  	[sflag:s9] =	ssyncset.done $0x0  }
0x2ec: {  	[sflag:s9] =	ssyncadd.s32 $0xFFFFD800  }
0x2ed: {  	[spmem:s3] =	stream.indirect.scatter.add.f32 [tilespmem:s10], [sflag:$0x7], $0x10, s0, s12, $0xb8;
	[tilespmem:$0x1F090] =	vst v63  }
0x2ee: {  	_ =	swait.ge [sflag:s20], $0x500  }
0x2ef: {  	[sflag:s20] =	ssyncset.done $0x0  }
0x2f0: {  	[sflag:s20] =	ssyncadd.s32 $0xFFFFFB00  }
0x2f1: {  	[bflag:$0x0] =	sbarrier.arrive $0xFFFF  }
0x2f2: {  	s6 =	stileid.u32;
	s14 =	sld [smem:$0x7FC]  }
0x2f3: {  	s6 =	sshll.u32 s6, $0x6  }
0x2f4: {  	s6 =	sor.u32 $0x1C08, s6;
	s7 =	rddreg [dreg:$0x10]  }
0x2f5: {  	[hbm:s7], [sflag:s6] =	dma.local [spmem:s14], $0x2710  }
0x2f6: {  	_ =	swait.ge [sflag:s9], $0x2710  }
0x2f7: {  	s14 =	sld [smem:$0x7FD]  }
0x2f8: {  	[sflag:s9] =	ssyncset.done $0x0  }
0x2f9: {  	s7 =	rddreg [dreg:$0x11];
	[sflag:s9] =	ssyncadd.s32 $0xFFFFD8F0  }
0x2fa: {  	[hbm:s7], [sflag:s6] =	dma.local [spmem:s14], $0x4E2  }
0x2fb: {  	_ =	swait.ge [sflag:s9], $0x4E2  }
0x2fc: {  	s5 =	sadd.s32 $0x1, s5;
	s14 =	rddreg [dreg:$0x12]  }
0x2fd: {  	p0 =	sne.s32 s5, s14  }
.Ltmp7:
0x2fe: {  	_ = 	snop;
	(pc) =	sbr.rel @p0 .LBB2_1-.Ltmp7, $3  }
0x2ff: {  	_ =	sdelay $0x1  }
0x300: {  	[sflag:s9] =	ssyncset.done $0x0  }
0x301: {  	[sflag:s9] =	ssyncadd.s32 $0xFFFFFB1E  }
0x302: {  	_ =	sfence.sel $0x180000  }
0x303: {  	[bflag:$0x0] =	sbarrier.arrive $0xFFFF  }
0x304: {  	_ =	strace $0x90000047  }
0x305: {  	s0 =	stileid.u32;
	[bflag:$0x2] =	sbarrier.arrive $0xFFFF  }
0x306: {  	p0 =	sne.s32 s0, $0x0;
	s0 =	rddreg [dreg:$0x5]  }
0x307: {  	s0 =	sadd.s32 @!p0 $0x100000, s0  }
0x308: {  	[sflag:s0] =	ssyncadd.tile.s32 @!p0 $0x1;
	_ =	shalt  }
.Lfunc_end2:
_tile_overlayer_lowered:
.L_overlay_start_2:
0x309: {  	(tag) =	ssettag $0x2  }
0x30a: {  	s0 =	rddreg [dreg:$0x0];
	s2 =	stileid.u32  }
0x30b: {  	s1 =	rddreg [dreg:$0x1];
	p0 =	sne.s32 s2, $0x0  }
0x30c: {  	s3 =	rddreg [dreg:$0x2];
	[bflag:$0x3] =	sbarrier.arrive $0xFFFF;
	s2 =	simm.s32 @!p0 $0x1C08  }
0x30d: {  	[timem:s3], [sflag:s2] =	dma.local @!p0 [hbm:s0], s1  }
0x30e: {  	s0 =	simm.s32 @!p0 $0x8  }
0x30f: {  	_ =	swait.ge @!p0 [sflag:s0], s1  }
0x310: {  	s1 =	ssub.s32 @!p0 $0x0, s1;
	[sflag:s0] =	ssyncset.done @!p0 $0x0  }
0x311: {  	[sflag:s0] =	ssyncadd.s32 @!p0 s1  }
0x312: {  	[bflag:$0x3] =	sbarrier.arrive $0xFFFF  }
0x313: {  	_ =	shalt  }

</sc_bundles>
